<compile_context>
chip_gen: v7x
topology: tpu7x:2x2x1
jax: 0.10.2.dev20260603
libtpu: 0.0.44.dev20260713+nightly
codegen_flags: <defaults>
</compile_context>

<pallas_src>
import jax
import jax.numpy as jnp
from jax import lax
from jax.experimental import pallas as pl
from jax.experimental.pallas import tpu as pltpu
from jax.experimental.pallas import tpu_sc as plsc

_N = 10000
_D = 128
_E = 320000
_NC = 2
_NS = 16
_L = 16
_HD = _D // _NC
_CH = 128
_CPT = 160
_EPT = _CPT * _CH
_EPAD = _NS * _EPT
_RPT = 640
_NPAD = _NS * _RPT

_NB = 4
_NI = 8
_KI = 3
_KG = 2
_UNR = 8


def _make_agg(with_counts):
  mesh = plsc.VectorSubcoreMesh(
      core_axis_name="c", subcore_axis_name="s",
      num_cores=_NC, num_subcores=_NS)
  out_type = [jax.ShapeDtypeStruct((_NC, _NPAD, _HD), jnp.float32)]
  scratch = [
      pltpu.VMEM((_NI, 2, _CH), jnp.int32),
      pltpu.VMEM((_NB, _CH, _HD), jnp.float32),
      pltpu.VMEM_SHARED((_NPAD, _HD), jnp.float32),
      pltpu.VMEM_SHARED((_NPAD, _HD), jnp.float32),
      [pltpu.SemaphoreType.DMA] * _NI,
      [pltpu.SemaphoreType.DMA] * _NB,
      [pltpu.SemaphoreType.DMA] * _NB,
  ]
  if with_counts:
    out_type.append(jax.ShapeDtypeStruct((1, _NPAD), jnp.float32))
    scratch.append(pltpu.VMEM((_CH,), jnp.float32))
    scratch.append(pltpu.VMEM_SHARED((_NPAD,), jnp.float32))
    scratch.append(pltpu.SemaphoreType.DMA)

  def body(x_hbm, eix_hbm, z2_hbm, z1_hbm, *rest):
    if with_counts:
      (part_out, cnt_out, idx_v, rows_v, acc_sh, xs_sh, isems, gsems,
       ssems, ones_v, cnt_sh, csem) = rest
    else:
      part_out, idx_v, rows_v, acc_sh, xs_sh, isems, gsems, ssems = rest
    c = lax.axis_index("c")
    s = lax.axis_index("s")
    row0 = s * _RPT
    pltpu.sync_copy(z2_hbm.at[pl.ds(row0, _RPT)],
                    acc_sh.at[pl.ds(row0, _RPT)])
    pltpu.sync_copy(x_hbm.at[c, pl.ds(row0, _RPT)],
                    xs_sh.at[pl.ds(row0, _RPT)])
    if with_counts:
      for j in range(_CH // _L):
        ones_v[pl.ds(j * _L, _L)] = jnp.full((_L,), 1.0, jnp.float32)
      pltpu.sync_copy(z1_hbm.at[pl.ds(row0, _RPT)],
                      cnt_sh.at[pl.ds(row0, _RPT)])
    plsc.subcore_barrier()

    exs = eix_hbm.at[s]

    def iload(g, bi):
      pltpu.async_copy(exs.at[g], idx_v.at[bi], isems[bi])

    def iload_wait(g, bi):
      pltpu.make_async_copy(exs.at[g], idx_v.at[bi], isems[bi]).wait()

    def gather(b, bi):
      pltpu.async_copy(xs_sh.at[idx_v.at[bi, 0]], rows_v.at[b], gsems[b])

    def gather_wait(b, bi):
      pltpu.make_async_copy(xs_sh.at[idx_v.at[bi, 0]], rows_v.at[b],
                            gsems[b]).wait()

    def scat(b, bi):
      pltpu.async_copy(rows_v.at[b], acc_sh.at[idx_v.at[bi, 1]], ssems[b],
                       add=True)

    def scat_wait(b, bi):
      pltpu.make_async_copy(rows_v.at[b], acc_sh.at[idx_v.at[bi, 1]],
                            ssems[b]).wait()

    def cscat(bi):
      pltpu.async_copy(ones_v, cnt_sh.at[idx_v.at[bi, 1]], csem, add=True)

    def cscat_wait(bi):
      pltpu.make_async_copy(ones_v, cnt_sh.at[idx_v.at[bi, 1]], csem).wait()

    for g0 in range(_KI):
      iload(g0, g0 % _NI)
    for g0 in range(_KG):
      iload_wait(g0, g0 % _NI)
      gather(g0 % _NB, g0 % _NI)

    def block(i, carry):
      for b0 in range(_UNR):
        g = i * _UNR + b0
        h2 = g + _KI
        bi2 = (b0 + _KI) % _NI

        @pl.when(h2 < _CPT)
        def _():
          iload(h2, bi2)

        h1 = g + _KG
        b1 = (b0 + _KG) % _NB
        bi1 = (b0 + _KG) % _NI

        @pl.when(h1 < _CPT)
        def _():
          iload_wait(h1, bi1)
          @pl.when(h1 >= _NB)
          def _():
            scat_wait(b1, (bi1 - _NB) % _NI)
          gather(b1, bi1)

        b = b0 % _NB
        bi = b0 % _NI
        gather_wait(b, bi)
        scat(b, bi)
        if with_counts:
          @pl.when(c == 0)
          def _():
            cscat(bi)

            @pl.when(g >= _NB)
            def _():
              cscat_wait((bi - _NB) % _NI)
      return carry
    lax.fori_loop(0, _CPT // _UNR, block, 0)
    for g in range(_CPT - _NB, _CPT):
      scat_wait(g % _NB, g % _NI)
    if with_counts:
      @pl.when(c == 0)
      def _():
        for g in range(_CPT - _NB, _CPT):
          cscat_wait(g % _NI)
    plsc.subcore_barrier()

    pltpu.sync_copy(acc_sh.at[pl.ds(row0, _RPT)],
                    part_out.at[c, pl.ds(row0, _RPT)])
    if with_counts:
      @pl.when(c == 0)
      def _():
        pltpu.sync_copy(cnt_sh.at[pl.ds(row0, _RPT)],
                        cnt_out.at[0, pl.ds(row0, _RPT)])

  return pl.kernel(body, out_type=out_type, mesh=mesh,
                   scratch_types=scratch,
                   compiler_params=pltpu.CompilerParams(
                       use_tc_tiling_on_sc=False))


_agg_counts = _make_agg(True)
_agg_only = _make_agg(False)


def _make_dense(relu, split_out):
  blk = 1280
  grid = (_NPAD // blk,)

  def body(p_ref, c_ref, x_ref, w_ref, b_ref, o_ref):
    p = jnp.concatenate([p_ref[0], p_ref[1]], axis=1)
    xin = jnp.concatenate([x_ref[0], x_ref[1]], axis=1)
    cnt = c_ref[0]
    inv = 1.0 / jnp.maximum(cnt, 1.0)
    mean = p * inv[:, None]
    acts = jnp.concatenate([mean, xin], axis=1)
    h = jnp.dot(acts, w_ref[...], preferred_element_type=jnp.float32)
    h = h + b_ref[...]
    if relu:
      h = jnp.maximum(h, 0.0)
    if split_out:
      o_ref[0] = h[:, :_HD]
      o_ref[1] = h[:, _HD:]
    else:
      o_ref[...] = h

  if split_out:
    out_shape = jax.ShapeDtypeStruct((_NC, _NPAD, _HD), jnp.float32)
    out_spec = pl.BlockSpec((_NC, blk, _HD), lambda i: (0, i, 0))
  else:
    out_shape = jax.ShapeDtypeStruct((_NPAD, _D), jnp.float32)
    out_spec = pl.BlockSpec((blk, _D), lambda i: (i, 0))

  return pl.pallas_call(
      body,
      grid=grid,
      in_specs=[
          pl.BlockSpec((_NC, blk, _HD), lambda i: (0, i, 0)),
          pl.BlockSpec((1, blk), lambda i: (0, i)),
          pl.BlockSpec((_NC, blk, _HD), lambda i: (0, i, 0)),
          pl.BlockSpec((2 * _D, _D), lambda i: (0, 0)),
          pl.BlockSpec((1, _D), lambda i: (0, 0)),
      ],
      out_specs=out_spec,
      out_shape=out_shape,
  )


_dense_relu = _make_dense(True, True)
_dense_lin = _make_dense(False, False)


def kernel(x, edge_index, W1_l, b1, W1_r, W2_l, b2, W2_r):
  src = edge_index[0]
  dst = edge_index[1]
  pad_idx = jnp.full((_EPAD - _E,), _N, jnp.int32)
  src_p = jnp.concatenate([src, pad_idx]).reshape(_NS, _CPT, _CH)
  dst_p = jnp.concatenate([dst, pad_idx]).reshape(_NS, _CPT, _CH)
  eix = jnp.stack([src_p, dst_p], axis=2)
  x_pad = jnp.zeros((_NPAD, _D), jnp.float32).at[:_N].set(x)
  x_split = x_pad.reshape(_NPAD, _NC, _HD).transpose(1, 0, 2)
  z2 = jnp.zeros((_NPAD, _HD), jnp.float32)
  z1 = jnp.zeros((_NPAD,), jnp.float32)
  W1 = jnp.concatenate([W1_l, W1_r], axis=0)
  W2 = jnp.concatenate([W2_l, W2_r], axis=0)

  parts1, cnts = _agg_counts(x_split, eix, z2, z1)
  h_split = _dense_relu(parts1, cnts, x_split, W1, b1.reshape(1, _D))
  (parts2,) = _agg_only(h_split, eix, z2, z1)
  out = _dense_lin(parts2, cnts, h_split, W2, b2.reshape(1, _D))
  return out[:_N]

# --- scband reference (transcript-rebuilt; emitter-appended) ---
"""Pipeline reference for scband-encoder-41575283425665 (READ-ONLY COPY).

The authoritative reference and input builder live on the scoring server;
editing this copy changes nothing except your own understanding.
"""

import jax, jax.numpy as jnp
import numpy as np

N = 10000
E = 320000
D = 128
H = 128
O = 128


def _sage_conv(x, edge_index, W_l, b_l, W_r):
    # PyG SAGEConv with mean aggregation:
    #   out = lin_l(mean_{j in N(i)} x_j) + lin_r(x_i)
    src = edge_index[0]
    dst = edge_index[1]
    msgs = jnp.take(x, src, axis=0)                     # gather  [E, d]
    agg = jax.ops.segment_sum(msgs, dst, num_segments=x.shape[0])   # scatter-add
    cnt = jax.ops.segment_sum(jnp.ones((msgs.shape[0],), dtype=x.dtype), dst,
                              num_segments=x.shape[0])
    mean = agg / jnp.clip(cnt, 1.0)[:, None]
    return mean @ W_l + b_l + x @ W_r


def setup_inputs(seed: int = 0) -> dict:
    key = jax.random.key(seed)
    ks = jax.random.split(key, 8)
    x = jax.random.normal(ks[0], (N, D), dtype=jnp.float32)
    edge_index = jax.random.randint(ks[1], (2, E), 0, N, dtype=jnp.int32)
    s1 = 1.0 / np.sqrt(D)
    s2 = 1.0 / np.sqrt(H)
    W1_l = jax.random.normal(ks[2], (D, H), dtype=jnp.float32) * s1
    W1_r = jax.random.normal(ks[3], (D, H), dtype=jnp.float32) * s1
    b1 = jnp.zeros((H,), dtype=jnp.float32)
    W2_l = jax.random.normal(ks[4], (H, O), dtype=jnp.float32) * s2
    W2_r = jax.random.normal(ks[5], (H, O), dtype=jnp.float32) * s2
    b2 = jnp.zeros((O,), dtype=jnp.float32)
    return {"x": x, "edge_index": edge_index,
            "W1_l": W1_l, "b1": b1, "W1_r": W1_r,
            "W2_l": W2_l, "b2": b2, "W2_r": W2_r}


def reference(x, edge_index, W1_l, b1, W1_r, W2_l, b2, W2_r):
    h = _sage_conv(x, edge_index, W1_l, b1, W1_r)
    h = jax.nn.relu(h)
    out = _sage_conv(h, edge_index, W2_l, b2, W2_r)
    return out

if __name__ == "__main__":
    import jax
    _d = setup_inputs()
    print(jax.jit(kernel)(*tuple(_d.values())))

</pallas_src>

<mosaic_0001>
#map = affine_map<(d0, d1) -> (0, 0, 0)>
#map1 = affine_map<(d0, d1) -> (0, 0, 0, 0)>
#map2 = affine_map<(d0, d1) -> (0, 0)>
#map3 = affine_map<(d0, d1) -> (0)>
module attributes {stable_mosaic.version = 14 : i64} {
  func.func @body(%arg0: i32, %arg1: i32, %arg2: memref<2x10240x64xf32, #tpu.memory_space<hbm>>, %arg3: memref<16x160x2x128xi32, #tpu.memory_space<hbm>>, %arg4: memref<10240x64xf32, #tpu.memory_space<hbm>>, %arg5: memref<10240xf32, #tpu.memory_space<hbm>>, %arg6: memref<2x10240x64xf32, #tpu.memory_space<hbm>>, %arg7: memref<1x10240xf32, #tpu.memory_space<hbm>>, %arg8: memref<8x2x128xi32, #tpu.memory_space<vmem>>, %arg9: memref<4x128x64xf32, #tpu.memory_space<vmem>>, %arg10: memref<10240x64xf32, #tpu.memory_space<vmem_shared>>, %arg11: memref<10240x64xf32, #tpu.memory_space<vmem_shared>>, %arg12: memref<!tpu.dma_semaphore, #tpu.memory_space<semaphore_mem>>, %arg13: memref<!tpu.dma_semaphore, #tpu.memory_space<semaphore_mem>>, %arg14: memref<!tpu.dma_semaphore, #tpu.memory_space<semaphore_mem>>, %arg15: memref<!tpu.dma_semaphore, #tpu.memory_space<semaphore_mem>>, %arg16: memref<!tpu.dma_semaphore, #tpu.memory_space<semaphore_mem>>, %arg17: memref<!tpu.dma_semaphore, #tpu.memory_space<semaphore_mem>>, %arg18: memref<!tpu.dma_semaphore, #tpu.memory_space<semaphore_mem>>, %arg19: memref<!tpu.dma_semaphore, #tpu.memory_space<semaphore_mem>>, %arg20: memref<!tpu.dma_semaphore, #tpu.memory_space<semaphore_mem>>, %arg21: memref<!tpu.dma_semaphore, #tpu.memory_space<semaphore_mem>>, %arg22: memref<!tpu.dma_semaphore, #tpu.memory_space<semaphore_mem>>, %arg23: memref<!tpu.dma_semaphore, #tpu.memory_space<semaphore_mem>>, %arg24: memref<!tpu.dma_semaphore, #tpu.memory_space<semaphore_mem>>, %arg25: memref<!tpu.dma_semaphore, #tpu.memory_space<semaphore_mem>>, %arg26: memref<!tpu.dma_semaphore, #tpu.memory_space<semaphore_mem>>, %arg27: memref<!tpu.dma_semaphore, #tpu.memory_space<semaphore_mem>>, %arg28: memref<128xf32, #tpu.memory_space<vmem>>, %arg29: memref<10240xf32, #tpu.memory_space<vmem_shared>>, %arg30: memref<!tpu.dma_semaphore, #tpu.memory_space<semaphore_mem>>) attributes {dimension_semantics = [#tpu.dimension_semantics<core_parallel>, #tpu.dimension_semantics<subcore_parallel>], iteration_bounds = array<i64: 2, 16>, scalar_prefetch = 0 : i64, scratch_operands = 23 : i64, tpu.core_type = #tpu.core_type<sc_vector_subcore>, window_params = [{transform_indices = #map}, {transform_indices = #map1}, {transform_indices = #map2}, {transform_indices = #map3}, {transform_indices = #map}, {transform_indices = #map2}]} {
    %mul3A = arith.constant 640 : i32
    %mul3A_0 = arith.muli %arg1, %mul3A : i32
    "tpu.region"() ({
      %run_scoped3A = tpu.sem_alloc : memref<!tpu.dma_semaphore, #tpu.memory_space<semaphore_mem>>
      %dma_start3A_276 = arith.constant 0 : i32
      %dma_start3A_277 = tpu.memref_slice %arg10[%mul3A_0, %dma_start3A_276] : memref<10240x64xf32, #tpu.memory_space<vmem_shared>> -> memref<640x64xf32, #tpu.memory_space<vmem_shared>>
      %dma_start3A_278 = arith.constant 0 : i32
      %dma_start3A_279 = tpu.memref_slice %arg4[%mul3A_0, %dma_start3A_278] : memref<10240x64xf32, #tpu.memory_space<hbm>> -> memref<640x64xf32, #tpu.memory_space<hbm>>
      tpu.enqueue_dma source(%dma_start3A_279 : memref<640x64xf32, #tpu.memory_space<hbm>>) target(%dma_start3A_277 : memref<640x64xf32, #tpu.memory_space<vmem_shared>>) target_semaphore(%run_scoped3A : memref<!tpu.dma_semaphore, #tpu.memory_space<semaphore_mem>>)
      %dma_wait3A_280 = arith.constant 0 : i32
      %dma_wait3A_281 = tpu.memref_slice %arg10[%mul3A_0, %dma_wait3A_280] : memref<10240x64xf32, #tpu.memory_space<vmem_shared>> -> memref<640x64xf32, #tpu.memory_space<vmem_shared>>
      %dma_wait3A_282 = arith.constant 0 : i32
      %dma_wait3A_283 = tpu.memref_slice %arg4[%mul3A_0, %dma_wait3A_282] : memref<10240x64xf32, #tpu.memory_space<hbm>> -> memref<640x64xf32, #tpu.memory_space<hbm>>
      tpu.wait_dma2 semaphore(%run_scoped3A : memref<!tpu.dma_semaphore, #tpu.memory_space<semaphore_mem>>) src(%dma_wait3A_283 : memref<640x64xf32, #tpu.memory_space<hbm>>) dst(%dma_wait3A_281 : memref<640x64xf32, #tpu.memory_space<vmem_shared>>)
      tpu.yield
    }) : () -> ()
    "tpu.region"() ({
      %run_scoped3A = tpu.sem_alloc : memref<!tpu.dma_semaphore, #tpu.memory_space<semaphore_mem>>
      %dma_start3A_276 = arith.constant 0 : i32
      %dma_start3A_277 = tpu.memref_slice %arg11[%mul3A_0, %dma_start3A_276] : memref<10240x64xf32, #tpu.memory_space<vmem_shared>> -> memref<640x64xf32, #tpu.memory_space<vmem_shared>>
      %dma_start3A_278 = arith.constant 0 : i32
      %dma_start3A_279 = tpu.memref_slice %arg2[%arg0, %mul3A_0, %dma_start3A_278] : memref<2x10240x64xf32, #tpu.memory_space<hbm>> -> memref<1x640x64xf32, #tpu.memory_space<hbm>>
      %dma_start3A_280 = tpu.memref_squeeze %dma_start3A_279 : memref<1x640x64xf32, #tpu.memory_space<hbm>> -> memref<640x64xf32, #tpu.memory_space<hbm>>
      tpu.enqueue_dma source(%dma_start3A_280 : memref<640x64xf32, #tpu.memory_space<hbm>>) target(%dma_start3A_277 : memref<640x64xf32, #tpu.memory_space<vmem_shared>>) target_semaphore(%run_scoped3A : memref<!tpu.dma_semaphore, #tpu.memory_space<semaphore_mem>>)
      %dma_wait3A_281 = arith.constant 0 : i32
      %dma_wait3A_282 = tpu.memref_slice %arg11[%mul3A_0, %dma_wait3A_281] : memref<10240x64xf32, #tpu.memory_space<vmem_shared>> -> memref<640x64xf32, #tpu.memory_space<vmem_shared>>
      %dma_wait3A_283 = arith.constant 0 : i32
      %dma_wait3A_284 = tpu.memref_slice %arg2[%arg0, %mul3A_0, %dma_wait3A_283] : memref<2x10240x64xf32, #tpu.memory_space<hbm>> -> memref<1x640x64xf32, #tpu.memory_space<hbm>>
      %dma_wait3A_285 = tpu.memref_squeeze %dma_wait3A_284 : memref<1x640x64xf32, #tpu.memory_space<hbm>> -> memref<640x64xf32, #tpu.memory_space<hbm>>
      tpu.wait_dma2 semaphore(%run_scoped3A : memref<!tpu.dma_semaphore, #tpu.memory_space<semaphore_mem>>) src(%dma_wait3A_285 : memref<640x64xf32, #tpu.memory_space<hbm>>) dst(%dma_wait3A_282 : memref<640x64xf32, #tpu.memory_space<vmem_shared>>)
      tpu.yield
    }) : () -> ()
    %broadcast_in_dim3A = arith.constant 1.000000e+00 : f32
    %broadcast_in_dim3A_1 = vector.broadcast %broadcast_in_dim3A : f32 to vector<16xf32>
    %swap3A = arith.constant 0 : index
    %swap3A_2 = tpu.vector_load %arg28[%swap3A] {strides = array<i32>} : memref<128xf32, #tpu.memory_space<vmem>>, vector<16xf32>,
    %swap3A_3 = vector.shape_cast %swap3A_2 : vector<16xf32> to vector<16xf32>
    %swap3A_4 = vector.shape_cast %broadcast_in_dim3A_1 : vector<16xf32> to vector<16xf32>
    tpu.vector_store %arg28[%swap3A], %swap3A_4 {strides = array<i32>} : memref<128xf32, #tpu.memory_space<vmem>>, vector<16xf32>,
    %broadcast_in_dim3A_5 = arith.constant 1.000000e+00 : f32
    %broadcast_in_dim3A_6 = vector.broadcast %broadcast_in_dim3A_5 : f32 to vector<16xf32>
    %swap3A_7 = arith.constant 16 : index
    %swap3A_8 = tpu.vector_load %arg28[%swap3A_7] {strides = array<i32>} : memref<128xf32, #tpu.memory_space<vmem>>, vector<16xf32>,
    %swap3A_9 = vector.shape_cast %swap3A_8 : vector<16xf32> to vector<16xf32>
    %swap3A_10 = vector.shape_cast %broadcast_in_dim3A_6 : vector<16xf32> to vector<16xf32>
    tpu.vector_store %arg28[%swap3A_7], %swap3A_10 {strides = array<i32>} : memref<128xf32, #tpu.memory_space<vmem>>, vector<16xf32>,
    %broadcast_in_dim3A_11 = arith.constant 1.000000e+00 : f32
    %broadcast_in_dim3A_12 = vector.broadcast %broadcast_in_dim3A_11 : f32 to vector<16xf32>
    %swap3A_13 = arith.constant 32 : index
    %swap3A_14 = tpu.vector_load %arg28[%swap3A_13] {strides = array<i32>} : memref<128xf32, #tpu.memory_space<vmem>>, vector<16xf32>,
    %swap3A_15 = vector.shape_cast %swap3A_14 : vector<16xf32> to vector<16xf32>
    %swap3A_16 = vector.shape_cast %broadcast_in_dim3A_12 : vector<16xf32> to vector<16xf32>
    tpu.vector_store %arg28[%swap3A_13], %swap3A_16 {strides = array<i32>} : memref<128xf32, #tpu.memory_space<vmem>>, vector<16xf32>,
    %broadcast_in_dim3A_17 = arith.constant 1.000000e+00 : f32
    %broadcast_in_dim3A_18 = vector.broadcast %broadcast_in_dim3A_17 : f32 to vector<16xf32>
    %swap3A_19 = arith.constant 48 : index
    %swap3A_20 = tpu.vector_load %arg28[%swap3A_19] {strides = array<i32>} : memref<128xf32, #tpu.memory_space<vmem>>, vector<16xf32>,
    %swap3A_21 = vector.shape_cast %swap3A_20 : vector<16xf32> to vector<16xf32>
    %swap3A_22 = vector.shape_cast %broadcast_in_dim3A_18 : vector<16xf32> to vector<16xf32>
    tpu.vector_store %arg28[%swap3A_19], %swap3A_22 {strides = array<i32>} : memref<128xf32, #tpu.memory_space<vmem>>, vector<16xf32>,
    %broadcast_in_dim3A_23 = arith.constant 1.000000e+00 : f32
    %broadcast_in_dim3A_24 = vector.broadcast %broadcast_in_dim3A_23 : f32 to vector<16xf32>
    %swap3A_25 = arith.constant 64 : index
    %swap3A_26 = tpu.vector_load %arg28[%swap3A_25] {strides = array<i32>} : memref<128xf32, #tpu.memory_space<vmem>>, vector<16xf32>,
    %swap3A_27 = vector.shape_cast %swap3A_26 : vector<16xf32> to vector<16xf32>
    %swap3A_28 = vector.shape_cast %broadcast_in_dim3A_24 : vector<16xf32> to vector<16xf32>
    tpu.vector_store %arg28[%swap3A_25], %swap3A_28 {strides = array<i32>} : memref<128xf32, #tpu.memory_space<vmem>>, vector<16xf32>,
    %broadcast_in_dim3A_29 = arith.constant 1.000000e+00 : f32
    %broadcast_in_dim3A_30 = vector.broadcast %broadcast_in_dim3A_29 : f32 to vector<16xf32>
    %swap3A_31 = arith.constant 80 : index
    %swap3A_32 = tpu.vector_load %arg28[%swap3A_31] {strides = array<i32>} : memref<128xf32, #tpu.memory_space<vmem>>, vector<16xf32>,
    %swap3A_33 = vector.shape_cast %swap3A_32 : vector<16xf32> to vector<16xf32>
    %swap3A_34 = vector.shape_cast %broadcast_in_dim3A_30 : vector<16xf32> to vector<16xf32>
    tpu.vector_store %arg28[%swap3A_31], %swap3A_34 {strides = array<i32>} : memref<128xf32, #tpu.memory_space<vmem>>, vector<16xf32>,
    %broadcast_in_dim3A_35 = arith.constant 1.000000e+00 : f32
    %broadcast_in_dim3A_36 = vector.broadcast %broadcast_in_dim3A_35 : f32 to vector<16xf32>
    %swap3A_37 = arith.constant 96 : index
    %swap3A_38 = tpu.vector_load %arg28[%swap3A_37] {strides = array<i32>} : memref<128xf32, #tpu.memory_space<vmem>>, vector<16xf32>,
    %swap3A_39 = vector.shape_cast %swap3A_38 : vector<16xf32> to vector<16xf32>
    %swap3A_40 = vector.shape_cast %broadcast_in_dim3A_36 : vector<16xf32> to vector<16xf32>
    tpu.vector_store %arg28[%swap3A_37], %swap3A_40 {strides = array<i32>} : memref<128xf32, #tpu.memory_space<vmem>>, vector<16xf32>,
    %broadcast_in_dim3A_41 = arith.constant 1.000000e+00 : f32
    %broadcast_in_dim3A_42 = vector.broadcast %broadcast_in_dim3A_41 : f32 to vector<16xf32>
    %swap3A_43 = arith.constant 112 : index
    %swap3A_44 = tpu.vector_load %arg28[%swap3A_43] {strides = array<i32>} : memref<128xf32, #tpu.memory_space<vmem>>, vector<16xf32>,
    %swap3A_45 = vector.shape_cast %swap3A_44 : vector<16xf32> to vector<16xf32>
    %swap3A_46 = vector.shape_cast %broadcast_in_dim3A_42 : vector<16xf32> to vector<16xf32>
    tpu.vector_store %arg28[%swap3A_43], %swap3A_46 {strides = array<i32>} : memref<128xf32, #tpu.memory_space<vmem>>, vector<16xf32>,
    "tpu.region"() ({
      %run_scoped3A = tpu.sem_alloc : memref<!tpu.dma_semaphore, #tpu.memory_space<semaphore_mem>>
      %dma_start3A_276 = tpu.memref_slice %arg29[%mul3A_0] : memref<10240xf32, #tpu.memory_space<vmem_shared>> -> memref<640xf32, #tpu.memory_space<vmem_shared>>
      %dma_start3A_277 = tpu.memref_slice %arg5[%mul3A_0] : memref<10240xf32, #tpu.memory_space<hbm>> -> memref<640xf32, #tpu.memory_space<hbm>>
      tpu.enqueue_dma source(%dma_start3A_277 : memref<640xf32, #tpu.memory_space<hbm>>) target(%dma_start3A_276 : memref<640xf32, #tpu.memory_space<vmem_shared>>) target_semaphore(%run_scoped3A : memref<!tpu.dma_semaphore, #tpu.memory_space<semaphore_mem>>)
      %dma_wait3A_278 = tpu.memref_slice %arg29[%mul3A_0] : memref<10240xf32, #tpu.memory_space<vmem_shared>> -> memref<640xf32, #tpu.memory_space<vmem_shared>>
      %dma_wait3A_279 = tpu.memref_slice %arg5[%mul3A_0] : memref<10240xf32, #tpu.memory_space<hbm>> -> memref<640xf32, #tpu.memory_space<hbm>>
      tpu.wait_dma2 semaphore(%run_scoped3A : memref<!tpu.dma_semaphore, #tpu.memory_space<semaphore_mem>>) src(%dma_wait3A_279 : memref<640xf32, #tpu.memory_space<hbm>>) dst(%dma_wait3A_278 : memref<640xf32, #tpu.memory_space<vmem_shared>>)
      tpu.yield
    }) : () -> ()
    %barrier3A = arith.constant 0 : index
    tpu.barrier barrier_id(%barrier3A)
    %dma_start3A = arith.constant 0 : i32
    %dma_start3A_47 = arith.constant 0 : i32
    %dma_start3A_48 = arith.constant 0 : i32
    %dma_start3A_49 = arith.constant 0 : i32
    %dma_start3A_50 = tpu.memref_slice %arg8[%dma_start3A_47, %dma_start3A_48, %dma_start3A_49] : memref<8x2x128xi32, #tpu.memory_space<vmem>> -> memref<1x2x128xi32, #tpu.memory_space<vmem>>
    %dma_start3A_51 = tpu.memref_squeeze %dma_start3A_50 : memref<1x2x128xi32, #tpu.memory_space<vmem>> -> memref<2x128xi32, #tpu.memory_space<vmem>>
    %dma_start3A_52 = arith.constant 0 : i32
    %dma_start3A_53 = arith.constant 0 : i32
    %dma_start3A_54 = arith.constant 0 : i32
    %dma_start3A_55 = tpu.memref_slice %arg3[%arg1, %dma_start3A_52, %dma_start3A_53, %dma_start3A_54] : memref<16x160x2x128xi32, #tpu.memory_space<hbm>> -> memref<1x160x2x128xi32, #tpu.memory_space<hbm>>
    %dma_start3A_56 = tpu.memref_squeeze %dma_start3A_55 : memref<1x160x2x128xi32, #tpu.memory_space<hbm>> -> memref<160x2x128xi32, #tpu.memory_space<hbm>>
    %dma_start3A_57 = arith.constant 0 : i32
    %dma_start3A_58 = arith.constant 0 : i32
    %dma_start3A_59 = tpu.memref_slice %dma_start3A_56[%dma_start3A, %dma_start3A_57, %dma_start3A_58] : memref<160x2x128xi32, #tpu.memory_space<hbm>> -> memref<1x2x128xi32, #tpu.memory_space<hbm>>
    %dma_start3A_60 = tpu.memref_squeeze %dma_start3A_59 : memref<1x2x128xi32, #tpu.memory_space<hbm>> -> memref<2x128xi32, #tpu.memory_space<hbm>>
    %dma_start3A_61 = arith.constant 0 : i32
    %dma_start3A_62 = arith.constant 0 : i32
    %dma_start3A_63 = tpu.memref_slice %arg8[%dma_start3A_47, %dma_start3A_61, %dma_start3A_62] : memref<8x2x128xi32, #tpu.memory_space<vmem>> -> memref<1x2x128xi32, #tpu.memory_space<vmem>>
    %dma_start3A_64 = tpu.memref_squeeze %dma_start3A_63 : memref<1x2x128xi32, #tpu.memory_space<vmem>> -> memref<2x128xi32, #tpu.memory_space<vmem>>
    %dma_start3A_65 = arith.constant 0 : i32
    %dma_start3A_66 = arith.constant 0 : i32
    %dma_start3A_67 = arith.constant 0 : i32
    %dma_start3A_68 = tpu.memref_slice %arg3[%arg1, %dma_start3A_65, %dma_start3A_66, %dma_start3A_67] : memref<16x160x2x128xi32, #tpu.memory_space<hbm>> -> memref<1x160x2x128xi32, #tpu.memory_space<hbm>>
    %dma_start3A_69 = tpu.memref_squeeze %dma_start3A_68 : memref<1x160x2x128xi32, #tpu.memory_space<hbm>> -> memref<160x2x128xi32, #tpu.memory_space<hbm>>
    %dma_start3A_70 = arith.constant 0 : i32
    %dma_start3A_71 = arith.constant 0 : i32
    %dma_start3A_72 = tpu.memref_slice %dma_start3A_69[%dma_start3A, %dma_start3A_70, %dma_start3A_71] : memref<160x2x128xi32, #tpu.memory_space<hbm>> -> memref<1x2x128xi32, #tpu.memory_space<hbm>>
    %dma_start3A_73 = tpu.memref_squeeze %dma_start3A_72 : memref<1x2x128xi32, #tpu.memory_space<hbm>> -> memref<2x128xi32, #tpu.memory_space<hbm>>
    tpu.enqueue_dma source(%dma_start3A_73 : memref<2x128xi32, #tpu.memory_space<hbm>>) target(%dma_start3A_64 : memref<2x128xi32, #tpu.memory_space<vmem>>) target_semaphore(%arg12 : memref<!tpu.dma_semaphore, #tpu.memory_space<semaphore_mem>>)
    %dma_start3A_74 = arith.constant 1 : i32
    %dma_start3A_75 = arith.constant 1 : i32
    %dma_start3A_76 = arith.constant 0 : i32
    %dma_start3A_77 = arith.constant 0 : i32
    %dma_start3A_78 = tpu.memref_slice %arg8[%dma_start3A_75, %dma_start3A_76, %dma_start3A_77] : memref<8x2x128xi32, #tpu.memory_space<vmem>> -> memref<1x2x128xi32, #tpu.memory_space<vmem>>
    %dma_start3A_79 = tpu.memref_squeeze %dma_start3A_78 : memref<1x2x128xi32, #tpu.memory_space<vmem>> -> memref<2x128xi32, #tpu.memory_space<vmem>>
    %dma_start3A_80 = arith.constant 0 : i32
    %dma_start3A_81 = arith.constant 0 : i32
    %dma_start3A_82 = arith.constant 0 : i32
    %dma_start3A_83 = tpu.memref_slice %arg3[%arg1, %dma_start3A_80, %dma_start3A_81, %dma_start3A_82] : memref<16x160x2x128xi32, #tpu.memory_space<hbm>> -> memref<1x160x2x128xi32, #tpu.memory_space<hbm>>
    %dma_start3A_84 = tpu.memref_squeeze %dma_start3A_83 : memref<1x160x2x128xi32, #tpu.memory_space<hbm>> -> memref<160x2x128xi32, #tpu.memory_space<hbm>>
    %dma_start3A_85 = arith.constant 0 : i32
    %dma_start3A_86 = arith.constant 0 : i32
    %dma_start3A_87 = tpu.memref_slice %dma_start3A_84[%dma_start3A_74, %dma_start3A_85, %dma_start3A_86] : memref<160x2x128xi32, #tpu.memory_space<hbm>> -> memref<1x2x128xi32, #tpu.memory_space<hbm>>
    %dma_start3A_88 = tpu.memref_squeeze %dma_start3A_87 : memref<1x2x128xi32, #tpu.memory_space<hbm>> -> memref<2x128xi32, #tpu.memory_space<hbm>>
    %dma_start3A_89 = arith.constant 0 : i32
    %dma_start3A_90 = arith.constant 0 : i32
    %dma_start3A_91 = tpu.memref_slice %arg8[%dma_start3A_75, %dma_start3A_89, %dma_start3A_90] : memref<8x2x128xi32, #tpu.memory_space<vmem>> -> memref<1x2x128xi32, #tpu.memory_space<vmem>>
    %dma_start3A_92 = tpu.memref_squeeze %dma_start3A_91 : memref<1x2x128xi32, #tpu.memory_space<vmem>> -> memref<2x128xi32, #tpu.memory_space<vmem>>
    %dma_start3A_93 = arith.constant 0 : i32
    %dma_start3A_94 = arith.constant 0 : i32
    %dma_start3A_95 = arith.constant 0 : i32
    %dma_start3A_96 = tpu.memref_slice %arg3[%arg1, %dma_start3A_93, %dma_start3A_94, %dma_start3A_95] : memref<16x160x2x128xi32, #tpu.memory_space<hbm>> -> memref<1x160x2x128xi32, #tpu.memory_space<hbm>>
    %dma_start3A_97 = tpu.memref_squeeze %dma_start3A_96 : memref<1x160x2x128xi32, #tpu.memory_space<hbm>> -> memref<160x2x128xi32, #tpu.memory_space<hbm>>
    %dma_start3A_98 = arith.constant 0 : i32
    %dma_start3A_99 = arith.constant 0 : i32
    %dma_start3A_100 = tpu.memref_slice %dma_start3A_97[%dma_start3A_74, %dma_start3A_98, %dma_start3A_99] : memref<160x2x128xi32, #tpu.memory_space<hbm>> -> memref<1x2x128xi32, #tpu.memory_space<hbm>>
    %dma_start3A_101 = tpu.memref_squeeze %dma_start3A_100 : memref<1x2x128xi32, #tpu.memory_space<hbm>> -> memref<2x128xi32, #tpu.memory_space<hbm>>
    tpu.enqueue_dma source(%dma_start3A_101 : memref<2x128xi32, #tpu.memory_space<hbm>>) target(%dma_start3A_92 : memref<2x128xi32, #tpu.memory_space<vmem>>) target_semaphore(%arg13 : memref<!tpu.dma_semaphore, #tpu.memory_space<semaphore_mem>>)
    %dma_start3A_102 = arith.constant 2 : i32
    %dma_start3A_103 = arith.constant 2 : i32
    %dma_start3A_104 = arith.constant 0 : i32
    %dma_start3A_105 = arith.constant 0 : i32
    %dma_start3A_106 = tpu.memref_slice %arg8[%dma_start3A_103, %dma_start3A_104, %dma_start3A_105] : memref<8x2x128xi32, #tpu.memory_space<vmem>> -> memref<1x2x128xi32, #tpu.memory_space<vmem>>
    %dma_start3A_107 = tpu.memref_squeeze %dma_start3A_106 : memref<1x2x128xi32, #tpu.memory_space<vmem>> -> memref<2x128xi32, #tpu.memory_space<vmem>>
    %dma_start3A_108 = arith.constant 0 : i32
    %dma_start3A_109 = arith.constant 0 : i32
    %dma_start3A_110 = arith.constant 0 : i32
    %dma_start3A_111 = tpu.memref_slice %arg3[%arg1, %dma_start3A_108, %dma_start3A_109, %dma_start3A_110] : memref<16x160x2x128xi32, #tpu.memory_space<hbm>> -> memref<1x160x2x128xi32, #tpu.memory_space<hbm>>
    %dma_start3A_112 = tpu.memref_squeeze %dma_start3A_111 : memref<1x160x2x128xi32, #tpu.memory_space<hbm>> -> memref<160x2x128xi32, #tpu.memory_space<hbm>>
    %dma_start3A_113 = arith.constant 0 : i32
    %dma_start3A_114 = arith.constant 0 : i32
    %dma_start3A_115 = tpu.memref_slice %dma_start3A_112[%dma_start3A_102, %dma_start3A_113, %dma_start3A_114] : memref<160x2x128xi32, #tpu.memory_space<hbm>> -> memref<1x2x128xi32, #tpu.memory_space<hbm>>
    %dma_start3A_116 = tpu.memref_squeeze %dma_start3A_115 : memref<1x2x128xi32, #tpu.memory_space<hbm>> -> memref<2x128xi32, #tpu.memory_space<hbm>>
    %dma_start3A_117 = arith.constant 0 : i32
    %dma_start3A_118 = arith.constant 0 : i32
    %dma_start3A_119 = tpu.memref_slice %arg8[%dma_start3A_103, %dma_start3A_117, %dma_start3A_118] : memref<8x2x128xi32, #tpu.memory_space<vmem>> -> memref<1x2x128xi32, #tpu.memory_space<vmem>>
    %dma_start3A_120 = tpu.memref_squeeze %dma_start3A_119 : memref<1x2x128xi32, #tpu.memory_space<vmem>> -> memref<2x128xi32, #tpu.memory_space<vmem>>
    %dma_start3A_121 = arith.constant 0 : i32
    %dma_start3A_122 = arith.constant 0 : i32
    %dma_start3A_123 = arith.constant 0 : i32
    %dma_start3A_124 = tpu.memref_slice %arg3[%arg1, %dma_start3A_121, %dma_start3A_122, %dma_start3A_123] : memref<16x160x2x128xi32, #tpu.memory_space<hbm>> -> memref<1x160x2x128xi32, #tpu.memory_space<hbm>>
    %dma_start3A_125 = tpu.memref_squeeze %dma_start3A_124 : memref<1x160x2x128xi32, #tpu.memory_space<hbm>> -> memref<160x2x128xi32, #tpu.memory_space<hbm>>
    %dma_start3A_126 = arith.constant 0 : i32
    %dma_start3A_127 = arith.constant 0 : i32
    %dma_start3A_128 = tpu.memref_slice %dma_start3A_125[%dma_start3A_102, %dma_start3A_126, %dma_start3A_127] : memref<160x2x128xi32, #tpu.memory_space<hbm>> -> memref<1x2x128xi32, #tpu.memory_space<hbm>>
    %dma_start3A_129 = tpu.memref_squeeze %dma_start3A_128 : memref<1x2x128xi32, #tpu.memory_space<hbm>> -> memref<2x128xi32, #tpu.memory_space<hbm>>
    tpu.enqueue_dma source(%dma_start3A_129 : memref<2x128xi32, #tpu.memory_space<hbm>>) target(%dma_start3A_120 : memref<2x128xi32, #tpu.memory_space<vmem>>) target_semaphore(%arg14 : memref<!tpu.dma_semaphore, #tpu.memory_space<semaphore_mem>>)
    %dma_wait3A = arith.constant 0 : i32
    %dma_wait3A_130 = arith.constant 0 : i32
    %dma_wait3A_131 = arith.constant 0 : i32
    %dma_wait3A_132 = arith.constant 0 : i32
    %dma_wait3A_133 = tpu.memref_slice %arg8[%dma_wait3A_130, %dma_wait3A_131, %dma_wait3A_132] : memref<8x2x128xi32, #tpu.memory_space<vmem>> -> memref<1x2x128xi32, #tpu.memory_space<vmem>>
    %dma_wait3A_134 = tpu.memref_squeeze %dma_wait3A_133 : memref<1x2x128xi32, #tpu.memory_space<vmem>> -> memref<2x128xi32, #tpu.memory_space<vmem>>
    %dma_wait3A_135 = arith.constant 0 : i32
    %dma_wait3A_136 = arith.constant 0 : i32
    %dma_wait3A_137 = arith.constant 0 : i32
    %dma_wait3A_138 = tpu.memref_slice %arg3[%arg1, %dma_wait3A_135, %dma_wait3A_136, %dma_wait3A_137] : memref<16x160x2x128xi32, #tpu.memory_space<hbm>> -> memref<1x160x2x128xi32, #tpu.memory_space<hbm>>
    %dma_wait3A_139 = tpu.memref_squeeze %dma_wait3A_138 : memref<1x160x2x128xi32, #tpu.memory_space<hbm>> -> memref<160x2x128xi32, #tpu.memory_space<hbm>>
    %dma_wait3A_140 = arith.constant 0 : i32
    %dma_wait3A_141 = arith.constant 0 : i32
    %dma_wait3A_142 = tpu.memref_slice %dma_wait3A_139[%dma_wait3A, %dma_wait3A_140, %dma_wait3A_141] : memref<160x2x128xi32, #tpu.memory_space<hbm>> -> memref<1x2x128xi32, #tpu.memory_space<hbm>>
    %dma_wait3A_143 = tpu.memref_squeeze %dma_wait3A_142 : memref<1x2x128xi32, #tpu.memory_space<hbm>> -> memref<2x128xi32, #tpu.memory_space<hbm>>
    %dma_wait3A_144 = arith.constant 0 : i32
    %dma_wait3A_145 = arith.constant 0 : i32
    %dma_wait3A_146 = tpu.memref_slice %arg8[%dma_wait3A_130, %dma_wait3A_144, %dma_wait3A_145] : memref<8x2x128xi32, #tpu.memory_space<vmem>> -> memref<1x2x128xi32, #tpu.memory_space<vmem>>
    %dma_wait3A_147 = tpu.memref_squeeze %dma_wait3A_146 : memref<1x2x128xi32, #tpu.memory_space<vmem>> -> memref<2x128xi32, #tpu.memory_space<vmem>>
    %dma_wait3A_148 = arith.constant 0 : i32
    %dma_wait3A_149 = arith.constant 0 : i32
    %dma_wait3A_150 = arith.constant 0 : i32
    %dma_wait3A_151 = tpu.memref_slice %arg3[%arg1, %dma_wait3A_148, %dma_wait3A_149, %dma_wait3A_150] : memref<16x160x2x128xi32, #tpu.memory_space<hbm>> -> memref<1x160x2x128xi32, #tpu.memory_space<hbm>>
    %dma_wait3A_152 = tpu.memref_squeeze %dma_wait3A_151 : memref<1x160x2x128xi32, #tpu.memory_space<hbm>> -> memref<160x2x128xi32, #tpu.memory_space<hbm>>
    %dma_wait3A_153 = arith.constant 0 : i32
    %dma_wait3A_154 = arith.constant 0 : i32
    %dma_wait3A_155 = tpu.memref_slice %dma_wait3A_152[%dma_wait3A, %dma_wait3A_153, %dma_wait3A_154] : memref<160x2x128xi32, #tpu.memory_space<hbm>> -> memref<1x2x128xi32, #tpu.memory_space<hbm>>
    %dma_wait3A_156 = tpu.memref_squeeze %dma_wait3A_155 : memref<1x2x128xi32, #tpu.memory_space<hbm>> -> memref<2x128xi32, #tpu.memory_space<hbm>>
    tpu.wait_dma2 semaphore(%arg12 : memref<!tpu.dma_semaphore, #tpu.memory_space<semaphore_mem>>) src(%dma_wait3A_156 : memref<2x128xi32, #tpu.memory_space<hbm>>) dst(%dma_wait3A_147 : memref<2x128xi32, #tpu.memory_space<vmem>>)
    %dma_start3A_157 = arith.constant 0 : i32
    %dma_start3A_158 = arith.constant 0 : i32
    %dma_start3A_159 = arith.constant 0 : i32
    %dma_start3A_160 = arith.constant 0 : i32
    %dma_start3A_161 = arith.constant 0 : i32
    %dma_start3A_162 = tpu.memref_slice %arg9[%dma_start3A_159, %dma_start3A_160, %dma_start3A_161] : memref<4x128x64xf32, #tpu.memory_space<vmem>> -> memref<1x128x64xf32, #tpu.memory_space<vmem>>
    %dma_start3A_163 = tpu.memref_squeeze %dma_start3A_162 : memref<1x128x64xf32, #tpu.memory_space<vmem>> -> memref<128x64xf32, #tpu.memory_space<vmem>>
    %dma_start3A_164 = arith.constant 0 : i32
    %dma_start3A_165 = tpu.memref_slice %arg8[%dma_start3A_157, %dma_start3A_158, %dma_start3A_164] : memref<8x2x128xi32, #tpu.memory_space<vmem>> -> memref<1x1x128xi32, #tpu.memory_space<vmem>>
    %dma_start3A_166 = tpu.memref_squeeze %dma_start3A_165 : memref<1x1x128xi32, #tpu.memory_space<vmem>> -> memref<128xi32, #tpu.memory_space<vmem>>
    %dma_start3A_167 = arith.constant 0 : i32
    %dma_start3A_168 = arith.constant 0 : i32
    %dma_start3A_169 = tpu.memref_slice %arg11[%dma_start3A_167, %dma_start3A_168] : memref<10240x64xf32, #tpu.memory_space<vmem_shared>> -> memref<10240x64xf32, #tpu.memory_space<vmem_shared>>
    tpu.enqueue_indirect_dma source(%dma_start3A_169 : memref<10240x64xf32, #tpu.memory_space<vmem_shared>>) target(%dma_start3A_163 : memref<128x64xf32, #tpu.memory_space<vmem>>) offsets(%dma_start3A_166 : memref<128xi32, #tpu.memory_space<vmem>>) semaphore(%arg20 : memref<!tpu.dma_semaphore, #tpu.memory_space<semaphore_mem>>)
    %dma_wait3A_170 = arith.constant 1 : i32
    %dma_wait3A_171 = arith.constant 1 : i32
    %dma_wait3A_172 = arith.constant 0 : i32
    %dma_wait3A_173 = arith.constant 0 : i32
    %dma_wait3A_174 = tpu.memref_slice %arg8[%dma_wait3A_171, %dma_wait3A_172, %dma_wait3A_173] : memref<8x2x128xi32, #tpu.memory_space<vmem>> -> memref<1x2x128xi32, #tpu.memory_space<vmem>>
    %dma_wait3A_175 = tpu.memref_squeeze %dma_wait3A_174 : memref<1x2x128xi32, #tpu.memory_space<vmem>> -> memref<2x128xi32, #tpu.memory_space<vmem>>
    %dma_wait3A_176 = arith.constant 0 : i32
    %dma_wait3A_177 = arith.constant 0 : i32
    %dma_wait3A_178 = arith.constant 0 : i32
    %dma_wait3A_179 = tpu.memref_slice %arg3[%arg1, %dma_wait3A_176, %dma_wait3A_177, %dma_wait3A_178] : memref<16x160x2x128xi32, #tpu.memory_space<hbm>> -> memref<1x160x2x128xi32, #tpu.memory_space<hbm>>
    %dma_wait3A_180 = tpu.memref_squeeze %dma_wait3A_179 : memref<1x160x2x128xi32, #tpu.memory_space<hbm>> -> memref<160x2x128xi32, #tpu.memory_space<hbm>>
    %dma_wait3A_181 = arith.constant 0 : i32
    %dma_wait3A_182 = arith.constant 0 : i32
    %dma_wait3A_183 = tpu.memref_slice %dma_wait3A_180[%dma_wait3A_170, %dma_wait3A_181, %dma_wait3A_182] : memref<160x2x128xi32, #tpu.memory_space<hbm>> -> memref<1x2x128xi32, #tpu.memory_space<hbm>>
    %dma_wait3A_184 = tpu.memref_squeeze %dma_wait3A_183 : memref<1x2x128xi32, #tpu.memory_space<hbm>> -> memref<2x128xi32, #tpu.memory_space<hbm>>
    %dma_wait3A_185 = arith.constant 0 : i32
    %dma_wait3A_186 = arith.constant 0 : i32
    %dma_wait3A_187 = tpu.memref_slice %arg8[%dma_wait3A_171, %dma_wait3A_185, %dma_wait3A_186] : memref<8x2x128xi32, #tpu.memory_space<vmem>> -> memref<1x2x128xi32, #tpu.memory_space<vmem>>
    %dma_wait3A_188 = tpu.memref_squeeze %dma_wait3A_187 : memref<1x2x128xi32, #tpu.memory_space<vmem>> -> memref<2x128xi32, #tpu.memory_space<vmem>>
    %dma_wait3A_189 = arith.constant 0 : i32
    %dma_wait3A_190 = arith.constant 0 : i32
    %dma_wait3A_191 = arith.constant 0 : i32
    %dma_wait3A_192 = tpu.memref_slice %arg3[%arg1, %dma_wait3A_189, %dma_wait3A_190, %dma_wait3A_191] : memref<16x160x2x128xi32, #tpu.memory_space<hbm>> -> memref<1x160x2x128xi32, #tpu.memory_space<hbm>>
    %dma_wait3A_193 = tpu.memref_squeeze %dma_wait3A_192 : memref<1x160x2x128xi32, #tpu.memory_space<hbm>> -> memref<160x2x128xi32, #tpu.memory_space<hbm>>
    %dma_wait3A_194 = arith.constant 0 : i32
    %dma_wait3A_195 = arith.constant 0 : i32
    %dma_wait3A_196 = tpu.memref_slice %dma_wait3A_193[%dma_wait3A_170, %dma_wait3A_194, %dma_wait3A_195] : memref<160x2x128xi32, #tpu.memory_space<hbm>> -> memref<1x2x128xi32, #tpu.memory_space<hbm>>
    %dma_wait3A_197 = tpu.memref_squeeze %dma_wait3A_196 : memref<1x2x128xi32, #tpu.memory_space<hbm>> -> memref<2x128xi32, #tpu.memory_space<hbm>>
    tpu.wait_dma2 semaphore(%arg13 : memref<!tpu.dma_semaphore, #tpu.memory_space<semaphore_mem>>) src(%dma_wait3A_197 : memref<2x128xi32, #tpu.memory_space<hbm>>) dst(%dma_wait3A_188 : memref<2x128xi32, #tpu.memory_space<vmem>>)
    %dma_start3A_198 = arith.constant 1 : i32
    %dma_start3A_199 = arith.constant 0 : i32
    %dma_start3A_200 = arith.constant 1 : i32
    %dma_start3A_201 = arith.constant 0 : i32
    %dma_start3A_202 = arith.constant 0 : i32
    %dma_start3A_203 = tpu.memref_slice %arg9[%dma_start3A_200, %dma_start3A_201, %dma_start3A_202] : memref<4x128x64xf32, #tpu.memory_space<vmem>> -> memref<1x128x64xf32, #tpu.memory_space<vmem>>
    %dma_start3A_204 = tpu.memref_squeeze %dma_start3A_203 : memref<1x128x64xf32, #tpu.memory_space<vmem>> -> memref<128x64xf32, #tpu.memory_space<vmem>>
    %dma_start3A_205 = arith.constant 0 : i32
    %dma_start3A_206 = tpu.memref_slice %arg8[%dma_start3A_198, %dma_start3A_199, %dma_start3A_205] : memref<8x2x128xi32, #tpu.memory_space<vmem>> -> memref<1x1x128xi32, #tpu.memory_space<vmem>>
    %dma_start3A_207 = tpu.memref_squeeze %dma_start3A_206 : memref<1x1x128xi32, #tpu.memory_space<vmem>> -> memref<128xi32, #tpu.memory_space<vmem>>
    %dma_start3A_208 = arith.constant 0 : i32
    %dma_start3A_209 = arith.constant 0 : i32
    %dma_start3A_210 = tpu.memref_slice %arg11[%dma_start3A_208, %dma_start3A_209] : memref<10240x64xf32, #tpu.memory_space<vmem_shared>> -> memref<10240x64xf32, #tpu.memory_space<vmem_shared>>
    tpu.enqueue_indirect_dma source(%dma_start3A_210 : memref<10240x64xf32, #tpu.memory_space<vmem_shared>>) target(%dma_start3A_204 : memref<128x64xf32, #tpu.memory_space<vmem>>) offsets(%dma_start3A_207 : memref<128xi32, #tpu.memory_space<vmem>>) semaphore(%arg21 : memref<!tpu.dma_semaphore, #tpu.memory_space<semaphore_mem>>)
    %scan3A = arith.constant 0 : i32
    %scan3A_211 = arith.constant 0 : i32
    %scan3A_212 = arith.constant 20 : i32
    %scan3A_213 = arith.addi %scan3A_211, %scan3A_212 : i32
    %scan3A_214 = arith.constant 1 : i32
    scf.for %scan3A_276 = %scan3A_211 to %scan3A_213 step %scan3A_214  : i32 {
      %mul3A_277 = arith.constant 8 : i32
      %mul3A_278 = arith.muli %scan3A_276, %mul3A_277 : i32
      %add3A = arith.constant 0 : i32
      %add3A_279 = arith.addi %mul3A_278, %add3A : i32
      %add3A_280 = arith.constant 3 : i32
      %add3A_281 = arith.addi %add3A_279, %add3A_280 : i32
      %lt3A = arith.constant 160 : i32
      %lt3A_282 = arith.cmpi slt, %add3A_281, %lt3A : i32
      %convert_element_type3A_283 = arith.extui %lt3A_282 : i1 to i32
      %cond3A_284 = arith.constant 0 : i32
      %cond3A_285 = arith.cmpi ne, %convert_element_type3A_283, %cond3A_284 : i32
      scf.if %cond3A_285 {
        %dma_start3A_667 = arith.constant 3 : i32
        %dma_start3A_668 = arith.constant 0 : i32
        %dma_start3A_669 = arith.constant 0 : i32
        %dma_start3A_670 = tpu.memref_slice %arg8[%dma_start3A_667, %dma_start3A_668, %dma_start3A_669] : memref<8x2x128xi32, #tpu.memory_space<vmem>> -> memref<1x2x128xi32, #tpu.memory_space<vmem>>
        %dma_start3A_671 = tpu.memref_squeeze %dma_start3A_670 : memref<1x2x128xi32, #tpu.memory_space<vmem>> -> memref<2x128xi32, #tpu.memory_space<vmem>>
        %dma_start3A_672 = arith.constant 0 : i32
        %dma_start3A_673 = arith.constant 0 : i32
        %dma_start3A_674 = arith.constant 0 : i32
        %dma_start3A_675 = tpu.memref_slice %arg3[%arg1, %dma_start3A_672, %dma_start3A_673, %dma_start3A_674] : memref<16x160x2x128xi32, #tpu.memory_space<hbm>> -> memref<1x160x2x128xi32, #tpu.memory_space<hbm>>
        %dma_start3A_676 = tpu.memref_squeeze %dma_start3A_675 : memref<1x160x2x128xi32, #tpu.memory_space<hbm>> -> memref<160x2x128xi32, #tpu.memory_space<hbm>>
        %dma_start3A_677 = arith.constant 0 : i32
        %dma_start3A_678 = arith.constant 0 : i32
        %dma_start3A_679 = tpu.memref_slice %dma_start3A_676[%add3A_281, %dma_start3A_677, %dma_start3A_678] : memref<160x2x128xi32, #tpu.memory_space<hbm>> -> memref<1x2x128xi32, #tpu.memory_space<hbm>>
        %dma_start3A_680 = tpu.memref_squeeze %dma_start3A_679 : memref<1x2x128xi32, #tpu.memory_space<hbm>> -> memref<2x128xi32, #tpu.memory_space<hbm>>
        %dma_start3A_681 = arith.constant 0 : i32
        %dma_start3A_682 = arith.constant 0 : i32
        %dma_start3A_683 = tpu.memref_slice %arg8[%dma_start3A_667, %dma_start3A_681, %dma_start3A_682] : memref<8x2x128xi32, #tpu.memory_space<vmem>> -> memref<1x2x128xi32, #tpu.memory_space<vmem>>
        %dma_start3A_684 = tpu.memref_squeeze %dma_start3A_683 : memref<1x2x128xi32, #tpu.memory_space<vmem>> -> memref<2x128xi32, #tpu.memory_space<vmem>>
        %dma_start3A_685 = arith.constant 0 : i32
        %dma_start3A_686 = arith.constant 0 : i32
        %dma_start3A_687 = arith.constant 0 : i32
        %dma_start3A_688 = tpu.memref_slice %arg3[%arg1, %dma_start3A_685, %dma_start3A_686, %dma_start3A_687] : memref<16x160x2x128xi32, #tpu.memory_space<hbm>> -> memref<1x160x2x128xi32, #tpu.memory_space<hbm>>
        %dma_start3A_689 = tpu.memref_squeeze %dma_start3A_688 : memref<1x160x2x128xi32, #tpu.memory_space<hbm>> -> memref<160x2x128xi32, #tpu.memory_space<hbm>>
        %dma_start3A_690 = arith.constant 0 : i32
        %dma_start3A_691 = arith.constant 0 : i32
        %dma_start3A_692 = tpu.memref_slice %dma_start3A_689[%add3A_281, %dma_start3A_690, %dma_start3A_691] : memref<160x2x128xi32, #tpu.memory_space<hbm>> -> memref<1x2x128xi32, #tpu.memory_space<hbm>>
        %dma_start3A_693 = tpu.memref_squeeze %dma_start3A_692 : memref<1x2x128xi32, #tpu.memory_space<hbm>> -> memref<2x128xi32, #tpu.memory_space<hbm>>
        tpu.enqueue_dma source(%dma_start3A_693 : memref<2x128xi32, #tpu.memory_space<hbm>>) target(%dma_start3A_684 : memref<2x128xi32, #tpu.memory_space<vmem>>) target_semaphore(%arg15 : memref<!tpu.dma_semaphore, #tpu.memory_space<semaphore_mem>>)
      } else {
      }
      %add3A_286 = arith.constant 2 : i32
      %add3A_287 = arith.addi %add3A_279, %add3A_286 : i32
      %lt3A_288 = arith.constant 160 : i32
      %lt3A_289 = arith.cmpi slt, %add3A_287, %lt3A_288 : i32
      %convert_element_type3A_290 = arith.extui %lt3A_289 : i1 to i32
      %cond3A_291 = arith.constant 0 : i32
      %cond3A_292 = arith.cmpi ne, %convert_element_type3A_290, %cond3A_291 : i32
      scf.if %cond3A_292 {
        %dma_wait3A_667 = arith.constant 2 : i32
        %dma_wait3A_668 = arith.constant 0 : i32
        %dma_wait3A_669 = arith.constant 0 : i32
        %dma_wait3A_670 = tpu.memref_slice %arg8[%dma_wait3A_667, %dma_wait3A_668, %dma_wait3A_669] : memref<8x2x128xi32, #tpu.memory_space<vmem>> -> memref<1x2x128xi32, #tpu.memory_space<vmem>>
        %dma_wait3A_671 = tpu.memref_squeeze %dma_wait3A_670 : memref<1x2x128xi32, #tpu.memory_space<vmem>> -> memref<2x128xi32, #tpu.memory_space<vmem>>
        %dma_wait3A_672 = arith.constant 0 : i32
        %dma_wait3A_673 = arith.constant 0 : i32
        %dma_wait3A_674 = arith.constant 0 : i32
        %dma_wait3A_675 = tpu.memref_slice %arg3[%arg1, %dma_wait3A_672, %dma_wait3A_673, %dma_wait3A_674] : memref<16x160x2x128xi32, #tpu.memory_space<hbm>> -> memref<1x160x2x128xi32, #tpu.memory_space<hbm>>
        %dma_wait3A_676 = tpu.memref_squeeze %dma_wait3A_675 : memref<1x160x2x128xi32, #tpu.memory_space<hbm>> -> memref<160x2x128xi32, #tpu.memory_space<hbm>>
        %dma_wait3A_677 = arith.constant 0 : i32
        %dma_wait3A_678 = arith.constant 0 : i32
        %dma_wait3A_679 = tpu.memref_slice %dma_wait3A_676[%add3A_287, %dma_wait3A_677, %dma_wait3A_678] : memref<160x2x128xi32, #tpu.memory_space<hbm>> -> memref<1x2x128xi32, #tpu.memory_space<hbm>>
        %dma_wait3A_680 = tpu.memref_squeeze %dma_wait3A_679 : memref<1x2x128xi32, #tpu.memory_space<hbm>> -> memref<2x128xi32, #tpu.memory_space<hbm>>
        %dma_wait3A_681 = arith.constant 0 : i32
        %dma_wait3A_682 = arith.constant 0 : i32
        %dma_wait3A_683 = tpu.memref_slice %arg8[%dma_wait3A_667, %dma_wait3A_681, %dma_wait3A_682] : memref<8x2x128xi32, #tpu.memory_space<vmem>> -> memref<1x2x128xi32, #tpu.memory_space<vmem>>
        %dma_wait3A_684 = tpu.memref_squeeze %dma_wait3A_683 : memref<1x2x128xi32, #tpu.memory_space<vmem>> -> memref<2x128xi32, #tpu.memory_space<vmem>>
        %dma_wait3A_685 = arith.constant 0 : i32
        %dma_wait3A_686 = arith.constant 0 : i32
        %dma_wait3A_687 = arith.constant 0 : i32
        %dma_wait3A_688 = tpu.memref_slice %arg3[%arg1, %dma_wait3A_685, %dma_wait3A_686, %dma_wait3A_687] : memref<16x160x2x128xi32, #tpu.memory_space<hbm>> -> memref<1x160x2x128xi32, #tpu.memory_space<hbm>>
        %dma_wait3A_689 = tpu.memref_squeeze %dma_wait3A_688 : memref<1x160x2x128xi32, #tpu.memory_space<hbm>> -> memref<160x2x128xi32, #tpu.memory_space<hbm>>
        %dma_wait3A_690 = arith.constant 0 : i32
        %dma_wait3A_691 = arith.constant 0 : i32
        %dma_wait3A_692 = tpu.memref_slice %dma_wait3A_689[%add3A_287, %dma_wait3A_690, %dma_wait3A_691] : memref<160x2x128xi32, #tpu.memory_space<hbm>> -> memref<1x2x128xi32, #tpu.memory_space<hbm>>
        %dma_wait3A_693 = tpu.memref_squeeze %dma_wait3A_692 : memref<1x2x128xi32, #tpu.memory_space<hbm>> -> memref<2x128xi32, #tpu.memory_space<hbm>>
        tpu.wait_dma2 semaphore(%arg14 : memref<!tpu.dma_semaphore, #tpu.memory_space<semaphore_mem>>) src(%dma_wait3A_693 : memref<2x128xi32, #tpu.memory_space<hbm>>) dst(%dma_wait3A_684 : memref<2x128xi32, #tpu.memory_space<vmem>>)
        %ge3A = arith.constant 4 : i32
        %ge3A_694 = arith.cmpi sge, %add3A_287, %ge3A : i32
        %convert_element_type3A_695 = arith.extui %ge3A_694 : i1 to i32
        %cond3A_696 = arith.constant 0 : i32
        %cond3A_697 = arith.cmpi ne, %convert_element_type3A_695, %cond3A_696 : i32
        scf.if %cond3A_697 {
          %dma_wait3A_711 = arith.constant 2 : i32
          %dma_wait3A_712 = arith.constant 6 : i32
          %dma_wait3A_713 = arith.constant 1 : i32
          %dma_wait3A_714 = arith.constant 0 : i32
          %dma_wait3A_715 = arith.constant 0 : i32
          %dma_wait3A_716 = tpu.memref_slice %arg9[%dma_wait3A_711, %dma_wait3A_714, %dma_wait3A_715] : memref<4x128x64xf32, #tpu.memory_space<vmem>> -> memref<1x128x64xf32, #tpu.memory_space<vmem>>
          %dma_wait3A_717 = tpu.memref_squeeze %dma_wait3A_716 : memref<1x128x64xf32, #tpu.memory_space<vmem>> -> memref<128x64xf32, #tpu.memory_space<vmem>>
          %dma_wait3A_718 = arith.constant 0 : i32
          %dma_wait3A_719 = tpu.memref_slice %arg8[%dma_wait3A_712, %dma_wait3A_713, %dma_wait3A_718] : memref<8x2x128xi32, #tpu.memory_space<vmem>> -> memref<1x1x128xi32, #tpu.memory_space<vmem>>
          %dma_wait3A_720 = tpu.memref_squeeze %dma_wait3A_719 : memref<1x1x128xi32, #tpu.memory_space<vmem>> -> memref<128xi32, #tpu.memory_space<vmem>>
          %dma_wait3A_721 = arith.constant 0 : i32
          %dma_wait3A_722 = arith.constant 0 : i32
          %dma_wait3A_723 = tpu.memref_slice %arg10[%dma_wait3A_721, %dma_wait3A_722] : memref<10240x64xf32, #tpu.memory_space<vmem_shared>> -> memref<10240x64xf32, #tpu.memory_space<vmem_shared>>
          tpu.wait_indirect_dma semaphore(%arg26 : memref<!tpu.dma_semaphore, #tpu.memory_space<semaphore_mem>>) src(%dma_wait3A_717 : memref<128x64xf32, #tpu.memory_space<vmem>>) dst(%dma_wait3A_723 : memref<10240x64xf32, #tpu.memory_space<vmem_shared>>)
        } else {
        }
        %dma_start3A_698 = arith.constant 2 : i32
        %dma_start3A_699 = arith.constant 0 : i32
        %dma_start3A_700 = arith.constant 2 : i32
        %dma_start3A_701 = arith.constant 0 : i32
        %dma_start3A_702 = arith.constant 0 : i32
        %dma_start3A_703 = tpu.memref_slice %arg9[%dma_start3A_700, %dma_start3A_701, %dma_start3A_702] : memref<4x128x64xf32, #tpu.memory_space<vmem>> -> memref<1x128x64xf32, #tpu.memory_space<vmem>>
        %dma_start3A_704 = tpu.memref_squeeze %dma_start3A_703 : memref<1x128x64xf32, #tpu.memory_space<vmem>> -> memref<128x64xf32, #tpu.memory_space<vmem>>
        %dma_start3A_705 = arith.constant 0 : i32
        %dma_start3A_706 = tpu.memref_slice %arg8[%dma_start3A_698, %dma_start3A_699, %dma_start3A_705] : memref<8x2x128xi32, #tpu.memory_space<vmem>> -> memref<1x1x128xi32, #tpu.memory_space<vmem>>
        %dma_start3A_707 = tpu.memref_squeeze %dma_start3A_706 : memref<1x1x128xi32, #tpu.memory_space<vmem>> -> memref<128xi32, #tpu.memory_space<vmem>>
        %dma_start3A_708 = arith.constant 0 : i32
        %dma_start3A_709 = arith.constant 0 : i32
        %dma_start3A_710 = tpu.memref_slice %arg11[%dma_start3A_708, %dma_start3A_709] : memref<10240x64xf32, #tpu.memory_space<vmem_shared>> -> memref<10240x64xf32, #tpu.memory_space<vmem_shared>>
        tpu.enqueue_indirect_dma source(%dma_start3A_710 : memref<10240x64xf32, #tpu.memory_space<vmem_shared>>) target(%dma_start3A_704 : memref<128x64xf32, #tpu.memory_space<vmem>>) offsets(%dma_start3A_707 : memref<128xi32, #tpu.memory_space<vmem>>) semaphore(%arg22 : memref<!tpu.dma_semaphore, #tpu.memory_space<semaphore_mem>>)
      } else {
      }
      %dma_wait3A_293 = arith.constant 0 : i32
      %dma_wait3A_294 = arith.constant 0 : i32
      %dma_wait3A_295 = arith.constant 0 : i32
      %dma_wait3A_296 = arith.constant 0 : i32
      %dma_wait3A_297 = arith.constant 0 : i32
      %dma_wait3A_298 = tpu.memref_slice %arg9[%dma_wait3A_295, %dma_wait3A_296, %dma_wait3A_297] : memref<4x128x64xf32, #tpu.memory_space<vmem>> -> memref<1x128x64xf32, #tpu.memory_space<vmem>>
      %dma_wait3A_299 = tpu.memref_squeeze %dma_wait3A_298 : memref<1x128x64xf32, #tpu.memory_space<vmem>> -> memref<128x64xf32, #tpu.memory_space<vmem>>
      %dma_wait3A_300 = arith.constant 0 : i32
      %dma_wait3A_301 = tpu.memref_slice %arg8[%dma_wait3A_293, %dma_wait3A_294, %dma_wait3A_300] : memref<8x2x128xi32, #tpu.memory_space<vmem>> -> memref<1x1x128xi32, #tpu.memory_space<vmem>>
      %dma_wait3A_302 = tpu.memref_squeeze %dma_wait3A_301 : memref<1x1x128xi32, #tpu.memory_space<vmem>> -> memref<128xi32, #tpu.memory_space<vmem>>
      %dma_wait3A_303 = arith.constant 0 : i32
      %dma_wait3A_304 = arith.constant 0 : i32
      %dma_wait3A_305 = tpu.memref_slice %arg11[%dma_wait3A_303, %dma_wait3A_304] : memref<10240x64xf32, #tpu.memory_space<vmem_shared>> -> memref<10240x64xf32, #tpu.memory_space<vmem_shared>>
      tpu.wait_indirect_dma semaphore(%arg20 : memref<!tpu.dma_semaphore, #tpu.memory_space<semaphore_mem>>) src(%dma_wait3A_305 : memref<10240x64xf32, #tpu.memory_space<vmem_shared>>) dst(%dma_wait3A_299 : memref<128x64xf32, #tpu.memory_space<vmem>>)
      %dma_start3A_306 = arith.constant 0 : i32
      %dma_start3A_307 = arith.constant 0 : i32
      %dma_start3A_308 = arith.constant 1 : i32
      %dma_start3A_309 = arith.constant 0 : i32
      %dma_start3A_310 = arith.constant 0 : i32
      %dma_start3A_311 = tpu.memref_slice %arg9[%dma_start3A_306, %dma_start3A_309, %dma_start3A_310] : memref<4x128x64xf32, #tpu.memory_space<vmem>> -> memref<1x128x64xf32, #tpu.memory_space<vmem>>
      %dma_start3A_312 = tpu.memref_squeeze %dma_start3A_311 : memref<1x128x64xf32, #tpu.memory_space<vmem>> -> memref<128x64xf32, #tpu.memory_space<vmem>>
      %dma_start3A_313 = arith.constant 0 : i32
      %dma_start3A_314 = tpu.memref_slice %arg8[%dma_start3A_307, %dma_start3A_308, %dma_start3A_313] : memref<8x2x128xi32, #tpu.memory_space<vmem>> -> memref<1x1x128xi32, #tpu.memory_space<vmem>>
      %dma_start3A_315 = tpu.memref_squeeze %dma_start3A_314 : memref<1x1x128xi32, #tpu.memory_space<vmem>> -> memref<128xi32, #tpu.memory_space<vmem>>
      %dma_start3A_316 = arith.constant 0 : i32
      %dma_start3A_317 = arith.constant 0 : i32
      %dma_start3A_318 = tpu.memref_slice %arg10[%dma_start3A_316, %dma_start3A_317] : memref<10240x64xf32, #tpu.memory_space<vmem_shared>> -> memref<10240x64xf32, #tpu.memory_space<vmem_shared>>
      tpu.enqueue_indirect_dma source(%dma_start3A_312 : memref<128x64xf32, #tpu.memory_space<vmem>>) target(%dma_start3A_318 : memref<10240x64xf32, #tpu.memory_space<vmem_shared>>) offsets(%dma_start3A_315 : memref<128xi32, #tpu.memory_space<vmem>>) semaphore(%arg24 : memref<!tpu.dma_semaphore, #tpu.memory_space<semaphore_mem>>) {add = true}
      %eq3A_319 = arith.constant 0 : i32
      %eq3A_320 = arith.cmpi eq, %arg0, %eq3A_319 : i32
      %convert_element_type3A_321 = arith.extui %eq3A_320 : i1 to i32
      %cond3A_322 = arith.constant 0 : i32
      %cond3A_323 = arith.cmpi ne, %convert_element_type3A_321, %cond3A_322 : i32
      scf.if %cond3A_323 {
        %dma_start3A_667 = arith.constant 0 : i32
        %dma_start3A_668 = arith.constant 1 : i32
        %dma_start3A_669 = arith.constant 0 : i32
        %dma_start3A_670 = tpu.memref_slice %arg8[%dma_start3A_667, %dma_start3A_668, %dma_start3A_669] : memref<8x2x128xi32, #tpu.memory_space<vmem>> -> memref<1x1x128xi32, #tpu.memory_space<vmem>>
        %dma_start3A_671 = tpu.memref_squeeze %dma_start3A_670 : memref<1x1x128xi32, #tpu.memory_space<vmem>> -> memref<128xi32, #tpu.memory_space<vmem>>
        %dma_start3A_672 = arith.constant 0 : i32
        %dma_start3A_673 = tpu.memref_slice %arg29[%dma_start3A_672] : memref<10240xf32, #tpu.memory_space<vmem_shared>> -> memref<10240xf32, #tpu.memory_space<vmem_shared>>
        tpu.enqueue_indirect_dma source(%arg28 : memref<128xf32, #tpu.memory_space<vmem>>) target(%dma_start3A_673 : memref<10240xf32, #tpu.memory_space<vmem_shared>>) offsets(%dma_start3A_671 : memref<128xi32, #tpu.memory_space<vmem>>) semaphore(%arg30 : memref<!tpu.dma_semaphore, #tpu.memory_space<semaphore_mem>>) {add = true}
        %ge3A = arith.constant 4 : i32
        %ge3A_674 = arith.cmpi sge, %add3A_279, %ge3A : i32
        %convert_element_type3A_675 = arith.extui %ge3A_674 : i1 to i32
        %cond3A_676 = arith.constant 0 : i32
        %cond3A_677 = arith.cmpi ne, %convert_element_type3A_675, %cond3A_676 : i32
        scf.if %cond3A_677 {
          %dma_wait3A_678 = arith.constant 4 : i32
          %dma_wait3A_679 = arith.constant 1 : i32
          %dma_wait3A_680 = arith.constant 0 : i32
          %dma_wait3A_681 = tpu.memref_slice %arg8[%dma_wait3A_678, %dma_wait3A_679, %dma_wait3A_680] : memref<8x2x128xi32, #tpu.memory_space<vmem>> -> memref<1x1x128xi32, #tpu.memory_space<vmem>>
          %dma_wait3A_682 = tpu.memref_squeeze %dma_wait3A_681 : memref<1x1x128xi32, #tpu.memory_space<vmem>> -> memref<128xi32, #tpu.memory_space<vmem>>
          %dma_wait3A_683 = arith.constant 0 : i32
          %dma_wait3A_684 = tpu.memref_slice %arg29[%dma_wait3A_683] : memref<10240xf32, #tpu.memory_space<vmem_shared>> -> memref<10240xf32, #tpu.memory_space<vmem_shared>>
          tpu.wait_indirect_dma semaphore(%arg30 : memref<!tpu.dma_semaphore, #tpu.memory_space<semaphore_mem>>) src(%arg28 : memref<128xf32, #tpu.memory_space<vmem>>) dst(%dma_wait3A_684 : memref<10240xf32, #tpu.memory_space<vmem_shared>>)
        } else {
        }
      } else {
      }
      %mul3A_324 = arith.constant 8 : i32
      %mul3A_325 = arith.muli %scan3A_276, %mul3A_324 : i32
      %add3A_326 = arith.constant 1 : i32
      %add3A_327 = arith.addi %mul3A_325, %add3A_326 : i32
      %add3A_328 = arith.constant 3 : i32
      %add3A_329 = arith.addi %add3A_327, %add3A_328 : i32
      %lt3A_330 = arith.constant 160 : i32
      %lt3A_331 = arith.cmpi slt, %add3A_329, %lt3A_330 : i32
      %convert_element_type3A_332 = arith.extui %lt3A_331 : i1 to i32
      %cond3A_333 = arith.constant 0 : i32
      %cond3A_334 = arith.cmpi ne, %convert_element_type3A_332, %cond3A_333 : i32
      scf.if %cond3A_334 {
        %dma_start3A_667 = arith.constant 4 : i32
        %dma_start3A_668 = arith.constant 0 : i32
        %dma_start3A_669 = arith.constant 0 : i32
        %dma_start3A_670 = tpu.memref_slice %arg8[%dma_start3A_667, %dma_start3A_668, %dma_start3A_669] : memref<8x2x128xi32, #tpu.memory_space<vmem>> -> memref<1x2x128xi32, #tpu.memory_space<vmem>>
        %dma_start3A_671 = tpu.memref_squeeze %dma_start3A_670 : memref<1x2x128xi32, #tpu.memory_space<vmem>> -> memref<2x128xi32, #tpu.memory_space<vmem>>
        %dma_start3A_672 = arith.constant 0 : i32
        %dma_start3A_673 = arith.constant 0 : i32
        %dma_start3A_674 = arith.constant 0 : i32
        %dma_start3A_675 = tpu.memref_slice %arg3[%arg1, %dma_start3A_672, %dma_start3A_673, %dma_start3A_674] : memref<16x160x2x128xi32, #tpu.memory_space<hbm>> -> memref<1x160x2x128xi32, #tpu.memory_space<hbm>>
        %dma_start3A_676 = tpu.memref_squeeze %dma_start3A_675 : memref<1x160x2x128xi32, #tpu.memory_space<hbm>> -> memref<160x2x128xi32, #tpu.memory_space<hbm>>
        %dma_start3A_677 = arith.constant 0 : i32
        %dma_start3A_678 = arith.constant 0 : i32
        %dma_start3A_679 = tpu.memref_slice %dma_start3A_676[%add3A_329, %dma_start3A_677, %dma_start3A_678] : memref<160x2x128xi32, #tpu.memory_space<hbm>> -> memref<1x2x128xi32, #tpu.memory_space<hbm>>
        %dma_start3A_680 = tpu.memref_squeeze %dma_start3A_679 : memref<1x2x128xi32, #tpu.memory_space<hbm>> -> memref<2x128xi32, #tpu.memory_space<hbm>>
        %dma_start3A_681 = arith.constant 0 : i32
        %dma_start3A_682 = arith.constant 0 : i32
        %dma_start3A_683 = tpu.memref_slice %arg8[%dma_start3A_667, %dma_start3A_681, %dma_start3A_682] : memref<8x2x128xi32, #tpu.memory_space<vmem>> -> memref<1x2x128xi32, #tpu.memory_space<vmem>>
        %dma_start3A_684 = tpu.memref_squeeze %dma_start3A_683 : memref<1x2x128xi32, #tpu.memory_space<vmem>> -> memref<2x128xi32, #tpu.memory_space<vmem>>
        %dma_start3A_685 = arith.constant 0 : i32
        %dma_start3A_686 = arith.constant 0 : i32
        %dma_start3A_687 = arith.constant 0 : i32
        %dma_start3A_688 = tpu.memref_slice %arg3[%arg1, %dma_start3A_685, %dma_start3A_686, %dma_start3A_687] : memref<16x160x2x128xi32, #tpu.memory_space<hbm>> -> memref<1x160x2x128xi32, #tpu.memory_space<hbm>>
        %dma_start3A_689 = tpu.memref_squeeze %dma_start3A_688 : memref<1x160x2x128xi32, #tpu.memory_space<hbm>> -> memref<160x2x128xi32, #tpu.memory_space<hbm>>
        %dma_start3A_690 = arith.constant 0 : i32
        %dma_start3A_691 = arith.constant 0 : i32
        %dma_start3A_692 = tpu.memref_slice %dma_start3A_689[%add3A_329, %dma_start3A_690, %dma_start3A_691] : memref<160x2x128xi32, #tpu.memory_space<hbm>> -> memref<1x2x128xi32, #tpu.memory_space<hbm>>
        %dma_start3A_693 = tpu.memref_squeeze %dma_start3A_692 : memref<1x2x128xi32, #tpu.memory_space<hbm>> -> memref<2x128xi32, #tpu.memory_space<hbm>>
        tpu.enqueue_dma source(%dma_start3A_693 : memref<2x128xi32, #tpu.memory_space<hbm>>) target(%dma_start3A_684 : memref<2x128xi32, #tpu.memory_space<vmem>>) target_semaphore(%arg16 : memref<!tpu.dma_semaphore, #tpu.memory_space<semaphore_mem>>)
      } else {
      }
      %add3A_335 = arith.constant 2 : i32
      %add3A_336 = arith.addi %add3A_327, %add3A_335 : i32
      %lt3A_337 = arith.constant 160 : i32
      %lt3A_338 = arith.cmpi slt, %add3A_336, %lt3A_337 : i32
      %convert_element_type3A_339 = arith.extui %lt3A_338 : i1 to i32
      %cond3A_340 = arith.constant 0 : i32
      %cond3A_341 = arith.cmpi ne, %convert_element_type3A_339, %cond3A_340 : i32
      scf.if %cond3A_341 {
        %dma_wait3A_667 = arith.constant 3 : i32
        %dma_wait3A_668 = arith.constant 0 : i32
        %dma_wait3A_669 = arith.constant 0 : i32
        %dma_wait3A_670 = tpu.memref_slice %arg8[%dma_wait3A_667, %dma_wait3A_668, %dma_wait3A_669] : memref<8x2x128xi32, #tpu.memory_space<vmem>> -> memref<1x2x128xi32, #tpu.memory_space<vmem>>
        %dma_wait3A_671 = tpu.memref_squeeze %dma_wait3A_670 : memref<1x2x128xi32, #tpu.memory_space<vmem>> -> memref<2x128xi32, #tpu.memory_space<vmem>>
        %dma_wait3A_672 = arith.constant 0 : i32
        %dma_wait3A_673 = arith.constant 0 : i32
        %dma_wait3A_674 = arith.constant 0 : i32
        %dma_wait3A_675 = tpu.memref_slice %arg3[%arg1, %dma_wait3A_672, %dma_wait3A_673, %dma_wait3A_674] : memref<16x160x2x128xi32, #tpu.memory_space<hbm>> -> memref<1x160x2x128xi32, #tpu.memory_space<hbm>>
        %dma_wait3A_676 = tpu.memref_squeeze %dma_wait3A_675 : memref<1x160x2x128xi32, #tpu.memory_space<hbm>> -> memref<160x2x128xi32, #tpu.memory_space<hbm>>
        %dma_wait3A_677 = arith.constant 0 : i32
        %dma_wait3A_678 = arith.constant 0 : i32
        %dma_wait3A_679 = tpu.memref_slice %dma_wait3A_676[%add3A_336, %dma_wait3A_677, %dma_wait3A_678] : memref<160x2x128xi32, #tpu.memory_space<hbm>> -> memref<1x2x128xi32, #tpu.memory_space<hbm>>
        %dma_wait3A_680 = tpu.memref_squeeze %dma_wait3A_679 : memref<1x2x128xi32, #tpu.memory_space<hbm>> -> memref<2x128xi32, #tpu.memory_space<hbm>>
        %dma_wait3A_681 = arith.constant 0 : i32
        %dma_wait3A_682 = arith.constant 0 : i32
        %dma_wait3A_683 = tpu.memref_slice %arg8[%dma_wait3A_667, %dma_wait3A_681, %dma_wait3A_682] : memref<8x2x128xi32, #tpu.memory_space<vmem>> -> memref<1x2x128xi32, #tpu.memory_space<vmem>>
        %dma_wait3A_684 = tpu.memref_squeeze %dma_wait3A_683 : memref<1x2x128xi32, #tpu.memory_space<vmem>> -> memref<2x128xi32, #tpu.memory_space<vmem>>
        %dma_wait3A_685 = arith.constant 0 : i32
        %dma_wait3A_686 = arith.constant 0 : i32
        %dma_wait3A_687 = arith.constant 0 : i32
        %dma_wait3A_688 = tpu.memref_slice %arg3[%arg1, %dma_wait3A_685, %dma_wait3A_686, %dma_wait3A_687] : memref<16x160x2x128xi32, #tpu.memory_space<hbm>> -> memref<1x160x2x128xi32, #tpu.memory_space<hbm>>
        %dma_wait3A_689 = tpu.memref_squeeze %dma_wait3A_688 : memref<1x160x2x128xi32, #tpu.memory_space<hbm>> -> memref<160x2x128xi32, #tpu.memory_space<hbm>>
        %dma_wait3A_690 = arith.constant 0 : i32
        %dma_wait3A_691 = arith.constant 0 : i32
        %dma_wait3A_692 = tpu.memref_slice %dma_wait3A_689[%add3A_336, %dma_wait3A_690, %dma_wait3A_691] : memref<160x2x128xi32, #tpu.memory_space<hbm>> -> memref<1x2x128xi32, #tpu.memory_space<hbm>>
        %dma_wait3A_693 = tpu.memref_squeeze %dma_wait3A_692 : memref<1x2x128xi32, #tpu.memory_space<hbm>> -> memref<2x128xi32, #tpu.memory_space<hbm>>
        tpu.wait_dma2 semaphore(%arg15 : memref<!tpu.dma_semaphore, #tpu.memory_space<semaphore_mem>>) src(%dma_wait3A_693 : memref<2x128xi32, #tpu.memory_space<hbm>>) dst(%dma_wait3A_684 : memref<2x128xi32, #tpu.memory_space<vmem>>)
        %ge3A = arith.constant 4 : i32
        %ge3A_694 = arith.cmpi sge, %add3A_336, %ge3A : i32
        %convert_element_type3A_695 = arith.extui %ge3A_694 : i1 to i32
        %cond3A_696 = arith.constant 0 : i32
        %cond3A_697 = arith.cmpi ne, %convert_element_type3A_695, %cond3A_696 : i32
        scf.if %cond3A_697 {
          %dma_wait3A_711 = arith.constant 3 : i32
          %dma_wait3A_712 = arith.constant 7 : i32
          %dma_wait3A_713 = arith.constant 1 : i32
          %dma_wait3A_714 = arith.constant 0 : i32
          %dma_wait3A_715 = arith.constant 0 : i32
          %dma_wait3A_716 = tpu.memref_slice %arg9[%dma_wait3A_711, %dma_wait3A_714, %dma_wait3A_715] : memref<4x128x64xf32, #tpu.memory_space<vmem>> -> memref<1x128x64xf32, #tpu.memory_space<vmem>>
          %dma_wait3A_717 = tpu.memref_squeeze %dma_wait3A_716 : memref<1x128x64xf32, #tpu.memory_space<vmem>> -> memref<128x64xf32, #tpu.memory_space<vmem>>
          %dma_wait3A_718 = arith.constant 0 : i32
          %dma_wait3A_719 = tpu.memref_slice %arg8[%dma_wait3A_712, %dma_wait3A_713, %dma_wait3A_718] : memref<8x2x128xi32, #tpu.memory_space<vmem>> -> memref<1x1x128xi32, #tpu.memory_space<vmem>>
          %dma_wait3A_720 = tpu.memref_squeeze %dma_wait3A_719 : memref<1x1x128xi32, #tpu.memory_space<vmem>> -> memref<128xi32, #tpu.memory_space<vmem>>
          %dma_wait3A_721 = arith.constant 0 : i32
          %dma_wait3A_722 = arith.constant 0 : i32
          %dma_wait3A_723 = tpu.memref_slice %arg10[%dma_wait3A_721, %dma_wait3A_722] : memref<10240x64xf32, #tpu.memory_space<vmem_shared>> -> memref<10240x64xf32, #tpu.memory_space<vmem_shared>>
          tpu.wait_indirect_dma semaphore(%arg27 : memref<!tpu.dma_semaphore, #tpu.memory_space<semaphore_mem>>) src(%dma_wait3A_717 : memref<128x64xf32, #tpu.memory_space<vmem>>) dst(%dma_wait3A_723 : memref<10240x64xf32, #tpu.memory_space<vmem_shared>>)
        } else {
        }
        %dma_start3A_698 = arith.constant 3 : i32
        %dma_start3A_699 = arith.constant 0 : i32
        %dma_start3A_700 = arith.constant 3 : i32
        %dma_start3A_701 = arith.constant 0 : i32
        %dma_start3A_702 = arith.constant 0 : i32
        %dma_start3A_703 = tpu.memref_slice %arg9[%dma_start3A_700, %dma_start3A_701, %dma_start3A_702] : memref<4x128x64xf32, #tpu.memory_space<vmem>> -> memref<1x128x64xf32, #tpu.memory_space<vmem>>
        %dma_start3A_704 = tpu.memref_squeeze %dma_start3A_703 : memref<1x128x64xf32, #tpu.memory_space<vmem>> -> memref<128x64xf32, #tpu.memory_space<vmem>>
        %dma_start3A_705 = arith.constant 0 : i32
        %dma_start3A_706 = tpu.memref_slice %arg8[%dma_start3A_698, %dma_start3A_699, %dma_start3A_705] : memref<8x2x128xi32, #tpu.memory_space<vmem>> -> memref<1x1x128xi32, #tpu.memory_space<vmem>>
        %dma_start3A_707 = tpu.memref_squeeze %dma_start3A_706 : memref<1x1x128xi32, #tpu.memory_space<vmem>> -> memref<128xi32, #tpu.memory_space<vmem>>
        %dma_start3A_708 = arith.constant 0 : i32
        %dma_start3A_709 = arith.constant 0 : i32
        %dma_start3A_710 = tpu.memref_slice %arg11[%dma_start3A_708, %dma_start3A_709] : memref<10240x64xf32, #tpu.memory_space<vmem_shared>> -> memref<10240x64xf32, #tpu.memory_space<vmem_shared>>
        tpu.enqueue_indirect_dma source(%dma_start3A_710 : memref<10240x64xf32, #tpu.memory_space<vmem_shared>>) target(%dma_start3A_704 : memref<128x64xf32, #tpu.memory_space<vmem>>) offsets(%dma_start3A_707 : memref<128xi32, #tpu.memory_space<vmem>>) semaphore(%arg23 : memref<!tpu.dma_semaphore, #tpu.memory_space<semaphore_mem>>)
      } else {
      }
      %dma_wait3A_342 = arith.constant 1 : i32
      %dma_wait3A_343 = arith.constant 0 : i32
      %dma_wait3A_344 = arith.constant 1 : i32
      %dma_wait3A_345 = arith.constant 0 : i32
      %dma_wait3A_346 = arith.constant 0 : i32
      %dma_wait3A_347 = tpu.memref_slice %arg9[%dma_wait3A_344, %dma_wait3A_345, %dma_wait3A_346] : memref<4x128x64xf32, #tpu.memory_space<vmem>> -> memref<1x128x64xf32, #tpu.memory_space<vmem>>
      %dma_wait3A_348 = tpu.memref_squeeze %dma_wait3A_347 : memref<1x128x64xf32, #tpu.memory_space<vmem>> -> memref<128x64xf32, #tpu.memory_space<vmem>>
      %dma_wait3A_349 = arith.constant 0 : i32
      %dma_wait3A_350 = tpu.memref_slice %arg8[%dma_wait3A_342, %dma_wait3A_343, %dma_wait3A_349] : memref<8x2x128xi32, #tpu.memory_space<vmem>> -> memref<1x1x128xi32, #tpu.memory_space<vmem>>
      %dma_wait3A_351 = tpu.memref_squeeze %dma_wait3A_350 : memref<1x1x128xi32, #tpu.memory_space<vmem>> -> memref<128xi32, #tpu.memory_space<vmem>>
      %dma_wait3A_352 = arith.constant 0 : i32
      %dma_wait3A_353 = arith.constant 0 : i32
      %dma_wait3A_354 = tpu.memref_slice %arg11[%dma_wait3A_352, %dma_wait3A_353] : memref<10240x64xf32, #tpu.memory_space<vmem_shared>> -> memref<10240x64xf32, #tpu.memory_space<vmem_shared>>
      tpu.wait_indirect_dma semaphore(%arg21 : memref<!tpu.dma_semaphore, #tpu.memory_space<semaphore_mem>>) src(%dma_wait3A_354 : memref<10240x64xf32, #tpu.memory_space<vmem_shared>>) dst(%dma_wait3A_348 : memref<128x64xf32, #tpu.memory_space<vmem>>)
      %dma_start3A_355 = arith.constant 1 : i32
      %dma_start3A_356 = arith.constant 1 : i32
      %dma_start3A_357 = arith.constant 1 : i32
      %dma_start3A_358 = arith.constant 0 : i32
      %dma_start3A_359 = arith.constant 0 : i32
      %dma_start3A_360 = tpu.memref_slice %arg9[%dma_start3A_355, %dma_start3A_358, %dma_start3A_359] : memref<4x128x64xf32, #tpu.memory_space<vmem>> -> memref<1x128x64xf32, #tpu.memory_space<vmem>>
      %dma_start3A_361 = tpu.memref_squeeze %dma_start3A_360 : memref<1x128x64xf32, #tpu.memory_space<vmem>> -> memref<128x64xf32, #tpu.memory_space<vmem>>
      %dma_start3A_362 = arith.constant 0 : i32
      %dma_start3A_363 = tpu.memref_slice %arg8[%dma_start3A_356, %dma_start3A_357, %dma_start3A_362] : memref<8x2x128xi32, #tpu.memory_space<vmem>> -> memref<1x1x128xi32, #tpu.memory_space<vmem>>
      %dma_start3A_364 = tpu.memref_squeeze %dma_start3A_363 : memref<1x1x128xi32, #tpu.memory_space<vmem>> -> memref<128xi32, #tpu.memory_space<vmem>>
      %dma_start3A_365 = arith.constant 0 : i32
      %dma_start3A_366 = arith.constant 0 : i32
      %dma_start3A_367 = tpu.memref_slice %arg10[%dma_start3A_365, %dma_start3A_366] : memref<10240x64xf32, #tpu.memory_space<vmem_shared>> -> memref<10240x64xf32, #tpu.memory_space<vmem_shared>>
      tpu.enqueue_indirect_dma source(%dma_start3A_361 : memref<128x64xf32, #tpu.memory_space<vmem>>) target(%dma_start3A_367 : memref<10240x64xf32, #tpu.memory_space<vmem_shared>>) offsets(%dma_start3A_364 : memref<128xi32, #tpu.memory_space<vmem>>) semaphore(%arg25 : memref<!tpu.dma_semaphore, #tpu.memory_space<semaphore_mem>>) {add = true}
      %eq3A_368 = arith.constant 0 : i32
      %eq3A_369 = arith.cmpi eq, %arg0, %eq3A_368 : i32
      %convert_element_type3A_370 = arith.extui %eq3A_369 : i1 to i32
      %cond3A_371 = arith.constant 0 : i32
      %cond3A_372 = arith.cmpi ne, %convert_element_type3A_370, %cond3A_371 : i32
      scf.if %cond3A_372 {
        %dma_start3A_667 = arith.constant 1 : i32
        %dma_start3A_668 = arith.constant 1 : i32
        %dma_start3A_669 = arith.constant 0 : i32
        %dma_start3A_670 = tpu.memref_slice %arg8[%dma_start3A_667, %dma_start3A_668, %dma_start3A_669] : memref<8x2x128xi32, #tpu.memory_space<vmem>> -> memref<1x1x128xi32, #tpu.memory_space<vmem>>
        %dma_start3A_671 = tpu.memref_squeeze %dma_start3A_670 : memref<1x1x128xi32, #tpu.memory_space<vmem>> -> memref<128xi32, #tpu.memory_space<vmem>>
        %dma_start3A_672 = arith.constant 0 : i32
        %dma_start3A_673 = tpu.memref_slice %arg29[%dma_start3A_672] : memref<10240xf32, #tpu.memory_space<vmem_shared>> -> memref<10240xf32, #tpu.memory_space<vmem_shared>>
        tpu.enqueue_indirect_dma source(%arg28 : memref<128xf32, #tpu.memory_space<vmem>>) target(%dma_start3A_673 : memref<10240xf32, #tpu.memory_space<vmem_shared>>) offsets(%dma_start3A_671 : memref<128xi32, #tpu.memory_space<vmem>>) semaphore(%arg30 : memref<!tpu.dma_semaphore, #tpu.memory_space<semaphore_mem>>) {add = true}
        %ge3A = arith.constant 4 : i32
        %ge3A_674 = arith.cmpi sge, %add3A_327, %ge3A : i32
        %convert_element_type3A_675 = arith.extui %ge3A_674 : i1 to i32
        %cond3A_676 = arith.constant 0 : i32
        %cond3A_677 = arith.cmpi ne, %convert_element_type3A_675, %cond3A_676 : i32
        scf.if %cond3A_677 {
          %dma_wait3A_678 = arith.constant 5 : i32
          %dma_wait3A_679 = arith.constant 1 : i32
          %dma_wait3A_680 = arith.constant 0 : i32
          %dma_wait3A_681 = tpu.memref_slice %arg8[%dma_wait3A_678, %dma_wait3A_679, %dma_wait3A_680] : memref<8x2x128xi32, #tpu.memory_space<vmem>> -> memref<1x1x128xi32, #tpu.memory_space<vmem>>
          %dma_wait3A_682 = tpu.memref_squeeze %dma_wait3A_681 : memref<1x1x128xi32, #tpu.memory_space<vmem>> -> memref<128xi32, #tpu.memory_space<vmem>>
          %dma_wait3A_683 = arith.constant 0 : i32
          %dma_wait3A_684 = tpu.memref_slice %arg29[%dma_wait3A_683] : memref<10240xf32, #tpu.memory_space<vmem_shared>> -> memref<10240xf32, #tpu.memory_space<vmem_shared>>
          tpu.wait_indirect_dma semaphore(%arg30 : memref<!tpu.dma_semaphore, #tpu.memory_space<semaphore_mem>>) src(%arg28 : memref<128xf32, #tpu.memory_space<vmem>>) dst(%dma_wait3A_684 : memref<10240xf32, #tpu.memory_space<vmem_shared>>)
        } else {
        }
      } else {
      }
      %mul3A_373 = arith.constant 8 : i32
      %mul3A_374 = arith.muli %scan3A_276, %mul3A_373 : i32
      %add3A_375 = arith.constant 2 : i32
      %add3A_376 = arith.addi %mul3A_374, %add3A_375 : i32
      %add3A_377 = arith.constant 3 : i32
      %add3A_378 = arith.addi %add3A_376, %add3A_377 : i32
      %lt3A_379 = arith.constant 160 : i32
      %lt3A_380 = arith.cmpi slt, %add3A_378, %lt3A_379 : i32
      %convert_element_type3A_381 = arith.extui %lt3A_380 : i1 to i32
      %cond3A_382 = arith.constant 0 : i32
      %cond3A_383 = arith.cmpi ne, %convert_element_type3A_381, %cond3A_382 : i32
      scf.if %cond3A_383 {
        %dma_start3A_667 = arith.constant 5 : i32
        %dma_start3A_668 = arith.constant 0 : i32
        %dma_start3A_669 = arith.constant 0 : i32
        %dma_start3A_670 = tpu.memref_slice %arg8[%dma_start3A_667, %dma_start3A_668, %dma_start3A_669] : memref<8x2x128xi32, #tpu.memory_space<vmem>> -> memref<1x2x128xi32, #tpu.memory_space<vmem>>
        %dma_start3A_671 = tpu.memref_squeeze %dma_start3A_670 : memref<1x2x128xi32, #tpu.memory_space<vmem>> -> memref<2x128xi32, #tpu.memory_space<vmem>>
        %dma_start3A_672 = arith.constant 0 : i32
        %dma_start3A_673 = arith.constant 0 : i32
        %dma_start3A_674 = arith.constant 0 : i32
        %dma_start3A_675 = tpu.memref_slice %arg3[%arg1, %dma_start3A_672, %dma_start3A_673, %dma_start3A_674] : memref<16x160x2x128xi32, #tpu.memory_space<hbm>> -> memref<1x160x2x128xi32, #tpu.memory_space<hbm>>
        %dma_start3A_676 = tpu.memref_squeeze %dma_start3A_675 : memref<1x160x2x128xi32, #tpu.memory_space<hbm>> -> memref<160x2x128xi32, #tpu.memory_space<hbm>>
        %dma_start3A_677 = arith.constant 0 : i32
        %dma_start3A_678 = arith.constant 0 : i32
        %dma_start3A_679 = tpu.memref_slice %dma_start3A_676[%add3A_378, %dma_start3A_677, %dma_start3A_678] : memref<160x2x128xi32, #tpu.memory_space<hbm>> -> memref<1x2x128xi32, #tpu.memory_space<hbm>>
        %dma_start3A_680 = tpu.memref_squeeze %dma_start3A_679 : memref<1x2x128xi32, #tpu.memory_space<hbm>> -> memref<2x128xi32, #tpu.memory_space<hbm>>
        %dma_start3A_681 = arith.constant 0 : i32
        %dma_start3A_682 = arith.constant 0 : i32
        %dma_start3A_683 = tpu.memref_slice %arg8[%dma_start3A_667, %dma_start3A_681, %dma_start3A_682] : memref<8x2x128xi32, #tpu.memory_space<vmem>> -> memref<1x2x128xi32, #tpu.memory_space<vmem>>
        %dma_start3A_684 = tpu.memref_squeeze %dma_start3A_683 : memref<1x2x128xi32, #tpu.memory_space<vmem>> -> memref<2x128xi32, #tpu.memory_space<vmem>>
        %dma_start3A_685 = arith.constant 0 : i32
        %dma_start3A_686 = arith.constant 0 : i32
        %dma_start3A_687 = arith.constant 0 : i32
        %dma_start3A_688 = tpu.memref_slice %arg3[%arg1, %dma_start3A_685, %dma_start3A_686, %dma_start3A_687] : memref<16x160x2x128xi32, #tpu.memory_space<hbm>> -> memref<1x160x2x128xi32, #tpu.memory_space<hbm>>
        %dma_start3A_689 = tpu.memref_squeeze %dma_start3A_688 : memref<1x160x2x128xi32, #tpu.memory_space<hbm>> -> memref<160x2x128xi32, #tpu.memory_space<hbm>>
        %dma_start3A_690 = arith.constant 0 : i32
        %dma_start3A_691 = arith.constant 0 : i32
        %dma_start3A_692 = tpu.memref_slice %dma_start3A_689[%add3A_378, %dma_start3A_690, %dma_start3A_691] : memref<160x2x128xi32, #tpu.memory_space<hbm>> -> memref<1x2x128xi32, #tpu.memory_space<hbm>>
        %dma_start3A_693 = tpu.memref_squeeze %dma_start3A_692 : memref<1x2x128xi32, #tpu.memory_space<hbm>> -> memref<2x128xi32, #tpu.memory_space<hbm>>
        tpu.enqueue_dma source(%dma_start3A_693 : memref<2x128xi32, #tpu.memory_space<hbm>>) target(%dma_start3A_684 : memref<2x128xi32, #tpu.memory_space<vmem>>) target_semaphore(%arg17 : memref<!tpu.dma_semaphore, #tpu.memory_space<semaphore_mem>>)
      } else {
      }
      %add3A_384 = arith.constant 2 : i32
      %add3A_385 = arith.addi %add3A_376, %add3A_384 : i32
      %lt3A_386 = arith.constant 160 : i32
      %lt3A_387 = arith.cmpi slt, %add3A_385, %lt3A_386 : i32
      %convert_element_type3A_388 = arith.extui %lt3A_387 : i1 to i32
      %cond3A_389 = arith.constant 0 : i32
      %cond3A_390 = arith.cmpi ne, %convert_element_type3A_388, %cond3A_389 : i32
      scf.if %cond3A_390 {
        %dma_wait3A_667 = arith.constant 4 : i32
        %dma_wait3A_668 = arith.constant 0 : i32
        %dma_wait3A_669 = arith.constant 0 : i32
        %dma_wait3A_670 = tpu.memref_slice %arg8[%dma_wait3A_667, %dma_wait3A_668, %dma_wait3A_669] : memref<8x2x128xi32, #tpu.memory_space<vmem>> -> memref<1x2x128xi32, #tpu.memory_space<vmem>>
        %dma_wait3A_671 = tpu.memref_squeeze %dma_wait3A_670 : memref<1x2x128xi32, #tpu.memory_space<vmem>> -> memref<2x128xi32, #tpu.memory_space<vmem>>
        %dma_wait3A_672 = arith.constant 0 : i32
        %dma_wait3A_673 = arith.constant 0 : i32
        %dma_wait3A_674 = arith.constant 0 : i32
        %dma_wait3A_675 = tpu.memref_slice %arg3[%arg1, %dma_wait3A_672, %dma_wait3A_673, %dma_wait3A_674] : memref<16x160x2x128xi32, #tpu.memory_space<hbm>> -> memref<1x160x2x128xi32, #tpu.memory_space<hbm>>
        %dma_wait3A_676 = tpu.memref_squeeze %dma_wait3A_675 : memref<1x160x2x128xi32, #tpu.memory_space<hbm>> -> memref<160x2x128xi32, #tpu.memory_space<hbm>>
        %dma_wait3A_677 = arith.constant 0 : i32
        %dma_wait3A_678 = arith.constant 0 : i32
        %dma_wait3A_679 = tpu.memref_slice %dma_wait3A_676[%add3A_385, %dma_wait3A_677, %dma_wait3A_678] : memref<160x2x128xi32, #tpu.memory_space<hbm>> -> memref<1x2x128xi32, #tpu.memory_space<hbm>>
        %dma_wait3A_680 = tpu.memref_squeeze %dma_wait3A_679 : memref<1x2x128xi32, #tpu.memory_space<hbm>> -> memref<2x128xi32, #tpu.memory_space<hbm>>
        %dma_wait3A_681 = arith.constant 0 : i32
        %dma_wait3A_682 = arith.constant 0 : i32
        %dma_wait3A_683 = tpu.memref_slice %arg8[%dma_wait3A_667, %dma_wait3A_681, %dma_wait3A_682] : memref<8x2x128xi32, #tpu.memory_space<vmem>> -> memref<1x2x128xi32, #tpu.memory_space<vmem>>
        %dma_wait3A_684 = tpu.memref_squeeze %dma_wait3A_683 : memref<1x2x128xi32, #tpu.memory_space<vmem>> -> memref<2x128xi32, #tpu.memory_space<vmem>>
        %dma_wait3A_685 = arith.constant 0 : i32
        %dma_wait3A_686 = arith.constant 0 : i32
        %dma_wait3A_687 = arith.constant 0 : i32
        %dma_wait3A_688 = tpu.memref_slice %arg3[%arg1, %dma_wait3A_685, %dma_wait3A_686, %dma_wait3A_687] : memref<16x160x2x128xi32, #tpu.memory_space<hbm>> -> memref<1x160x2x128xi32, #tpu.memory_space<hbm>>
        %dma_wait3A_689 = tpu.memref_squeeze %dma_wait3A_688 : memref<1x160x2x128xi32, #tpu.memory_space<hbm>> -> memref<160x2x128xi32, #tpu.memory_space<hbm>>
        %dma_wait3A_690 = arith.constant 0 : i32
        %dma_wait3A_691 = arith.constant 0 : i32
        %dma_wait3A_692 = tpu.memref_slice %dma_wait3A_689[%add3A_385, %dma_wait3A_690, %dma_wait3A_691] : memref<160x2x128xi32, #tpu.memory_space<hbm>> -> memref<1x2x128xi32, #tpu.memory_space<hbm>>
        %dma_wait3A_693 = tpu.memref_squeeze %dma_wait3A_692 : memref<1x2x128xi32, #tpu.memory_space<hbm>> -> memref<2x128xi32, #tpu.memory_space<hbm>>
        tpu.wait_dma2 semaphore(%arg16 : memref<!tpu.dma_semaphore, #tpu.memory_space<semaphore_mem>>) src(%dma_wait3A_693 : memref<2x128xi32, #tpu.memory_space<hbm>>) dst(%dma_wait3A_684 : memref<2x128xi32, #tpu.memory_space<vmem>>)
        %ge3A = arith.constant 4 : i32
        %ge3A_694 = arith.cmpi sge, %add3A_385, %ge3A : i32
        %convert_element_type3A_695 = arith.extui %ge3A_694 : i1 to i32
        %cond3A_696 = arith.constant 0 : i32
        %cond3A_697 = arith.cmpi ne, %convert_element_type3A_695, %cond3A_696 : i32
        scf.if %cond3A_697 {
          %dma_wait3A_711 = arith.constant 0 : i32
          %dma_wait3A_712 = arith.constant 0 : i32
          %dma_wait3A_713 = arith.constant 1 : i32
          %dma_wait3A_714 = arith.constant 0 : i32
          %dma_wait3A_715 = arith.constant 0 : i32
          %dma_wait3A_716 = tpu.memref_slice %arg9[%dma_wait3A_711, %dma_wait3A_714, %dma_wait3A_715] : memref<4x128x64xf32, #tpu.memory_space<vmem>> -> memref<1x128x64xf32, #tpu.memory_space<vmem>>
          %dma_wait3A_717 = tpu.memref_squeeze %dma_wait3A_716 : memref<1x128x64xf32, #tpu.memory_space<vmem>> -> memref<128x64xf32, #tpu.memory_space<vmem>>
          %dma_wait3A_718 = arith.constant 0 : i32
          %dma_wait3A_719 = tpu.memref_slice %arg8[%dma_wait3A_712, %dma_wait3A_713, %dma_wait3A_718] : memref<8x2x128xi32, #tpu.memory_space<vmem>> -> memref<1x1x128xi32, #tpu.memory_space<vmem>>
          %dma_wait3A_720 = tpu.memref_squeeze %dma_wait3A_719 : memref<1x1x128xi32, #tpu.memory_space<vmem>> -> memref<128xi32, #tpu.memory_space<vmem>>
          %dma_wait3A_721 = arith.constant 0 : i32
          %dma_wait3A_722 = arith.constant 0 : i32
          %dma_wait3A_723 = tpu.memref_slice %arg10[%dma_wait3A_721, %dma_wait3A_722] : memref<10240x64xf32, #tpu.memory_space<vmem_shared>> -> memref<10240x64xf32, #tpu.memory_space<vmem_shared>>
          tpu.wait_indirect_dma semaphore(%arg24 : memref<!tpu.dma_semaphore, #tpu.memory_space<semaphore_mem>>) src(%dma_wait3A_717 : memref<128x64xf32, #tpu.memory_space<vmem>>) dst(%dma_wait3A_723 : memref<10240x64xf32, #tpu.memory_space<vmem_shared>>)
        } else {
        }
        %dma_start3A_698 = arith.constant 4 : i32
        %dma_start3A_699 = arith.constant 0 : i32
        %dma_start3A_700 = arith.constant 0 : i32
        %dma_start3A_701 = arith.constant 0 : i32
        %dma_start3A_702 = arith.constant 0 : i32
        %dma_start3A_703 = tpu.memref_slice %arg9[%dma_start3A_700, %dma_start3A_701, %dma_start3A_702] : memref<4x128x64xf32, #tpu.memory_space<vmem>> -> memref<1x128x64xf32, #tpu.memory_space<vmem>>
        %dma_start3A_704 = tpu.memref_squeeze %dma_start3A_703 : memref<1x128x64xf32, #tpu.memory_space<vmem>> -> memref<128x64xf32, #tpu.memory_space<vmem>>
        %dma_start3A_705 = arith.constant 0 : i32
        %dma_start3A_706 = tpu.memref_slice %arg8[%dma_start3A_698, %dma_start3A_699, %dma_start3A_705] : memref<8x2x128xi32, #tpu.memory_space<vmem>> -> memref<1x1x128xi32, #tpu.memory_space<vmem>>
        %dma_start3A_707 = tpu.memref_squeeze %dma_start3A_706 : memref<1x1x128xi32, #tpu.memory_space<vmem>> -> memref<128xi32, #tpu.memory_space<vmem>>
        %dma_start3A_708 = arith.constant 0 : i32
        %dma_start3A_709 = arith.constant 0 : i32
        %dma_start3A_710 = tpu.memref_slice %arg11[%dma_start3A_708, %dma_start3A_709] : memref<10240x64xf32, #tpu.memory_space<vmem_shared>> -> memref<10240x64xf32, #tpu.memory_space<vmem_shared>>
        tpu.enqueue_indirect_dma source(%dma_start3A_710 : memref<10240x64xf32, #tpu.memory_space<vmem_shared>>) target(%dma_start3A_704 : memref<128x64xf32, #tpu.memory_space<vmem>>) offsets(%dma_start3A_707 : memref<128xi32, #tpu.memory_space<vmem>>) semaphore(%arg20 : memref<!tpu.dma_semaphore, #tpu.memory_space<semaphore_mem>>)
      } else {
      }
      %dma_wait3A_391 = arith.constant 2 : i32
      %dma_wait3A_392 = arith.constant 0 : i32
      %dma_wait3A_393 = arith.constant 2 : i32
      %dma_wait3A_394 = arith.constant 0 : i32
      %dma_wait3A_395 = arith.constant 0 : i32
      %dma_wait3A_396 = tpu.memref_slice %arg9[%dma_wait3A_393, %dma_wait3A_394, %dma_wait3A_395] : memref<4x128x64xf32, #tpu.memory_space<vmem>> -> memref<1x128x64xf32, #tpu.memory_space<vmem>>
      %dma_wait3A_397 = tpu.memref_squeeze %dma_wait3A_396 : memref<1x128x64xf32, #tpu.memory_space<vmem>> -> memref<128x64xf32, #tpu.memory_space<vmem>>
      %dma_wait3A_398 = arith.constant 0 : i32
      %dma_wait3A_399 = tpu.memref_slice %arg8[%dma_wait3A_391, %dma_wait3A_392, %dma_wait3A_398] : memref<8x2x128xi32, #tpu.memory_space<vmem>> -> memref<1x1x128xi32, #tpu.memory_space<vmem>>
      %dma_wait3A_400 = tpu.memref_squeeze %dma_wait3A_399 : memref<1x1x128xi32, #tpu.memory_space<vmem>> -> memref<128xi32, #tpu.memory_space<vmem>>
      %dma_wait3A_401 = arith.constant 0 : i32
      %dma_wait3A_402 = arith.constant 0 : i32
      %dma_wait3A_403 = tpu.memref_slice %arg11[%dma_wait3A_401, %dma_wait3A_402] : memref<10240x64xf32, #tpu.memory_space<vmem_shared>> -> memref<10240x64xf32, #tpu.memory_space<vmem_shared>>
      tpu.wait_indirect_dma semaphore(%arg22 : memref<!tpu.dma_semaphore, #tpu.memory_space<semaphore_mem>>) src(%dma_wait3A_403 : memref<10240x64xf32, #tpu.memory_space<vmem_shared>>) dst(%dma_wait3A_397 : memref<128x64xf32, #tpu.memory_space<vmem>>)
      %dma_start3A_404 = arith.constant 2 : i32
      %dma_start3A_405 = arith.constant 2 : i32
      %dma_start3A_406 = arith.constant 1 : i32
      %dma_start3A_407 = arith.constant 0 : i32
      %dma_start3A_408 = arith.constant 0 : i32
      %dma_start3A_409 = tpu.memref_slice %arg9[%dma_start3A_404, %dma_start3A_407, %dma_start3A_408] : memref<4x128x64xf32, #tpu.memory_space<vmem>> -> memref<1x128x64xf32, #tpu.memory_space<vmem>>
      %dma_start3A_410 = tpu.memref_squeeze %dma_start3A_409 : memref<1x128x64xf32, #tpu.memory_space<vmem>> -> memref<128x64xf32, #tpu.memory_space<vmem>>
      %dma_start3A_411 = arith.constant 0 : i32
      %dma_start3A_412 = tpu.memref_slice %arg8[%dma_start3A_405, %dma_start3A_406, %dma_start3A_411] : memref<8x2x128xi32, #tpu.memory_space<vmem>> -> memref<1x1x128xi32, #tpu.memory_space<vmem>>
      %dma_start3A_413 = tpu.memref_squeeze %dma_start3A_412 : memref<1x1x128xi32, #tpu.memory_space<vmem>> -> memref<128xi32, #tpu.memory_space<vmem>>
      %dma_start3A_414 = arith.constant 0 : i32
      %dma_start3A_415 = arith.constant 0 : i32
      %dma_start3A_416 = tpu.memref_slice %arg10[%dma_start3A_414, %dma_start3A_415] : memref<10240x64xf32, #tpu.memory_space<vmem_shared>> -> memref<10240x64xf32, #tpu.memory_space<vmem_shared>>
      tpu.enqueue_indirect_dma source(%dma_start3A_410 : memref<128x64xf32, #tpu.memory_space<vmem>>) target(%dma_start3A_416 : memref<10240x64xf32, #tpu.memory_space<vmem_shared>>) offsets(%dma_start3A_413 : memref<128xi32, #tpu.memory_space<vmem>>) semaphore(%arg26 : memref<!tpu.dma_semaphore, #tpu.memory_space<semaphore_mem>>) {add = true}
      %eq3A_417 = arith.constant 0 : i32
      %eq3A_418 = arith.cmpi eq, %arg0, %eq3A_417 : i32
      %convert_element_type3A_419 = arith.extui %eq3A_418 : i1 to i32
      %cond3A_420 = arith.constant 0 : i32
      %cond3A_421 = arith.cmpi ne, %convert_element_type3A_419, %cond3A_420 : i32
      scf.if %cond3A_421 {
        %dma_start3A_667 = arith.constant 2 : i32
        %dma_start3A_668 = arith.constant 1 : i32
        %dma_start3A_669 = arith.constant 0 : i32
        %dma_start3A_670 = tpu.memref_slice %arg8[%dma_start3A_667, %dma_start3A_668, %dma_start3A_669] : memref<8x2x128xi32, #tpu.memory_space<vmem>> -> memref<1x1x128xi32, #tpu.memory_space<vmem>>
        %dma_start3A_671 = tpu.memref_squeeze %dma_start3A_670 : memref<1x1x128xi32, #tpu.memory_space<vmem>> -> memref<128xi32, #tpu.memory_space<vmem>>
        %dma_start3A_672 = arith.constant 0 : i32
        %dma_start3A_673 = tpu.memref_slice %arg29[%dma_start3A_672] : memref<10240xf32, #tpu.memory_space<vmem_shared>> -> memref<10240xf32, #tpu.memory_space<vmem_shared>>
        tpu.enqueue_indirect_dma source(%arg28 : memref<128xf32, #tpu.memory_space<vmem>>) target(%dma_start3A_673 : memref<10240xf32, #tpu.memory_space<vmem_shared>>) offsets(%dma_start3A_671 : memref<128xi32, #tpu.memory_space<vmem>>) semaphore(%arg30 : memref<!tpu.dma_semaphore, #tpu.memory_space<semaphore_mem>>) {add = true}
        %ge3A = arith.constant 4 : i32
        %ge3A_674 = arith.cmpi sge, %add3A_376, %ge3A : i32
        %convert_element_type3A_675 = arith.extui %ge3A_674 : i1 to i32
        %cond3A_676 = arith.constant 0 : i32
        %cond3A_677 = arith.cmpi ne, %convert_element_type3A_675, %cond3A_676 : i32
        scf.if %cond3A_677 {
          %dma_wait3A_678 = arith.constant 6 : i32
          %dma_wait3A_679 = arith.constant 1 : i32
          %dma_wait3A_680 = arith.constant 0 : i32
          %dma_wait3A_681 = tpu.memref_slice %arg8[%dma_wait3A_678, %dma_wait3A_679, %dma_wait3A_680] : memref<8x2x128xi32, #tpu.memory_space<vmem>> -> memref<1x1x128xi32, #tpu.memory_space<vmem>>
          %dma_wait3A_682 = tpu.memref_squeeze %dma_wait3A_681 : memref<1x1x128xi32, #tpu.memory_space<vmem>> -> memref<128xi32, #tpu.memory_space<vmem>>
          %dma_wait3A_683 = arith.constant 0 : i32
          %dma_wait3A_684 = tpu.memref_slice %arg29[%dma_wait3A_683] : memref<10240xf32, #tpu.memory_space<vmem_shared>> -> memref<10240xf32, #tpu.memory_space<vmem_shared>>
          tpu.wait_indirect_dma semaphore(%arg30 : memref<!tpu.dma_semaphore, #tpu.memory_space<semaphore_mem>>) src(%arg28 : memref<128xf32, #tpu.memory_space<vmem>>) dst(%dma_wait3A_684 : memref<10240xf32, #tpu.memory_space<vmem_shared>>)
        } else {
        }
      } else {
      }
      %mul3A_422 = arith.constant 8 : i32
      %mul3A_423 = arith.muli %scan3A_276, %mul3A_422 : i32
      %add3A_424 = arith.constant 3 : i32
      %add3A_425 = arith.addi %mul3A_423, %add3A_424 : i32
      %add3A_426 = arith.constant 3 : i32
      %add3A_427 = arith.addi %add3A_425, %add3A_426 : i32
      %lt3A_428 = arith.constant 160 : i32
      %lt3A_429 = arith.cmpi slt, %add3A_427, %lt3A_428 : i32
      %convert_element_type3A_430 = arith.extui %lt3A_429 : i1 to i32
      %cond3A_431 = arith.constant 0 : i32
      %cond3A_432 = arith.cmpi ne, %convert_element_type3A_430, %cond3A_431 : i32
      scf.if %cond3A_432 {
        %dma_start3A_667 = arith.constant 6 : i32
        %dma_start3A_668 = arith.constant 0 : i32
        %dma_start3A_669 = arith.constant 0 : i32
        %dma_start3A_670 = tpu.memref_slice %arg8[%dma_start3A_667, %dma_start3A_668, %dma_start3A_669] : memref<8x2x128xi32, #tpu.memory_space<vmem>> -> memref<1x2x128xi32, #tpu.memory_space<vmem>>
        %dma_start3A_671 = tpu.memref_squeeze %dma_start3A_670 : memref<1x2x128xi32, #tpu.memory_space<vmem>> -> memref<2x128xi32, #tpu.memory_space<vmem>>
        %dma_start3A_672 = arith.constant 0 : i32
        %dma_start3A_673 = arith.constant 0 : i32
        %dma_start3A_674 = arith.constant 0 : i32
        %dma_start3A_675 = tpu.memref_slice %arg3[%arg1, %dma_start3A_672, %dma_start3A_673, %dma_start3A_674] : memref<16x160x2x128xi32, #tpu.memory_space<hbm>> -> memref<1x160x2x128xi32, #tpu.memory_space<hbm>>
        %dma_start3A_676 = tpu.memref_squeeze %dma_start3A_675 : memref<1x160x2x128xi32, #tpu.memory_space<hbm>> -> memref<160x2x128xi32, #tpu.memory_space<hbm>>
        %dma_start3A_677 = arith.constant 0 : i32
        %dma_start3A_678 = arith.constant 0 : i32
        %dma_start3A_679 = tpu.memref_slice %dma_start3A_676[%add3A_427, %dma_start3A_677, %dma_start3A_678] : memref<160x2x128xi32, #tpu.memory_space<hbm>> -> memref<1x2x128xi32, #tpu.memory_space<hbm>>
        %dma_start3A_680 = tpu.memref_squeeze %dma_start3A_679 : memref<1x2x128xi32, #tpu.memory_space<hbm>> -> memref<2x128xi32, #tpu.memory_space<hbm>>
        %dma_start3A_681 = arith.constant 0 : i32
        %dma_start3A_682 = arith.constant 0 : i32
        %dma_start3A_683 = tpu.memref_slice %arg8[%dma_start3A_667, %dma_start3A_681, %dma_start3A_682] : memref<8x2x128xi32, #tpu.memory_space<vmem>> -> memref<1x2x128xi32, #tpu.memory_space<vmem>>
        %dma_start3A_684 = tpu.memref_squeeze %dma_start3A_683 : memref<1x2x128xi32, #tpu.memory_space<vmem>> -> memref<2x128xi32, #tpu.memory_space<vmem>>
        %dma_start3A_685 = arith.constant 0 : i32
        %dma_start3A_686 = arith.constant 0 : i32
        %dma_start3A_687 = arith.constant 0 : i32
        %dma_start3A_688 = tpu.memref_slice %arg3[%arg1, %dma_start3A_685, %dma_start3A_686, %dma_start3A_687] : memref<16x160x2x128xi32, #tpu.memory_space<hbm>> -> memref<1x160x2x128xi32, #tpu.memory_space<hbm>>
        %dma_start3A_689 = tpu.memref_squeeze %dma_start3A_688 : memref<1x160x2x128xi32, #tpu.memory_space<hbm>> -> memref<160x2x128xi32, #tpu.memory_space<hbm>>
        %dma_start3A_690 = arith.constant 0 : i32
        %dma_start3A_691 = arith.constant 0 : i32
        %dma_start3A_692 = tpu.memref_slice %dma_start3A_689[%add3A_427, %dma_start3A_690, %dma_start3A_691] : memref<160x2x128xi32, #tpu.memory_space<hbm>> -> memref<1x2x128xi32, #tpu.memory_space<hbm>>
        %dma_start3A_693 = tpu.memref_squeeze %dma_start3A_692 : memref<1x2x128xi32, #tpu.memory_space<hbm>> -> memref<2x128xi32, #tpu.memory_space<hbm>>
        tpu.enqueue_dma source(%dma_start3A_693 : memref<2x128xi32, #tpu.memory_space<hbm>>) target(%dma_start3A_684 : memref<2x128xi32, #tpu.memory_space<vmem>>) target_semaphore(%arg18 : memref<!tpu.dma_semaphore, #tpu.memory_space<semaphore_mem>>)
      } else {
      }
      %add3A_433 = arith.constant 2 : i32
      %add3A_434 = arith.addi %add3A_425, %add3A_433 : i32
      %lt3A_435 = arith.constant 160 : i32
      %lt3A_436 = arith.cmpi slt, %add3A_434, %lt3A_435 : i32
      %convert_element_type3A_437 = arith.extui %lt3A_436 : i1 to i32
      %cond3A_438 = arith.constant 0 : i32
      %cond3A_439 = arith.cmpi ne, %convert_element_type3A_437, %cond3A_438 : i32
      scf.if %cond3A_439 {
        %dma_wait3A_667 = arith.constant 5 : i32
        %dma_wait3A_668 = arith.constant 0 : i32
        %dma_wait3A_669 = arith.constant 0 : i32
        %dma_wait3A_670 = tpu.memref_slice %arg8[%dma_wait3A_667, %dma_wait3A_668, %dma_wait3A_669] : memref<8x2x128xi32, #tpu.memory_space<vmem>> -> memref<1x2x128xi32, #tpu.memory_space<vmem>>
        %dma_wait3A_671 = tpu.memref_squeeze %dma_wait3A_670 : memref<1x2x128xi32, #tpu.memory_space<vmem>> -> memref<2x128xi32, #tpu.memory_space<vmem>>
        %dma_wait3A_672 = arith.constant 0 : i32
        %dma_wait3A_673 = arith.constant 0 : i32
        %dma_wait3A_674 = arith.constant 0 : i32
        %dma_wait3A_675 = tpu.memref_slice %arg3[%arg1, %dma_wait3A_672, %dma_wait3A_673, %dma_wait3A_674] : memref<16x160x2x128xi32, #tpu.memory_space<hbm>> -> memref<1x160x2x128xi32, #tpu.memory_space<hbm>>
        %dma_wait3A_676 = tpu.memref_squeeze %dma_wait3A_675 : memref<1x160x2x128xi32, #tpu.memory_space<hbm>> -> memref<160x2x128xi32, #tpu.memory_space<hbm>>
        %dma_wait3A_677 = arith.constant 0 : i32
        %dma_wait3A_678 = arith.constant 0 : i32
        %dma_wait3A_679 = tpu.memref_slice %dma_wait3A_676[%add3A_434, %dma_wait3A_677, %dma_wait3A_678] : memref<160x2x128xi32, #tpu.memory_space<hbm>> -> memref<1x2x128xi32, #tpu.memory_space<hbm>>
        %dma_wait3A_680 = tpu.memref_squeeze %dma_wait3A_679 : memref<1x2x128xi32, #tpu.memory_space<hbm>> -> memref<2x128xi32, #tpu.memory_space<hbm>>
        %dma_wait3A_681 = arith.constant 0 : i32
        %dma_wait3A_682 = arith.constant 0 : i32
        %dma_wait3A_683 = tpu.memref_slice %arg8[%dma_wait3A_667, %dma_wait3A_681, %dma_wait3A_682] : memref<8x2x128xi32, #tpu.memory_space<vmem>> -> memref<1x2x128xi32, #tpu.memory_space<vmem>>
        %dma_wait3A_684 = tpu.memref_squeeze %dma_wait3A_683 : memref<1x2x128xi32, #tpu.memory_space<vmem>> -> memref<2x128xi32, #tpu.memory_space<vmem>>
        %dma_wait3A_685 = arith.constant 0 : i32
        %dma_wait3A_686 = arith.constant 0 : i32
        %dma_wait3A_687 = arith.constant 0 : i32
        %dma_wait3A_688 = tpu.memref_slice %arg3[%arg1, %dma_wait3A_685, %dma_wait3A_686, %dma_wait3A_687] : memref<16x160x2x128xi32, #tpu.memory_space<hbm>> -> memref<1x160x2x128xi32, #tpu.memory_space<hbm>>
        %dma_wait3A_689 = tpu.memref_squeeze %dma_wait3A_688 : memref<1x160x2x128xi32, #tpu.memory_space<hbm>> -> memref<160x2x128xi32, #tpu.memory_space<hbm>>
        %dma_wait3A_690 = arith.constant 0 : i32
        %dma_wait3A_691 = arith.constant 0 : i32
        %dma_wait3A_692 = tpu.memref_slice %dma_wait3A_689[%add3A_434, %dma_wait3A_690, %dma_wait3A_691] : memref<160x2x128xi32, #tpu.memory_space<hbm>> -> memref<1x2x128xi32, #tpu.memory_space<hbm>>
        %dma_wait3A_693 = tpu.memref_squeeze %dma_wait3A_692 : memref<1x2x128xi32, #tpu.memory_space<hbm>> -> memref<2x128xi32, #tpu.memory_space<hbm>>
        tpu.wait_dma2 semaphore(%arg17 : memref<!tpu.dma_semaphore, #tpu.memory_space<semaphore_mem>>) src(%dma_wait3A_693 : memref<2x128xi32, #tpu.memory_space<hbm>>) dst(%dma_wait3A_684 : memref<2x128xi32, #tpu.memory_space<vmem>>)
        %ge3A = arith.constant 4 : i32
        %ge3A_694 = arith.cmpi sge, %add3A_434, %ge3A : i32
        %convert_element_type3A_695 = arith.extui %ge3A_694 : i1 to i32
        %cond3A_696 = arith.constant 0 : i32
        %cond3A_697 = arith.cmpi ne, %convert_element_type3A_695, %cond3A_696 : i32
        scf.if %cond3A_697 {
          %dma_wait3A_711 = arith.constant 1 : i32
          %dma_wait3A_712 = arith.constant 1 : i32
          %dma_wait3A_713 = arith.constant 1 : i32
          %dma_wait3A_714 = arith.constant 0 : i32
          %dma_wait3A_715 = arith.constant 0 : i32
          %dma_wait3A_716 = tpu.memref_slice %arg9[%dma_wait3A_711, %dma_wait3A_714, %dma_wait3A_715] : memref<4x128x64xf32, #tpu.memory_space<vmem>> -> memref<1x128x64xf32, #tpu.memory_space<vmem>>
          %dma_wait3A_717 = tpu.memref_squeeze %dma_wait3A_716 : memref<1x128x64xf32, #tpu.memory_space<vmem>> -> memref<128x64xf32, #tpu.memory_space<vmem>>
          %dma_wait3A_718 = arith.constant 0 : i32
          %dma_wait3A_719 = tpu.memref_slice %arg8[%dma_wait3A_712, %dma_wait3A_713, %dma_wait3A_718] : memref<8x2x128xi32, #tpu.memory_space<vmem>> -> memref<1x1x128xi32, #tpu.memory_space<vmem>>
          %dma_wait3A_720 = tpu.memref_squeeze %dma_wait3A_719 : memref<1x1x128xi32, #tpu.memory_space<vmem>> -> memref<128xi32, #tpu.memory_space<vmem>>
          %dma_wait3A_721 = arith.constant 0 : i32
          %dma_wait3A_722 = arith.constant 0 : i32
          %dma_wait3A_723 = tpu.memref_slice %arg10[%dma_wait3A_721, %dma_wait3A_722] : memref<10240x64xf32, #tpu.memory_space<vmem_shared>> -> memref<10240x64xf32, #tpu.memory_space<vmem_shared>>
          tpu.wait_indirect_dma semaphore(%arg25 : memref<!tpu.dma_semaphore, #tpu.memory_space<semaphore_mem>>) src(%dma_wait3A_717 : memref<128x64xf32, #tpu.memory_space<vmem>>) dst(%dma_wait3A_723 : memref<10240x64xf32, #tpu.memory_space<vmem_shared>>)
        } else {
        }
        %dma_start3A_698 = arith.constant 5 : i32
        %dma_start3A_699 = arith.constant 0 : i32
        %dma_start3A_700 = arith.constant 1 : i32
        %dma_start3A_701 = arith.constant 0 : i32
        %dma_start3A_702 = arith.constant 0 : i32
        %dma_start3A_703 = tpu.memref_slice %arg9[%dma_start3A_700, %dma_start3A_701, %dma_start3A_702] : memref<4x128x64xf32, #tpu.memory_space<vmem>> -> memref<1x128x64xf32, #tpu.memory_space<vmem>>
        %dma_start3A_704 = tpu.memref_squeeze %dma_start3A_703 : memref<1x128x64xf32, #tpu.memory_space<vmem>> -> memref<128x64xf32, #tpu.memory_space<vmem>>
        %dma_start3A_705 = arith.constant 0 : i32
        %dma_start3A_706 = tpu.memref_slice %arg8[%dma_start3A_698, %dma_start3A_699, %dma_start3A_705] : memref<8x2x128xi32, #tpu.memory_space<vmem>> -> memref<1x1x128xi32, #tpu.memory_space<vmem>>
        %dma_start3A_707 = tpu.memref_squeeze %dma_start3A_706 : memref<1x1x128xi32, #tpu.memory_space<vmem>> -> memref<128xi32, #tpu.memory_space<vmem>>
        %dma_start3A_708 = arith.constant 0 : i32
        %dma_start3A_709 = arith.constant 0 : i32
        %dma_start3A_710 = tpu.memref_slice %arg11[%dma_start3A_708, %dma_start3A_709] : memref<10240x64xf32, #tpu.memory_space<vmem_shared>> -> memref<10240x64xf32, #tpu.memory_space<vmem_shared>>
        tpu.enqueue_indirect_dma source(%dma_start3A_710 : memref<10240x64xf32, #tpu.memory_space<vmem_shared>>) target(%dma_start3A_704 : memref<128x64xf32, #tpu.memory_space<vmem>>) offsets(%dma_start3A_707 : memref<128xi32, #tpu.memory_space<vmem>>) semaphore(%arg21 : memref<!tpu.dma_semaphore, #tpu.memory_space<semaphore_mem>>)
      } else {
      }
      %dma_wait3A_440 = arith.constant 3 : i32
      %dma_wait3A_441 = arith.constant 0 : i32
      %dma_wait3A_442 = arith.constant 3 : i32
      %dma_wait3A_443 = arith.constant 0 : i32
      %dma_wait3A_444 = arith.constant 0 : i32
      %dma_wait3A_445 = tpu.memref_slice %arg9[%dma_wait3A_442, %dma_wait3A_443, %dma_wait3A_444] : memref<4x128x64xf32, #tpu.memory_space<vmem>> -> memref<1x128x64xf32, #tpu.memory_space<vmem>>
      %dma_wait3A_446 = tpu.memref_squeeze %dma_wait3A_445 : memref<1x128x64xf32, #tpu.memory_space<vmem>> -> memref<128x64xf32, #tpu.memory_space<vmem>>
      %dma_wait3A_447 = arith.constant 0 : i32
      %dma_wait3A_448 = tpu.memref_slice %arg8[%dma_wait3A_440, %dma_wait3A_441, %dma_wait3A_447] : memref<8x2x128xi32, #tpu.memory_space<vmem>> -> memref<1x1x128xi32, #tpu.memory_space<vmem>>
      %dma_wait3A_449 = tpu.memref_squeeze %dma_wait3A_448 : memref<1x1x128xi32, #tpu.memory_space<vmem>> -> memref<128xi32, #tpu.memory_space<vmem>>
      %dma_wait3A_450 = arith.constant 0 : i32
      %dma_wait3A_451 = arith.constant 0 : i32
      %dma_wait3A_452 = tpu.memref_slice %arg11[%dma_wait3A_450, %dma_wait3A_451] : memref<10240x64xf32, #tpu.memory_space<vmem_shared>> -> memref<10240x64xf32, #tpu.memory_space<vmem_shared>>
      tpu.wait_indirect_dma semaphore(%arg23 : memref<!tpu.dma_semaphore, #tpu.memory_space<semaphore_mem>>) src(%dma_wait3A_452 : memref<10240x64xf32, #tpu.memory_space<vmem_shared>>) dst(%dma_wait3A_446 : memref<128x64xf32, #tpu.memory_space<vmem>>)
      %dma_start3A_453 = arith.constant 3 : i32
      %dma_start3A_454 = arith.constant 3 : i32
      %dma_start3A_455 = arith.constant 1 : i32
      %dma_start3A_456 = arith.constant 0 : i32
      %dma_start3A_457 = arith.constant 0 : i32
      %dma_start3A_458 = tpu.memref_slice %arg9[%dma_start3A_453, %dma_start3A_456, %dma_start3A_457] : memref<4x128x64xf32, #tpu.memory_space<vmem>> -> memref<1x128x64xf32, #tpu.memory_space<vmem>>
      %dma_start3A_459 = tpu.memref_squeeze %dma_start3A_458 : memref<1x128x64xf32, #tpu.memory_space<vmem>> -> memref<128x64xf32, #tpu.memory_space<vmem>>
      %dma_start3A_460 = arith.constant 0 : i32
      %dma_start3A_461 = tpu.memref_slice %arg8[%dma_start3A_454, %dma_start3A_455, %dma_start3A_460] : memref<8x2x128xi32, #tpu.memory_space<vmem>> -> memref<1x1x128xi32, #tpu.memory_space<vmem>>
      %dma_start3A_462 = tpu.memref_squeeze %dma_start3A_461 : memref<1x1x128xi32, #tpu.memory_space<vmem>> -> memref<128xi32, #tpu.memory_space<vmem>>
      %dma_start3A_463 = arith.constant 0 : i32
      %dma_start3A_464 = arith.constant 0 : i32
      %dma_start3A_465 = tpu.memref_slice %arg10[%dma_start3A_463, %dma_start3A_464] : memref<10240x64xf32, #tpu.memory_space<vmem_shared>> -> memref<10240x64xf32, #tpu.memory_space<vmem_shared>>
      tpu.enqueue_indirect_dma source(%dma_start3A_459 : memref<128x64xf32, #tpu.memory_space<vmem>>) target(%dma_start3A_465 : memref<10240x64xf32, #tpu.memory_space<vmem_shared>>) offsets(%dma_start3A_462 : memref<128xi32, #tpu.memory_space<vmem>>) semaphore(%arg27 : memref<!tpu.dma_semaphore, #tpu.memory_space<semaphore_mem>>) {add = true}
      %eq3A_466 = arith.constant 0 : i32
      %eq3A_467 = arith.cmpi eq, %arg0, %eq3A_466 : i32
      %convert_element_type3A_468 = arith.extui %eq3A_467 : i1 to i32
      %cond3A_469 = arith.constant 0 : i32
      %cond3A_470 = arith.cmpi ne, %convert_element_type3A_468, %cond3A_469 : i32
      scf.if %cond3A_470 {
        %dma_start3A_667 = arith.constant 3 : i32
        %dma_start3A_668 = arith.constant 1 : i32
        %dma_start3A_669 = arith.constant 0 : i32
        %dma_start3A_670 = tpu.memref_slice %arg8[%dma_start3A_667, %dma_start3A_668, %dma_start3A_669] : memref<8x2x128xi32, #tpu.memory_space<vmem>> -> memref<1x1x128xi32, #tpu.memory_space<vmem>>
        %dma_start3A_671 = tpu.memref_squeeze %dma_start3A_670 : memref<1x1x128xi32, #tpu.memory_space<vmem>> -> memref<128xi32, #tpu.memory_space<vmem>>
        %dma_start3A_672 = arith.constant 0 : i32
        %dma_start3A_673 = tpu.memref_slice %arg29[%dma_start3A_672] : memref<10240xf32, #tpu.memory_space<vmem_shared>> -> memref<10240xf32, #tpu.memory_space<vmem_shared>>
        tpu.enqueue_indirect_dma source(%arg28 : memref<128xf32, #tpu.memory_space<vmem>>) target(%dma_start3A_673 : memref<10240xf32, #tpu.memory_space<vmem_shared>>) offsets(%dma_start3A_671 : memref<128xi32, #tpu.memory_space<vmem>>) semaphore(%arg30 : memref<!tpu.dma_semaphore, #tpu.memory_space<semaphore_mem>>) {add = true}
        %ge3A = arith.constant 4 : i32
        %ge3A_674 = arith.cmpi sge, %add3A_425, %ge3A : i32
        %convert_element_type3A_675 = arith.extui %ge3A_674 : i1 to i32
        %cond3A_676 = arith.constant 0 : i32
        %cond3A_677 = arith.cmpi ne, %convert_element_type3A_675, %cond3A_676 : i32
        scf.if %cond3A_677 {
          %dma_wait3A_678 = arith.constant 7 : i32
          %dma_wait3A_679 = arith.constant 1 : i32
          %dma_wait3A_680 = arith.constant 0 : i32
          %dma_wait3A_681 = tpu.memref_slice %arg8[%dma_wait3A_678, %dma_wait3A_679, %dma_wait3A_680] : memref<8x2x128xi32, #tpu.memory_space<vmem>> -> memref<1x1x128xi32, #tpu.memory_space<vmem>>
          %dma_wait3A_682 = tpu.memref_squeeze %dma_wait3A_681 : memref<1x1x128xi32, #tpu.memory_space<vmem>> -> memref<128xi32, #tpu.memory_space<vmem>>
          %dma_wait3A_683 = arith.constant 0 : i32
          %dma_wait3A_684 = tpu.memref_slice %arg29[%dma_wait3A_683] : memref<10240xf32, #tpu.memory_space<vmem_shared>> -> memref<10240xf32, #tpu.memory_space<vmem_shared>>
          tpu.wait_indirect_dma semaphore(%arg30 : memref<!tpu.dma_semaphore, #tpu.memory_space<semaphore_mem>>) src(%arg28 : memref<128xf32, #tpu.memory_space<vmem>>) dst(%dma_wait3A_684 : memref<10240xf32, #tpu.memory_space<vmem_shared>>)
        } else {
        }
      } else {
      }
      %mul3A_471 = arith.constant 8 : i32
      %mul3A_472 = arith.muli %scan3A_276, %mul3A_471 : i32
      %add3A_473 = arith.constant 4 : i32
      %add3A_474 = arith.addi %mul3A_472, %add3A_473 : i32
      %add3A_475 = arith.constant 3 : i32
      %add3A_476 = arith.addi %add3A_474, %add3A_475 : i32
      %lt3A_477 = arith.constant 160 : i32
      %lt3A_478 = arith.cmpi slt, %add3A_476, %lt3A_477 : i32
      %convert_element_type3A_479 = arith.extui %lt3A_478 : i1 to i32
      %cond3A_480 = arith.constant 0 : i32
      %cond3A_481 = arith.cmpi ne, %convert_element_type3A_479, %cond3A_480 : i32
      scf.if %cond3A_481 {
        %dma_start3A_667 = arith.constant 7 : i32
        %dma_start3A_668 = arith.constant 0 : i32
        %dma_start3A_669 = arith.constant 0 : i32
        %dma_start3A_670 = tpu.memref_slice %arg8[%dma_start3A_667, %dma_start3A_668, %dma_start3A_669] : memref<8x2x128xi32, #tpu.memory_space<vmem>> -> memref<1x2x128xi32, #tpu.memory_space<vmem>>
        %dma_start3A_671 = tpu.memref_squeeze %dma_start3A_670 : memref<1x2x128xi32, #tpu.memory_space<vmem>> -> memref<2x128xi32, #tpu.memory_space<vmem>>
        %dma_start3A_672 = arith.constant 0 : i32
        %dma_start3A_673 = arith.constant 0 : i32
        %dma_start3A_674 = arith.constant 0 : i32
        %dma_start3A_675 = tpu.memref_slice %arg3[%arg1, %dma_start3A_672, %dma_start3A_673, %dma_start3A_674] : memref<16x160x2x128xi32, #tpu.memory_space<hbm>> -> memref<1x160x2x128xi32, #tpu.memory_space<hbm>>
        %dma_start3A_676 = tpu.memref_squeeze %dma_start3A_675 : memref<1x160x2x128xi32, #tpu.memory_space<hbm>> -> memref<160x2x128xi32, #tpu.memory_space<hbm>>
        %dma_start3A_677 = arith.constant 0 : i32
        %dma_start3A_678 = arith.constant 0 : i32
        %dma_start3A_679 = tpu.memref_slice %dma_start3A_676[%add3A_476, %dma_start3A_677, %dma_start3A_678] : memref<160x2x128xi32, #tpu.memory_space<hbm>> -> memref<1x2x128xi32, #tpu.memory_space<hbm>>
        %dma_start3A_680 = tpu.memref_squeeze %dma_start3A_679 : memref<1x2x128xi32, #tpu.memory_space<hbm>> -> memref<2x128xi32, #tpu.memory_space<hbm>>
        %dma_start3A_681 = arith.constant 0 : i32
        %dma_start3A_682 = arith.constant 0 : i32
        %dma_start3A_683 = tpu.memref_slice %arg8[%dma_start3A_667, %dma_start3A_681, %dma_start3A_682] : memref<8x2x128xi32, #tpu.memory_space<vmem>> -> memref<1x2x128xi32, #tpu.memory_space<vmem>>
        %dma_start3A_684 = tpu.memref_squeeze %dma_start3A_683 : memref<1x2x128xi32, #tpu.memory_space<vmem>> -> memref<2x128xi32, #tpu.memory_space<vmem>>
        %dma_start3A_685 = arith.constant 0 : i32
        %dma_start3A_686 = arith.constant 0 : i32
        %dma_start3A_687 = arith.constant 0 : i32
        %dma_start3A_688 = tpu.memref_slice %arg3[%arg1, %dma_start3A_685, %dma_start3A_686, %dma_start3A_687] : memref<16x160x2x128xi32, #tpu.memory_space<hbm>> -> memref<1x160x2x128xi32, #tpu.memory_space<hbm>>
        %dma_start3A_689 = tpu.memref_squeeze %dma_start3A_688 : memref<1x160x2x128xi32, #tpu.memory_space<hbm>> -> memref<160x2x128xi32, #tpu.memory_space<hbm>>
        %dma_start3A_690 = arith.constant 0 : i32
        %dma_start3A_691 = arith.constant 0 : i32
        %dma_start3A_692 = tpu.memref_slice %dma_start3A_689[%add3A_476, %dma_start3A_690, %dma_start3A_691] : memref<160x2x128xi32, #tpu.memory_space<hbm>> -> memref<1x2x128xi32, #tpu.memory_space<hbm>>
        %dma_start3A_693 = tpu.memref_squeeze %dma_start3A_692 : memref<1x2x128xi32, #tpu.memory_space<hbm>> -> memref<2x128xi32, #tpu.memory_space<hbm>>
        tpu.enqueue_dma source(%dma_start3A_693 : memref<2x128xi32, #tpu.memory_space<hbm>>) target(%dma_start3A_684 : memref<2x128xi32, #tpu.memory_space<vmem>>) target_semaphore(%arg19 : memref<!tpu.dma_semaphore, #tpu.memory_space<semaphore_mem>>)
      } else {
      }
      %add3A_482 = arith.constant 2 : i32
      %add3A_483 = arith.addi %add3A_474, %add3A_482 : i32
      %lt3A_484 = arith.constant 160 : i32
      %lt3A_485 = arith.cmpi slt, %add3A_483, %lt3A_484 : i32
      %convert_element_type3A_486 = arith.extui %lt3A_485 : i1 to i32
      %cond3A_487 = arith.constant 0 : i32
      %cond3A_488 = arith.cmpi ne, %convert_element_type3A_486, %cond3A_487 : i32
      scf.if %cond3A_488 {
        %dma_wait3A_667 = arith.constant 6 : i32
        %dma_wait3A_668 = arith.constant 0 : i32
        %dma_wait3A_669 = arith.constant 0 : i32
        %dma_wait3A_670 = tpu.memref_slice %arg8[%dma_wait3A_667, %dma_wait3A_668, %dma_wait3A_669] : memref<8x2x128xi32, #tpu.memory_space<vmem>> -> memref<1x2x128xi32, #tpu.memory_space<vmem>>
        %dma_wait3A_671 = tpu.memref_squeeze %dma_wait3A_670 : memref<1x2x128xi32, #tpu.memory_space<vmem>> -> memref<2x128xi32, #tpu.memory_space<vmem>>
        %dma_wait3A_672 = arith.constant 0 : i32
        %dma_wait3A_673 = arith.constant 0 : i32
        %dma_wait3A_674 = arith.constant 0 : i32
        %dma_wait3A_675 = tpu.memref_slice %arg3[%arg1, %dma_wait3A_672, %dma_wait3A_673, %dma_wait3A_674] : memref<16x160x2x128xi32, #tpu.memory_space<hbm>> -> memref<1x160x2x128xi32, #tpu.memory_space<hbm>>
        %dma_wait3A_676 = tpu.memref_squeeze %dma_wait3A_675 : memref<1x160x2x128xi32, #tpu.memory_space<hbm>> -> memref<160x2x128xi32, #tpu.memory_space<hbm>>
        %dma_wait3A_677 = arith.constant 0 : i32
        %dma_wait3A_678 = arith.constant 0 : i32
        %dma_wait3A_679 = tpu.memref_slice %dma_wait3A_676[%add3A_483, %dma_wait3A_677, %dma_wait3A_678] : memref<160x2x128xi32, #tpu.memory_space<hbm>> -> memref<1x2x128xi32, #tpu.memory_space<hbm>>
        %dma_wait3A_680 = tpu.memref_squeeze %dma_wait3A_679 : memref<1x2x128xi32, #tpu.memory_space<hbm>> -> memref<2x128xi32, #tpu.memory_space<hbm>>
        %dma_wait3A_681 = arith.constant 0 : i32
        %dma_wait3A_682 = arith.constant 0 : i32
        %dma_wait3A_683 = tpu.memref_slice %arg8[%dma_wait3A_667, %dma_wait3A_681, %dma_wait3A_682] : memref<8x2x128xi32, #tpu.memory_space<vmem>> -> memref<1x2x128xi32, #tpu.memory_space<vmem>>
        %dma_wait3A_684 = tpu.memref_squeeze %dma_wait3A_683 : memref<1x2x128xi32, #tpu.memory_space<vmem>> -> memref<2x128xi32, #tpu.memory_space<vmem>>
        %dma_wait3A_685 = arith.constant 0 : i32
        %dma_wait3A_686 = arith.constant 0 : i32
        %dma_wait3A_687 = arith.constant 0 : i32
        %dma_wait3A_688 = tpu.memref_slice %arg3[%arg1, %dma_wait3A_685, %dma_wait3A_686, %dma_wait3A_687] : memref<16x160x2x128xi32, #tpu.memory_space<hbm>> -> memref<1x160x2x128xi32, #tpu.memory_space<hbm>>
        %dma_wait3A_689 = tpu.memref_squeeze %dma_wait3A_688 : memref<1x160x2x128xi32, #tpu.memory_space<hbm>> -> memref<160x2x128xi32, #tpu.memory_space<hbm>>
        %dma_wait3A_690 = arith.constant 0 : i32
        %dma_wait3A_691 = arith.constant 0 : i32
        %dma_wait3A_692 = tpu.memref_slice %dma_wait3A_689[%add3A_483, %dma_wait3A_690, %dma_wait3A_691] : memref<160x2x128xi32, #tpu.memory_space<hbm>> -> memref<1x2x128xi32, #tpu.memory_space<hbm>>
        %dma_wait3A_693 = tpu.memref_squeeze %dma_wait3A_692 : memref<1x2x128xi32, #tpu.memory_space<hbm>> -> memref<2x128xi32, #tpu.memory_space<hbm>>
        tpu.wait_dma2 semaphore(%arg18 : memref<!tpu.dma_semaphore, #tpu.memory_space<semaphore_mem>>) src(%dma_wait3A_693 : memref<2x128xi32, #tpu.memory_space<hbm>>) dst(%dma_wait3A_684 : memref<2x128xi32, #tpu.memory_space<vmem>>)
        %ge3A = arith.constant 4 : i32
        %ge3A_694 = arith.cmpi sge, %add3A_483, %ge3A : i32
        %convert_element_type3A_695 = arith.extui %ge3A_694 : i1 to i32
        %cond3A_696 = arith.constant 0 : i32
        %cond3A_697 = arith.cmpi ne, %convert_element_type3A_695, %cond3A_696 : i32
        scf.if %cond3A_697 {
          %dma_wait3A_711 = arith.constant 2 : i32
          %dma_wait3A_712 = arith.constant 2 : i32
          %dma_wait3A_713 = arith.constant 1 : i32
          %dma_wait3A_714 = arith.constant 0 : i32
          %dma_wait3A_715 = arith.constant 0 : i32
          %dma_wait3A_716 = tpu.memref_slice %arg9[%dma_wait3A_711, %dma_wait3A_714, %dma_wait3A_715] : memref<4x128x64xf32, #tpu.memory_space<vmem>> -> memref<1x128x64xf32, #tpu.memory_space<vmem>>
          %dma_wait3A_717 = tpu.memref_squeeze %dma_wait3A_716 : memref<1x128x64xf32, #tpu.memory_space<vmem>> -> memref<128x64xf32, #tpu.memory_space<vmem>>
          %dma_wait3A_718 = arith.constant 0 : i32
          %dma_wait3A_719 = tpu.memref_slice %arg8[%dma_wait3A_712, %dma_wait3A_713, %dma_wait3A_718] : memref<8x2x128xi32, #tpu.memory_space<vmem>> -> memref<1x1x128xi32, #tpu.memory_space<vmem>>
          %dma_wait3A_720 = tpu.memref_squeeze %dma_wait3A_719 : memref<1x1x128xi32, #tpu.memory_space<vmem>> -> memref<128xi32, #tpu.memory_space<vmem>>
          %dma_wait3A_721 = arith.constant 0 : i32
          %dma_wait3A_722 = arith.constant 0 : i32
          %dma_wait3A_723 = tpu.memref_slice %arg10[%dma_wait3A_721, %dma_wait3A_722] : memref<10240x64xf32, #tpu.memory_space<vmem_shared>> -> memref<10240x64xf32, #tpu.memory_space<vmem_shared>>
          tpu.wait_indirect_dma semaphore(%arg26 : memref<!tpu.dma_semaphore, #tpu.memory_space<semaphore_mem>>) src(%dma_wait3A_717 : memref<128x64xf32, #tpu.memory_space<vmem>>) dst(%dma_wait3A_723 : memref<10240x64xf32, #tpu.memory_space<vmem_shared>>)
        } else {
        }
        %dma_start3A_698 = arith.constant 6 : i32
        %dma_start3A_699 = arith.constant 0 : i32
        %dma_start3A_700 = arith.constant 2 : i32
        %dma_start3A_701 = arith.constant 0 : i32
        %dma_start3A_702 = arith.constant 0 : i32
        %dma_start3A_703 = tpu.memref_slice %arg9[%dma_start3A_700, %dma_start3A_701, %dma_start3A_702] : memref<4x128x64xf32, #tpu.memory_space<vmem>> -> memref<1x128x64xf32, #tpu.memory_space<vmem>>
        %dma_start3A_704 = tpu.memref_squeeze %dma_start3A_703 : memref<1x128x64xf32, #tpu.memory_space<vmem>> -> memref<128x64xf32, #tpu.memory_space<vmem>>
        %dma_start3A_705 = arith.constant 0 : i32
        %dma_start3A_706 = tpu.memref_slice %arg8[%dma_start3A_698, %dma_start3A_699, %dma_start3A_705] : memref<8x2x128xi32, #tpu.memory_space<vmem>> -> memref<1x1x128xi32, #tpu.memory_space<vmem>>
        %dma_start3A_707 = tpu.memref_squeeze %dma_start3A_706 : memref<1x1x128xi32, #tpu.memory_space<vmem>> -> memref<128xi32, #tpu.memory_space<vmem>>
        %dma_start3A_708 = arith.constant 0 : i32
        %dma_start3A_709 = arith.constant 0 : i32
        %dma_start3A_710 = tpu.memref_slice %arg11[%dma_start3A_708, %dma_start3A_709] : memref<10240x64xf32, #tpu.memory_space<vmem_shared>> -> memref<10240x64xf32, #tpu.memory_space<vmem_shared>>
        tpu.enqueue_indirect_dma source(%dma_start3A_710 : memref<10240x64xf32, #tpu.memory_space<vmem_shared>>) target(%dma_start3A_704 : memref<128x64xf32, #tpu.memory_space<vmem>>) offsets(%dma_start3A_707 : memref<128xi32, #tpu.memory_space<vmem>>) semaphore(%arg22 : memref<!tpu.dma_semaphore, #tpu.memory_space<semaphore_mem>>)
      } else {
      }
      %dma_wait3A_489 = arith.constant 4 : i32
      %dma_wait3A_490 = arith.constant 0 : i32
      %dma_wait3A_491 = arith.constant 0 : i32
      %dma_wait3A_492 = arith.constant 0 : i32
      %dma_wait3A_493 = arith.constant 0 : i32
      %dma_wait3A_494 = tpu.memref_slice %arg9[%dma_wait3A_491, %dma_wait3A_492, %dma_wait3A_493] : memref<4x128x64xf32, #tpu.memory_space<vmem>> -> memref<1x128x64xf32, #tpu.memory_space<vmem>>
      %dma_wait3A_495 = tpu.memref_squeeze %dma_wait3A_494 : memref<1x128x64xf32, #tpu.memory_space<vmem>> -> memref<128x64xf32, #tpu.memory_space<vmem>>
      %dma_wait3A_496 = arith.constant 0 : i32
      %dma_wait3A_497 = tpu.memref_slice %arg8[%dma_wait3A_489, %dma_wait3A_490, %dma_wait3A_496] : memref<8x2x128xi32, #tpu.memory_space<vmem>> -> memref<1x1x128xi32, #tpu.memory_space<vmem>>
      %dma_wait3A_498 = tpu.memref_squeeze %dma_wait3A_497 : memref<1x1x128xi32, #tpu.memory_space<vmem>> -> memref<128xi32, #tpu.memory_space<vmem>>
      %dma_wait3A_499 = arith.constant 0 : i32
      %dma_wait3A_500 = arith.constant 0 : i32
      %dma_wait3A_501 = tpu.memref_slice %arg11[%dma_wait3A_499, %dma_wait3A_500] : memref<10240x64xf32, #tpu.memory_space<vmem_shared>> -> memref<10240x64xf32, #tpu.memory_space<vmem_shared>>
      tpu.wait_indirect_dma semaphore(%arg20 : memref<!tpu.dma_semaphore, #tpu.memory_space<semaphore_mem>>) src(%dma_wait3A_501 : memref<10240x64xf32, #tpu.memory_space<vmem_shared>>) dst(%dma_wait3A_495 : memref<128x64xf32, #tpu.memory_space<vmem>>)
      %dma_start3A_502 = arith.constant 0 : i32
      %dma_start3A_503 = arith.constant 4 : i32
      %dma_start3A_504 = arith.constant 1 : i32
      %dma_start3A_505 = arith.constant 0 : i32
      %dma_start3A_506 = arith.constant 0 : i32
      %dma_start3A_507 = tpu.memref_slice %arg9[%dma_start3A_502, %dma_start3A_505, %dma_start3A_506] : memref<4x128x64xf32, #tpu.memory_space<vmem>> -> memref<1x128x64xf32, #tpu.memory_space<vmem>>
      %dma_start3A_508 = tpu.memref_squeeze %dma_start3A_507 : memref<1x128x64xf32, #tpu.memory_space<vmem>> -> memref<128x64xf32, #tpu.memory_space<vmem>>
      %dma_start3A_509 = arith.constant 0 : i32
      %dma_start3A_510 = tpu.memref_slice %arg8[%dma_start3A_503, %dma_start3A_504, %dma_start3A_509] : memref<8x2x128xi32, #tpu.memory_space<vmem>> -> memref<1x1x128xi32, #tpu.memory_space<vmem>>
      %dma_start3A_511 = tpu.memref_squeeze %dma_start3A_510 : memref<1x1x128xi32, #tpu.memory_space<vmem>> -> memref<128xi32, #tpu.memory_space<vmem>>
      %dma_start3A_512 = arith.constant 0 : i32
      %dma_start3A_513 = arith.constant 0 : i32
      %dma_start3A_514 = tpu.memref_slice %arg10[%dma_start3A_512, %dma_start3A_513] : memref<10240x64xf32, #tpu.memory_space<vmem_shared>> -> memref<10240x64xf32, #tpu.memory_space<vmem_shared>>
      tpu.enqueue_indirect_dma source(%dma_start3A_508 : memref<128x64xf32, #tpu.memory_space<vmem>>) target(%dma_start3A_514 : memref<10240x64xf32, #tpu.memory_space<vmem_shared>>) offsets(%dma_start3A_511 : memref<128xi32, #tpu.memory_space<vmem>>) semaphore(%arg24 : memref<!tpu.dma_semaphore, #tpu.memory_space<semaphore_mem>>) {add = true}
      %eq3A_515 = arith.constant 0 : i32
      %eq3A_516 = arith.cmpi eq, %arg0, %eq3A_515 : i32
      %convert_element_type3A_517 = arith.extui %eq3A_516 : i1 to i32
      %cond3A_518 = arith.constant 0 : i32
      %cond3A_519 = arith.cmpi ne, %convert_element_type3A_517, %cond3A_518 : i32
      scf.if %cond3A_519 {
        %dma_start3A_667 = arith.constant 4 : i32
        %dma_start3A_668 = arith.constant 1 : i32
        %dma_start3A_669 = arith.constant 0 : i32
        %dma_start3A_670 = tpu.memref_slice %arg8[%dma_start3A_667, %dma_start3A_668, %dma_start3A_669] : memref<8x2x128xi32, #tpu.memory_space<vmem>> -> memref<1x1x128xi32, #tpu.memory_space<vmem>>
        %dma_start3A_671 = tpu.memref_squeeze %dma_start3A_670 : memref<1x1x128xi32, #tpu.memory_space<vmem>> -> memref<128xi32, #tpu.memory_space<vmem>>
        %dma_start3A_672 = arith.constant 0 : i32
        %dma_start3A_673 = tpu.memref_slice %arg29[%dma_start3A_672] : memref<10240xf32, #tpu.memory_space<vmem_shared>> -> memref<10240xf32, #tpu.memory_space<vmem_shared>>
        tpu.enqueue_indirect_dma source(%arg28 : memref<128xf32, #tpu.memory_space<vmem>>) target(%dma_start3A_673 : memref<10240xf32, #tpu.memory_space<vmem_shared>>) offsets(%dma_start3A_671 : memref<128xi32, #tpu.memory_space<vmem>>) semaphore(%arg30 : memref<!tpu.dma_semaphore, #tpu.memory_space<semaphore_mem>>) {add = true}
        %ge3A = arith.constant 4 : i32
        %ge3A_674 = arith.cmpi sge, %add3A_474, %ge3A : i32
        %convert_element_type3A_675 = arith.extui %ge3A_674 : i1 to i32
        %cond3A_676 = arith.constant 0 : i32
        %cond3A_677 = arith.cmpi ne, %convert_element_type3A_675, %cond3A_676 : i32
        scf.if %cond3A_677 {
          %dma_wait3A_678 = arith.constant 0 : i32
          %dma_wait3A_679 = arith.constant 1 : i32
          %dma_wait3A_680 = arith.constant 0 : i32
          %dma_wait3A_681 = tpu.memref_slice %arg8[%dma_wait3A_678, %dma_wait3A_679, %dma_wait3A_680] : memref<8x2x128xi32, #tpu.memory_space<vmem>> -> memref<1x1x128xi32, #tpu.memory_space<vmem>>
          %dma_wait3A_682 = tpu.memref_squeeze %dma_wait3A_681 : memref<1x1x128xi32, #tpu.memory_space<vmem>> -> memref<128xi32, #tpu.memory_space<vmem>>
          %dma_wait3A_683 = arith.constant 0 : i32
          %dma_wait3A_684 = tpu.memref_slice %arg29[%dma_wait3A_683] : memref<10240xf32, #tpu.memory_space<vmem_shared>> -> memref<10240xf32, #tpu.memory_space<vmem_shared>>
          tpu.wait_indirect_dma semaphore(%arg30 : memref<!tpu.dma_semaphore, #tpu.memory_space<semaphore_mem>>) src(%arg28 : memref<128xf32, #tpu.memory_space<vmem>>) dst(%dma_wait3A_684 : memref<10240xf32, #tpu.memory_space<vmem_shared>>)
        } else {
        }
      } else {
      }
      %mul3A_520 = arith.constant 8 : i32
      %mul3A_521 = arith.muli %scan3A_276, %mul3A_520 : i32
      %add3A_522 = arith.constant 5 : i32
      %add3A_523 = arith.addi %mul3A_521, %add3A_522 : i32
      %add3A_524 = arith.constant 3 : i32
      %add3A_525 = arith.addi %add3A_523, %add3A_524 : i32
      %lt3A_526 = arith.constant 160 : i32
      %lt3A_527 = arith.cmpi slt, %add3A_525, %lt3A_526 : i32
      %convert_element_type3A_528 = arith.extui %lt3A_527 : i1 to i32
      %cond3A_529 = arith.constant 0 : i32
      %cond3A_530 = arith.cmpi ne, %convert_element_type3A_528, %cond3A_529 : i32
      scf.if %cond3A_530 {
        %dma_start3A_667 = arith.constant 0 : i32
        %dma_start3A_668 = arith.constant 0 : i32
        %dma_start3A_669 = arith.constant 0 : i32
        %dma_start3A_670 = tpu.memref_slice %arg8[%dma_start3A_667, %dma_start3A_668, %dma_start3A_669] : memref<8x2x128xi32, #tpu.memory_space<vmem>> -> memref<1x2x128xi32, #tpu.memory_space<vmem>>
        %dma_start3A_671 = tpu.memref_squeeze %dma_start3A_670 : memref<1x2x128xi32, #tpu.memory_space<vmem>> -> memref<2x128xi32, #tpu.memory_space<vmem>>
        %dma_start3A_672 = arith.constant 0 : i32
        %dma_start3A_673 = arith.constant 0 : i32
        %dma_start3A_674 = arith.constant 0 : i32
        %dma_start3A_675 = tpu.memref_slice %arg3[%arg1, %dma_start3A_672, %dma_start3A_673, %dma_start3A_674] : memref<16x160x2x128xi32, #tpu.memory_space<hbm>> -> memref<1x160x2x128xi32, #tpu.memory_space<hbm>>
        %dma_start3A_676 = tpu.memref_squeeze %dma_start3A_675 : memref<1x160x2x128xi32, #tpu.memory_space<hbm>> -> memref<160x2x128xi32, #tpu.memory_space<hbm>>
        %dma_start3A_677 = arith.constant 0 : i32
        %dma_start3A_678 = arith.constant 0 : i32
        %dma_start3A_679 = tpu.memref_slice %dma_start3A_676[%add3A_525, %dma_start3A_677, %dma_start3A_678] : memref<160x2x128xi32, #tpu.memory_space<hbm>> -> memref<1x2x128xi32, #tpu.memory_space<hbm>>
        %dma_start3A_680 = tpu.memref_squeeze %dma_start3A_679 : memref<1x2x128xi32, #tpu.memory_space<hbm>> -> memref<2x128xi32, #tpu.memory_space<hbm>>
        %dma_start3A_681 = arith.constant 0 : i32
        %dma_start3A_682 = arith.constant 0 : i32
        %dma_start3A_683 = tpu.memref_slice %arg8[%dma_start3A_667, %dma_start3A_681, %dma_start3A_682] : memref<8x2x128xi32, #tpu.memory_space<vmem>> -> memref<1x2x128xi32, #tpu.memory_space<vmem>>
        %dma_start3A_684 = tpu.memref_squeeze %dma_start3A_683 : memref<1x2x128xi32, #tpu.memory_space<vmem>> -> memref<2x128xi32, #tpu.memory_space<vmem>>
        %dma_start3A_685 = arith.constant 0 : i32
        %dma_start3A_686 = arith.constant 0 : i32
        %dma_start3A_687 = arith.constant 0 : i32
        %dma_start3A_688 = tpu.memref_slice %arg3[%arg1, %dma_start3A_685, %dma_start3A_686, %dma_start3A_687] : memref<16x160x2x128xi32, #tpu.memory_space<hbm>> -> memref<1x160x2x128xi32, #tpu.memory_space<hbm>>
        %dma_start3A_689 = tpu.memref_squeeze %dma_start3A_688 : memref<1x160x2x128xi32, #tpu.memory_space<hbm>> -> memref<160x2x128xi32, #tpu.memory_space<hbm>>
        %dma_start3A_690 = arith.constant 0 : i32
        %dma_start3A_691 = arith.constant 0 : i32
        %dma_start3A_692 = tpu.memref_slice %dma_start3A_689[%add3A_525, %dma_start3A_690, %dma_start3A_691] : memref<160x2x128xi32, #tpu.memory_space<hbm>> -> memref<1x2x128xi32, #tpu.memory_space<hbm>>
        %dma_start3A_693 = tpu.memref_squeeze %dma_start3A_692 : memref<1x2x128xi32, #tpu.memory_space<hbm>> -> memref<2x128xi32, #tpu.memory_space<hbm>>
        tpu.enqueue_dma source(%dma_start3A_693 : memref<2x128xi32, #tpu.memory_space<hbm>>) target(%dma_start3A_684 : memref<2x128xi32, #tpu.memory_space<vmem>>) target_semaphore(%arg12 : memref<!tpu.dma_semaphore, #tpu.memory_space<semaphore_mem>>)
      } else {
      }
      %add3A_531 = arith.constant 2 : i32
      %add3A_532 = arith.addi %add3A_523, %add3A_531 : i32
      %lt3A_533 = arith.constant 160 : i32
      %lt3A_534 = arith.cmpi slt, %add3A_532, %lt3A_533 : i32
      %convert_element_type3A_535 = arith.extui %lt3A_534 : i1 to i32
      %cond3A_536 = arith.constant 0 : i32
      %cond3A_537 = arith.cmpi ne, %convert_element_type3A_535, %cond3A_536 : i32
      scf.if %cond3A_537 {
        %dma_wait3A_667 = arith.constant 7 : i32
        %dma_wait3A_668 = arith.constant 0 : i32
        %dma_wait3A_669 = arith.constant 0 : i32
        %dma_wait3A_670 = tpu.memref_slice %arg8[%dma_wait3A_667, %dma_wait3A_668, %dma_wait3A_669] : memref<8x2x128xi32, #tpu.memory_space<vmem>> -> memref<1x2x128xi32, #tpu.memory_space<vmem>>
        %dma_wait3A_671 = tpu.memref_squeeze %dma_wait3A_670 : memref<1x2x128xi32, #tpu.memory_space<vmem>> -> memref<2x128xi32, #tpu.memory_space<vmem>>
        %dma_wait3A_672 = arith.constant 0 : i32
        %dma_wait3A_673 = arith.constant 0 : i32
        %dma_wait3A_674 = arith.constant 0 : i32
        %dma_wait3A_675 = tpu.memref_slice %arg3[%arg1, %dma_wait3A_672, %dma_wait3A_673, %dma_wait3A_674] : memref<16x160x2x128xi32, #tpu.memory_space<hbm>> -> memref<1x160x2x128xi32, #tpu.memory_space<hbm>>
        %dma_wait3A_676 = tpu.memref_squeeze %dma_wait3A_675 : memref<1x160x2x128xi32, #tpu.memory_space<hbm>> -> memref<160x2x128xi32, #tpu.memory_space<hbm>>
        %dma_wait3A_677 = arith.constant 0 : i32
        %dma_wait3A_678 = arith.constant 0 : i32
        %dma_wait3A_679 = tpu.memref_slice %dma_wait3A_676[%add3A_532, %dma_wait3A_677, %dma_wait3A_678] : memref<160x2x128xi32, #tpu.memory_space<hbm>> -> memref<1x2x128xi32, #tpu.memory_space<hbm>>
        %dma_wait3A_680 = tpu.memref_squeeze %dma_wait3A_679 : memref<1x2x128xi32, #tpu.memory_space<hbm>> -> memref<2x128xi32, #tpu.memory_space<hbm>>
        %dma_wait3A_681 = arith.constant 0 : i32
        %dma_wait3A_682 = arith.constant 0 : i32
        %dma_wait3A_683 = tpu.memref_slice %arg8[%dma_wait3A_667, %dma_wait3A_681, %dma_wait3A_682] : memref<8x2x128xi32, #tpu.memory_space<vmem>> -> memref<1x2x128xi32, #tpu.memory_space<vmem>>
        %dma_wait3A_684 = tpu.memref_squeeze %dma_wait3A_683 : memref<1x2x128xi32, #tpu.memory_space<vmem>> -> memref<2x128xi32, #tpu.memory_space<vmem>>
        %dma_wait3A_685 = arith.constant 0 : i32
        %dma_wait3A_686 = arith.constant 0 : i32
        %dma_wait3A_687 = arith.constant 0 : i32
        %dma_wait3A_688 = tpu.memref_slice %arg3[%arg1, %dma_wait3A_685, %dma_wait3A_686, %dma_wait3A_687] : memref<16x160x2x128xi32, #tpu.memory_space<hbm>> -> memref<1x160x2x128xi32, #tpu.memory_space<hbm>>
        %dma_wait3A_689 = tpu.memref_squeeze %dma_wait3A_688 : memref<1x160x2x128xi32, #tpu.memory_space<hbm>> -> memref<160x2x128xi32, #tpu.memory_space<hbm>>
        %dma_wait3A_690 = arith.constant 0 : i32
        %dma_wait3A_691 = arith.constant 0 : i32
        %dma_wait3A_692 = tpu.memref_slice %dma_wait3A_689[%add3A_532, %dma_wait3A_690, %dma_wait3A_691] : memref<160x2x128xi32, #tpu.memory_space<hbm>> -> memref<1x2x128xi32, #tpu.memory_space<hbm>>
        %dma_wait3A_693 = tpu.memref_squeeze %dma_wait3A_692 : memref<1x2x128xi32, #tpu.memory_space<hbm>> -> memref<2x128xi32, #tpu.memory_space<hbm>>
        tpu.wait_dma2 semaphore(%arg19 : memref<!tpu.dma_semaphore, #tpu.memory_space<semaphore_mem>>) src(%dma_wait3A_693 : memref<2x128xi32, #tpu.memory_space<hbm>>) dst(%dma_wait3A_684 : memref<2x128xi32, #tpu.memory_space<vmem>>)
        %ge3A = arith.constant 4 : i32
        %ge3A_694 = arith.cmpi sge, %add3A_532, %ge3A : i32
        %convert_element_type3A_695 = arith.extui %ge3A_694 : i1 to i32
        %cond3A_696 = arith.constant 0 : i32
        %cond3A_697 = arith.cmpi ne, %convert_element_type3A_695, %cond3A_696 : i32
        scf.if %cond3A_697 {
          %dma_wait3A_711 = arith.constant 3 : i32
          %dma_wait3A_712 = arith.constant 3 : i32
          %dma_wait3A_713 = arith.constant 1 : i32
          %dma_wait3A_714 = arith.constant 0 : i32
          %dma_wait3A_715 = arith.constant 0 : i32
          %dma_wait3A_716 = tpu.memref_slice %arg9[%dma_wait3A_711, %dma_wait3A_714, %dma_wait3A_715] : memref<4x128x64xf32, #tpu.memory_space<vmem>> -> memref<1x128x64xf32, #tpu.memory_space<vmem>>
          %dma_wait3A_717 = tpu.memref_squeeze %dma_wait3A_716 : memref<1x128x64xf32, #tpu.memory_space<vmem>> -> memref<128x64xf32, #tpu.memory_space<vmem>>
          %dma_wait3A_718 = arith.constant 0 : i32
          %dma_wait3A_719 = tpu.memref_slice %arg8[%dma_wait3A_712, %dma_wait3A_713, %dma_wait3A_718] : memref<8x2x128xi32, #tpu.memory_space<vmem>> -> memref<1x1x128xi32, #tpu.memory_space<vmem>>
          %dma_wait3A_720 = tpu.memref_squeeze %dma_wait3A_719 : memref<1x1x128xi32, #tpu.memory_space<vmem>> -> memref<128xi32, #tpu.memory_space<vmem>>
          %dma_wait3A_721 = arith.constant 0 : i32
          %dma_wait3A_722 = arith.constant 0 : i32
          %dma_wait3A_723 = tpu.memref_slice %arg10[%dma_wait3A_721, %dma_wait3A_722] : memref<10240x64xf32, #tpu.memory_space<vmem_shared>> -> memref<10240x64xf32, #tpu.memory_space<vmem_shared>>
          tpu.wait_indirect_dma semaphore(%arg27 : memref<!tpu.dma_semaphore, #tpu.memory_space<semaphore_mem>>) src(%dma_wait3A_717 : memref<128x64xf32, #tpu.memory_space<vmem>>) dst(%dma_wait3A_723 : memref<10240x64xf32, #tpu.memory_space<vmem_shared>>)
        } else {
        }
        %dma_start3A_698 = arith.constant 7 : i32
        %dma_start3A_699 = arith.constant 0 : i32
        %dma_start3A_700 = arith.constant 3 : i32
        %dma_start3A_701 = arith.constant 0 : i32
        %dma_start3A_702 = arith.constant 0 : i32
        %dma_start3A_703 = tpu.memref_slice %arg9[%dma_start3A_700, %dma_start3A_701, %dma_start3A_702] : memref<4x128x64xf32, #tpu.memory_space<vmem>> -> memref<1x128x64xf32, #tpu.memory_space<vmem>>
        %dma_start3A_704 = tpu.memref_squeeze %dma_start3A_703 : memref<1x128x64xf32, #tpu.memory_space<vmem>> -> memref<128x64xf32, #tpu.memory_space<vmem>>
        %dma_start3A_705 = arith.constant 0 : i32
        %dma_start3A_706 = tpu.memref_slice %arg8[%dma_start3A_698, %dma_start3A_699, %dma_start3A_705] : memref<8x2x128xi32, #tpu.memory_space<vmem>> -> memref<1x1x128xi32, #tpu.memory_space<vmem>>
        %dma_start3A_707 = tpu.memref_squeeze %dma_start3A_706 : memref<1x1x128xi32, #tpu.memory_space<vmem>> -> memref<128xi32, #tpu.memory_space<vmem>>
        %dma_start3A_708 = arith.constant 0 : i32
        %dma_start3A_709 = arith.constant 0 : i32
        %dma_start3A_710 = tpu.memref_slice %arg11[%dma_start3A_708, %dma_start3A_709] : memref<10240x64xf32, #tpu.memory_space<vmem_shared>> -> memref<10240x64xf32, #tpu.memory_space<vmem_shared>>
        tpu.enqueue_indirect_dma source(%dma_start3A_710 : memref<10240x64xf32, #tpu.memory_space<vmem_shared>>) target(%dma_start3A_704 : memref<128x64xf32, #tpu.memory_space<vmem>>) offsets(%dma_start3A_707 : memref<128xi32, #tpu.memory_space<vmem>>) semaphore(%arg23 : memref<!tpu.dma_semaphore, #tpu.memory_space<semaphore_mem>>)
      } else {
      }
      %dma_wait3A_538 = arith.constant 5 : i32
      %dma_wait3A_539 = arith.constant 0 : i32
      %dma_wait3A_540 = arith.constant 1 : i32
      %dma_wait3A_541 = arith.constant 0 : i32
      %dma_wait3A_542 = arith.constant 0 : i32
      %dma_wait3A_543 = tpu.memref_slice %arg9[%dma_wait3A_540, %dma_wait3A_541, %dma_wait3A_542] : memref<4x128x64xf32, #tpu.memory_space<vmem>> -> memref<1x128x64xf32, #tpu.memory_space<vmem>>
      %dma_wait3A_544 = tpu.memref_squeeze %dma_wait3A_543 : memref<1x128x64xf32, #tpu.memory_space<vmem>> -> memref<128x64xf32, #tpu.memory_space<vmem>>
      %dma_wait3A_545 = arith.constant 0 : i32
      %dma_wait3A_546 = tpu.memref_slice %arg8[%dma_wait3A_538, %dma_wait3A_539, %dma_wait3A_545] : memref<8x2x128xi32, #tpu.memory_space<vmem>> -> memref<1x1x128xi32, #tpu.memory_space<vmem>>
      %dma_wait3A_547 = tpu.memref_squeeze %dma_wait3A_546 : memref<1x1x128xi32, #tpu.memory_space<vmem>> -> memref<128xi32, #tpu.memory_space<vmem>>
      %dma_wait3A_548 = arith.constant 0 : i32
      %dma_wait3A_549 = arith.constant 0 : i32
      %dma_wait3A_550 = tpu.memref_slice %arg11[%dma_wait3A_548, %dma_wait3A_549] : memref<10240x64xf32, #tpu.memory_space<vmem_shared>> -> memref<10240x64xf32, #tpu.memory_space<vmem_shared>>
      tpu.wait_indirect_dma semaphore(%arg21 : memref<!tpu.dma_semaphore, #tpu.memory_space<semaphore_mem>>) src(%dma_wait3A_550 : memref<10240x64xf32, #tpu.memory_space<vmem_shared>>) dst(%dma_wait3A_544 : memref<128x64xf32, #tpu.memory_space<vmem>>)
      %dma_start3A_551 = arith.constant 1 : i32
      %dma_start3A_552 = arith.constant 5 : i32
      %dma_start3A_553 = arith.constant 1 : i32
      %dma_start3A_554 = arith.constant 0 : i32
      %dma_start3A_555 = arith.constant 0 : i32
      %dma_start3A_556 = tpu.memref_slice %arg9[%dma_start3A_551, %dma_start3A_554, %dma_start3A_555] : memref<4x128x64xf32, #tpu.memory_space<vmem>> -> memref<1x128x64xf32, #tpu.memory_space<vmem>>
      %dma_start3A_557 = tpu.memref_squeeze %dma_start3A_556 : memref<1x128x64xf32, #tpu.memory_space<vmem>> -> memref<128x64xf32, #tpu.memory_space<vmem>>
      %dma_start3A_558 = arith.constant 0 : i32
      %dma_start3A_559 = tpu.memref_slice %arg8[%dma_start3A_552, %dma_start3A_553, %dma_start3A_558] : memref<8x2x128xi32, #tpu.memory_space<vmem>> -> memref<1x1x128xi32, #tpu.memory_space<vmem>>
      %dma_start3A_560 = tpu.memref_squeeze %dma_start3A_559 : memref<1x1x128xi32, #tpu.memory_space<vmem>> -> memref<128xi32, #tpu.memory_space<vmem>>
      %dma_start3A_561 = arith.constant 0 : i32
      %dma_start3A_562 = arith.constant 0 : i32
      %dma_start3A_563 = tpu.memref_slice %arg10[%dma_start3A_561, %dma_start3A_562] : memref<10240x64xf32, #tpu.memory_space<vmem_shared>> -> memref<10240x64xf32, #tpu.memory_space<vmem_shared>>
      tpu.enqueue_indirect_dma source(%dma_start3A_557 : memref<128x64xf32, #tpu.memory_space<vmem>>) target(%dma_start3A_563 : memref<10240x64xf32, #tpu.memory_space<vmem_shared>>) offsets(%dma_start3A_560 : memref<128xi32, #tpu.memory_space<vmem>>) semaphore(%arg25 : memref<!tpu.dma_semaphore, #tpu.memory_space<semaphore_mem>>) {add = true}
      %eq3A_564 = arith.constant 0 : i32
      %eq3A_565 = arith.cmpi eq, %arg0, %eq3A_564 : i32
      %convert_element_type3A_566 = arith.extui %eq3A_565 : i1 to i32
      %cond3A_567 = arith.constant 0 : i32
      %cond3A_568 = arith.cmpi ne, %convert_element_type3A_566, %cond3A_567 : i32
      scf.if %cond3A_568 {
        %dma_start3A_667 = arith.constant 5 : i32
        %dma_start3A_668 = arith.constant 1 : i32
        %dma_start3A_669 = arith.constant 0 : i32
        %dma_start3A_670 = tpu.memref_slice %arg8[%dma_start3A_667, %dma_start3A_668, %dma_start3A_669] : memref<8x2x128xi32, #tpu.memory_space<vmem>> -> memref<1x1x128xi32, #tpu.memory_space<vmem>>
        %dma_start3A_671 = tpu.memref_squeeze %dma_start3A_670 : memref<1x1x128xi32, #tpu.memory_space<vmem>> -> memref<128xi32, #tpu.memory_space<vmem>>
        %dma_start3A_672 = arith.constant 0 : i32
        %dma_start3A_673 = tpu.memref_slice %arg29[%dma_start3A_672] : memref<10240xf32, #tpu.memory_space<vmem_shared>> -> memref<10240xf32, #tpu.memory_space<vmem_shared>>
        tpu.enqueue_indirect_dma source(%arg28 : memref<128xf32, #tpu.memory_space<vmem>>) target(%dma_start3A_673 : memref<10240xf32, #tpu.memory_space<vmem_shared>>) offsets(%dma_start3A_671 : memref<128xi32, #tpu.memory_space<vmem>>) semaphore(%arg30 : memref<!tpu.dma_semaphore, #tpu.memory_space<semaphore_mem>>) {add = true}
        %ge3A = arith.constant 4 : i32
        %ge3A_674 = arith.cmpi sge, %add3A_523, %ge3A : i32
        %convert_element_type3A_675 = arith.extui %ge3A_674 : i1 to i32
        %cond3A_676 = arith.constant 0 : i32
        %cond3A_677 = arith.cmpi ne, %convert_element_type3A_675, %cond3A_676 : i32
        scf.if %cond3A_677 {
          %dma_wait3A_678 = arith.constant 1 : i32
          %dma_wait3A_679 = arith.constant 1 : i32
          %dma_wait3A_680 = arith.constant 0 : i32
          %dma_wait3A_681 = tpu.memref_slice %arg8[%dma_wait3A_678, %dma_wait3A_679, %dma_wait3A_680] : memref<8x2x128xi32, #tpu.memory_space<vmem>> -> memref<1x1x128xi32, #tpu.memory_space<vmem>>
          %dma_wait3A_682 = tpu.memref_squeeze %dma_wait3A_681 : memref<1x1x128xi32, #tpu.memory_space<vmem>> -> memref<128xi32, #tpu.memory_space<vmem>>
          %dma_wait3A_683 = arith.constant 0 : i32
          %dma_wait3A_684 = tpu.memref_slice %arg29[%dma_wait3A_683] : memref<10240xf32, #tpu.memory_space<vmem_shared>> -> memref<10240xf32, #tpu.memory_space<vmem_shared>>
          tpu.wait_indirect_dma semaphore(%arg30 : memref<!tpu.dma_semaphore, #tpu.memory_space<semaphore_mem>>) src(%arg28 : memref<128xf32, #tpu.memory_space<vmem>>) dst(%dma_wait3A_684 : memref<10240xf32, #tpu.memory_space<vmem_shared>>)
        } else {
        }
      } else {
      }
      %mul3A_569 = arith.constant 8 : i32
      %mul3A_570 = arith.muli %scan3A_276, %mul3A_569 : i32
      %add3A_571 = arith.constant 6 : i32
      %add3A_572 = arith.addi %mul3A_570, %add3A_571 : i32
      %add3A_573 = arith.constant 3 : i32
      %add3A_574 = arith.addi %add3A_572, %add3A_573 : i32
      %lt3A_575 = arith.constant 160 : i32
      %lt3A_576 = arith.cmpi slt, %add3A_574, %lt3A_575 : i32
      %convert_element_type3A_577 = arith.extui %lt3A_576 : i1 to i32
      %cond3A_578 = arith.constant 0 : i32
      %cond3A_579 = arith.cmpi ne, %convert_element_type3A_577, %cond3A_578 : i32
      scf.if %cond3A_579 {
        %dma_start3A_667 = arith.constant 1 : i32
        %dma_start3A_668 = arith.constant 0 : i32
        %dma_start3A_669 = arith.constant 0 : i32
        %dma_start3A_670 = tpu.memref_slice %arg8[%dma_start3A_667, %dma_start3A_668, %dma_start3A_669] : memref<8x2x128xi32, #tpu.memory_space<vmem>> -> memref<1x2x128xi32, #tpu.memory_space<vmem>>
        %dma_start3A_671 = tpu.memref_squeeze %dma_start3A_670 : memref<1x2x128xi32, #tpu.memory_space<vmem>> -> memref<2x128xi32, #tpu.memory_space<vmem>>
        %dma_start3A_672 = arith.constant 0 : i32
        %dma_start3A_673 = arith.constant 0 : i32
        %dma_start3A_674 = arith.constant 0 : i32
        %dma_start3A_675 = tpu.memref_slice %arg3[%arg1, %dma_start3A_672, %dma_start3A_673, %dma_start3A_674] : memref<16x160x2x128xi32, #tpu.memory_space<hbm>> -> memref<1x160x2x128xi32, #tpu.memory_space<hbm>>
        %dma_start3A_676 = tpu.memref_squeeze %dma_start3A_675 : memref<1x160x2x128xi32, #tpu.memory_space<hbm>> -> memref<160x2x128xi32, #tpu.memory_space<hbm>>
        %dma_start3A_677 = arith.constant 0 : i32
        %dma_start3A_678 = arith.constant 0 : i32
        %dma_start3A_679 = tpu.memref_slice %dma_start3A_676[%add3A_574, %dma_start3A_677, %dma_start3A_678] : memref<160x2x128xi32, #tpu.memory_space<hbm>> -> memref<1x2x128xi32, #tpu.memory_space<hbm>>
        %dma_start3A_680 = tpu.memref_squeeze %dma_start3A_679 : memref<1x2x128xi32, #tpu.memory_space<hbm>> -> memref<2x128xi32, #tpu.memory_space<hbm>>
        %dma_start3A_681 = arith.constant 0 : i32
        %dma_start3A_682 = arith.constant 0 : i32
        %dma_start3A_683 = tpu.memref_slice %arg8[%dma_start3A_667, %dma_start3A_681, %dma_start3A_682] : memref<8x2x128xi32, #tpu.memory_space<vmem>> -> memref<1x2x128xi32, #tpu.memory_space<vmem>>
        %dma_start3A_684 = tpu.memref_squeeze %dma_start3A_683 : memref<1x2x128xi32, #tpu.memory_space<vmem>> -> memref<2x128xi32, #tpu.memory_space<vmem>>
        %dma_start3A_685 = arith.constant 0 : i32
        %dma_start3A_686 = arith.constant 0 : i32
        %dma_start3A_687 = arith.constant 0 : i32
        %dma_start3A_688 = tpu.memref_slice %arg3[%arg1, %dma_start3A_685, %dma_start3A_686, %dma_start3A_687] : memref<16x160x2x128xi32, #tpu.memory_space<hbm>> -> memref<1x160x2x128xi32, #tpu.memory_space<hbm>>
        %dma_start3A_689 = tpu.memref_squeeze %dma_start3A_688 : memref<1x160x2x128xi32, #tpu.memory_space<hbm>> -> memref<160x2x128xi32, #tpu.memory_space<hbm>>
        %dma_start3A_690 = arith.constant 0 : i32
        %dma_start3A_691 = arith.constant 0 : i32
        %dma_start3A_692 = tpu.memref_slice %dma_start3A_689[%add3A_574, %dma_start3A_690, %dma_start3A_691] : memref<160x2x128xi32, #tpu.memory_space<hbm>> -> memref<1x2x128xi32, #tpu.memory_space<hbm>>
        %dma_start3A_693 = tpu.memref_squeeze %dma_start3A_692 : memref<1x2x128xi32, #tpu.memory_space<hbm>> -> memref<2x128xi32, #tpu.memory_space<hbm>>
        tpu.enqueue_dma source(%dma_start3A_693 : memref<2x128xi32, #tpu.memory_space<hbm>>) target(%dma_start3A_684 : memref<2x128xi32, #tpu.memory_space<vmem>>) target_semaphore(%arg13 : memref<!tpu.dma_semaphore, #tpu.memory_space<semaphore_mem>>)
      } else {
      }
      %add3A_580 = arith.constant 2 : i32
      %add3A_581 = arith.addi %add3A_572, %add3A_580 : i32
      %lt3A_582 = arith.constant 160 : i32
      %lt3A_583 = arith.cmpi slt, %add3A_581, %lt3A_582 : i32
      %convert_element_type3A_584 = arith.extui %lt3A_583 : i1 to i32
      %cond3A_585 = arith.constant 0 : i32
      %cond3A_586 = arith.cmpi ne, %convert_element_type3A_584, %cond3A_585 : i32
      scf.if %cond3A_586 {
        %dma_wait3A_667 = arith.constant 0 : i32
        %dma_wait3A_668 = arith.constant 0 : i32
        %dma_wait3A_669 = arith.constant 0 : i32
        %dma_wait3A_670 = tpu.memref_slice %arg8[%dma_wait3A_667, %dma_wait3A_668, %dma_wait3A_669] : memref<8x2x128xi32, #tpu.memory_space<vmem>> -> memref<1x2x128xi32, #tpu.memory_space<vmem>>
        %dma_wait3A_671 = tpu.memref_squeeze %dma_wait3A_670 : memref<1x2x128xi32, #tpu.memory_space<vmem>> -> memref<2x128xi32, #tpu.memory_space<vmem>>
        %dma_wait3A_672 = arith.constant 0 : i32
        %dma_wait3A_673 = arith.constant 0 : i32
        %dma_wait3A_674 = arith.constant 0 : i32
        %dma_wait3A_675 = tpu.memref_slice %arg3[%arg1, %dma_wait3A_672, %dma_wait3A_673, %dma_wait3A_674] : memref<16x160x2x128xi32, #tpu.memory_space<hbm>> -> memref<1x160x2x128xi32, #tpu.memory_space<hbm>>
        %dma_wait3A_676 = tpu.memref_squeeze %dma_wait3A_675 : memref<1x160x2x128xi32, #tpu.memory_space<hbm>> -> memref<160x2x128xi32, #tpu.memory_space<hbm>>
        %dma_wait3A_677 = arith.constant 0 : i32
        %dma_wait3A_678 = arith.constant 0 : i32
        %dma_wait3A_679 = tpu.memref_slice %dma_wait3A_676[%add3A_581, %dma_wait3A_677, %dma_wait3A_678] : memref<160x2x128xi32, #tpu.memory_space<hbm>> -> memref<1x2x128xi32, #tpu.memory_space<hbm>>
        %dma_wait3A_680 = tpu.memref_squeeze %dma_wait3A_679 : memref<1x2x128xi32, #tpu.memory_space<hbm>> -> memref<2x128xi32, #tpu.memory_space<hbm>>
        %dma_wait3A_681 = arith.constant 0 : i32
        %dma_wait3A_682 = arith.constant 0 : i32
        %dma_wait3A_683 = tpu.memref_slice %arg8[%dma_wait3A_667, %dma_wait3A_681, %dma_wait3A_682] : memref<8x2x128xi32, #tpu.memory_space<vmem>> -> memref<1x2x128xi32, #tpu.memory_space<vmem>>
        %dma_wait3A_684 = tpu.memref_squeeze %dma_wait3A_683 : memref<1x2x128xi32, #tpu.memory_space<vmem>> -> memref<2x128xi32, #tpu.memory_space<vmem>>
        %dma_wait3A_685 = arith.constant 0 : i32
        %dma_wait3A_686 = arith.constant 0 : i32
        %dma_wait3A_687 = arith.constant 0 : i32
        %dma_wait3A_688 = tpu.memref_slice %arg3[%arg1, %dma_wait3A_685, %dma_wait3A_686, %dma_wait3A_687] : memref<16x160x2x128xi32, #tpu.memory_space<hbm>> -> memref<1x160x2x128xi32, #tpu.memory_space<hbm>>
        %dma_wait3A_689 = tpu.memref_squeeze %dma_wait3A_688 : memref<1x160x2x128xi32, #tpu.memory_space<hbm>> -> memref<160x2x128xi32, #tpu.memory_space<hbm>>
        %dma_wait3A_690 = arith.constant 0 : i32
        %dma_wait3A_691 = arith.constant 0 : i32
        %dma_wait3A_692 = tpu.memref_slice %dma_wait3A_689[%add3A_581, %dma_wait3A_690, %dma_wait3A_691] : memref<160x2x128xi32, #tpu.memory_space<hbm>> -> memref<1x2x128xi32, #tpu.memory_space<hbm>>
        %dma_wait3A_693 = tpu.memref_squeeze %dma_wait3A_692 : memref<1x2x128xi32, #tpu.memory_space<hbm>> -> memref<2x128xi32, #tpu.memory_space<hbm>>
        tpu.wait_dma2 semaphore(%arg12 : memref<!tpu.dma_semaphore, #tpu.memory_space<semaphore_mem>>) src(%dma_wait3A_693 : memref<2x128xi32, #tpu.memory_space<hbm>>) dst(%dma_wait3A_684 : memref<2x128xi32, #tpu.memory_space<vmem>>)
        %ge3A = arith.constant 4 : i32
        %ge3A_694 = arith.cmpi sge, %add3A_581, %ge3A : i32
        %convert_element_type3A_695 = arith.extui %ge3A_694 : i1 to i32
        %cond3A_696 = arith.constant 0 : i32
        %cond3A_697 = arith.cmpi ne, %convert_element_type3A_695, %cond3A_696 : i32
        scf.if %cond3A_697 {
          %dma_wait3A_711 = arith.constant 0 : i32
          %dma_wait3A_712 = arith.constant 4 : i32
          %dma_wait3A_713 = arith.constant 1 : i32
          %dma_wait3A_714 = arith.constant 0 : i32
          %dma_wait3A_715 = arith.constant 0 : i32
          %dma_wait3A_716 = tpu.memref_slice %arg9[%dma_wait3A_711, %dma_wait3A_714, %dma_wait3A_715] : memref<4x128x64xf32, #tpu.memory_space<vmem>> -> memref<1x128x64xf32, #tpu.memory_space<vmem>>
          %dma_wait3A_717 = tpu.memref_squeeze %dma_wait3A_716 : memref<1x128x64xf32, #tpu.memory_space<vmem>> -> memref<128x64xf32, #tpu.memory_space<vmem>>
          %dma_wait3A_718 = arith.constant 0 : i32
          %dma_wait3A_719 = tpu.memref_slice %arg8[%dma_wait3A_712, %dma_wait3A_713, %dma_wait3A_718] : memref<8x2x128xi32, #tpu.memory_space<vmem>> -> memref<1x1x128xi32, #tpu.memory_space<vmem>>
          %dma_wait3A_720 = tpu.memref_squeeze %dma_wait3A_719 : memref<1x1x128xi32, #tpu.memory_space<vmem>> -> memref<128xi32, #tpu.memory_space<vmem>>
          %dma_wait3A_721 = arith.constant 0 : i32
          %dma_wait3A_722 = arith.constant 0 : i32
          %dma_wait3A_723 = tpu.memref_slice %arg10[%dma_wait3A_721, %dma_wait3A_722] : memref<10240x64xf32, #tpu.memory_space<vmem_shared>> -> memref<10240x64xf32, #tpu.memory_space<vmem_shared>>
          tpu.wait_indirect_dma semaphore(%arg24 : memref<!tpu.dma_semaphore, #tpu.memory_space<semaphore_mem>>) src(%dma_wait3A_717 : memref<128x64xf32, #tpu.memory_space<vmem>>) dst(%dma_wait3A_723 : memref<10240x64xf32, #tpu.memory_space<vmem_shared>>)
        } else {
        }
        %dma_start3A_698 = arith.constant 0 : i32
        %dma_start3A_699 = arith.constant 0 : i32
        %dma_start3A_700 = arith.constant 0 : i32
        %dma_start3A_701 = arith.constant 0 : i32
        %dma_start3A_702 = arith.constant 0 : i32
        %dma_start3A_703 = tpu.memref_slice %arg9[%dma_start3A_700, %dma_start3A_701, %dma_start3A_702] : memref<4x128x64xf32, #tpu.memory_space<vmem>> -> memref<1x128x64xf32, #tpu.memory_space<vmem>>
        %dma_start3A_704 = tpu.memref_squeeze %dma_start3A_703 : memref<1x128x64xf32, #tpu.memory_space<vmem>> -> memref<128x64xf32, #tpu.memory_space<vmem>>
        %dma_start3A_705 = arith.constant 0 : i32
        %dma_start3A_706 = tpu.memref_slice %arg8[%dma_start3A_698, %dma_start3A_699, %dma_start3A_705] : memref<8x2x128xi32, #tpu.memory_space<vmem>> -> memref<1x1x128xi32, #tpu.memory_space<vmem>>
        %dma_start3A_707 = tpu.memref_squeeze %dma_start3A_706 : memref<1x1x128xi32, #tpu.memory_space<vmem>> -> memref<128xi32, #tpu.memory_space<vmem>>
        %dma_start3A_708 = arith.constant 0 : i32
        %dma_start3A_709 = arith.constant 0 : i32
        %dma_start3A_710 = tpu.memref_slice %arg11[%dma_start3A_708, %dma_start3A_709] : memref<10240x64xf32, #tpu.memory_space<vmem_shared>> -> memref<10240x64xf32, #tpu.memory_space<vmem_shared>>
        tpu.enqueue_indirect_dma source(%dma_start3A_710 : memref<10240x64xf32, #tpu.memory_space<vmem_shared>>) target(%dma_start3A_704 : memref<128x64xf32, #tpu.memory_space<vmem>>) offsets(%dma_start3A_707 : memref<128xi32, #tpu.memory_space<vmem>>) semaphore(%arg20 : memref<!tpu.dma_semaphore, #tpu.memory_space<semaphore_mem>>)
      } else {
      }
      %dma_wait3A_587 = arith.constant 6 : i32
      %dma_wait3A_588 = arith.constant 0 : i32
      %dma_wait3A_589 = arith.constant 2 : i32
      %dma_wait3A_590 = arith.constant 0 : i32
      %dma_wait3A_591 = arith.constant 0 : i32
      %dma_wait3A_592 = tpu.memref_slice %arg9[%dma_wait3A_589, %dma_wait3A_590, %dma_wait3A_591] : memref<4x128x64xf32, #tpu.memory_space<vmem>> -> memref<1x128x64xf32, #tpu.memory_space<vmem>>
      %dma_wait3A_593 = tpu.memref_squeeze %dma_wait3A_592 : memref<1x128x64xf32, #tpu.memory_space<vmem>> -> memref<128x64xf32, #tpu.memory_space<vmem>>
      %dma_wait3A_594 = arith.constant 0 : i32
      %dma_wait3A_595 = tpu.memref_slice %arg8[%dma_wait3A_587, %dma_wait3A_588, %dma_wait3A_594] : memref<8x2x128xi32, #tpu.memory_space<vmem>> -> memref<1x1x128xi32, #tpu.memory_space<vmem>>
      %dma_wait3A_596 = tpu.memref_squeeze %dma_wait3A_595 : memref<1x1x128xi32, #tpu.memory_space<vmem>> -> memref<128xi32, #tpu.memory_space<vmem>>
      %dma_wait3A_597 = arith.constant 0 : i32
      %dma_wait3A_598 = arith.constant 0 : i32
      %dma_wait3A_599 = tpu.memref_slice %arg11[%dma_wait3A_597, %dma_wait3A_598] : memref<10240x64xf32, #tpu.memory_space<vmem_shared>> -> memref<10240x64xf32, #tpu.memory_space<vmem_shared>>
      tpu.wait_indirect_dma semaphore(%arg22 : memref<!tpu.dma_semaphore, #tpu.memory_space<semaphore_mem>>) src(%dma_wait3A_599 : memref<10240x64xf32, #tpu.memory_space<vmem_shared>>) dst(%dma_wait3A_593 : memref<128x64xf32, #tpu.memory_space<vmem>>)
      %dma_start3A_600 = arith.constant 2 : i32
      %dma_start3A_601 = arith.constant 6 : i32
      %dma_start3A_602 = arith.constant 1 : i32
      %dma_start3A_603 = arith.constant 0 : i32
      %dma_start3A_604 = arith.constant 0 : i32
      %dma_start3A_605 = tpu.memref_slice %arg9[%dma_start3A_600, %dma_start3A_603, %dma_start3A_604] : memref<4x128x64xf32, #tpu.memory_space<vmem>> -> memref<1x128x64xf32, #tpu.memory_space<vmem>>
      %dma_start3A_606 = tpu.memref_squeeze %dma_start3A_605 : memref<1x128x64xf32, #tpu.memory_space<vmem>> -> memref<128x64xf32, #tpu.memory_space<vmem>>
      %dma_start3A_607 = arith.constant 0 : i32
      %dma_start3A_608 = tpu.memref_slice %arg8[%dma_start3A_601, %dma_start3A_602, %dma_start3A_607] : memref<8x2x128xi32, #tpu.memory_space<vmem>> -> memref<1x1x128xi32, #tpu.memory_space<vmem>>
      %dma_start3A_609 = tpu.memref_squeeze %dma_start3A_608 : memref<1x1x128xi32, #tpu.memory_space<vmem>> -> memref<128xi32, #tpu.memory_space<vmem>>
      %dma_start3A_610 = arith.constant 0 : i32
      %dma_start3A_611 = arith.constant 0 : i32
      %dma_start3A_612 = tpu.memref_slice %arg10[%dma_start3A_610, %dma_start3A_611] : memref<10240x64xf32, #tpu.memory_space<vmem_shared>> -> memref<10240x64xf32, #tpu.memory_space<vmem_shared>>
      tpu.enqueue_indirect_dma source(%dma_start3A_606 : memref<128x64xf32, #tpu.memory_space<vmem>>) target(%dma_start3A_612 : memref<10240x64xf32, #tpu.memory_space<vmem_shared>>) offsets(%dma_start3A_609 : memref<128xi32, #tpu.memory_space<vmem>>) semaphore(%arg26 : memref<!tpu.dma_semaphore, #tpu.memory_space<semaphore_mem>>) {add = true}
      %eq3A_613 = arith.constant 0 : i32
      %eq3A_614 = arith.cmpi eq, %arg0, %eq3A_613 : i32
      %convert_element_type3A_615 = arith.extui %eq3A_614 : i1 to i32
      %cond3A_616 = arith.constant 0 : i32
      %cond3A_617 = arith.cmpi ne, %convert_element_type3A_615, %cond3A_616 : i32
      scf.if %cond3A_617 {
        %dma_start3A_667 = arith.constant 6 : i32
        %dma_start3A_668 = arith.constant 1 : i32
        %dma_start3A_669 = arith.constant 0 : i32
        %dma_start3A_670 = tpu.memref_slice %arg8[%dma_start3A_667, %dma_start3A_668, %dma_start3A_669] : memref<8x2x128xi32, #tpu.memory_space<vmem>> -> memref<1x1x128xi32, #tpu.memory_space<vmem>>
        %dma_start3A_671 = tpu.memref_squeeze %dma_start3A_670 : memref<1x1x128xi32, #tpu.memory_space<vmem>> -> memref<128xi32, #tpu.memory_space<vmem>>
        %dma_start3A_672 = arith.constant 0 : i32
        %dma_start3A_673 = tpu.memref_slice %arg29[%dma_start3A_672] : memref<10240xf32, #tpu.memory_space<vmem_shared>> -> memref<10240xf32, #tpu.memory_space<vmem_shared>>
        tpu.enqueue_indirect_dma source(%arg28 : memref<128xf32, #tpu.memory_space<vmem>>) target(%dma_start3A_673 : memref<10240xf32, #tpu.memory_space<vmem_shared>>) offsets(%dma_start3A_671 : memref<128xi32, #tpu.memory_space<vmem>>) semaphore(%arg30 : memref<!tpu.dma_semaphore, #tpu.memory_space<semaphore_mem>>) {add = true}
        %ge3A = arith.constant 4 : i32
        %ge3A_674 = arith.cmpi sge, %add3A_572, %ge3A : i32
        %convert_element_type3A_675 = arith.extui %ge3A_674 : i1 to i32
        %cond3A_676 = arith.constant 0 : i32
        %cond3A_677 = arith.cmpi ne, %convert_element_type3A_675, %cond3A_676 : i32
        scf.if %cond3A_677 {
          %dma_wait3A_678 = arith.constant 2 : i32
          %dma_wait3A_679 = arith.constant 1 : i32
          %dma_wait3A_680 = arith.constant 0 : i32
          %dma_wait3A_681 = tpu.memref_slice %arg8[%dma_wait3A_678, %dma_wait3A_679, %dma_wait3A_680] : memref<8x2x128xi32, #tpu.memory_space<vmem>> -> memref<1x1x128xi32, #tpu.memory_space<vmem>>
          %dma_wait3A_682 = tpu.memref_squeeze %dma_wait3A_681 : memref<1x1x128xi32, #tpu.memory_space<vmem>> -> memref<128xi32, #tpu.memory_space<vmem>>
          %dma_wait3A_683 = arith.constant 0 : i32
          %dma_wait3A_684 = tpu.memref_slice %arg29[%dma_wait3A_683] : memref<10240xf32, #tpu.memory_space<vmem_shared>> -> memref<10240xf32, #tpu.memory_space<vmem_shared>>
          tpu.wait_indirect_dma semaphore(%arg30 : memref<!tpu.dma_semaphore, #tpu.memory_space<semaphore_mem>>) src(%arg28 : memref<128xf32, #tpu.memory_space<vmem>>) dst(%dma_wait3A_684 : memref<10240xf32, #tpu.memory_space<vmem_shared>>)
        } else {
        }
      } else {
      }
      %mul3A_618 = arith.constant 8 : i32
      %mul3A_619 = arith.muli %scan3A_276, %mul3A_618 : i32
      %add3A_620 = arith.constant 7 : i32
      %add3A_621 = arith.addi %mul3A_619, %add3A_620 : i32
      %add3A_622 = arith.constant 3 : i32
      %add3A_623 = arith.addi %add3A_621, %add3A_622 : i32
      %lt3A_624 = arith.constant 160 : i32
      %lt3A_625 = arith.cmpi slt, %add3A_623, %lt3A_624 : i32
      %convert_element_type3A_626 = arith.extui %lt3A_625 : i1 to i32
      %cond3A_627 = arith.constant 0 : i32
      %cond3A_628 = arith.cmpi ne, %convert_element_type3A_626, %cond3A_627 : i32
      scf.if %cond3A_628 {
        %dma_start3A_667 = arith.constant 2 : i32
        %dma_start3A_668 = arith.constant 0 : i32
        %dma_start3A_669 = arith.constant 0 : i32
        %dma_start3A_670 = tpu.memref_slice %arg8[%dma_start3A_667, %dma_start3A_668, %dma_start3A_669] : memref<8x2x128xi32, #tpu.memory_space<vmem>> -> memref<1x2x128xi32, #tpu.memory_space<vmem>>
        %dma_start3A_671 = tpu.memref_squeeze %dma_start3A_670 : memref<1x2x128xi32, #tpu.memory_space<vmem>> -> memref<2x128xi32, #tpu.memory_space<vmem>>
        %dma_start3A_672 = arith.constant 0 : i32
        %dma_start3A_673 = arith.constant 0 : i32
        %dma_start3A_674 = arith.constant 0 : i32
        %dma_start3A_675 = tpu.memref_slice %arg3[%arg1, %dma_start3A_672, %dma_start3A_673, %dma_start3A_674] : memref<16x160x2x128xi32, #tpu.memory_space<hbm>> -> memref<1x160x2x128xi32, #tpu.memory_space<hbm>>
        %dma_start3A_676 = tpu.memref_squeeze %dma_start3A_675 : memref<1x160x2x128xi32, #tpu.memory_space<hbm>> -> memref<160x2x128xi32, #tpu.memory_space<hbm>>
        %dma_start3A_677 = arith.constant 0 : i32
        %dma_start3A_678 = arith.constant 0 : i32
        %dma_start3A_679 = tpu.memref_slice %dma_start3A_676[%add3A_623, %dma_start3A_677, %dma_start3A_678] : memref<160x2x128xi32, #tpu.memory_space<hbm>> -> memref<1x2x128xi32, #tpu.memory_space<hbm>>
        %dma_start3A_680 = tpu.memref_squeeze %dma_start3A_679 : memref<1x2x128xi32, #tpu.memory_space<hbm>> -> memref<2x128xi32, #tpu.memory_space<hbm>>
        %dma_start3A_681 = arith.constant 0 : i32
        %dma_start3A_682 = arith.constant 0 : i32
        %dma_start3A_683 = tpu.memref_slice %arg8[%dma_start3A_667, %dma_start3A_681, %dma_start3A_682] : memref<8x2x128xi32, #tpu.memory_space<vmem>> -> memref<1x2x128xi32, #tpu.memory_space<vmem>>
        %dma_start3A_684 = tpu.memref_squeeze %dma_start3A_683 : memref<1x2x128xi32, #tpu.memory_space<vmem>> -> memref<2x128xi32, #tpu.memory_space<vmem>>
        %dma_start3A_685 = arith.constant 0 : i32
        %dma_start3A_686 = arith.constant 0 : i32
        %dma_start3A_687 = arith.constant 0 : i32
        %dma_start3A_688 = tpu.memref_slice %arg3[%arg1, %dma_start3A_685, %dma_start3A_686, %dma_start3A_687] : memref<16x160x2x128xi32, #tpu.memory_space<hbm>> -> memref<1x160x2x128xi32, #tpu.memory_space<hbm>>
        %dma_start3A_689 = tpu.memref_squeeze %dma_start3A_688 : memref<1x160x2x128xi32, #tpu.memory_space<hbm>> -> memref<160x2x128xi32, #tpu.memory_space<hbm>>
        %dma_start3A_690 = arith.constant 0 : i32
        %dma_start3A_691 = arith.constant 0 : i32
        %dma_start3A_692 = tpu.memref_slice %dma_start3A_689[%add3A_623, %dma_start3A_690, %dma_start3A_691] : memref<160x2x128xi32, #tpu.memory_space<hbm>> -> memref<1x2x128xi32, #tpu.memory_space<hbm>>
        %dma_start3A_693 = tpu.memref_squeeze %dma_start3A_692 : memref<1x2x128xi32, #tpu.memory_space<hbm>> -> memref<2x128xi32, #tpu.memory_space<hbm>>
        tpu.enqueue_dma source(%dma_start3A_693 : memref<2x128xi32, #tpu.memory_space<hbm>>) target(%dma_start3A_684 : memref<2x128xi32, #tpu.memory_space<vmem>>) target_semaphore(%arg14 : memref<!tpu.dma_semaphore, #tpu.memory_space<semaphore_mem>>)
      } else {
      }
      %add3A_629 = arith.constant 2 : i32
      %add3A_630 = arith.addi %add3A_621, %add3A_629 : i32
      %lt3A_631 = arith.constant 160 : i32
      %lt3A_632 = arith.cmpi slt, %add3A_630, %lt3A_631 : i32
      %convert_element_type3A_633 = arith.extui %lt3A_632 : i1 to i32
      %cond3A_634 = arith.constant 0 : i32
      %cond3A_635 = arith.cmpi ne, %convert_element_type3A_633, %cond3A_634 : i32
      scf.if %cond3A_635 {
        %dma_wait3A_667 = arith.constant 1 : i32
        %dma_wait3A_668 = arith.constant 0 : i32
        %dma_wait3A_669 = arith.constant 0 : i32
        %dma_wait3A_670 = tpu.memref_slice %arg8[%dma_wait3A_667, %dma_wait3A_668, %dma_wait3A_669] : memref<8x2x128xi32, #tpu.memory_space<vmem>> -> memref<1x2x128xi32, #tpu.memory_space<vmem>>
        %dma_wait3A_671 = tpu.memref_squeeze %dma_wait3A_670 : memref<1x2x128xi32, #tpu.memory_space<vmem>> -> memref<2x128xi32, #tpu.memory_space<vmem>>
        %dma_wait3A_672 = arith.constant 0 : i32
        %dma_wait3A_673 = arith.constant 0 : i32
        %dma_wait3A_674 = arith.constant 0 : i32
        %dma_wait3A_675 = tpu.memref_slice %arg3[%arg1, %dma_wait3A_672, %dma_wait3A_673, %dma_wait3A_674] : memref<16x160x2x128xi32, #tpu.memory_space<hbm>> -> memref<1x160x2x128xi32, #tpu.memory_space<hbm>>
        %dma_wait3A_676 = tpu.memref_squeeze %dma_wait3A_675 : memref<1x160x2x128xi32, #tpu.memory_space<hbm>> -> memref<160x2x128xi32, #tpu.memory_space<hbm>>
        %dma_wait3A_677 = arith.constant 0 : i32
        %dma_wait3A_678 = arith.constant 0 : i32
        %dma_wait3A_679 = tpu.memref_slice %dma_wait3A_676[%add3A_630, %dma_wait3A_677, %dma_wait3A_678] : memref<160x2x128xi32, #tpu.memory_space<hbm>> -> memref<1x2x128xi32, #tpu.memory_space<hbm>>
        %dma_wait3A_680 = tpu.memref_squeeze %dma_wait3A_679 : memref<1x2x128xi32, #tpu.memory_space<hbm>> -> memref<2x128xi32, #tpu.memory_space<hbm>>
        %dma_wait3A_681 = arith.constant 0 : i32
        %dma_wait3A_682 = arith.constant 0 : i32
        %dma_wait3A_683 = tpu.memref_slice %arg8[%dma_wait3A_667, %dma_wait3A_681, %dma_wait3A_682] : memref<8x2x128xi32, #tpu.memory_space<vmem>> -> memref<1x2x128xi32, #tpu.memory_space<vmem>>
        %dma_wait3A_684 = tpu.memref_squeeze %dma_wait3A_683 : memref<1x2x128xi32, #tpu.memory_space<vmem>> -> memref<2x128xi32, #tpu.memory_space<vmem>>
        %dma_wait3A_685 = arith.constant 0 : i32
        %dma_wait3A_686 = arith.constant 0 : i32
        %dma_wait3A_687 = arith.constant 0 : i32
        %dma_wait3A_688 = tpu.memref_slice %arg3[%arg1, %dma_wait3A_685, %dma_wait3A_686, %dma_wait3A_687] : memref<16x160x2x128xi32, #tpu.memory_space<hbm>> -> memref<1x160x2x128xi32, #tpu.memory_space<hbm>>
        %dma_wait3A_689 = tpu.memref_squeeze %dma_wait3A_688 : memref<1x160x2x128xi32, #tpu.memory_space<hbm>> -> memref<160x2x128xi32, #tpu.memory_space<hbm>>
        %dma_wait3A_690 = arith.constant 0 : i32
        %dma_wait3A_691 = arith.constant 0 : i32
        %dma_wait3A_692 = tpu.memref_slice %dma_wait3A_689[%add3A_630, %dma_wait3A_690, %dma_wait3A_691] : memref<160x2x128xi32, #tpu.memory_space<hbm>> -> memref<1x2x128xi32, #tpu.memory_space<hbm>>
        %dma_wait3A_693 = tpu.memref_squeeze %dma_wait3A_692 : memref<1x2x128xi32, #tpu.memory_space<hbm>> -> memref<2x128xi32, #tpu.memory_space<hbm>>
        tpu.wait_dma2 semaphore(%arg13 : memref<!tpu.dma_semaphore, #tpu.memory_space<semaphore_mem>>) src(%dma_wait3A_693 : memref<2x128xi32, #tpu.memory_space<hbm>>) dst(%dma_wait3A_684 : memref<2x128xi32, #tpu.memory_space<vmem>>)
        %ge3A = arith.constant 4 : i32
        %ge3A_694 = arith.cmpi sge, %add3A_630, %ge3A : i32
        %convert_element_type3A_695 = arith.extui %ge3A_694 : i1 to i32
        %cond3A_696 = arith.constant 0 : i32
        %cond3A_697 = arith.cmpi ne, %convert_element_type3A_695, %cond3A_696 : i32
        scf.if %cond3A_697 {
          %dma_wait3A_711 = arith.constant 1 : i32
          %dma_wait3A_712 = arith.constant 5 : i32
          %dma_wait3A_713 = arith.constant 1 : i32
          %dma_wait3A_714 = arith.constant 0 : i32
          %dma_wait3A_715 = arith.constant 0 : i32
          %dma_wait3A_716 = tpu.memref_slice %arg9[%dma_wait3A_711, %dma_wait3A_714, %dma_wait3A_715] : memref<4x128x64xf32, #tpu.memory_space<vmem>> -> memref<1x128x64xf32, #tpu.memory_space<vmem>>
          %dma_wait3A_717 = tpu.memref_squeeze %dma_wait3A_716 : memref<1x128x64xf32, #tpu.memory_space<vmem>> -> memref<128x64xf32, #tpu.memory_space<vmem>>
          %dma_wait3A_718 = arith.constant 0 : i32
          %dma_wait3A_719 = tpu.memref_slice %arg8[%dma_wait3A_712, %dma_wait3A_713, %dma_wait3A_718] : memref<8x2x128xi32, #tpu.memory_space<vmem>> -> memref<1x1x128xi32, #tpu.memory_space<vmem>>
          %dma_wait3A_720 = tpu.memref_squeeze %dma_wait3A_719 : memref<1x1x128xi32, #tpu.memory_space<vmem>> -> memref<128xi32, #tpu.memory_space<vmem>>
          %dma_wait3A_721 = arith.constant 0 : i32
          %dma_wait3A_722 = arith.constant 0 : i32
          %dma_wait3A_723 = tpu.memref_slice %arg10[%dma_wait3A_721, %dma_wait3A_722] : memref<10240x64xf32, #tpu.memory_space<vmem_shared>> -> memref<10240x64xf32, #tpu.memory_space<vmem_shared>>
          tpu.wait_indirect_dma semaphore(%arg25 : memref<!tpu.dma_semaphore, #tpu.memory_space<semaphore_mem>>) src(%dma_wait3A_717 : memref<128x64xf32, #tpu.memory_space<vmem>>) dst(%dma_wait3A_723 : memref<10240x64xf32, #tpu.memory_space<vmem_shared>>)
        } else {
        }
        %dma_start3A_698 = arith.constant 1 : i32
        %dma_start3A_699 = arith.constant 0 : i32
        %dma_start3A_700 = arith.constant 1 : i32
        %dma_start3A_701 = arith.constant 0 : i32
        %dma_start3A_702 = arith.constant 0 : i32
        %dma_start3A_703 = tpu.memref_slice %arg9[%dma_start3A_700, %dma_start3A_701, %dma_start3A_702] : memref<4x128x64xf32, #tpu.memory_space<vmem>> -> memref<1x128x64xf32, #tpu.memory_space<vmem>>
        %dma_start3A_704 = tpu.memref_squeeze %dma_start3A_703 : memref<1x128x64xf32, #tpu.memory_space<vmem>> -> memref<128x64xf32, #tpu.memory_space<vmem>>
        %dma_start3A_705 = arith.constant 0 : i32
        %dma_start3A_706 = tpu.memref_slice %arg8[%dma_start3A_698, %dma_start3A_699, %dma_start3A_705] : memref<8x2x128xi32, #tpu.memory_space<vmem>> -> memref<1x1x128xi32, #tpu.memory_space<vmem>>
        %dma_start3A_707 = tpu.memref_squeeze %dma_start3A_706 : memref<1x1x128xi32, #tpu.memory_space<vmem>> -> memref<128xi32, #tpu.memory_space<vmem>>
        %dma_start3A_708 = arith.constant 0 : i32
        %dma_start3A_709 = arith.constant 0 : i32
        %dma_start3A_710 = tpu.memref_slice %arg11[%dma_start3A_708, %dma_start3A_709] : memref<10240x64xf32, #tpu.memory_space<vmem_shared>> -> memref<10240x64xf32, #tpu.memory_space<vmem_shared>>
        tpu.enqueue_indirect_dma source(%dma_start3A_710 : memref<10240x64xf32, #tpu.memory_space<vmem_shared>>) target(%dma_start3A_704 : memref<128x64xf32, #tpu.memory_space<vmem>>) offsets(%dma_start3A_707 : memref<128xi32, #tpu.memory_space<vmem>>) semaphore(%arg21 : memref<!tpu.dma_semaphore, #tpu.memory_space<semaphore_mem>>)
      } else {
      }
      %dma_wait3A_636 = arith.constant 7 : i32
      %dma_wait3A_637 = arith.constant 0 : i32
      %dma_wait3A_638 = arith.constant 3 : i32
      %dma_wait3A_639 = arith.constant 0 : i32
      %dma_wait3A_640 = arith.constant 0 : i32
      %dma_wait3A_641 = tpu.memref_slice %arg9[%dma_wait3A_638, %dma_wait3A_639, %dma_wait3A_640] : memref<4x128x64xf32, #tpu.memory_space<vmem>> -> memref<1x128x64xf32, #tpu.memory_space<vmem>>
      %dma_wait3A_642 = tpu.memref_squeeze %dma_wait3A_641 : memref<1x128x64xf32, #tpu.memory_space<vmem>> -> memref<128x64xf32, #tpu.memory_space<vmem>>
      %dma_wait3A_643 = arith.constant 0 : i32
      %dma_wait3A_644 = tpu.memref_slice %arg8[%dma_wait3A_636, %dma_wait3A_637, %dma_wait3A_643] : memref<8x2x128xi32, #tpu.memory_space<vmem>> -> memref<1x1x128xi32, #tpu.memory_space<vmem>>
      %dma_wait3A_645 = tpu.memref_squeeze %dma_wait3A_644 : memref<1x1x128xi32, #tpu.memory_space<vmem>> -> memref<128xi32, #tpu.memory_space<vmem>>
      %dma_wait3A_646 = arith.constant 0 : i32
      %dma_wait3A_647 = arith.constant 0 : i32
      %dma_wait3A_648 = tpu.memref_slice %arg11[%dma_wait3A_646, %dma_wait3A_647] : memref<10240x64xf32, #tpu.memory_space<vmem_shared>> -> memref<10240x64xf32, #tpu.memory_space<vmem_shared>>
      tpu.wait_indirect_dma semaphore(%arg23 : memref<!tpu.dma_semaphore, #tpu.memory_space<semaphore_mem>>) src(%dma_wait3A_648 : memref<10240x64xf32, #tpu.memory_space<vmem_shared>>) dst(%dma_wait3A_642 : memref<128x64xf32, #tpu.memory_space<vmem>>)
      %dma_start3A_649 = arith.constant 3 : i32
      %dma_start3A_650 = arith.constant 7 : i32
      %dma_start3A_651 = arith.constant 1 : i32
      %dma_start3A_652 = arith.constant 0 : i32
      %dma_start3A_653 = arith.constant 0 : i32
      %dma_start3A_654 = tpu.memref_slice %arg9[%dma_start3A_649, %dma_start3A_652, %dma_start3A_653] : memref<4x128x64xf32, #tpu.memory_space<vmem>> -> memref<1x128x64xf32, #tpu.memory_space<vmem>>
      %dma_start3A_655 = tpu.memref_squeeze %dma_start3A_654 : memref<1x128x64xf32, #tpu.memory_space<vmem>> -> memref<128x64xf32, #tpu.memory_space<vmem>>
      %dma_start3A_656 = arith.constant 0 : i32
      %dma_start3A_657 = tpu.memref_slice %arg8[%dma_start3A_650, %dma_start3A_651, %dma_start3A_656] : memref<8x2x128xi32, #tpu.memory_space<vmem>> -> memref<1x1x128xi32, #tpu.memory_space<vmem>>
      %dma_start3A_658 = tpu.memref_squeeze %dma_start3A_657 : memref<1x1x128xi32, #tpu.memory_space<vmem>> -> memref<128xi32, #tpu.memory_space<vmem>>
      %dma_start3A_659 = arith.constant 0 : i32
      %dma_start3A_660 = arith.constant 0 : i32
      %dma_start3A_661 = tpu.memref_slice %arg10[%dma_start3A_659, %dma_start3A_660] : memref<10240x64xf32, #tpu.memory_space<vmem_shared>> -> memref<10240x64xf32, #tpu.memory_space<vmem_shared>>
      tpu.enqueue_indirect_dma source(%dma_start3A_655 : memref<128x64xf32, #tpu.memory_space<vmem>>) target(%dma_start3A_661 : memref<10240x64xf32, #tpu.memory_space<vmem_shared>>) offsets(%dma_start3A_658 : memref<128xi32, #tpu.memory_space<vmem>>) semaphore(%arg27 : memref<!tpu.dma_semaphore, #tpu.memory_space<semaphore_mem>>) {add = true}
      %eq3A_662 = arith.constant 0 : i32
      %eq3A_663 = arith.cmpi eq, %arg0, %eq3A_662 : i32
      %convert_element_type3A_664 = arith.extui %eq3A_663 : i1 to i32
      %cond3A_665 = arith.constant 0 : i32
      %cond3A_666 = arith.cmpi ne, %convert_element_type3A_664, %cond3A_665 : i32
      scf.if %cond3A_666 {
        %dma_start3A_667 = arith.constant 7 : i32
        %dma_start3A_668 = arith.constant 1 : i32
        %dma_start3A_669 = arith.constant 0 : i32
        %dma_start3A_670 = tpu.memref_slice %arg8[%dma_start3A_667, %dma_start3A_668, %dma_start3A_669] : memref<8x2x128xi32, #tpu.memory_space<vmem>> -> memref<1x1x128xi32, #tpu.memory_space<vmem>>
        %dma_start3A_671 = tpu.memref_squeeze %dma_start3A_670 : memref<1x1x128xi32, #tpu.memory_space<vmem>> -> memref<128xi32, #tpu.memory_space<vmem>>
        %dma_start3A_672 = arith.constant 0 : i32
        %dma_start3A_673 = tpu.memref_slice %arg29[%dma_start3A_672] : memref<10240xf32, #tpu.memory_space<vmem_shared>> -> memref<10240xf32, #tpu.memory_space<vmem_shared>>
        tpu.enqueue_indirect_dma source(%arg28 : memref<128xf32, #tpu.memory_space<vmem>>) target(%dma_start3A_673 : memref<10240xf32, #tpu.memory_space<vmem_shared>>) offsets(%dma_start3A_671 : memref<128xi32, #tpu.memory_space<vmem>>) semaphore(%arg30 : memref<!tpu.dma_semaphore, #tpu.memory_space<semaphore_mem>>) {add = true}
        %ge3A = arith.constant 4 : i32
        %ge3A_674 = arith.cmpi sge, %add3A_621, %ge3A : i32
        %convert_element_type3A_675 = arith.extui %ge3A_674 : i1 to i32
        %cond3A_676 = arith.constant 0 : i32
        %cond3A_677 = arith.cmpi ne, %convert_element_type3A_675, %cond3A_676 : i32
        scf.if %cond3A_677 {
          %dma_wait3A_678 = arith.constant 3 : i32
          %dma_wait3A_679 = arith.constant 1 : i32
          %dma_wait3A_680 = arith.constant 0 : i32
          %dma_wait3A_681 = tpu.memref_slice %arg8[%dma_wait3A_678, %dma_wait3A_679, %dma_wait3A_680] : memref<8x2x128xi32, #tpu.memory_space<vmem>> -> memref<1x1x128xi32, #tpu.memory_space<vmem>>
          %dma_wait3A_682 = tpu.memref_squeeze %dma_wait3A_681 : memref<1x1x128xi32, #tpu.memory_space<vmem>> -> memref<128xi32, #tpu.memory_space<vmem>>
          %dma_wait3A_683 = arith.constant 0 : i32
          %dma_wait3A_684 = tpu.memref_slice %arg29[%dma_wait3A_683] : memref<10240xf32, #tpu.memory_space<vmem_shared>> -> memref<10240xf32, #tpu.memory_space<vmem_shared>>
          tpu.wait_indirect_dma semaphore(%arg30 : memref<!tpu.dma_semaphore, #tpu.memory_space<semaphore_mem>>) src(%arg28 : memref<128xf32, #tpu.memory_space<vmem>>) dst(%dma_wait3A_684 : memref<10240xf32, #tpu.memory_space<vmem_shared>>)
        } else {
        }
      } else {
      }
    }
    %scan3A_215 = arith.constant 20 : i32
    %dma_wait3A_216 = arith.constant 0 : i32
    %dma_wait3A_217 = arith.constant 4 : i32
    %dma_wait3A_218 = arith.constant 1 : i32
    %dma_wait3A_219 = arith.constant 0 : i32
    %dma_wait3A_220 = arith.constant 0 : i32
    %dma_wait3A_221 = tpu.memref_slice %arg9[%dma_wait3A_216, %dma_wait3A_219, %dma_wait3A_220] : memref<4x128x64xf32, #tpu.memory_space<vmem>> -> memref<1x128x64xf32, #tpu.memory_space<vmem>>
    %dma_wait3A_222 = tpu.memref_squeeze %dma_wait3A_221 : memref<1x128x64xf32, #tpu.memory_space<vmem>> -> memref<128x64xf32, #tpu.memory_space<vmem>>
    %dma_wait3A_223 = arith.constant 0 : i32
    %dma_wait3A_224 = tpu.memref_slice %arg8[%dma_wait3A_217, %dma_wait3A_218, %dma_wait3A_223] : memref<8x2x128xi32, #tpu.memory_space<vmem>> -> memref<1x1x128xi32, #tpu.memory_space<vmem>>
    %dma_wait3A_225 = tpu.memref_squeeze %dma_wait3A_224 : memref<1x1x128xi32, #tpu.memory_space<vmem>> -> memref<128xi32, #tpu.memory_space<vmem>>
    %dma_wait3A_226 = arith.constant 0 : i32
    %dma_wait3A_227 = arith.constant 0 : i32
    %dma_wait3A_228 = tpu.memref_slice %arg10[%dma_wait3A_226, %dma_wait3A_227] : memref<10240x64xf32, #tpu.memory_space<vmem_shared>> -> memref<10240x64xf32, #tpu.memory_space<vmem_shared>>
    tpu.wait_indirect_dma semaphore(%arg24 : memref<!tpu.dma_semaphore, #tpu.memory_space<semaphore_mem>>) src(%dma_wait3A_222 : memref<128x64xf32, #tpu.memory_space<vmem>>) dst(%dma_wait3A_228 : memref<10240x64xf32, #tpu.memory_space<vmem_shared>>)
    %dma_wait3A_229 = arith.constant 1 : i32
    %dma_wait3A_230 = arith.constant 5 : i32
    %dma_wait3A_231 = arith.constant 1 : i32
    %dma_wait3A_232 = arith.constant 0 : i32
    %dma_wait3A_233 = arith.constant 0 : i32
    %dma_wait3A_234 = tpu.memref_slice %arg9[%dma_wait3A_229, %dma_wait3A_232, %dma_wait3A_233] : memref<4x128x64xf32, #tpu.memory_space<vmem>> -> memref<1x128x64xf32, #tpu.memory_space<vmem>>
    %dma_wait3A_235 = tpu.memref_squeeze %dma_wait3A_234 : memref<1x128x64xf32, #tpu.memory_space<vmem>> -> memref<128x64xf32, #tpu.memory_space<vmem>>
    %dma_wait3A_236 = arith.constant 0 : i32
    %dma_wait3A_237 = tpu.memref_slice %arg8[%dma_wait3A_230, %dma_wait3A_231, %dma_wait3A_236] : memref<8x2x128xi32, #tpu.memory_space<vmem>> -> memref<1x1x128xi32, #tpu.memory_space<vmem>>
    %dma_wait3A_238 = tpu.memref_squeeze %dma_wait3A_237 : memref<1x1x128xi32, #tpu.memory_space<vmem>> -> memref<128xi32, #tpu.memory_space<vmem>>
    %dma_wait3A_239 = arith.constant 0 : i32
    %dma_wait3A_240 = arith.constant 0 : i32
    %dma_wait3A_241 = tpu.memref_slice %arg10[%dma_wait3A_239, %dma_wait3A_240] : memref<10240x64xf32, #tpu.memory_space<vmem_shared>> -> memref<10240x64xf32, #tpu.memory_space<vmem_shared>>
    tpu.wait_indirect_dma semaphore(%arg25 : memref<!tpu.dma_semaphore, #tpu.memory_space<semaphore_mem>>) src(%dma_wait3A_235 : memref<128x64xf32, #tpu.memory_space<vmem>>) dst(%dma_wait3A_241 : memref<10240x64xf32, #tpu.memory_space<vmem_shared>>)
    %dma_wait3A_242 = arith.constant 2 : i32
    %dma_wait3A_243 = arith.constant 6 : i32
    %dma_wait3A_244 = arith.constant 1 : i32
    %dma_wait3A_245 = arith.constant 0 : i32
    %dma_wait3A_246 = arith.constant 0 : i32
    %dma_wait3A_247 = tpu.memref_slice %arg9[%dma_wait3A_242, %dma_wait3A_245, %dma_wait3A_246] : memref<4x128x64xf32, #tpu.memory_space<vmem>> -> memref<1x128x64xf32, #tpu.memory_space<vmem>>
    %dma_wait3A_248 = tpu.memref_squeeze %dma_wait3A_247 : memref<1x128x64xf32, #tpu.memory_space<vmem>> -> memref<128x64xf32, #tpu.memory_space<vmem>>
    %dma_wait3A_249 = arith.constant 0 : i32
    %dma_wait3A_250 = tpu.memref_slice %arg8[%dma_wait3A_243, %dma_wait3A_244, %dma_wait3A_249] : memref<8x2x128xi32, #tpu.memory_space<vmem>> -> memref<1x1x128xi32, #tpu.memory_space<vmem>>
    %dma_wait3A_251 = tpu.memref_squeeze %dma_wait3A_250 : memref<1x1x128xi32, #tpu.memory_space<vmem>> -> memref<128xi32, #tpu.memory_space<vmem>>
    %dma_wait3A_252 = arith.constant 0 : i32
    %dma_wait3A_253 = arith.constant 0 : i32
    %dma_wait3A_254 = tpu.memref_slice %arg10[%dma_wait3A_252, %dma_wait3A_253] : memref<10240x64xf32, #tpu.memory_space<vmem_shared>> -> memref<10240x64xf32, #tpu.memory_space<vmem_shared>>
    tpu.wait_indirect_dma semaphore(%arg26 : memref<!tpu.dma_semaphore, #tpu.memory_space<semaphore_mem>>) src(%dma_wait3A_248 : memref<128x64xf32, #tpu.memory_space<vmem>>) dst(%dma_wait3A_254 : memref<10240x64xf32, #tpu.memory_space<vmem_shared>>)
    %dma_wait3A_255 = arith.constant 3 : i32
    %dma_wait3A_256 = arith.constant 7 : i32
    %dma_wait3A_257 = arith.constant 1 : i32
    %dma_wait3A_258 = arith.constant 0 : i32
    %dma_wait3A_259 = arith.constant 0 : i32
    %dma_wait3A_260 = tpu.memref_slice %arg9[%dma_wait3A_255, %dma_wait3A_258, %dma_wait3A_259] : memref<4x128x64xf32, #tpu.memory_space<vmem>> -> memref<1x128x64xf32, #tpu.memory_space<vmem>>
    %dma_wait3A_261 = tpu.memref_squeeze %dma_wait3A_260 : memref<1x128x64xf32, #tpu.memory_space<vmem>> -> memref<128x64xf32, #tpu.memory_space<vmem>>
    %dma_wait3A_262 = arith.constant 0 : i32
    %dma_wait3A_263 = tpu.memref_slice %arg8[%dma_wait3A_256, %dma_wait3A_257, %dma_wait3A_262] : memref<8x2x128xi32, #tpu.memory_space<vmem>> -> memref<1x1x128xi32, #tpu.memory_space<vmem>>
    %dma_wait3A_264 = tpu.memref_squeeze %dma_wait3A_263 : memref<1x1x128xi32, #tpu.memory_space<vmem>> -> memref<128xi32, #tpu.memory_space<vmem>>
    %dma_wait3A_265 = arith.constant 0 : i32
    %dma_wait3A_266 = arith.constant 0 : i32
    %dma_wait3A_267 = tpu.memref_slice %arg10[%dma_wait3A_265, %dma_wait3A_266] : memref<10240x64xf32, #tpu.memory_space<vmem_shared>> -> memref<10240x64xf32, #tpu.memory_space<vmem_shared>>
    tpu.wait_indirect_dma semaphore(%arg27 : memref<!tpu.dma_semaphore, #tpu.memory_space<semaphore_mem>>) src(%dma_wait3A_261 : memref<128x64xf32, #tpu.memory_space<vmem>>) dst(%dma_wait3A_267 : memref<10240x64xf32, #tpu.memory_space<vmem_shared>>)
    %eq3A = arith.constant 0 : i32
    %eq3A_268 = arith.cmpi eq, %arg0, %eq3A : i32
    %convert_element_type3A = arith.extui %eq3A_268 : i1 to i32
    %cond3A = arith.constant 0 : i32
    %cond3A_269 = arith.cmpi ne, %convert_element_type3A, %cond3A : i32
    scf.if %cond3A_269 {
      %dma_wait3A_276 = arith.constant 4 : i32
      %dma_wait3A_277 = arith.constant 1 : i32
      %dma_wait3A_278 = arith.constant 0 : i32
      %dma_wait3A_279 = tpu.memref_slice %arg8[%dma_wait3A_276, %dma_wait3A_277, %dma_wait3A_278] : memref<8x2x128xi32, #tpu.memory_space<vmem>> -> memref<1x1x128xi32, #tpu.memory_space<vmem>>
      %dma_wait3A_280 = tpu.memref_squeeze %dma_wait3A_279 : memref<1x1x128xi32, #tpu.memory_space<vmem>> -> memref<128xi32, #tpu.memory_space<vmem>>
      %dma_wait3A_281 = arith.constant 0 : i32
      %dma_wait3A_282 = tpu.memref_slice %arg29[%dma_wait3A_281] : memref<10240xf32, #tpu.memory_space<vmem_shared>> -> memref<10240xf32, #tpu.memory_space<vmem_shared>>
      tpu.wait_indirect_dma semaphore(%arg30 : memref<!tpu.dma_semaphore, #tpu.memory_space<semaphore_mem>>) src(%arg28 : memref<128xf32, #tpu.memory_space<vmem>>) dst(%dma_wait3A_282 : memref<10240xf32, #tpu.memory_space<vmem_shared>>)
      %dma_wait3A_283 = arith.constant 5 : i32
      %dma_wait3A_284 = arith.constant 1 : i32
      %dma_wait3A_285 = arith.constant 0 : i32
      %dma_wait3A_286 = tpu.memref_slice %arg8[%dma_wait3A_283, %dma_wait3A_284, %dma_wait3A_285] : memref<8x2x128xi32, #tpu.memory_space<vmem>> -> memref<1x1x128xi32, #tpu.memory_space<vmem>>
      %dma_wait3A_287 = tpu.memref_squeeze %dma_wait3A_286 : memref<1x1x128xi32, #tpu.memory_space<vmem>> -> memref<128xi32, #tpu.memory_space<vmem>>
      %dma_wait3A_288 = arith.constant 0 : i32
      %dma_wait3A_289 = tpu.memref_slice %arg29[%dma_wait3A_288] : memref<10240xf32, #tpu.memory_space<vmem_shared>> -> memref<10240xf32, #tpu.memory_space<vmem_shared>>
      tpu.wait_indirect_dma semaphore(%arg30 : memref<!tpu.dma_semaphore, #tpu.memory_space<semaphore_mem>>) src(%arg28 : memref<128xf32, #tpu.memory_space<vmem>>) dst(%dma_wait3A_289 : memref<10240xf32, #tpu.memory_space<vmem_shared>>)
      %dma_wait3A_290 = arith.constant 6 : i32
      %dma_wait3A_291 = arith.constant 1 : i32
      %dma_wait3A_292 = arith.constant 0 : i32
      %dma_wait3A_293 = tpu.memref_slice %arg8[%dma_wait3A_290, %dma_wait3A_291, %dma_wait3A_292] : memref<8x2x128xi32, #tpu.memory_space<vmem>> -> memref<1x1x128xi32, #tpu.memory_space<vmem>>
      %dma_wait3A_294 = tpu.memref_squeeze %dma_wait3A_293 : memref<1x1x128xi32, #tpu.memory_space<vmem>> -> memref<128xi32, #tpu.memory_space<vmem>>
      %dma_wait3A_295 = arith.constant 0 : i32
      %dma_wait3A_296 = tpu.memref_slice %arg29[%dma_wait3A_295] : memref<10240xf32, #tpu.memory_space<vmem_shared>> -> memref<10240xf32, #tpu.memory_space<vmem_shared>>
      tpu.wait_indirect_dma semaphore(%arg30 : memref<!tpu.dma_semaphore, #tpu.memory_space<semaphore_mem>>) src(%arg28 : memref<128xf32, #tpu.memory_space<vmem>>) dst(%dma_wait3A_296 : memref<10240xf32, #tpu.memory_space<vmem_shared>>)
      %dma_wait3A_297 = arith.constant 7 : i32
      %dma_wait3A_298 = arith.constant 1 : i32
      %dma_wait3A_299 = arith.constant 0 : i32
      %dma_wait3A_300 = tpu.memref_slice %arg8[%dma_wait3A_297, %dma_wait3A_298, %dma_wait3A_299] : memref<8x2x128xi32, #tpu.memory_space<vmem>> -> memref<1x1x128xi32, #tpu.memory_space<vmem>>
      %dma_wait3A_301 = tpu.memref_squeeze %dma_wait3A_300 : memref<1x1x128xi32, #tpu.memory_space<vmem>> -> memref<128xi32, #tpu.memory_space<vmem>>
      %dma_wait3A_302 = arith.constant 0 : i32
      %dma_wait3A_303 = tpu.memref_slice %arg29[%dma_wait3A_302] : memref<10240xf32, #tpu.memory_space<vmem_shared>> -> memref<10240xf32, #tpu.memory_space<vmem_shared>>
      tpu.wait_indirect_dma semaphore(%arg30 : memref<!tpu.dma_semaphore, #tpu.memory_space<semaphore_mem>>) src(%arg28 : memref<128xf32, #tpu.memory_space<vmem>>) dst(%dma_wait3A_303 : memref<10240xf32, #tpu.memory_space<vmem_shared>>)
    } else {
    }
    %barrier3A_270 = arith.constant 0 : index
    tpu.barrier barrier_id(%barrier3A_270)
    "tpu.region"() ({
      %run_scoped3A = tpu.sem_alloc : memref<!tpu.dma_semaphore, #tpu.memory_space<semaphore_mem>>
      %dma_start3A_276 = arith.constant 0 : i32
      %dma_start3A_277 = tpu.memref_slice %arg6[%arg0, %mul3A_0, %dma_start3A_276] : memref<2x10240x64xf32, #tpu.memory_space<hbm>> -> memref<1x640x64xf32, #tpu.memory_space<hbm>>
      %dma_start3A_278 = tpu.memref_squeeze %dma_start3A_277 : memref<1x640x64xf32, #tpu.memory_space<hbm>> -> memref<640x64xf32, #tpu.memory_space<hbm>>
      %dma_start3A_279 = arith.constant 0 : i32
      %dma_start3A_280 = tpu.memref_slice %arg10[%mul3A_0, %dma_start3A_279] : memref<10240x64xf32, #tpu.memory_space<vmem_shared>> -> memref<640x64xf32, #tpu.memory_space<vmem_shared>>
      tpu.enqueue_dma source(%dma_start3A_280 : memref<640x64xf32, #tpu.memory_space<vmem_shared>>) target(%dma_start3A_278 : memref<640x64xf32, #tpu.memory_space<hbm>>) target_semaphore(%run_scoped3A : memref<!tpu.dma_semaphore, #tpu.memory_space<semaphore_mem>>)
      %dma_wait3A_281 = arith.constant 0 : i32
      %dma_wait3A_282 = tpu.memref_slice %arg6[%arg0, %mul3A_0, %dma_wait3A_281] : memref<2x10240x64xf32, #tpu.memory_space<hbm>> -> memref<1x640x64xf32, #tpu.memory_space<hbm>>
      %dma_wait3A_283 = tpu.memref_squeeze %dma_wait3A_282 : memref<1x640x64xf32, #tpu.memory_space<hbm>> -> memref<640x64xf32, #tpu.memory_space<hbm>>
      %dma_wait3A_284 = arith.constant 0 : i32
      %dma_wait3A_285 = tpu.memref_slice %arg10[%mul3A_0, %dma_wait3A_284] : memref<10240x64xf32, #tpu.memory_space<vmem_shared>> -> memref<640x64xf32, #tpu.memory_space<vmem_shared>>
      tpu.wait_dma2 semaphore(%run_scoped3A : memref<!tpu.dma_semaphore, #tpu.memory_space<semaphore_mem>>) src(%dma_wait3A_285 : memref<640x64xf32, #tpu.memory_space<vmem_shared>>) dst(%dma_wait3A_283 : memref<640x64xf32, #tpu.memory_space<hbm>>)
      tpu.yield
    }) : () -> ()
    %eq3A_271 = arith.constant 0 : i32
    %eq3A_272 = arith.cmpi eq, %arg0, %eq3A_271 : i32
    %convert_element_type3A_273 = arith.extui %eq3A_272 : i1 to i32
    %cond3A_274 = arith.constant 0 : i32
    %cond3A_275 = arith.cmpi ne, %convert_element_type3A_273, %cond3A_274 : i32
    scf.if %cond3A_275 {
      %run_scoped3A = arith.constant 0 : i32
      "tpu.region"() ({
        %run_scoped3A_276 = tpu.sem_alloc : memref<!tpu.dma_semaphore, #tpu.memory_space<semaphore_mem>>
        %dma_start3A_277 = tpu.memref_slice %arg7[%run_scoped3A, %mul3A_0] : memref<1x10240xf32, #tpu.memory_space<hbm>> -> memref<1x640xf32, #tpu.memory_space<hbm>>
        %dma_start3A_278 = tpu.memref_squeeze %dma_start3A_277 : memref<1x640xf32, #tpu.memory_space<hbm>> -> memref<640xf32, #tpu.memory_space<hbm>>
        %dma_start3A_279 = tpu.memref_slice %arg29[%mul3A_0] : memref<10240xf32, #tpu.memory_space<vmem_shared>> -> memref<640xf32, #tpu.memory_space<vmem_shared>>
        tpu.enqueue_dma source(%dma_start3A_279 : memref<640xf32, #tpu.memory_space<vmem_shared>>) target(%dma_start3A_278 : memref<640xf32, #tpu.memory_space<hbm>>) target_semaphore(%run_scoped3A_276 : memref<!tpu.dma_semaphore, #tpu.memory_space<semaphore_mem>>)
        %dma_wait3A_280 = tpu.memref_slice %arg7[%run_scoped3A, %mul3A_0] : memref<1x10240xf32, #tpu.memory_space<hbm>> -> memref<1x640xf32, #tpu.memory_space<hbm>>
        %dma_wait3A_281 = tpu.memref_squeeze %dma_wait3A_280 : memref<1x640xf32, #tpu.memory_space<hbm>> -> memref<640xf32, #tpu.memory_space<hbm>>
        %dma_wait3A_282 = tpu.memref_slice %arg29[%mul3A_0] : memref<10240xf32, #tpu.memory_space<vmem_shared>> -> memref<640xf32, #tpu.memory_space<vmem_shared>>
        tpu.wait_dma2 semaphore(%run_scoped3A_276 : memref<!tpu.dma_semaphore, #tpu.memory_space<semaphore_mem>>) src(%dma_wait3A_282 : memref<640xf32, #tpu.memory_space<vmem_shared>>) dst(%dma_wait3A_281 : memref<640xf32, #tpu.memory_space<hbm>>)
        tpu.yield
      }) : () -> ()
    } else {
    }
    return
  }
}

#map = affine_map<(d0, d1) -> (0, 0, 0)>
#map1 = affine_map<(d0, d1) -> (0, 0, 0, 0)>
#map2 = affine_map<(d0, d1) -> (0, 0)>
#map3 = affine_map<(d0, d1) -> (0)>
module attributes {stable_mosaic.version = 14 : i64} {
  func.func @body(%arg0: i32, %arg1: i32, %arg2: memref<2x10240x64xf32, #tpu.memory_space<hbm>>, %arg3: memref<16x160x2x128xi32, #tpu.memory_space<hbm>>, %arg4: memref<10240x64xf32, #tpu.memory_space<hbm>>, %arg5: memref<10240xf32, #tpu.memory_space<hbm>>, %arg6: memref<2x10240x64xf32, #tpu.memory_space<hbm>>, %arg7: memref<8x2x128xi32, #tpu.memory_space<vmem>>, %arg8: memref<4x128x64xf32, #tpu.memory_space<vmem>>, %arg9: memref<10240x64xf32, #tpu.memory_space<vmem_shared>>, %arg10: memref<10240x64xf32, #tpu.memory_space<vmem_shared>>, %arg11: memref<!tpu.dma_semaphore, #tpu.memory_space<semaphore_mem>>, %arg12: memref<!tpu.dma_semaphore, #tpu.memory_space<semaphore_mem>>, %arg13: memref<!tpu.dma_semaphore, #tpu.memory_space<semaphore_mem>>, %arg14: memref<!tpu.dma_semaphore, #tpu.memory_space<semaphore_mem>>, %arg15: memref<!tpu.dma_semaphore, #tpu.memory_space<semaphore_mem>>, %arg16: memref<!tpu.dma_semaphore, #tpu.memory_space<semaphore_mem>>, %arg17: memref<!tpu.dma_semaphore, #tpu.memory_space<semaphore_mem>>, %arg18: memref<!tpu.dma_semaphore, #tpu.memory_space<semaphore_mem>>, %arg19: memref<!tpu.dma_semaphore, #tpu.memory_space<semaphore_mem>>, %arg20: memref<!tpu.dma_semaphore, #tpu.memory_space<semaphore_mem>>, %arg21: memref<!tpu.dma_semaphore, #tpu.memory_space<semaphore_mem>>, %arg22: memref<!tpu.dma_semaphore, #tpu.memory_space<semaphore_mem>>, %arg23: memref<!tpu.dma_semaphore, #tpu.memory_space<semaphore_mem>>, %arg24: memref<!tpu.dma_semaphore, #tpu.memory_space<semaphore_mem>>, %arg25: memref<!tpu.dma_semaphore, #tpu.memory_space<semaphore_mem>>, %arg26: memref<!tpu.dma_semaphore, #tpu.memory_space<semaphore_mem>>) attributes {dimension_semantics = [#tpu.dimension_semantics<core_parallel>, #tpu.dimension_semantics<subcore_parallel>], iteration_bounds = array<i64: 2, 16>, scalar_prefetch = 0 : i64, scratch_operands = 20 : i64, tpu.core_type = #tpu.core_type<sc_vector_subcore>, window_params = [{transform_indices = #map}, {transform_indices = #map1}, {transform_indices = #map2}, {transform_indices = #map3}, {transform_indices = #map}]} {
    %mul3A = arith.constant 640 : i32
    %mul3A_0 = arith.muli %arg1, %mul3A : i32
    "tpu.region"() ({
      %run_scoped3A = tpu.sem_alloc : memref<!tpu.dma_semaphore, #tpu.memory_space<semaphore_mem>>
      %dma_start3A_223 = arith.constant 0 : i32
      %dma_start3A_224 = tpu.memref_slice %arg9[%mul3A_0, %dma_start3A_223] : memref<10240x64xf32, #tpu.memory_space<vmem_shared>> -> memref<640x64xf32, #tpu.memory_space<vmem_shared>>
      %dma_start3A_225 = arith.constant 0 : i32
      %dma_start3A_226 = tpu.memref_slice %arg4[%mul3A_0, %dma_start3A_225] : memref<10240x64xf32, #tpu.memory_space<hbm>> -> memref<640x64xf32, #tpu.memory_space<hbm>>
      tpu.enqueue_dma source(%dma_start3A_226 : memref<640x64xf32, #tpu.memory_space<hbm>>) target(%dma_start3A_224 : memref<640x64xf32, #tpu.memory_space<vmem_shared>>) target_semaphore(%run_scoped3A : memref<!tpu.dma_semaphore, #tpu.memory_space<semaphore_mem>>)
      %dma_wait3A_227 = arith.constant 0 : i32
      %dma_wait3A_228 = tpu.memref_slice %arg9[%mul3A_0, %dma_wait3A_227] : memref<10240x64xf32, #tpu.memory_space<vmem_shared>> -> memref<640x64xf32, #tpu.memory_space<vmem_shared>>
      %dma_wait3A_229 = arith.constant 0 : i32
      %dma_wait3A_230 = tpu.memref_slice %arg4[%mul3A_0, %dma_wait3A_229] : memref<10240x64xf32, #tpu.memory_space<hbm>> -> memref<640x64xf32, #tpu.memory_space<hbm>>
      tpu.wait_dma2 semaphore(%run_scoped3A : memref<!tpu.dma_semaphore, #tpu.memory_space<semaphore_mem>>) src(%dma_wait3A_230 : memref<640x64xf32, #tpu.memory_space<hbm>>) dst(%dma_wait3A_228 : memref<640x64xf32, #tpu.memory_space<vmem_shared>>)
      tpu.yield
    }) : () -> ()
    "tpu.region"() ({
      %run_scoped3A = tpu.sem_alloc : memref<!tpu.dma_semaphore, #tpu.memory_space<semaphore_mem>>
      %dma_start3A_223 = arith.constant 0 : i32
      %dma_start3A_224 = tpu.memref_slice %arg10[%mul3A_0, %dma_start3A_223] : memref<10240x64xf32, #tpu.memory_space<vmem_shared>> -> memref<640x64xf32, #tpu.memory_space<vmem_shared>>
      %dma_start3A_225 = arith.constant 0 : i32
      %dma_start3A_226 = tpu.memref_slice %arg2[%arg0, %mul3A_0, %dma_start3A_225] : memref<2x10240x64xf32, #tpu.memory_space<hbm>> -> memref<1x640x64xf32, #tpu.memory_space<hbm>>
      %dma_start3A_227 = tpu.memref_squeeze %dma_start3A_226 : memref<1x640x64xf32, #tpu.memory_space<hbm>> -> memref<640x64xf32, #tpu.memory_space<hbm>>
      tpu.enqueue_dma source(%dma_start3A_227 : memref<640x64xf32, #tpu.memory_space<hbm>>) target(%dma_start3A_224 : memref<640x64xf32, #tpu.memory_space<vmem_shared>>) target_semaphore(%run_scoped3A : memref<!tpu.dma_semaphore, #tpu.memory_space<semaphore_mem>>)
      %dma_wait3A_228 = arith.constant 0 : i32
      %dma_wait3A_229 = tpu.memref_slice %arg10[%mul3A_0, %dma_wait3A_228] : memref<10240x64xf32, #tpu.memory_space<vmem_shared>> -> memref<640x64xf32, #tpu.memory_space<vmem_shared>>
      %dma_wait3A_230 = arith.constant 0 : i32
      %dma_wait3A_231 = tpu.memref_slice %arg2[%arg0, %mul3A_0, %dma_wait3A_230] : memref<2x10240x64xf32, #tpu.memory_space<hbm>> -> memref<1x640x64xf32, #tpu.memory_space<hbm>>
      %dma_wait3A_232 = tpu.memref_squeeze %dma_wait3A_231 : memref<1x640x64xf32, #tpu.memory_space<hbm>> -> memref<640x64xf32, #tpu.memory_space<hbm>>
      tpu.wait_dma2 semaphore(%run_scoped3A : memref<!tpu.dma_semaphore, #tpu.memory_space<semaphore_mem>>) src(%dma_wait3A_232 : memref<640x64xf32, #tpu.memory_space<hbm>>) dst(%dma_wait3A_229 : memref<640x64xf32, #tpu.memory_space<vmem_shared>>)
      tpu.yield
    }) : () -> ()
    %barrier3A = arith.constant 0 : index
    tpu.barrier barrier_id(%barrier3A)
    %dma_start3A = arith.constant 0 : i32
    %dma_start3A_1 = arith.constant 0 : i32
    %dma_start3A_2 = arith.constant 0 : i32
    %dma_start3A_3 = arith.constant 0 : i32
    %dma_start3A_4 = tpu.memref_slice %arg7[%dma_start3A_1, %dma_start3A_2, %dma_start3A_3] : memref<8x2x128xi32, #tpu.memory_space<vmem>> -> memref<1x2x128xi32, #tpu.memory_space<vmem>>
    %dma_start3A_5 = tpu.memref_squeeze %dma_start3A_4 : memref<1x2x128xi32, #tpu.memory_space<vmem>> -> memref<2x128xi32, #tpu.memory_space<vmem>>
    %dma_start3A_6 = arith.constant 0 : i32
    %dma_start3A_7 = arith.constant 0 : i32
    %dma_start3A_8 = arith.constant 0 : i32
    %dma_start3A_9 = tpu.memref_slice %arg3[%arg1, %dma_start3A_6, %dma_start3A_7, %dma_start3A_8] : memref<16x160x2x128xi32, #tpu.memory_space<hbm>> -> memref<1x160x2x128xi32, #tpu.memory_space<hbm>>
    %dma_start3A_10 = tpu.memref_squeeze %dma_start3A_9 : memref<1x160x2x128xi32, #tpu.memory_space<hbm>> -> memref<160x2x128xi32, #tpu.memory_space<hbm>>
    %dma_start3A_11 = arith.constant 0 : i32
    %dma_start3A_12 = arith.constant 0 : i32
    %dma_start3A_13 = tpu.memref_slice %dma_start3A_10[%dma_start3A, %dma_start3A_11, %dma_start3A_12] : memref<160x2x128xi32, #tpu.memory_space<hbm>> -> memref<1x2x128xi32, #tpu.memory_space<hbm>>
    %dma_start3A_14 = tpu.memref_squeeze %dma_start3A_13 : memref<1x2x128xi32, #tpu.memory_space<hbm>> -> memref<2x128xi32, #tpu.memory_space<hbm>>
    %dma_start3A_15 = arith.constant 0 : i32
    %dma_start3A_16 = arith.constant 0 : i32
    %dma_start3A_17 = tpu.memref_slice %arg7[%dma_start3A_1, %dma_start3A_15, %dma_start3A_16] : memref<8x2x128xi32, #tpu.memory_space<vmem>> -> memref<1x2x128xi32, #tpu.memory_space<vmem>>
    %dma_start3A_18 = tpu.memref_squeeze %dma_start3A_17 : memref<1x2x128xi32, #tpu.memory_space<vmem>> -> memref<2x128xi32, #tpu.memory_space<vmem>>
    %dma_start3A_19 = arith.constant 0 : i32
    %dma_start3A_20 = arith.constant 0 : i32
    %dma_start3A_21 = arith.constant 0 : i32
    %dma_start3A_22 = tpu.memref_slice %arg3[%arg1, %dma_start3A_19, %dma_start3A_20, %dma_start3A_21] : memref<16x160x2x128xi32, #tpu.memory_space<hbm>> -> memref<1x160x2x128xi32, #tpu.memory_space<hbm>>
    %dma_start3A_23 = tpu.memref_squeeze %dma_start3A_22 : memref<1x160x2x128xi32, #tpu.memory_space<hbm>> -> memref<160x2x128xi32, #tpu.memory_space<hbm>>
    %dma_start3A_24 = arith.constant 0 : i32
    %dma_start3A_25 = arith.constant 0 : i32
    %dma_start3A_26 = tpu.memref_slice %dma_start3A_23[%dma_start3A, %dma_start3A_24, %dma_start3A_25] : memref<160x2x128xi32, #tpu.memory_space<hbm>> -> memref<1x2x128xi32, #tpu.memory_space<hbm>>
    %dma_start3A_27 = tpu.memref_squeeze %dma_start3A_26 : memref<1x2x128xi32, #tpu.memory_space<hbm>> -> memref<2x128xi32, #tpu.memory_space<hbm>>
    tpu.enqueue_dma source(%dma_start3A_27 : memref<2x128xi32, #tpu.memory_space<hbm>>) target(%dma_start3A_18 : memref<2x128xi32, #tpu.memory_space<vmem>>) target_semaphore(%arg11 : memref<!tpu.dma_semaphore, #tpu.memory_space<semaphore_mem>>)
    %dma_start3A_28 = arith.constant 1 : i32
    %dma_start3A_29 = arith.constant 1 : i32
    %dma_start3A_30 = arith.constant 0 : i32
    %dma_start3A_31 = arith.constant 0 : i32
    %dma_start3A_32 = tpu.memref_slice %arg7[%dma_start3A_29, %dma_start3A_30, %dma_start3A_31] : memref<8x2x128xi32, #tpu.memory_space<vmem>> -> memref<1x2x128xi32, #tpu.memory_space<vmem>>
    %dma_start3A_33 = tpu.memref_squeeze %dma_start3A_32 : memref<1x2x128xi32, #tpu.memory_space<vmem>> -> memref<2x128xi32, #tpu.memory_space<vmem>>
    %dma_start3A_34 = arith.constant 0 : i32
    %dma_start3A_35 = arith.constant 0 : i32
    %dma_start3A_36 = arith.constant 0 : i32
    %dma_start3A_37 = tpu.memref_slice %arg3[%arg1, %dma_start3A_34, %dma_start3A_35, %dma_start3A_36] : memref<16x160x2x128xi32, #tpu.memory_space<hbm>> -> memref<1x160x2x128xi32, #tpu.memory_space<hbm>>
    %dma_start3A_38 = tpu.memref_squeeze %dma_start3A_37 : memref<1x160x2x128xi32, #tpu.memory_space<hbm>> -> memref<160x2x128xi32, #tpu.memory_space<hbm>>
    %dma_start3A_39 = arith.constant 0 : i32
    %dma_start3A_40 = arith.constant 0 : i32
    %dma_start3A_41 = tpu.memref_slice %dma_start3A_38[%dma_start3A_28, %dma_start3A_39, %dma_start3A_40] : memref<160x2x128xi32, #tpu.memory_space<hbm>> -> memref<1x2x128xi32, #tpu.memory_space<hbm>>
    %dma_start3A_42 = tpu.memref_squeeze %dma_start3A_41 : memref<1x2x128xi32, #tpu.memory_space<hbm>> -> memref<2x128xi32, #tpu.memory_space<hbm>>
    %dma_start3A_43 = arith.constant 0 : i32
    %dma_start3A_44 = arith.constant 0 : i32
    %dma_start3A_45 = tpu.memref_slice %arg7[%dma_start3A_29, %dma_start3A_43, %dma_start3A_44] : memref<8x2x128xi32, #tpu.memory_space<vmem>> -> memref<1x2x128xi32, #tpu.memory_space<vmem>>
    %dma_start3A_46 = tpu.memref_squeeze %dma_start3A_45 : memref<1x2x128xi32, #tpu.memory_space<vmem>> -> memref<2x128xi32, #tpu.memory_space<vmem>>
    %dma_start3A_47 = arith.constant 0 : i32
    %dma_start3A_48 = arith.constant 0 : i32
    %dma_start3A_49 = arith.constant 0 : i32
    %dma_start3A_50 = tpu.memref_slice %arg3[%arg1, %dma_start3A_47, %dma_start3A_48, %dma_start3A_49] : memref<16x160x2x128xi32, #tpu.memory_space<hbm>> -> memref<1x160x2x128xi32, #tpu.memory_space<hbm>>
    %dma_start3A_51 = tpu.memref_squeeze %dma_start3A_50 : memref<1x160x2x128xi32, #tpu.memory_space<hbm>> -> memref<160x2x128xi32, #tpu.memory_space<hbm>>
    %dma_start3A_52 = arith.constant 0 : i32
    %dma_start3A_53 = arith.constant 0 : i32
    %dma_start3A_54 = tpu.memref_slice %dma_start3A_51[%dma_start3A_28, %dma_start3A_52, %dma_start3A_53] : memref<160x2x128xi32, #tpu.memory_space<hbm>> -> memref<1x2x128xi32, #tpu.memory_space<hbm>>
    %dma_start3A_55 = tpu.memref_squeeze %dma_start3A_54 : memref<1x2x128xi32, #tpu.memory_space<hbm>> -> memref<2x128xi32, #tpu.memory_space<hbm>>
    tpu.enqueue_dma source(%dma_start3A_55 : memref<2x128xi32, #tpu.memory_space<hbm>>) target(%dma_start3A_46 : memref<2x128xi32, #tpu.memory_space<vmem>>) target_semaphore(%arg12 : memref<!tpu.dma_semaphore, #tpu.memory_space<semaphore_mem>>)
    %dma_start3A_56 = arith.constant 2 : i32
    %dma_start3A_57 = arith.constant 2 : i32
    %dma_start3A_58 = arith.constant 0 : i32
    %dma_start3A_59 = arith.constant 0 : i32
    %dma_start3A_60 = tpu.memref_slice %arg7[%dma_start3A_57, %dma_start3A_58, %dma_start3A_59] : memref<8x2x128xi32, #tpu.memory_space<vmem>> -> memref<1x2x128xi32, #tpu.memory_space<vmem>>
    %dma_start3A_61 = tpu.memref_squeeze %dma_start3A_60 : memref<1x2x128xi32, #tpu.memory_space<vmem>> -> memref<2x128xi32, #tpu.memory_space<vmem>>
    %dma_start3A_62 = arith.constant 0 : i32
    %dma_start3A_63 = arith.constant 0 : i32
    %dma_start3A_64 = arith.constant 0 : i32
    %dma_start3A_65 = tpu.memref_slice %arg3[%arg1, %dma_start3A_62, %dma_start3A_63, %dma_start3A_64] : memref<16x160x2x128xi32, #tpu.memory_space<hbm>> -> memref<1x160x2x128xi32, #tpu.memory_space<hbm>>
    %dma_start3A_66 = tpu.memref_squeeze %dma_start3A_65 : memref<1x160x2x128xi32, #tpu.memory_space<hbm>> -> memref<160x2x128xi32, #tpu.memory_space<hbm>>
    %dma_start3A_67 = arith.constant 0 : i32
    %dma_start3A_68 = arith.constant 0 : i32
    %dma_start3A_69 = tpu.memref_slice %dma_start3A_66[%dma_start3A_56, %dma_start3A_67, %dma_start3A_68] : memref<160x2x128xi32, #tpu.memory_space<hbm>> -> memref<1x2x128xi32, #tpu.memory_space<hbm>>
    %dma_start3A_70 = tpu.memref_squeeze %dma_start3A_69 : memref<1x2x128xi32, #tpu.memory_space<hbm>> -> memref<2x128xi32, #tpu.memory_space<hbm>>
    %dma_start3A_71 = arith.constant 0 : i32
    %dma_start3A_72 = arith.constant 0 : i32
    %dma_start3A_73 = tpu.memref_slice %arg7[%dma_start3A_57, %dma_start3A_71, %dma_start3A_72] : memref<8x2x128xi32, #tpu.memory_space<vmem>> -> memref<1x2x128xi32, #tpu.memory_space<vmem>>
    %dma_start3A_74 = tpu.memref_squeeze %dma_start3A_73 : memref<1x2x128xi32, #tpu.memory_space<vmem>> -> memref<2x128xi32, #tpu.memory_space<vmem>>
    %dma_start3A_75 = arith.constant 0 : i32
    %dma_start3A_76 = arith.constant 0 : i32
    %dma_start3A_77 = arith.constant 0 : i32
    %dma_start3A_78 = tpu.memref_slice %arg3[%arg1, %dma_start3A_75, %dma_start3A_76, %dma_start3A_77] : memref<16x160x2x128xi32, #tpu.memory_space<hbm>> -> memref<1x160x2x128xi32, #tpu.memory_space<hbm>>
    %dma_start3A_79 = tpu.memref_squeeze %dma_start3A_78 : memref<1x160x2x128xi32, #tpu.memory_space<hbm>> -> memref<160x2x128xi32, #tpu.memory_space<hbm>>
    %dma_start3A_80 = arith.constant 0 : i32
    %dma_start3A_81 = arith.constant 0 : i32
    %dma_start3A_82 = tpu.memref_slice %dma_start3A_79[%dma_start3A_56, %dma_start3A_80, %dma_start3A_81] : memref<160x2x128xi32, #tpu.memory_space<hbm>> -> memref<1x2x128xi32, #tpu.memory_space<hbm>>
    %dma_start3A_83 = tpu.memref_squeeze %dma_start3A_82 : memref<1x2x128xi32, #tpu.memory_space<hbm>> -> memref<2x128xi32, #tpu.memory_space<hbm>>
    tpu.enqueue_dma source(%dma_start3A_83 : memref<2x128xi32, #tpu.memory_space<hbm>>) target(%dma_start3A_74 : memref<2x128xi32, #tpu.memory_space<vmem>>) target_semaphore(%arg13 : memref<!tpu.dma_semaphore, #tpu.memory_space<semaphore_mem>>)
    %dma_wait3A = arith.constant 0 : i32
    %dma_wait3A_84 = arith.constant 0 : i32
    %dma_wait3A_85 = arith.constant 0 : i32
    %dma_wait3A_86 = arith.constant 0 : i32
    %dma_wait3A_87 = tpu.memref_slice %arg7[%dma_wait3A_84, %dma_wait3A_85, %dma_wait3A_86] : memref<8x2x128xi32, #tpu.memory_space<vmem>> -> memref<1x2x128xi32, #tpu.memory_space<vmem>>
    %dma_wait3A_88 = tpu.memref_squeeze %dma_wait3A_87 : memref<1x2x128xi32, #tpu.memory_space<vmem>> -> memref<2x128xi32, #tpu.memory_space<vmem>>
    %dma_wait3A_89 = arith.constant 0 : i32
    %dma_wait3A_90 = arith.constant 0 : i32
    %dma_wait3A_91 = arith.constant 0 : i32
    %dma_wait3A_92 = tpu.memref_slice %arg3[%arg1, %dma_wait3A_89, %dma_wait3A_90, %dma_wait3A_91] : memref<16x160x2x128xi32, #tpu.memory_space<hbm>> -> memref<1x160x2x128xi32, #tpu.memory_space<hbm>>
    %dma_wait3A_93 = tpu.memref_squeeze %dma_wait3A_92 : memref<1x160x2x128xi32, #tpu.memory_space<hbm>> -> memref<160x2x128xi32, #tpu.memory_space<hbm>>
    %dma_wait3A_94 = arith.constant 0 : i32
    %dma_wait3A_95 = arith.constant 0 : i32
    %dma_wait3A_96 = tpu.memref_slice %dma_wait3A_93[%dma_wait3A, %dma_wait3A_94, %dma_wait3A_95] : memref<160x2x128xi32, #tpu.memory_space<hbm>> -> memref<1x2x128xi32, #tpu.memory_space<hbm>>
    %dma_wait3A_97 = tpu.memref_squeeze %dma_wait3A_96 : memref<1x2x128xi32, #tpu.memory_space<hbm>> -> memref<2x128xi32, #tpu.memory_space<hbm>>
    %dma_wait3A_98 = arith.constant 0 : i32
    %dma_wait3A_99 = arith.constant 0 : i32
    %dma_wait3A_100 = tpu.memref_slice %arg7[%dma_wait3A_84, %dma_wait3A_98, %dma_wait3A_99] : memref<8x2x128xi32, #tpu.memory_space<vmem>> -> memref<1x2x128xi32, #tpu.memory_space<vmem>>
    %dma_wait3A_101 = tpu.memref_squeeze %dma_wait3A_100 : memref<1x2x128xi32, #tpu.memory_space<vmem>> -> memref<2x128xi32, #tpu.memory_space<vmem>>
    %dma_wait3A_102 = arith.constant 0 : i32
    %dma_wait3A_103 = arith.constant 0 : i32
    %dma_wait3A_104 = arith.constant 0 : i32
    %dma_wait3A_105 = tpu.memref_slice %arg3[%arg1, %dma_wait3A_102, %dma_wait3A_103, %dma_wait3A_104] : memref<16x160x2x128xi32, #tpu.memory_space<hbm>> -> memref<1x160x2x128xi32, #tpu.memory_space<hbm>>
    %dma_wait3A_106 = tpu.memref_squeeze %dma_wait3A_105 : memref<1x160x2x128xi32, #tpu.memory_space<hbm>> -> memref<160x2x128xi32, #tpu.memory_space<hbm>>
    %dma_wait3A_107 = arith.constant 0 : i32
    %dma_wait3A_108 = arith.constant 0 : i32
    %dma_wait3A_109 = tpu.memref_slice %dma_wait3A_106[%dma_wait3A, %dma_wait3A_107, %dma_wait3A_108] : memref<160x2x128xi32, #tpu.memory_space<hbm>> -> memref<1x2x128xi32, #tpu.memory_space<hbm>>
    %dma_wait3A_110 = tpu.memref_squeeze %dma_wait3A_109 : memref<1x2x128xi32, #tpu.memory_space<hbm>> -> memref<2x128xi32, #tpu.memory_space<hbm>>
    tpu.wait_dma2 semaphore(%arg11 : memref<!tpu.dma_semaphore, #tpu.memory_space<semaphore_mem>>) src(%dma_wait3A_110 : memref<2x128xi32, #tpu.memory_space<hbm>>) dst(%dma_wait3A_101 : memref<2x128xi32, #tpu.memory_space<vmem>>)
    %dma_start3A_111 = arith.constant 0 : i32
    %dma_start3A_112 = arith.constant 0 : i32
    %dma_start3A_113 = arith.constant 0 : i32
    %dma_start3A_114 = arith.constant 0 : i32
    %dma_start3A_115 = arith.constant 0 : i32
    %dma_start3A_116 = tpu.memref_slice %arg8[%dma_start3A_113, %dma_start3A_114, %dma_start3A_115] : memref<4x128x64xf32, #tpu.memory_space<vmem>> -> memref<1x128x64xf32, #tpu.memory_space<vmem>>
    %dma_start3A_117 = tpu.memref_squeeze %dma_start3A_116 : memref<1x128x64xf32, #tpu.memory_space<vmem>> -> memref<128x64xf32, #tpu.memory_space<vmem>>
    %dma_start3A_118 = arith.constant 0 : i32
    %dma_start3A_119 = tpu.memref_slice %arg7[%dma_start3A_111, %dma_start3A_112, %dma_start3A_118] : memref<8x2x128xi32, #tpu.memory_space<vmem>> -> memref<1x1x128xi32, #tpu.memory_space<vmem>>
    %dma_start3A_120 = tpu.memref_squeeze %dma_start3A_119 : memref<1x1x128xi32, #tpu.memory_space<vmem>> -> memref<128xi32, #tpu.memory_space<vmem>>
    %dma_start3A_121 = arith.constant 0 : i32
    %dma_start3A_122 = arith.constant 0 : i32
    %dma_start3A_123 = tpu.memref_slice %arg10[%dma_start3A_121, %dma_start3A_122] : memref<10240x64xf32, #tpu.memory_space<vmem_shared>> -> memref<10240x64xf32, #tpu.memory_space<vmem_shared>>
    tpu.enqueue_indirect_dma source(%dma_start3A_123 : memref<10240x64xf32, #tpu.memory_space<vmem_shared>>) target(%dma_start3A_117 : memref<128x64xf32, #tpu.memory_space<vmem>>) offsets(%dma_start3A_120 : memref<128xi32, #tpu.memory_space<vmem>>) semaphore(%arg19 : memref<!tpu.dma_semaphore, #tpu.memory_space<semaphore_mem>>)
    %dma_wait3A_124 = arith.constant 1 : i32
    %dma_wait3A_125 = arith.constant 1 : i32
    %dma_wait3A_126 = arith.constant 0 : i32
    %dma_wait3A_127 = arith.constant 0 : i32
    %dma_wait3A_128 = tpu.memref_slice %arg7[%dma_wait3A_125, %dma_wait3A_126, %dma_wait3A_127] : memref<8x2x128xi32, #tpu.memory_space<vmem>> -> memref<1x2x128xi32, #tpu.memory_space<vmem>>
    %dma_wait3A_129 = tpu.memref_squeeze %dma_wait3A_128 : memref<1x2x128xi32, #tpu.memory_space<vmem>> -> memref<2x128xi32, #tpu.memory_space<vmem>>
    %dma_wait3A_130 = arith.constant 0 : i32
    %dma_wait3A_131 = arith.constant 0 : i32
    %dma_wait3A_132 = arith.constant 0 : i32
    %dma_wait3A_133 = tpu.memref_slice %arg3[%arg1, %dma_wait3A_130, %dma_wait3A_131, %dma_wait3A_132] : memref<16x160x2x128xi32, #tpu.memory_space<hbm>> -> memref<1x160x2x128xi32, #tpu.memory_space<hbm>>
    %dma_wait3A_134 = tpu.memref_squeeze %dma_wait3A_133 : memref<1x160x2x128xi32, #tpu.memory_space<hbm>> -> memref<160x2x128xi32, #tpu.memory_space<hbm>>
    %dma_wait3A_135 = arith.constant 0 : i32
    %dma_wait3A_136 = arith.constant 0 : i32
    %dma_wait3A_137 = tpu.memref_slice %dma_wait3A_134[%dma_wait3A_124, %dma_wait3A_135, %dma_wait3A_136] : memref<160x2x128xi32, #tpu.memory_space<hbm>> -> memref<1x2x128xi32, #tpu.memory_space<hbm>>
    %dma_wait3A_138 = tpu.memref_squeeze %dma_wait3A_137 : memref<1x2x128xi32, #tpu.memory_space<hbm>> -> memref<2x128xi32, #tpu.memory_space<hbm>>
    %dma_wait3A_139 = arith.constant 0 : i32
    %dma_wait3A_140 = arith.constant 0 : i32
    %dma_wait3A_141 = tpu.memref_slice %arg7[%dma_wait3A_125, %dma_wait3A_139, %dma_wait3A_140] : memref<8x2x128xi32, #tpu.memory_space<vmem>> -> memref<1x2x128xi32, #tpu.memory_space<vmem>>
    %dma_wait3A_142 = tpu.memref_squeeze %dma_wait3A_141 : memref<1x2x128xi32, #tpu.memory_space<vmem>> -> memref<2x128xi32, #tpu.memory_space<vmem>>
    %dma_wait3A_143 = arith.constant 0 : i32
    %dma_wait3A_144 = arith.constant 0 : i32
    %dma_wait3A_145 = arith.constant 0 : i32
    %dma_wait3A_146 = tpu.memref_slice %arg3[%arg1, %dma_wait3A_143, %dma_wait3A_144, %dma_wait3A_145] : memref<16x160x2x128xi32, #tpu.memory_space<hbm>> -> memref<1x160x2x128xi32, #tpu.memory_space<hbm>>
    %dma_wait3A_147 = tpu.memref_squeeze %dma_wait3A_146 : memref<1x160x2x128xi32, #tpu.memory_space<hbm>> -> memref<160x2x128xi32, #tpu.memory_space<hbm>>
    %dma_wait3A_148 = arith.constant 0 : i32
    %dma_wait3A_149 = arith.constant 0 : i32
    %dma_wait3A_150 = tpu.memref_slice %dma_wait3A_147[%dma_wait3A_124, %dma_wait3A_148, %dma_wait3A_149] : memref<160x2x128xi32, #tpu.memory_space<hbm>> -> memref<1x2x128xi32, #tpu.memory_space<hbm>>
    %dma_wait3A_151 = tpu.memref_squeeze %dma_wait3A_150 : memref<1x2x128xi32, #tpu.memory_space<hbm>> -> memref<2x128xi32, #tpu.memory_space<hbm>>
    tpu.wait_dma2 semaphore(%arg12 : memref<!tpu.dma_semaphore, #tpu.memory_space<semaphore_mem>>) src(%dma_wait3A_151 : memref<2x128xi32, #tpu.memory_space<hbm>>) dst(%dma_wait3A_142 : memref<2x128xi32, #tpu.memory_space<vmem>>)
    %dma_start3A_152 = arith.constant 1 : i32
    %dma_start3A_153 = arith.constant 0 : i32
    %dma_start3A_154 = arith.constant 1 : i32
    %dma_start3A_155 = arith.constant 0 : i32
    %dma_start3A_156 = arith.constant 0 : i32
    %dma_start3A_157 = tpu.memref_slice %arg8[%dma_start3A_154, %dma_start3A_155, %dma_start3A_156] : memref<4x128x64xf32, #tpu.memory_space<vmem>> -> memref<1x128x64xf32, #tpu.memory_space<vmem>>
    %dma_start3A_158 = tpu.memref_squeeze %dma_start3A_157 : memref<1x128x64xf32, #tpu.memory_space<vmem>> -> memref<128x64xf32, #tpu.memory_space<vmem>>
    %dma_start3A_159 = arith.constant 0 : i32
    %dma_start3A_160 = tpu.memref_slice %arg7[%dma_start3A_152, %dma_start3A_153, %dma_start3A_159] : memref<8x2x128xi32, #tpu.memory_space<vmem>> -> memref<1x1x128xi32, #tpu.memory_space<vmem>>
    %dma_start3A_161 = tpu.memref_squeeze %dma_start3A_160 : memref<1x1x128xi32, #tpu.memory_space<vmem>> -> memref<128xi32, #tpu.memory_space<vmem>>
    %dma_start3A_162 = arith.constant 0 : i32
    %dma_start3A_163 = arith.constant 0 : i32
    %dma_start3A_164 = tpu.memref_slice %arg10[%dma_start3A_162, %dma_start3A_163] : memref<10240x64xf32, #tpu.memory_space<vmem_shared>> -> memref<10240x64xf32, #tpu.memory_space<vmem_shared>>
    tpu.enqueue_indirect_dma source(%dma_start3A_164 : memref<10240x64xf32, #tpu.memory_space<vmem_shared>>) target(%dma_start3A_158 : memref<128x64xf32, #tpu.memory_space<vmem>>) offsets(%dma_start3A_161 : memref<128xi32, #tpu.memory_space<vmem>>) semaphore(%arg20 : memref<!tpu.dma_semaphore, #tpu.memory_space<semaphore_mem>>)
    %scan3A = arith.constant 0 : i32
    %scan3A_165 = arith.constant 0 : i32
    %scan3A_166 = arith.constant 20 : i32
    %scan3A_167 = arith.addi %scan3A_165, %scan3A_166 : i32
    %scan3A_168 = arith.constant 1 : i32
    scf.for %scan3A_223 = %scan3A_165 to %scan3A_167 step %scan3A_168  : i32 {
      %mul3A_224 = arith.constant 8 : i32
      %mul3A_225 = arith.muli %scan3A_223, %mul3A_224 : i32
      %add3A = arith.constant 0 : i32
      %add3A_226 = arith.addi %mul3A_225, %add3A : i32
      %add3A_227 = arith.constant 3 : i32
      %add3A_228 = arith.addi %add3A_226, %add3A_227 : i32
      %lt3A = arith.constant 160 : i32
      %lt3A_229 = arith.cmpi slt, %add3A_228, %lt3A : i32
      %convert_element_type3A = arith.extui %lt3A_229 : i1 to i32
      %cond3A = arith.constant 0 : i32
      %cond3A_230 = arith.cmpi ne, %convert_element_type3A, %cond3A : i32
      scf.if %cond3A_230 {
        %dma_start3A_572 = arith.constant 3 : i32
        %dma_start3A_573 = arith.constant 0 : i32
        %dma_start3A_574 = arith.constant 0 : i32
        %dma_start3A_575 = tpu.memref_slice %arg7[%dma_start3A_572, %dma_start3A_573, %dma_start3A_574] : memref<8x2x128xi32, #tpu.memory_space<vmem>> -> memref<1x2x128xi32, #tpu.memory_space<vmem>>
        %dma_start3A_576 = tpu.memref_squeeze %dma_start3A_575 : memref<1x2x128xi32, #tpu.memory_space<vmem>> -> memref<2x128xi32, #tpu.memory_space<vmem>>
        %dma_start3A_577 = arith.constant 0 : i32
        %dma_start3A_578 = arith.constant 0 : i32
        %dma_start3A_579 = arith.constant 0 : i32
        %dma_start3A_580 = tpu.memref_slice %arg3[%arg1, %dma_start3A_577, %dma_start3A_578, %dma_start3A_579] : memref<16x160x2x128xi32, #tpu.memory_space<hbm>> -> memref<1x160x2x128xi32, #tpu.memory_space<hbm>>
        %dma_start3A_581 = tpu.memref_squeeze %dma_start3A_580 : memref<1x160x2x128xi32, #tpu.memory_space<hbm>> -> memref<160x2x128xi32, #tpu.memory_space<hbm>>
        %dma_start3A_582 = arith.constant 0 : i32
        %dma_start3A_583 = arith.constant 0 : i32
        %dma_start3A_584 = tpu.memref_slice %dma_start3A_581[%add3A_228, %dma_start3A_582, %dma_start3A_583] : memref<160x2x128xi32, #tpu.memory_space<hbm>> -> memref<1x2x128xi32, #tpu.memory_space<hbm>>
        %dma_start3A_585 = tpu.memref_squeeze %dma_start3A_584 : memref<1x2x128xi32, #tpu.memory_space<hbm>> -> memref<2x128xi32, #tpu.memory_space<hbm>>
        %dma_start3A_586 = arith.constant 0 : i32
        %dma_start3A_587 = arith.constant 0 : i32
        %dma_start3A_588 = tpu.memref_slice %arg7[%dma_start3A_572, %dma_start3A_586, %dma_start3A_587] : memref<8x2x128xi32, #tpu.memory_space<vmem>> -> memref<1x2x128xi32, #tpu.memory_space<vmem>>
        %dma_start3A_589 = tpu.memref_squeeze %dma_start3A_588 : memref<1x2x128xi32, #tpu.memory_space<vmem>> -> memref<2x128xi32, #tpu.memory_space<vmem>>
        %dma_start3A_590 = arith.constant 0 : i32
        %dma_start3A_591 = arith.constant 0 : i32
        %dma_start3A_592 = arith.constant 0 : i32
        %dma_start3A_593 = tpu.memref_slice %arg3[%arg1, %dma_start3A_590, %dma_start3A_591, %dma_start3A_592] : memref<16x160x2x128xi32, #tpu.memory_space<hbm>> -> memref<1x160x2x128xi32, #tpu.memory_space<hbm>>
        %dma_start3A_594 = tpu.memref_squeeze %dma_start3A_593 : memref<1x160x2x128xi32, #tpu.memory_space<hbm>> -> memref<160x2x128xi32, #tpu.memory_space<hbm>>
        %dma_start3A_595 = arith.constant 0 : i32
        %dma_start3A_596 = arith.constant 0 : i32
        %dma_start3A_597 = tpu.memref_slice %dma_start3A_594[%add3A_228, %dma_start3A_595, %dma_start3A_596] : memref<160x2x128xi32, #tpu.memory_space<hbm>> -> memref<1x2x128xi32, #tpu.memory_space<hbm>>
        %dma_start3A_598 = tpu.memref_squeeze %dma_start3A_597 : memref<1x2x128xi32, #tpu.memory_space<hbm>> -> memref<2x128xi32, #tpu.memory_space<hbm>>
        tpu.enqueue_dma source(%dma_start3A_598 : memref<2x128xi32, #tpu.memory_space<hbm>>) target(%dma_start3A_589 : memref<2x128xi32, #tpu.memory_space<vmem>>) target_semaphore(%arg14 : memref<!tpu.dma_semaphore, #tpu.memory_space<semaphore_mem>>)
      } else {
      }
      %add3A_231 = arith.constant 2 : i32
      %add3A_232 = arith.addi %add3A_226, %add3A_231 : i32
      %lt3A_233 = arith.constant 160 : i32
      %lt3A_234 = arith.cmpi slt, %add3A_232, %lt3A_233 : i32
      %convert_element_type3A_235 = arith.extui %lt3A_234 : i1 to i32
      %cond3A_236 = arith.constant 0 : i32
      %cond3A_237 = arith.cmpi ne, %convert_element_type3A_235, %cond3A_236 : i32
      scf.if %cond3A_237 {
        %dma_wait3A_572 = arith.constant 2 : i32
        %dma_wait3A_573 = arith.constant 0 : i32
        %dma_wait3A_574 = arith.constant 0 : i32
        %dma_wait3A_575 = tpu.memref_slice %arg7[%dma_wait3A_572, %dma_wait3A_573, %dma_wait3A_574] : memref<8x2x128xi32, #tpu.memory_space<vmem>> -> memref<1x2x128xi32, #tpu.memory_space<vmem>>
        %dma_wait3A_576 = tpu.memref_squeeze %dma_wait3A_575 : memref<1x2x128xi32, #tpu.memory_space<vmem>> -> memref<2x128xi32, #tpu.memory_space<vmem>>
        %dma_wait3A_577 = arith.constant 0 : i32
        %dma_wait3A_578 = arith.constant 0 : i32
        %dma_wait3A_579 = arith.constant 0 : i32
        %dma_wait3A_580 = tpu.memref_slice %arg3[%arg1, %dma_wait3A_577, %dma_wait3A_578, %dma_wait3A_579] : memref<16x160x2x128xi32, #tpu.memory_space<hbm>> -> memref<1x160x2x128xi32, #tpu.memory_space<hbm>>
        %dma_wait3A_581 = tpu.memref_squeeze %dma_wait3A_580 : memref<1x160x2x128xi32, #tpu.memory_space<hbm>> -> memref<160x2x128xi32, #tpu.memory_space<hbm>>
        %dma_wait3A_582 = arith.constant 0 : i32
        %dma_wait3A_583 = arith.constant 0 : i32
        %dma_wait3A_584 = tpu.memref_slice %dma_wait3A_581[%add3A_232, %dma_wait3A_582, %dma_wait3A_583] : memref<160x2x128xi32, #tpu.memory_space<hbm>> -> memref<1x2x128xi32, #tpu.memory_space<hbm>>
        %dma_wait3A_585 = tpu.memref_squeeze %dma_wait3A_584 : memref<1x2x128xi32, #tpu.memory_space<hbm>> -> memref<2x128xi32, #tpu.memory_space<hbm>>
        %dma_wait3A_586 = arith.constant 0 : i32
        %dma_wait3A_587 = arith.constant 0 : i32
        %dma_wait3A_588 = tpu.memref_slice %arg7[%dma_wait3A_572, %dma_wait3A_586, %dma_wait3A_587] : memref<8x2x128xi32, #tpu.memory_space<vmem>> -> memref<1x2x128xi32, #tpu.memory_space<vmem>>
        %dma_wait3A_589 = tpu.memref_squeeze %dma_wait3A_588 : memref<1x2x128xi32, #tpu.memory_space<vmem>> -> memref<2x128xi32, #tpu.memory_space<vmem>>
        %dma_wait3A_590 = arith.constant 0 : i32
        %dma_wait3A_591 = arith.constant 0 : i32
        %dma_wait3A_592 = arith.constant 0 : i32
        %dma_wait3A_593 = tpu.memref_slice %arg3[%arg1, %dma_wait3A_590, %dma_wait3A_591, %dma_wait3A_592] : memref<16x160x2x128xi32, #tpu.memory_space<hbm>> -> memref<1x160x2x128xi32, #tpu.memory_space<hbm>>
        %dma_wait3A_594 = tpu.memref_squeeze %dma_wait3A_593 : memref<1x160x2x128xi32, #tpu.memory_space<hbm>> -> memref<160x2x128xi32, #tpu.memory_space<hbm>>
        %dma_wait3A_595 = arith.constant 0 : i32
        %dma_wait3A_596 = arith.constant 0 : i32
        %dma_wait3A_597 = tpu.memref_slice %dma_wait3A_594[%add3A_232, %dma_wait3A_595, %dma_wait3A_596] : memref<160x2x128xi32, #tpu.memory_space<hbm>> -> memref<1x2x128xi32, #tpu.memory_space<hbm>>
        %dma_wait3A_598 = tpu.memref_squeeze %dma_wait3A_597 : memref<1x2x128xi32, #tpu.memory_space<hbm>> -> memref<2x128xi32, #tpu.memory_space<hbm>>
        tpu.wait_dma2 semaphore(%arg13 : memref<!tpu.dma_semaphore, #tpu.memory_space<semaphore_mem>>) src(%dma_wait3A_598 : memref<2x128xi32, #tpu.memory_space<hbm>>) dst(%dma_wait3A_589 : memref<2x128xi32, #tpu.memory_space<vmem>>)
        %ge3A = arith.constant 4 : i32
        %ge3A_599 = arith.cmpi sge, %add3A_232, %ge3A : i32
        %convert_element_type3A_600 = arith.extui %ge3A_599 : i1 to i32
        %cond3A_601 = arith.constant 0 : i32
        %cond3A_602 = arith.cmpi ne, %convert_element_type3A_600, %cond3A_601 : i32
        scf.if %cond3A_602 {
          %dma_wait3A_616 = arith.constant 2 : i32
          %dma_wait3A_617 = arith.constant 6 : i32
          %dma_wait3A_618 = arith.constant 1 : i32
          %dma_wait3A_619 = arith.constant 0 : i32
          %dma_wait3A_620 = arith.constant 0 : i32
          %dma_wait3A_621 = tpu.memref_slice %arg8[%dma_wait3A_616, %dma_wait3A_619, %dma_wait3A_620] : memref<4x128x64xf32, #tpu.memory_space<vmem>> -> memref<1x128x64xf32, #tpu.memory_space<vmem>>
          %dma_wait3A_622 = tpu.memref_squeeze %dma_wait3A_621 : memref<1x128x64xf32, #tpu.memory_space<vmem>> -> memref<128x64xf32, #tpu.memory_space<vmem>>
          %dma_wait3A_623 = arith.constant 0 : i32
          %dma_wait3A_624 = tpu.memref_slice %arg7[%dma_wait3A_617, %dma_wait3A_618, %dma_wait3A_623] : memref<8x2x128xi32, #tpu.memory_space<vmem>> -> memref<1x1x128xi32, #tpu.memory_space<vmem>>
          %dma_wait3A_625 = tpu.memref_squeeze %dma_wait3A_624 : memref<1x1x128xi32, #tpu.memory_space<vmem>> -> memref<128xi32, #tpu.memory_space<vmem>>
          %dma_wait3A_626 = arith.constant 0 : i32
          %dma_wait3A_627 = arith.constant 0 : i32
          %dma_wait3A_628 = tpu.memref_slice %arg9[%dma_wait3A_626, %dma_wait3A_627] : memref<10240x64xf32, #tpu.memory_space<vmem_shared>> -> memref<10240x64xf32, #tpu.memory_space<vmem_shared>>
          tpu.wait_indirect_dma semaphore(%arg25 : memref<!tpu.dma_semaphore, #tpu.memory_space<semaphore_mem>>) src(%dma_wait3A_622 : memref<128x64xf32, #tpu.memory_space<vmem>>) dst(%dma_wait3A_628 : memref<10240x64xf32, #tpu.memory_space<vmem_shared>>)
        } else {
        }
        %dma_start3A_603 = arith.constant 2 : i32
        %dma_start3A_604 = arith.constant 0 : i32
        %dma_start3A_605 = arith.constant 2 : i32
        %dma_start3A_606 = arith.constant 0 : i32
        %dma_start3A_607 = arith.constant 0 : i32
        %dma_start3A_608 = tpu.memref_slice %arg8[%dma_start3A_605, %dma_start3A_606, %dma_start3A_607] : memref<4x128x64xf32, #tpu.memory_space<vmem>> -> memref<1x128x64xf32, #tpu.memory_space<vmem>>
        %dma_start3A_609 = tpu.memref_squeeze %dma_start3A_608 : memref<1x128x64xf32, #tpu.memory_space<vmem>> -> memref<128x64xf32, #tpu.memory_space<vmem>>
        %dma_start3A_610 = arith.constant 0 : i32
        %dma_start3A_611 = tpu.memref_slice %arg7[%dma_start3A_603, %dma_start3A_604, %dma_start3A_610] : memref<8x2x128xi32, #tpu.memory_space<vmem>> -> memref<1x1x128xi32, #tpu.memory_space<vmem>>
        %dma_start3A_612 = tpu.memref_squeeze %dma_start3A_611 : memref<1x1x128xi32, #tpu.memory_space<vmem>> -> memref<128xi32, #tpu.memory_space<vmem>>
        %dma_start3A_613 = arith.constant 0 : i32
        %dma_start3A_614 = arith.constant 0 : i32
        %dma_start3A_615 = tpu.memref_slice %arg10[%dma_start3A_613, %dma_start3A_614] : memref<10240x64xf32, #tpu.memory_space<vmem_shared>> -> memref<10240x64xf32, #tpu.memory_space<vmem_shared>>
        tpu.enqueue_indirect_dma source(%dma_start3A_615 : memref<10240x64xf32, #tpu.memory_space<vmem_shared>>) target(%dma_start3A_609 : memref<128x64xf32, #tpu.memory_space<vmem>>) offsets(%dma_start3A_612 : memref<128xi32, #tpu.memory_space<vmem>>) semaphore(%arg21 : memref<!tpu.dma_semaphore, #tpu.memory_space<semaphore_mem>>)
      } else {
      }
      %dma_wait3A_238 = arith.constant 0 : i32
      %dma_wait3A_239 = arith.constant 0 : i32
      %dma_wait3A_240 = arith.constant 0 : i32
      %dma_wait3A_241 = arith.constant 0 : i32
      %dma_wait3A_242 = arith.constant 0 : i32
      %dma_wait3A_243 = tpu.memref_slice %arg8[%dma_wait3A_240, %dma_wait3A_241, %dma_wait3A_242] : memref<4x128x64xf32, #tpu.memory_space<vmem>> -> memref<1x128x64xf32, #tpu.memory_space<vmem>>
      %dma_wait3A_244 = tpu.memref_squeeze %dma_wait3A_243 : memref<1x128x64xf32, #tpu.memory_space<vmem>> -> memref<128x64xf32, #tpu.memory_space<vmem>>
      %dma_wait3A_245 = arith.constant 0 : i32
      %dma_wait3A_246 = tpu.memref_slice %arg7[%dma_wait3A_238, %dma_wait3A_239, %dma_wait3A_245] : memref<8x2x128xi32, #tpu.memory_space<vmem>> -> memref<1x1x128xi32, #tpu.memory_space<vmem>>
      %dma_wait3A_247 = tpu.memref_squeeze %dma_wait3A_246 : memref<1x1x128xi32, #tpu.memory_space<vmem>> -> memref<128xi32, #tpu.memory_space<vmem>>
      %dma_wait3A_248 = arith.constant 0 : i32
      %dma_wait3A_249 = arith.constant 0 : i32
      %dma_wait3A_250 = tpu.memref_slice %arg10[%dma_wait3A_248, %dma_wait3A_249] : memref<10240x64xf32, #tpu.memory_space<vmem_shared>> -> memref<10240x64xf32, #tpu.memory_space<vmem_shared>>
      tpu.wait_indirect_dma semaphore(%arg19 : memref<!tpu.dma_semaphore, #tpu.memory_space<semaphore_mem>>) src(%dma_wait3A_250 : memref<10240x64xf32, #tpu.memory_space<vmem_shared>>) dst(%dma_wait3A_244 : memref<128x64xf32, #tpu.memory_space<vmem>>)
      %dma_start3A_251 = arith.constant 0 : i32
      %dma_start3A_252 = arith.constant 0 : i32
      %dma_start3A_253 = arith.constant 1 : i32
      %dma_start3A_254 = arith.constant 0 : i32
      %dma_start3A_255 = arith.constant 0 : i32
      %dma_start3A_256 = tpu.memref_slice %arg8[%dma_start3A_251, %dma_start3A_254, %dma_start3A_255] : memref<4x128x64xf32, #tpu.memory_space<vmem>> -> memref<1x128x64xf32, #tpu.memory_space<vmem>>
      %dma_start3A_257 = tpu.memref_squeeze %dma_start3A_256 : memref<1x128x64xf32, #tpu.memory_space<vmem>> -> memref<128x64xf32, #tpu.memory_space<vmem>>
      %dma_start3A_258 = arith.constant 0 : i32
      %dma_start3A_259 = tpu.memref_slice %arg7[%dma_start3A_252, %dma_start3A_253, %dma_start3A_258] : memref<8x2x128xi32, #tpu.memory_space<vmem>> -> memref<1x1x128xi32, #tpu.memory_space<vmem>>
      %dma_start3A_260 = tpu.memref_squeeze %dma_start3A_259 : memref<1x1x128xi32, #tpu.memory_space<vmem>> -> memref<128xi32, #tpu.memory_space<vmem>>
      %dma_start3A_261 = arith.constant 0 : i32
      %dma_start3A_262 = arith.constant 0 : i32
      %dma_start3A_263 = tpu.memref_slice %arg9[%dma_start3A_261, %dma_start3A_262] : memref<10240x64xf32, #tpu.memory_space<vmem_shared>> -> memref<10240x64xf32, #tpu.memory_space<vmem_shared>>
      tpu.enqueue_indirect_dma source(%dma_start3A_257 : memref<128x64xf32, #tpu.memory_space<vmem>>) target(%dma_start3A_263 : memref<10240x64xf32, #tpu.memory_space<vmem_shared>>) offsets(%dma_start3A_260 : memref<128xi32, #tpu.memory_space<vmem>>) semaphore(%arg23 : memref<!tpu.dma_semaphore, #tpu.memory_space<semaphore_mem>>) {add = true}
      %mul3A_264 = arith.constant 8 : i32
      %mul3A_265 = arith.muli %scan3A_223, %mul3A_264 : i32
      %add3A_266 = arith.constant 1 : i32
      %add3A_267 = arith.addi %mul3A_265, %add3A_266 : i32
      %add3A_268 = arith.constant 3 : i32
      %add3A_269 = arith.addi %add3A_267, %add3A_268 : i32
      %lt3A_270 = arith.constant 160 : i32
      %lt3A_271 = arith.cmpi slt, %add3A_269, %lt3A_270 : i32
      %convert_element_type3A_272 = arith.extui %lt3A_271 : i1 to i32
      %cond3A_273 = arith.constant 0 : i32
      %cond3A_274 = arith.cmpi ne, %convert_element_type3A_272, %cond3A_273 : i32
      scf.if %cond3A_274 {
        %dma_start3A_572 = arith.constant 4 : i32
        %dma_start3A_573 = arith.constant 0 : i32
        %dma_start3A_574 = arith.constant 0 : i32
        %dma_start3A_575 = tpu.memref_slice %arg7[%dma_start3A_572, %dma_start3A_573, %dma_start3A_574] : memref<8x2x128xi32, #tpu.memory_space<vmem>> -> memref<1x2x128xi32, #tpu.memory_space<vmem>>
        %dma_start3A_576 = tpu.memref_squeeze %dma_start3A_575 : memref<1x2x128xi32, #tpu.memory_space<vmem>> -> memref<2x128xi32, #tpu.memory_space<vmem>>
        %dma_start3A_577 = arith.constant 0 : i32
        %dma_start3A_578 = arith.constant 0 : i32
        %dma_start3A_579 = arith.constant 0 : i32
        %dma_start3A_580 = tpu.memref_slice %arg3[%arg1, %dma_start3A_577, %dma_start3A_578, %dma_start3A_579] : memref<16x160x2x128xi32, #tpu.memory_space<hbm>> -> memref<1x160x2x128xi32, #tpu.memory_space<hbm>>
        %dma_start3A_581 = tpu.memref_squeeze %dma_start3A_580 : memref<1x160x2x128xi32, #tpu.memory_space<hbm>> -> memref<160x2x128xi32, #tpu.memory_space<hbm>>
        %dma_start3A_582 = arith.constant 0 : i32
        %dma_start3A_583 = arith.constant 0 : i32
        %dma_start3A_584 = tpu.memref_slice %dma_start3A_581[%add3A_269, %dma_start3A_582, %dma_start3A_583] : memref<160x2x128xi32, #tpu.memory_space<hbm>> -> memref<1x2x128xi32, #tpu.memory_space<hbm>>
        %dma_start3A_585 = tpu.memref_squeeze %dma_start3A_584 : memref<1x2x128xi32, #tpu.memory_space<hbm>> -> memref<2x128xi32, #tpu.memory_space<hbm>>
        %dma_start3A_586 = arith.constant 0 : i32
        %dma_start3A_587 = arith.constant 0 : i32
        %dma_start3A_588 = tpu.memref_slice %arg7[%dma_start3A_572, %dma_start3A_586, %dma_start3A_587] : memref<8x2x128xi32, #tpu.memory_space<vmem>> -> memref<1x2x128xi32, #tpu.memory_space<vmem>>
        %dma_start3A_589 = tpu.memref_squeeze %dma_start3A_588 : memref<1x2x128xi32, #tpu.memory_space<vmem>> -> memref<2x128xi32, #tpu.memory_space<vmem>>
        %dma_start3A_590 = arith.constant 0 : i32
        %dma_start3A_591 = arith.constant 0 : i32
        %dma_start3A_592 = arith.constant 0 : i32
        %dma_start3A_593 = tpu.memref_slice %arg3[%arg1, %dma_start3A_590, %dma_start3A_591, %dma_start3A_592] : memref<16x160x2x128xi32, #tpu.memory_space<hbm>> -> memref<1x160x2x128xi32, #tpu.memory_space<hbm>>
        %dma_start3A_594 = tpu.memref_squeeze %dma_start3A_593 : memref<1x160x2x128xi32, #tpu.memory_space<hbm>> -> memref<160x2x128xi32, #tpu.memory_space<hbm>>
        %dma_start3A_595 = arith.constant 0 : i32
        %dma_start3A_596 = arith.constant 0 : i32
        %dma_start3A_597 = tpu.memref_slice %dma_start3A_594[%add3A_269, %dma_start3A_595, %dma_start3A_596] : memref<160x2x128xi32, #tpu.memory_space<hbm>> -> memref<1x2x128xi32, #tpu.memory_space<hbm>>
        %dma_start3A_598 = tpu.memref_squeeze %dma_start3A_597 : memref<1x2x128xi32, #tpu.memory_space<hbm>> -> memref<2x128xi32, #tpu.memory_space<hbm>>
        tpu.enqueue_dma source(%dma_start3A_598 : memref<2x128xi32, #tpu.memory_space<hbm>>) target(%dma_start3A_589 : memref<2x128xi32, #tpu.memory_space<vmem>>) target_semaphore(%arg15 : memref<!tpu.dma_semaphore, #tpu.memory_space<semaphore_mem>>)
      } else {
      }
      %add3A_275 = arith.constant 2 : i32
      %add3A_276 = arith.addi %add3A_267, %add3A_275 : i32
      %lt3A_277 = arith.constant 160 : i32
      %lt3A_278 = arith.cmpi slt, %add3A_276, %lt3A_277 : i32
      %convert_element_type3A_279 = arith.extui %lt3A_278 : i1 to i32
      %cond3A_280 = arith.constant 0 : i32
      %cond3A_281 = arith.cmpi ne, %convert_element_type3A_279, %cond3A_280 : i32
      scf.if %cond3A_281 {
        %dma_wait3A_572 = arith.constant 3 : i32
        %dma_wait3A_573 = arith.constant 0 : i32
        %dma_wait3A_574 = arith.constant 0 : i32
        %dma_wait3A_575 = tpu.memref_slice %arg7[%dma_wait3A_572, %dma_wait3A_573, %dma_wait3A_574] : memref<8x2x128xi32, #tpu.memory_space<vmem>> -> memref<1x2x128xi32, #tpu.memory_space<vmem>>
        %dma_wait3A_576 = tpu.memref_squeeze %dma_wait3A_575 : memref<1x2x128xi32, #tpu.memory_space<vmem>> -> memref<2x128xi32, #tpu.memory_space<vmem>>
        %dma_wait3A_577 = arith.constant 0 : i32
        %dma_wait3A_578 = arith.constant 0 : i32
        %dma_wait3A_579 = arith.constant 0 : i32
        %dma_wait3A_580 = tpu.memref_slice %arg3[%arg1, %dma_wait3A_577, %dma_wait3A_578, %dma_wait3A_579] : memref<16x160x2x128xi32, #tpu.memory_space<hbm>> -> memref<1x160x2x128xi32, #tpu.memory_space<hbm>>
        %dma_wait3A_581 = tpu.memref_squeeze %dma_wait3A_580 : memref<1x160x2x128xi32, #tpu.memory_space<hbm>> -> memref<160x2x128xi32, #tpu.memory_space<hbm>>
        %dma_wait3A_582 = arith.constant 0 : i32
        %dma_wait3A_583 = arith.constant 0 : i32
        %dma_wait3A_584 = tpu.memref_slice %dma_wait3A_581[%add3A_276, %dma_wait3A_582, %dma_wait3A_583] : memref<160x2x128xi32, #tpu.memory_space<hbm>> -> memref<1x2x128xi32, #tpu.memory_space<hbm>>
        %dma_wait3A_585 = tpu.memref_squeeze %dma_wait3A_584 : memref<1x2x128xi32, #tpu.memory_space<hbm>> -> memref<2x128xi32, #tpu.memory_space<hbm>>
        %dma_wait3A_586 = arith.constant 0 : i32
        %dma_wait3A_587 = arith.constant 0 : i32
        %dma_wait3A_588 = tpu.memref_slice %arg7[%dma_wait3A_572, %dma_wait3A_586, %dma_wait3A_587] : memref<8x2x128xi32, #tpu.memory_space<vmem>> -> memref<1x2x128xi32, #tpu.memory_space<vmem>>
        %dma_wait3A_589 = tpu.memref_squeeze %dma_wait3A_588 : memref<1x2x128xi32, #tpu.memory_space<vmem>> -> memref<2x128xi32, #tpu.memory_space<vmem>>
        %dma_wait3A_590 = arith.constant 0 : i32
        %dma_wait3A_591 = arith.constant 0 : i32
        %dma_wait3A_592 = arith.constant 0 : i32
        %dma_wait3A_593 = tpu.memref_slice %arg3[%arg1, %dma_wait3A_590, %dma_wait3A_591, %dma_wait3A_592] : memref<16x160x2x128xi32, #tpu.memory_space<hbm>> -> memref<1x160x2x128xi32, #tpu.memory_space<hbm>>
        %dma_wait3A_594 = tpu.memref_squeeze %dma_wait3A_593 : memref<1x160x2x128xi32, #tpu.memory_space<hbm>> -> memref<160x2x128xi32, #tpu.memory_space<hbm>>
        %dma_wait3A_595 = arith.constant 0 : i32
        %dma_wait3A_596 = arith.constant 0 : i32
        %dma_wait3A_597 = tpu.memref_slice %dma_wait3A_594[%add3A_276, %dma_wait3A_595, %dma_wait3A_596] : memref<160x2x128xi32, #tpu.memory_space<hbm>> -> memref<1x2x128xi32, #tpu.memory_space<hbm>>
        %dma_wait3A_598 = tpu.memref_squeeze %dma_wait3A_597 : memref<1x2x128xi32, #tpu.memory_space<hbm>> -> memref<2x128xi32, #tpu.memory_space<hbm>>
        tpu.wait_dma2 semaphore(%arg14 : memref<!tpu.dma_semaphore, #tpu.memory_space<semaphore_mem>>) src(%dma_wait3A_598 : memref<2x128xi32, #tpu.memory_space<hbm>>) dst(%dma_wait3A_589 : memref<2x128xi32, #tpu.memory_space<vmem>>)
        %ge3A = arith.constant 4 : i32
        %ge3A_599 = arith.cmpi sge, %add3A_276, %ge3A : i32
        %convert_element_type3A_600 = arith.extui %ge3A_599 : i1 to i32
        %cond3A_601 = arith.constant 0 : i32
        %cond3A_602 = arith.cmpi ne, %convert_element_type3A_600, %cond3A_601 : i32
        scf.if %cond3A_602 {
          %dma_wait3A_616 = arith.constant 3 : i32
          %dma_wait3A_617 = arith.constant 7 : i32
          %dma_wait3A_618 = arith.constant 1 : i32
          %dma_wait3A_619 = arith.constant 0 : i32
          %dma_wait3A_620 = arith.constant 0 : i32
          %dma_wait3A_621 = tpu.memref_slice %arg8[%dma_wait3A_616, %dma_wait3A_619, %dma_wait3A_620] : memref<4x128x64xf32, #tpu.memory_space<vmem>> -> memref<1x128x64xf32, #tpu.memory_space<vmem>>
          %dma_wait3A_622 = tpu.memref_squeeze %dma_wait3A_621 : memref<1x128x64xf32, #tpu.memory_space<vmem>> -> memref<128x64xf32, #tpu.memory_space<vmem>>
          %dma_wait3A_623 = arith.constant 0 : i32
          %dma_wait3A_624 = tpu.memref_slice %arg7[%dma_wait3A_617, %dma_wait3A_618, %dma_wait3A_623] : memref<8x2x128xi32, #tpu.memory_space<vmem>> -> memref<1x1x128xi32, #tpu.memory_space<vmem>>
          %dma_wait3A_625 = tpu.memref_squeeze %dma_wait3A_624 : memref<1x1x128xi32, #tpu.memory_space<vmem>> -> memref<128xi32, #tpu.memory_space<vmem>>
          %dma_wait3A_626 = arith.constant 0 : i32
          %dma_wait3A_627 = arith.constant 0 : i32
          %dma_wait3A_628 = tpu.memref_slice %arg9[%dma_wait3A_626, %dma_wait3A_627] : memref<10240x64xf32, #tpu.memory_space<vmem_shared>> -> memref<10240x64xf32, #tpu.memory_space<vmem_shared>>
          tpu.wait_indirect_dma semaphore(%arg26 : memref<!tpu.dma_semaphore, #tpu.memory_space<semaphore_mem>>) src(%dma_wait3A_622 : memref<128x64xf32, #tpu.memory_space<vmem>>) dst(%dma_wait3A_628 : memref<10240x64xf32, #tpu.memory_space<vmem_shared>>)
        } else {
        }
        %dma_start3A_603 = arith.constant 3 : i32
        %dma_start3A_604 = arith.constant 0 : i32
        %dma_start3A_605 = arith.constant 3 : i32
        %dma_start3A_606 = arith.constant 0 : i32
        %dma_start3A_607 = arith.constant 0 : i32
        %dma_start3A_608 = tpu.memref_slice %arg8[%dma_start3A_605, %dma_start3A_606, %dma_start3A_607] : memref<4x128x64xf32, #tpu.memory_space<vmem>> -> memref<1x128x64xf32, #tpu.memory_space<vmem>>
        %dma_start3A_609 = tpu.memref_squeeze %dma_start3A_608 : memref<1x128x64xf32, #tpu.memory_space<vmem>> -> memref<128x64xf32, #tpu.memory_space<vmem>>
        %dma_start3A_610 = arith.constant 0 : i32
        %dma_start3A_611 = tpu.memref_slice %arg7[%dma_start3A_603, %dma_start3A_604, %dma_start3A_610] : memref<8x2x128xi32, #tpu.memory_space<vmem>> -> memref<1x1x128xi32, #tpu.memory_space<vmem>>
        %dma_start3A_612 = tpu.memref_squeeze %dma_start3A_611 : memref<1x1x128xi32, #tpu.memory_space<vmem>> -> memref<128xi32, #tpu.memory_space<vmem>>
        %dma_start3A_613 = arith.constant 0 : i32
        %dma_start3A_614 = arith.constant 0 : i32
        %dma_start3A_615 = tpu.memref_slice %arg10[%dma_start3A_613, %dma_start3A_614] : memref<10240x64xf32, #tpu.memory_space<vmem_shared>> -> memref<10240x64xf32, #tpu.memory_space<vmem_shared>>
        tpu.enqueue_indirect_dma source(%dma_start3A_615 : memref<10240x64xf32, #tpu.memory_space<vmem_shared>>) target(%dma_start3A_609 : memref<128x64xf32, #tpu.memory_space<vmem>>) offsets(%dma_start3A_612 : memref<128xi32, #tpu.memory_space<vmem>>) semaphore(%arg22 : memref<!tpu.dma_semaphore, #tpu.memory_space<semaphore_mem>>)
      } else {
      }
      %dma_wait3A_282 = arith.constant 1 : i32
      %dma_wait3A_283 = arith.constant 0 : i32
      %dma_wait3A_284 = arith.constant 1 : i32
      %dma_wait3A_285 = arith.constant 0 : i32
      %dma_wait3A_286 = arith.constant 0 : i32
      %dma_wait3A_287 = tpu.memref_slice %arg8[%dma_wait3A_284, %dma_wait3A_285, %dma_wait3A_286] : memref<4x128x64xf32, #tpu.memory_space<vmem>> -> memref<1x128x64xf32, #tpu.memory_space<vmem>>
      %dma_wait3A_288 = tpu.memref_squeeze %dma_wait3A_287 : memref<1x128x64xf32, #tpu.memory_space<vmem>> -> memref<128x64xf32, #tpu.memory_space<vmem>>
      %dma_wait3A_289 = arith.constant 0 : i32
      %dma_wait3A_290 = tpu.memref_slice %arg7[%dma_wait3A_282, %dma_wait3A_283, %dma_wait3A_289] : memref<8x2x128xi32, #tpu.memory_space<vmem>> -> memref<1x1x128xi32, #tpu.memory_space<vmem>>
      %dma_wait3A_291 = tpu.memref_squeeze %dma_wait3A_290 : memref<1x1x128xi32, #tpu.memory_space<vmem>> -> memref<128xi32, #tpu.memory_space<vmem>>
      %dma_wait3A_292 = arith.constant 0 : i32
      %dma_wait3A_293 = arith.constant 0 : i32
      %dma_wait3A_294 = tpu.memref_slice %arg10[%dma_wait3A_292, %dma_wait3A_293] : memref<10240x64xf32, #tpu.memory_space<vmem_shared>> -> memref<10240x64xf32, #tpu.memory_space<vmem_shared>>
      tpu.wait_indirect_dma semaphore(%arg20 : memref<!tpu.dma_semaphore, #tpu.memory_space<semaphore_mem>>) src(%dma_wait3A_294 : memref<10240x64xf32, #tpu.memory_space<vmem_shared>>) dst(%dma_wait3A_288 : memref<128x64xf32, #tpu.memory_space<vmem>>)
      %dma_start3A_295 = arith.constant 1 : i32
      %dma_start3A_296 = arith.constant 1 : i32
      %dma_start3A_297 = arith.constant 1 : i32
      %dma_start3A_298 = arith.constant 0 : i32
      %dma_start3A_299 = arith.constant 0 : i32
      %dma_start3A_300 = tpu.memref_slice %arg8[%dma_start3A_295, %dma_start3A_298, %dma_start3A_299] : memref<4x128x64xf32, #tpu.memory_space<vmem>> -> memref<1x128x64xf32, #tpu.memory_space<vmem>>
      %dma_start3A_301 = tpu.memref_squeeze %dma_start3A_300 : memref<1x128x64xf32, #tpu.memory_space<vmem>> -> memref<128x64xf32, #tpu.memory_space<vmem>>
      %dma_start3A_302 = arith.constant 0 : i32
      %dma_start3A_303 = tpu.memref_slice %arg7[%dma_start3A_296, %dma_start3A_297, %dma_start3A_302] : memref<8x2x128xi32, #tpu.memory_space<vmem>> -> memref<1x1x128xi32, #tpu.memory_space<vmem>>
      %dma_start3A_304 = tpu.memref_squeeze %dma_start3A_303 : memref<1x1x128xi32, #tpu.memory_space<vmem>> -> memref<128xi32, #tpu.memory_space<vmem>>
      %dma_start3A_305 = arith.constant 0 : i32
      %dma_start3A_306 = arith.constant 0 : i32
      %dma_start3A_307 = tpu.memref_slice %arg9[%dma_start3A_305, %dma_start3A_306] : memref<10240x64xf32, #tpu.memory_space<vmem_shared>> -> memref<10240x64xf32, #tpu.memory_space<vmem_shared>>
      tpu.enqueue_indirect_dma source(%dma_start3A_301 : memref<128x64xf32, #tpu.memory_space<vmem>>) target(%dma_start3A_307 : memref<10240x64xf32, #tpu.memory_space<vmem_shared>>) offsets(%dma_start3A_304 : memref<128xi32, #tpu.memory_space<vmem>>) semaphore(%arg24 : memref<!tpu.dma_semaphore, #tpu.memory_space<semaphore_mem>>) {add = true}
      %mul3A_308 = arith.constant 8 : i32
      %mul3A_309 = arith.muli %scan3A_223, %mul3A_308 : i32
      %add3A_310 = arith.constant 2 : i32
      %add3A_311 = arith.addi %mul3A_309, %add3A_310 : i32
      %add3A_312 = arith.constant 3 : i32
      %add3A_313 = arith.addi %add3A_311, %add3A_312 : i32
      %lt3A_314 = arith.constant 160 : i32
      %lt3A_315 = arith.cmpi slt, %add3A_313, %lt3A_314 : i32
      %convert_element_type3A_316 = arith.extui %lt3A_315 : i1 to i32
      %cond3A_317 = arith.constant 0 : i32
      %cond3A_318 = arith.cmpi ne, %convert_element_type3A_316, %cond3A_317 : i32
      scf.if %cond3A_318 {
        %dma_start3A_572 = arith.constant 5 : i32
        %dma_start3A_573 = arith.constant 0 : i32
        %dma_start3A_574 = arith.constant 0 : i32
        %dma_start3A_575 = tpu.memref_slice %arg7[%dma_start3A_572, %dma_start3A_573, %dma_start3A_574] : memref<8x2x128xi32, #tpu.memory_space<vmem>> -> memref<1x2x128xi32, #tpu.memory_space<vmem>>
        %dma_start3A_576 = tpu.memref_squeeze %dma_start3A_575 : memref<1x2x128xi32, #tpu.memory_space<vmem>> -> memref<2x128xi32, #tpu.memory_space<vmem>>
        %dma_start3A_577 = arith.constant 0 : i32
        %dma_start3A_578 = arith.constant 0 : i32
        %dma_start3A_579 = arith.constant 0 : i32
        %dma_start3A_580 = tpu.memref_slice %arg3[%arg1, %dma_start3A_577, %dma_start3A_578, %dma_start3A_579] : memref<16x160x2x128xi32, #tpu.memory_space<hbm>> -> memref<1x160x2x128xi32, #tpu.memory_space<hbm>>
        %dma_start3A_581 = tpu.memref_squeeze %dma_start3A_580 : memref<1x160x2x128xi32, #tpu.memory_space<hbm>> -> memref<160x2x128xi32, #tpu.memory_space<hbm>>
        %dma_start3A_582 = arith.constant 0 : i32
        %dma_start3A_583 = arith.constant 0 : i32
        %dma_start3A_584 = tpu.memref_slice %dma_start3A_581[%add3A_313, %dma_start3A_582, %dma_start3A_583] : memref<160x2x128xi32, #tpu.memory_space<hbm>> -> memref<1x2x128xi32, #tpu.memory_space<hbm>>
        %dma_start3A_585 = tpu.memref_squeeze %dma_start3A_584 : memref<1x2x128xi32, #tpu.memory_space<hbm>> -> memref<2x128xi32, #tpu.memory_space<hbm>>
        %dma_start3A_586 = arith.constant 0 : i32
        %dma_start3A_587 = arith.constant 0 : i32
        %dma_start3A_588 = tpu.memref_slice %arg7[%dma_start3A_572, %dma_start3A_586, %dma_start3A_587] : memref<8x2x128xi32, #tpu.memory_space<vmem>> -> memref<1x2x128xi32, #tpu.memory_space<vmem>>
        %dma_start3A_589 = tpu.memref_squeeze %dma_start3A_588 : memref<1x2x128xi32, #tpu.memory_space<vmem>> -> memref<2x128xi32, #tpu.memory_space<vmem>>
        %dma_start3A_590 = arith.constant 0 : i32
        %dma_start3A_591 = arith.constant 0 : i32
        %dma_start3A_592 = arith.constant 0 : i32
        %dma_start3A_593 = tpu.memref_slice %arg3[%arg1, %dma_start3A_590, %dma_start3A_591, %dma_start3A_592] : memref<16x160x2x128xi32, #tpu.memory_space<hbm>> -> memref<1x160x2x128xi32, #tpu.memory_space<hbm>>
        %dma_start3A_594 = tpu.memref_squeeze %dma_start3A_593 : memref<1x160x2x128xi32, #tpu.memory_space<hbm>> -> memref<160x2x128xi32, #tpu.memory_space<hbm>>
        %dma_start3A_595 = arith.constant 0 : i32
        %dma_start3A_596 = arith.constant 0 : i32
        %dma_start3A_597 = tpu.memref_slice %dma_start3A_594[%add3A_313, %dma_start3A_595, %dma_start3A_596] : memref<160x2x128xi32, #tpu.memory_space<hbm>> -> memref<1x2x128xi32, #tpu.memory_space<hbm>>
        %dma_start3A_598 = tpu.memref_squeeze %dma_start3A_597 : memref<1x2x128xi32, #tpu.memory_space<hbm>> -> memref<2x128xi32, #tpu.memory_space<hbm>>
        tpu.enqueue_dma source(%dma_start3A_598 : memref<2x128xi32, #tpu.memory_space<hbm>>) target(%dma_start3A_589 : memref<2x128xi32, #tpu.memory_space<vmem>>) target_semaphore(%arg16 : memref<!tpu.dma_semaphore, #tpu.memory_space<semaphore_mem>>)
      } else {
      }
      %add3A_319 = arith.constant 2 : i32
      %add3A_320 = arith.addi %add3A_311, %add3A_319 : i32
      %lt3A_321 = arith.constant 160 : i32
      %lt3A_322 = arith.cmpi slt, %add3A_320, %lt3A_321 : i32
      %convert_element_type3A_323 = arith.extui %lt3A_322 : i1 to i32
      %cond3A_324 = arith.constant 0 : i32
      %cond3A_325 = arith.cmpi ne, %convert_element_type3A_323, %cond3A_324 : i32
      scf.if %cond3A_325 {
        %dma_wait3A_572 = arith.constant 4 : i32
        %dma_wait3A_573 = arith.constant 0 : i32
        %dma_wait3A_574 = arith.constant 0 : i32
        %dma_wait3A_575 = tpu.memref_slice %arg7[%dma_wait3A_572, %dma_wait3A_573, %dma_wait3A_574] : memref<8x2x128xi32, #tpu.memory_space<vmem>> -> memref<1x2x128xi32, #tpu.memory_space<vmem>>
        %dma_wait3A_576 = tpu.memref_squeeze %dma_wait3A_575 : memref<1x2x128xi32, #tpu.memory_space<vmem>> -> memref<2x128xi32, #tpu.memory_space<vmem>>
        %dma_wait3A_577 = arith.constant 0 : i32
        %dma_wait3A_578 = arith.constant 0 : i32
        %dma_wait3A_579 = arith.constant 0 : i32
        %dma_wait3A_580 = tpu.memref_slice %arg3[%arg1, %dma_wait3A_577, %dma_wait3A_578, %dma_wait3A_579] : memref<16x160x2x128xi32, #tpu.memory_space<hbm>> -> memref<1x160x2x128xi32, #tpu.memory_space<hbm>>
        %dma_wait3A_581 = tpu.memref_squeeze %dma_wait3A_580 : memref<1x160x2x128xi32, #tpu.memory_space<hbm>> -> memref<160x2x128xi32, #tpu.memory_space<hbm>>
        %dma_wait3A_582 = arith.constant 0 : i32
        %dma_wait3A_583 = arith.constant 0 : i32
        %dma_wait3A_584 = tpu.memref_slice %dma_wait3A_581[%add3A_320, %dma_wait3A_582, %dma_wait3A_583] : memref<160x2x128xi32, #tpu.memory_space<hbm>> -> memref<1x2x128xi32, #tpu.memory_space<hbm>>
        %dma_wait3A_585 = tpu.memref_squeeze %dma_wait3A_584 : memref<1x2x128xi32, #tpu.memory_space<hbm>> -> memref<2x128xi32, #tpu.memory_space<hbm>>
        %dma_wait3A_586 = arith.constant 0 : i32
        %dma_wait3A_587 = arith.constant 0 : i32
        %dma_wait3A_588 = tpu.memref_slice %arg7[%dma_wait3A_572, %dma_wait3A_586, %dma_wait3A_587] : memref<8x2x128xi32, #tpu.memory_space<vmem>> -> memref<1x2x128xi32, #tpu.memory_space<vmem>>
        %dma_wait3A_589 = tpu.memref_squeeze %dma_wait3A_588 : memref<1x2x128xi32, #tpu.memory_space<vmem>> -> memref<2x128xi32, #tpu.memory_space<vmem>>
        %dma_wait3A_590 = arith.constant 0 : i32
        %dma_wait3A_591 = arith.constant 0 : i32
        %dma_wait3A_592 = arith.constant 0 : i32
        %dma_wait3A_593 = tpu.memref_slice %arg3[%arg1, %dma_wait3A_590, %dma_wait3A_591, %dma_wait3A_592] : memref<16x160x2x128xi32, #tpu.memory_space<hbm>> -> memref<1x160x2x128xi32, #tpu.memory_space<hbm>>
        %dma_wait3A_594 = tpu.memref_squeeze %dma_wait3A_593 : memref<1x160x2x128xi32, #tpu.memory_space<hbm>> -> memref<160x2x128xi32, #tpu.memory_space<hbm>>
        %dma_wait3A_595 = arith.constant 0 : i32
        %dma_wait3A_596 = arith.constant 0 : i32
        %dma_wait3A_597 = tpu.memref_slice %dma_wait3A_594[%add3A_320, %dma_wait3A_595, %dma_wait3A_596] : memref<160x2x128xi32, #tpu.memory_space<hbm>> -> memref<1x2x128xi32, #tpu.memory_space<hbm>>
        %dma_wait3A_598 = tpu.memref_squeeze %dma_wait3A_597 : memref<1x2x128xi32, #tpu.memory_space<hbm>> -> memref<2x128xi32, #tpu.memory_space<hbm>>
        tpu.wait_dma2 semaphore(%arg15 : memref<!tpu.dma_semaphore, #tpu.memory_space<semaphore_mem>>) src(%dma_wait3A_598 : memref<2x128xi32, #tpu.memory_space<hbm>>) dst(%dma_wait3A_589 : memref<2x128xi32, #tpu.memory_space<vmem>>)
        %ge3A = arith.constant 4 : i32
        %ge3A_599 = arith.cmpi sge, %add3A_320, %ge3A : i32
        %convert_element_type3A_600 = arith.extui %ge3A_599 : i1 to i32
        %cond3A_601 = arith.constant 0 : i32
        %cond3A_602 = arith.cmpi ne, %convert_element_type3A_600, %cond3A_601 : i32
        scf.if %cond3A_602 {
          %dma_wait3A_616 = arith.constant 0 : i32
          %dma_wait3A_617 = arith.constant 0 : i32
          %dma_wait3A_618 = arith.constant 1 : i32
          %dma_wait3A_619 = arith.constant 0 : i32
          %dma_wait3A_620 = arith.constant 0 : i32
          %dma_wait3A_621 = tpu.memref_slice %arg8[%dma_wait3A_616, %dma_wait3A_619, %dma_wait3A_620] : memref<4x128x64xf32, #tpu.memory_space<vmem>> -> memref<1x128x64xf32, #tpu.memory_space<vmem>>
          %dma_wait3A_622 = tpu.memref_squeeze %dma_wait3A_621 : memref<1x128x64xf32, #tpu.memory_space<vmem>> -> memref<128x64xf32, #tpu.memory_space<vmem>>
          %dma_wait3A_623 = arith.constant 0 : i32
          %dma_wait3A_624 = tpu.memref_slice %arg7[%dma_wait3A_617, %dma_wait3A_618, %dma_wait3A_623] : memref<8x2x128xi32, #tpu.memory_space<vmem>> -> memref<1x1x128xi32, #tpu.memory_space<vmem>>
          %dma_wait3A_625 = tpu.memref_squeeze %dma_wait3A_624 : memref<1x1x128xi32, #tpu.memory_space<vmem>> -> memref<128xi32, #tpu.memory_space<vmem>>
          %dma_wait3A_626 = arith.constant 0 : i32
          %dma_wait3A_627 = arith.constant 0 : i32
          %dma_wait3A_628 = tpu.memref_slice %arg9[%dma_wait3A_626, %dma_wait3A_627] : memref<10240x64xf32, #tpu.memory_space<vmem_shared>> -> memref<10240x64xf32, #tpu.memory_space<vmem_shared>>
          tpu.wait_indirect_dma semaphore(%arg23 : memref<!tpu.dma_semaphore, #tpu.memory_space<semaphore_mem>>) src(%dma_wait3A_622 : memref<128x64xf32, #tpu.memory_space<vmem>>) dst(%dma_wait3A_628 : memref<10240x64xf32, #tpu.memory_space<vmem_shared>>)
        } else {
        }
        %dma_start3A_603 = arith.constant 4 : i32
        %dma_start3A_604 = arith.constant 0 : i32
        %dma_start3A_605 = arith.constant 0 : i32
        %dma_start3A_606 = arith.constant 0 : i32
        %dma_start3A_607 = arith.constant 0 : i32
        %dma_start3A_608 = tpu.memref_slice %arg8[%dma_start3A_605, %dma_start3A_606, %dma_start3A_607] : memref<4x128x64xf32, #tpu.memory_space<vmem>> -> memref<1x128x64xf32, #tpu.memory_space<vmem>>
        %dma_start3A_609 = tpu.memref_squeeze %dma_start3A_608 : memref<1x128x64xf32, #tpu.memory_space<vmem>> -> memref<128x64xf32, #tpu.memory_space<vmem>>
        %dma_start3A_610 = arith.constant 0 : i32
        %dma_start3A_611 = tpu.memref_slice %arg7[%dma_start3A_603, %dma_start3A_604, %dma_start3A_610] : memref<8x2x128xi32, #tpu.memory_space<vmem>> -> memref<1x1x128xi32, #tpu.memory_space<vmem>>
        %dma_start3A_612 = tpu.memref_squeeze %dma_start3A_611 : memref<1x1x128xi32, #tpu.memory_space<vmem>> -> memref<128xi32, #tpu.memory_space<vmem>>
        %dma_start3A_613 = arith.constant 0 : i32
        %dma_start3A_614 = arith.constant 0 : i32
        %dma_start3A_615 = tpu.memref_slice %arg10[%dma_start3A_613, %dma_start3A_614] : memref<10240x64xf32, #tpu.memory_space<vmem_shared>> -> memref<10240x64xf32, #tpu.memory_space<vmem_shared>>
        tpu.enqueue_indirect_dma source(%dma_start3A_615 : memref<10240x64xf32, #tpu.memory_space<vmem_shared>>) target(%dma_start3A_609 : memref<128x64xf32, #tpu.memory_space<vmem>>) offsets(%dma_start3A_612 : memref<128xi32, #tpu.memory_space<vmem>>) semaphore(%arg19 : memref<!tpu.dma_semaphore, #tpu.memory_space<semaphore_mem>>)
      } else {
      }
      %dma_wait3A_326 = arith.constant 2 : i32
      %dma_wait3A_327 = arith.constant 0 : i32
      %dma_wait3A_328 = arith.constant 2 : i32
      %dma_wait3A_329 = arith.constant 0 : i32
      %dma_wait3A_330 = arith.constant 0 : i32
      %dma_wait3A_331 = tpu.memref_slice %arg8[%dma_wait3A_328, %dma_wait3A_329, %dma_wait3A_330] : memref<4x128x64xf32, #tpu.memory_space<vmem>> -> memref<1x128x64xf32, #tpu.memory_space<vmem>>
      %dma_wait3A_332 = tpu.memref_squeeze %dma_wait3A_331 : memref<1x128x64xf32, #tpu.memory_space<vmem>> -> memref<128x64xf32, #tpu.memory_space<vmem>>
      %dma_wait3A_333 = arith.constant 0 : i32
      %dma_wait3A_334 = tpu.memref_slice %arg7[%dma_wait3A_326, %dma_wait3A_327, %dma_wait3A_333] : memref<8x2x128xi32, #tpu.memory_space<vmem>> -> memref<1x1x128xi32, #tpu.memory_space<vmem>>
      %dma_wait3A_335 = tpu.memref_squeeze %dma_wait3A_334 : memref<1x1x128xi32, #tpu.memory_space<vmem>> -> memref<128xi32, #tpu.memory_space<vmem>>
      %dma_wait3A_336 = arith.constant 0 : i32
      %dma_wait3A_337 = arith.constant 0 : i32
      %dma_wait3A_338 = tpu.memref_slice %arg10[%dma_wait3A_336, %dma_wait3A_337] : memref<10240x64xf32, #tpu.memory_space<vmem_shared>> -> memref<10240x64xf32, #tpu.memory_space<vmem_shared>>
      tpu.wait_indirect_dma semaphore(%arg21 : memref<!tpu.dma_semaphore, #tpu.memory_space<semaphore_mem>>) src(%dma_wait3A_338 : memref<10240x64xf32, #tpu.memory_space<vmem_shared>>) dst(%dma_wait3A_332 : memref<128x64xf32, #tpu.memory_space<vmem>>)
      %dma_start3A_339 = arith.constant 2 : i32
      %dma_start3A_340 = arith.constant 2 : i32
      %dma_start3A_341 = arith.constant 1 : i32
      %dma_start3A_342 = arith.constant 0 : i32
      %dma_start3A_343 = arith.constant 0 : i32
      %dma_start3A_344 = tpu.memref_slice %arg8[%dma_start3A_339, %dma_start3A_342, %dma_start3A_343] : memref<4x128x64xf32, #tpu.memory_space<vmem>> -> memref<1x128x64xf32, #tpu.memory_space<vmem>>
      %dma_start3A_345 = tpu.memref_squeeze %dma_start3A_344 : memref<1x128x64xf32, #tpu.memory_space<vmem>> -> memref<128x64xf32, #tpu.memory_space<vmem>>
      %dma_start3A_346 = arith.constant 0 : i32
      %dma_start3A_347 = tpu.memref_slice %arg7[%dma_start3A_340, %dma_start3A_341, %dma_start3A_346] : memref<8x2x128xi32, #tpu.memory_space<vmem>> -> memref<1x1x128xi32, #tpu.memory_space<vmem>>
      %dma_start3A_348 = tpu.memref_squeeze %dma_start3A_347 : memref<1x1x128xi32, #tpu.memory_space<vmem>> -> memref<128xi32, #tpu.memory_space<vmem>>
      %dma_start3A_349 = arith.constant 0 : i32
      %dma_start3A_350 = arith.constant 0 : i32
      %dma_start3A_351 = tpu.memref_slice %arg9[%dma_start3A_349, %dma_start3A_350] : memref<10240x64xf32, #tpu.memory_space<vmem_shared>> -> memref<10240x64xf32, #tpu.memory_space<vmem_shared>>
      tpu.enqueue_indirect_dma source(%dma_start3A_345 : memref<128x64xf32, #tpu.memory_space<vmem>>) target(%dma_start3A_351 : memref<10240x64xf32, #tpu.memory_space<vmem_shared>>) offsets(%dma_start3A_348 : memref<128xi32, #tpu.memory_space<vmem>>) semaphore(%arg25 : memref<!tpu.dma_semaphore, #tpu.memory_space<semaphore_mem>>) {add = true}
      %mul3A_352 = arith.constant 8 : i32
      %mul3A_353 = arith.muli %scan3A_223, %mul3A_352 : i32
      %add3A_354 = arith.constant 3 : i32
      %add3A_355 = arith.addi %mul3A_353, %add3A_354 : i32
      %add3A_356 = arith.constant 3 : i32
      %add3A_357 = arith.addi %add3A_355, %add3A_356 : i32
      %lt3A_358 = arith.constant 160 : i32
      %lt3A_359 = arith.cmpi slt, %add3A_357, %lt3A_358 : i32
      %convert_element_type3A_360 = arith.extui %lt3A_359 : i1 to i32
      %cond3A_361 = arith.constant 0 : i32
      %cond3A_362 = arith.cmpi ne, %convert_element_type3A_360, %cond3A_361 : i32
      scf.if %cond3A_362 {
        %dma_start3A_572 = arith.constant 6 : i32
        %dma_start3A_573 = arith.constant 0 : i32
        %dma_start3A_574 = arith.constant 0 : i32
        %dma_start3A_575 = tpu.memref_slice %arg7[%dma_start3A_572, %dma_start3A_573, %dma_start3A_574] : memref<8x2x128xi32, #tpu.memory_space<vmem>> -> memref<1x2x128xi32, #tpu.memory_space<vmem>>
        %dma_start3A_576 = tpu.memref_squeeze %dma_start3A_575 : memref<1x2x128xi32, #tpu.memory_space<vmem>> -> memref<2x128xi32, #tpu.memory_space<vmem>>
        %dma_start3A_577 = arith.constant 0 : i32
        %dma_start3A_578 = arith.constant 0 : i32
        %dma_start3A_579 = arith.constant 0 : i32
        %dma_start3A_580 = tpu.memref_slice %arg3[%arg1, %dma_start3A_577, %dma_start3A_578, %dma_start3A_579] : memref<16x160x2x128xi32, #tpu.memory_space<hbm>> -> memref<1x160x2x128xi32, #tpu.memory_space<hbm>>
        %dma_start3A_581 = tpu.memref_squeeze %dma_start3A_580 : memref<1x160x2x128xi32, #tpu.memory_space<hbm>> -> memref<160x2x128xi32, #tpu.memory_space<hbm>>
        %dma_start3A_582 = arith.constant 0 : i32
        %dma_start3A_583 = arith.constant 0 : i32
        %dma_start3A_584 = tpu.memref_slice %dma_start3A_581[%add3A_357, %dma_start3A_582, %dma_start3A_583] : memref<160x2x128xi32, #tpu.memory_space<hbm>> -> memref<1x2x128xi32, #tpu.memory_space<hbm>>
        %dma_start3A_585 = tpu.memref_squeeze %dma_start3A_584 : memref<1x2x128xi32, #tpu.memory_space<hbm>> -> memref<2x128xi32, #tpu.memory_space<hbm>>
        %dma_start3A_586 = arith.constant 0 : i32
        %dma_start3A_587 = arith.constant 0 : i32
        %dma_start3A_588 = tpu.memref_slice %arg7[%dma_start3A_572, %dma_start3A_586, %dma_start3A_587] : memref<8x2x128xi32, #tpu.memory_space<vmem>> -> memref<1x2x128xi32, #tpu.memory_space<vmem>>
        %dma_start3A_589 = tpu.memref_squeeze %dma_start3A_588 : memref<1x2x128xi32, #tpu.memory_space<vmem>> -> memref<2x128xi32, #tpu.memory_space<vmem>>
        %dma_start3A_590 = arith.constant 0 : i32
        %dma_start3A_591 = arith.constant 0 : i32
        %dma_start3A_592 = arith.constant 0 : i32
        %dma_start3A_593 = tpu.memref_slice %arg3[%arg1, %dma_start3A_590, %dma_start3A_591, %dma_start3A_592] : memref<16x160x2x128xi32, #tpu.memory_space<hbm>> -> memref<1x160x2x128xi32, #tpu.memory_space<hbm>>
        %dma_start3A_594 = tpu.memref_squeeze %dma_start3A_593 : memref<1x160x2x128xi32, #tpu.memory_space<hbm>> -> memref<160x2x128xi32, #tpu.memory_space<hbm>>
        %dma_start3A_595 = arith.constant 0 : i32
        %dma_start3A_596 = arith.constant 0 : i32
        %dma_start3A_597 = tpu.memref_slice %dma_start3A_594[%add3A_357, %dma_start3A_595, %dma_start3A_596] : memref<160x2x128xi32, #tpu.memory_space<hbm>> -> memref<1x2x128xi32, #tpu.memory_space<hbm>>
        %dma_start3A_598 = tpu.memref_squeeze %dma_start3A_597 : memref<1x2x128xi32, #tpu.memory_space<hbm>> -> memref<2x128xi32, #tpu.memory_space<hbm>>
        tpu.enqueue_dma source(%dma_start3A_598 : memref<2x128xi32, #tpu.memory_space<hbm>>) target(%dma_start3A_589 : memref<2x128xi32, #tpu.memory_space<vmem>>) target_semaphore(%arg17 : memref<!tpu.dma_semaphore, #tpu.memory_space<semaphore_mem>>)
      } else {
      }
      %add3A_363 = arith.constant 2 : i32
      %add3A_364 = arith.addi %add3A_355, %add3A_363 : i32
      %lt3A_365 = arith.constant 160 : i32
      %lt3A_366 = arith.cmpi slt, %add3A_364, %lt3A_365 : i32
      %convert_element_type3A_367 = arith.extui %lt3A_366 : i1 to i32
      %cond3A_368 = arith.constant 0 : i32
      %cond3A_369 = arith.cmpi ne, %convert_element_type3A_367, %cond3A_368 : i32
      scf.if %cond3A_369 {
        %dma_wait3A_572 = arith.constant 5 : i32
        %dma_wait3A_573 = arith.constant 0 : i32
        %dma_wait3A_574 = arith.constant 0 : i32
        %dma_wait3A_575 = tpu.memref_slice %arg7[%dma_wait3A_572, %dma_wait3A_573, %dma_wait3A_574] : memref<8x2x128xi32, #tpu.memory_space<vmem>> -> memref<1x2x128xi32, #tpu.memory_space<vmem>>
        %dma_wait3A_576 = tpu.memref_squeeze %dma_wait3A_575 : memref<1x2x128xi32, #tpu.memory_space<vmem>> -> memref<2x128xi32, #tpu.memory_space<vmem>>
        %dma_wait3A_577 = arith.constant 0 : i32
        %dma_wait3A_578 = arith.constant 0 : i32
        %dma_wait3A_579 = arith.constant 0 : i32
        %dma_wait3A_580 = tpu.memref_slice %arg3[%arg1, %dma_wait3A_577, %dma_wait3A_578, %dma_wait3A_579] : memref<16x160x2x128xi32, #tpu.memory_space<hbm>> -> memref<1x160x2x128xi32, #tpu.memory_space<hbm>>
        %dma_wait3A_581 = tpu.memref_squeeze %dma_wait3A_580 : memref<1x160x2x128xi32, #tpu.memory_space<hbm>> -> memref<160x2x128xi32, #tpu.memory_space<hbm>>
        %dma_wait3A_582 = arith.constant 0 : i32
        %dma_wait3A_583 = arith.constant 0 : i32
        %dma_wait3A_584 = tpu.memref_slice %dma_wait3A_581[%add3A_364, %dma_wait3A_582, %dma_wait3A_583] : memref<160x2x128xi32, #tpu.memory_space<hbm>> -> memref<1x2x128xi32, #tpu.memory_space<hbm>>
        %dma_wait3A_585 = tpu.memref_squeeze %dma_wait3A_584 : memref<1x2x128xi32, #tpu.memory_space<hbm>> -> memref<2x128xi32, #tpu.memory_space<hbm>>
        %dma_wait3A_586 = arith.constant 0 : i32
        %dma_wait3A_587 = arith.constant 0 : i32
        %dma_wait3A_588 = tpu.memref_slice %arg7[%dma_wait3A_572, %dma_wait3A_586, %dma_wait3A_587] : memref<8x2x128xi32, #tpu.memory_space<vmem>> -> memref<1x2x128xi32, #tpu.memory_space<vmem>>
        %dma_wait3A_589 = tpu.memref_squeeze %dma_wait3A_588 : memref<1x2x128xi32, #tpu.memory_space<vmem>> -> memref<2x128xi32, #tpu.memory_space<vmem>>
        %dma_wait3A_590 = arith.constant 0 : i32
        %dma_wait3A_591 = arith.constant 0 : i32
        %dma_wait3A_592 = arith.constant 0 : i32
        %dma_wait3A_593 = tpu.memref_slice %arg3[%arg1, %dma_wait3A_590, %dma_wait3A_591, %dma_wait3A_592] : memref<16x160x2x128xi32, #tpu.memory_space<hbm>> -> memref<1x160x2x128xi32, #tpu.memory_space<hbm>>
        %dma_wait3A_594 = tpu.memref_squeeze %dma_wait3A_593 : memref<1x160x2x128xi32, #tpu.memory_space<hbm>> -> memref<160x2x128xi32, #tpu.memory_space<hbm>>
        %dma_wait3A_595 = arith.constant 0 : i32
        %dma_wait3A_596 = arith.constant 0 : i32
        %dma_wait3A_597 = tpu.memref_slice %dma_wait3A_594[%add3A_364, %dma_wait3A_595, %dma_wait3A_596] : memref<160x2x128xi32, #tpu.memory_space<hbm>> -> memref<1x2x128xi32, #tpu.memory_space<hbm>>
        %dma_wait3A_598 = tpu.memref_squeeze %dma_wait3A_597 : memref<1x2x128xi32, #tpu.memory_space<hbm>> -> memref<2x128xi32, #tpu.memory_space<hbm>>
        tpu.wait_dma2 semaphore(%arg16 : memref<!tpu.dma_semaphore, #tpu.memory_space<semaphore_mem>>) src(%dma_wait3A_598 : memref<2x128xi32, #tpu.memory_space<hbm>>) dst(%dma_wait3A_589 : memref<2x128xi32, #tpu.memory_space<vmem>>)
        %ge3A = arith.constant 4 : i32
        %ge3A_599 = arith.cmpi sge, %add3A_364, %ge3A : i32
        %convert_element_type3A_600 = arith.extui %ge3A_599 : i1 to i32
        %cond3A_601 = arith.constant 0 : i32
        %cond3A_602 = arith.cmpi ne, %convert_element_type3A_600, %cond3A_601 : i32
        scf.if %cond3A_602 {
          %dma_wait3A_616 = arith.constant 1 : i32
          %dma_wait3A_617 = arith.constant 1 : i32
          %dma_wait3A_618 = arith.constant 1 : i32
          %dma_wait3A_619 = arith.constant 0 : i32
          %dma_wait3A_620 = arith.constant 0 : i32
          %dma_wait3A_621 = tpu.memref_slice %arg8[%dma_wait3A_616, %dma_wait3A_619, %dma_wait3A_620] : memref<4x128x64xf32, #tpu.memory_space<vmem>> -> memref<1x128x64xf32, #tpu.memory_space<vmem>>
          %dma_wait3A_622 = tpu.memref_squeeze %dma_wait3A_621 : memref<1x128x64xf32, #tpu.memory_space<vmem>> -> memref<128x64xf32, #tpu.memory_space<vmem>>
          %dma_wait3A_623 = arith.constant 0 : i32
          %dma_wait3A_624 = tpu.memref_slice %arg7[%dma_wait3A_617, %dma_wait3A_618, %dma_wait3A_623] : memref<8x2x128xi32, #tpu.memory_space<vmem>> -> memref<1x1x128xi32, #tpu.memory_space<vmem>>
          %dma_wait3A_625 = tpu.memref_squeeze %dma_wait3A_624 : memref<1x1x128xi32, #tpu.memory_space<vmem>> -> memref<128xi32, #tpu.memory_space<vmem>>
          %dma_wait3A_626 = arith.constant 0 : i32
          %dma_wait3A_627 = arith.constant 0 : i32
          %dma_wait3A_628 = tpu.memref_slice %arg9[%dma_wait3A_626, %dma_wait3A_627] : memref<10240x64xf32, #tpu.memory_space<vmem_shared>> -> memref<10240x64xf32, #tpu.memory_space<vmem_shared>>
          tpu.wait_indirect_dma semaphore(%arg24 : memref<!tpu.dma_semaphore, #tpu.memory_space<semaphore_mem>>) src(%dma_wait3A_622 : memref<128x64xf32, #tpu.memory_space<vmem>>) dst(%dma_wait3A_628 : memref<10240x64xf32, #tpu.memory_space<vmem_shared>>)
        } else {
        }
        %dma_start3A_603 = arith.constant 5 : i32
        %dma_start3A_604 = arith.constant 0 : i32
        %dma_start3A_605 = arith.constant 1 : i32
        %dma_start3A_606 = arith.constant 0 : i32
        %dma_start3A_607 = arith.constant 0 : i32
        %dma_start3A_608 = tpu.memref_slice %arg8[%dma_start3A_605, %dma_start3A_606, %dma_start3A_607] : memref<4x128x64xf32, #tpu.memory_space<vmem>> -> memref<1x128x64xf32, #tpu.memory_space<vmem>>
        %dma_start3A_609 = tpu.memref_squeeze %dma_start3A_608 : memref<1x128x64xf32, #tpu.memory_space<vmem>> -> memref<128x64xf32, #tpu.memory_space<vmem>>
        %dma_start3A_610 = arith.constant 0 : i32
        %dma_start3A_611 = tpu.memref_slice %arg7[%dma_start3A_603, %dma_start3A_604, %dma_start3A_610] : memref<8x2x128xi32, #tpu.memory_space<vmem>> -> memref<1x1x128xi32, #tpu.memory_space<vmem>>
        %dma_start3A_612 = tpu.memref_squeeze %dma_start3A_611 : memref<1x1x128xi32, #tpu.memory_space<vmem>> -> memref<128xi32, #tpu.memory_space<vmem>>
        %dma_start3A_613 = arith.constant 0 : i32
        %dma_start3A_614 = arith.constant 0 : i32
        %dma_start3A_615 = tpu.memref_slice %arg10[%dma_start3A_613, %dma_start3A_614] : memref<10240x64xf32, #tpu.memory_space<vmem_shared>> -> memref<10240x64xf32, #tpu.memory_space<vmem_shared>>
        tpu.enqueue_indirect_dma source(%dma_start3A_615 : memref<10240x64xf32, #tpu.memory_space<vmem_shared>>) target(%dma_start3A_609 : memref<128x64xf32, #tpu.memory_space<vmem>>) offsets(%dma_start3A_612 : memref<128xi32, #tpu.memory_space<vmem>>) semaphore(%arg20 : memref<!tpu.dma_semaphore, #tpu.memory_space<semaphore_mem>>)
      } else {
      }
      %dma_wait3A_370 = arith.constant 3 : i32
      %dma_wait3A_371 = arith.constant 0 : i32
      %dma_wait3A_372 = arith.constant 3 : i32
      %dma_wait3A_373 = arith.constant 0 : i32
      %dma_wait3A_374 = arith.constant 0 : i32
      %dma_wait3A_375 = tpu.memref_slice %arg8[%dma_wait3A_372, %dma_wait3A_373, %dma_wait3A_374] : memref<4x128x64xf32, #tpu.memory_space<vmem>> -> memref<1x128x64xf32, #tpu.memory_space<vmem>>
      %dma_wait3A_376 = tpu.memref_squeeze %dma_wait3A_375 : memref<1x128x64xf32, #tpu.memory_space<vmem>> -> memref<128x64xf32, #tpu.memory_space<vmem>>
      %dma_wait3A_377 = arith.constant 0 : i32
      %dma_wait3A_378 = tpu.memref_slice %arg7[%dma_wait3A_370, %dma_wait3A_371, %dma_wait3A_377] : memref<8x2x128xi32, #tpu.memory_space<vmem>> -> memref<1x1x128xi32, #tpu.memory_space<vmem>>
      %dma_wait3A_379 = tpu.memref_squeeze %dma_wait3A_378 : memref<1x1x128xi32, #tpu.memory_space<vmem>> -> memref<128xi32, #tpu.memory_space<vmem>>
      %dma_wait3A_380 = arith.constant 0 : i32
      %dma_wait3A_381 = arith.constant 0 : i32
      %dma_wait3A_382 = tpu.memref_slice %arg10[%dma_wait3A_380, %dma_wait3A_381] : memref<10240x64xf32, #tpu.memory_space<vmem_shared>> -> memref<10240x64xf32, #tpu.memory_space<vmem_shared>>
      tpu.wait_indirect_dma semaphore(%arg22 : memref<!tpu.dma_semaphore, #tpu.memory_space<semaphore_mem>>) src(%dma_wait3A_382 : memref<10240x64xf32, #tpu.memory_space<vmem_shared>>) dst(%dma_wait3A_376 : memref<128x64xf32, #tpu.memory_space<vmem>>)
      %dma_start3A_383 = arith.constant 3 : i32
      %dma_start3A_384 = arith.constant 3 : i32
      %dma_start3A_385 = arith.constant 1 : i32
      %dma_start3A_386 = arith.constant 0 : i32
      %dma_start3A_387 = arith.constant 0 : i32
      %dma_start3A_388 = tpu.memref_slice %arg8[%dma_start3A_383, %dma_start3A_386, %dma_start3A_387] : memref<4x128x64xf32, #tpu.memory_space<vmem>> -> memref<1x128x64xf32, #tpu.memory_space<vmem>>
      %dma_start3A_389 = tpu.memref_squeeze %dma_start3A_388 : memref<1x128x64xf32, #tpu.memory_space<vmem>> -> memref<128x64xf32, #tpu.memory_space<vmem>>
      %dma_start3A_390 = arith.constant 0 : i32
      %dma_start3A_391 = tpu.memref_slice %arg7[%dma_start3A_384, %dma_start3A_385, %dma_start3A_390] : memref<8x2x128xi32, #tpu.memory_space<vmem>> -> memref<1x1x128xi32, #tpu.memory_space<vmem>>
      %dma_start3A_392 = tpu.memref_squeeze %dma_start3A_391 : memref<1x1x128xi32, #tpu.memory_space<vmem>> -> memref<128xi32, #tpu.memory_space<vmem>>
      %dma_start3A_393 = arith.constant 0 : i32
      %dma_start3A_394 = arith.constant 0 : i32
      %dma_start3A_395 = tpu.memref_slice %arg9[%dma_start3A_393, %dma_start3A_394] : memref<10240x64xf32, #tpu.memory_space<vmem_shared>> -> memref<10240x64xf32, #tpu.memory_space<vmem_shared>>
      tpu.enqueue_indirect_dma source(%dma_start3A_389 : memref<128x64xf32, #tpu.memory_space<vmem>>) target(%dma_start3A_395 : memref<10240x64xf32, #tpu.memory_space<vmem_shared>>) offsets(%dma_start3A_392 : memref<128xi32, #tpu.memory_space<vmem>>) semaphore(%arg26 : memref<!tpu.dma_semaphore, #tpu.memory_space<semaphore_mem>>) {add = true}
      %mul3A_396 = arith.constant 8 : i32
      %mul3A_397 = arith.muli %scan3A_223, %mul3A_396 : i32
      %add3A_398 = arith.constant 4 : i32
      %add3A_399 = arith.addi %mul3A_397, %add3A_398 : i32
      %add3A_400 = arith.constant 3 : i32
      %add3A_401 = arith.addi %add3A_399, %add3A_400 : i32
      %lt3A_402 = arith.constant 160 : i32
      %lt3A_403 = arith.cmpi slt, %add3A_401, %lt3A_402 : i32
      %convert_element_type3A_404 = arith.extui %lt3A_403 : i1 to i32
      %cond3A_405 = arith.constant 0 : i32
      %cond3A_406 = arith.cmpi ne, %convert_element_type3A_404, %cond3A_405 : i32
      scf.if %cond3A_406 {
        %dma_start3A_572 = arith.constant 7 : i32
        %dma_start3A_573 = arith.constant 0 : i32
        %dma_start3A_574 = arith.constant 0 : i32
        %dma_start3A_575 = tpu.memref_slice %arg7[%dma_start3A_572, %dma_start3A_573, %dma_start3A_574] : memref<8x2x128xi32, #tpu.memory_space<vmem>> -> memref<1x2x128xi32, #tpu.memory_space<vmem>>
        %dma_start3A_576 = tpu.memref_squeeze %dma_start3A_575 : memref<1x2x128xi32, #tpu.memory_space<vmem>> -> memref<2x128xi32, #tpu.memory_space<vmem>>
        %dma_start3A_577 = arith.constant 0 : i32
        %dma_start3A_578 = arith.constant 0 : i32
        %dma_start3A_579 = arith.constant 0 : i32
        %dma_start3A_580 = tpu.memref_slice %arg3[%arg1, %dma_start3A_577, %dma_start3A_578, %dma_start3A_579] : memref<16x160x2x128xi32, #tpu.memory_space<hbm>> -> memref<1x160x2x128xi32, #tpu.memory_space<hbm>>
        %dma_start3A_581 = tpu.memref_squeeze %dma_start3A_580 : memref<1x160x2x128xi32, #tpu.memory_space<hbm>> -> memref<160x2x128xi32, #tpu.memory_space<hbm>>
        %dma_start3A_582 = arith.constant 0 : i32
        %dma_start3A_583 = arith.constant 0 : i32
        %dma_start3A_584 = tpu.memref_slice %dma_start3A_581[%add3A_401, %dma_start3A_582, %dma_start3A_583] : memref<160x2x128xi32, #tpu.memory_space<hbm>> -> memref<1x2x128xi32, #tpu.memory_space<hbm>>
        %dma_start3A_585 = tpu.memref_squeeze %dma_start3A_584 : memref<1x2x128xi32, #tpu.memory_space<hbm>> -> memref<2x128xi32, #tpu.memory_space<hbm>>
        %dma_start3A_586 = arith.constant 0 : i32
        %dma_start3A_587 = arith.constant 0 : i32
        %dma_start3A_588 = tpu.memref_slice %arg7[%dma_start3A_572, %dma_start3A_586, %dma_start3A_587] : memref<8x2x128xi32, #tpu.memory_space<vmem>> -> memref<1x2x128xi32, #tpu.memory_space<vmem>>
        %dma_start3A_589 = tpu.memref_squeeze %dma_start3A_588 : memref<1x2x128xi32, #tpu.memory_space<vmem>> -> memref<2x128xi32, #tpu.memory_space<vmem>>
        %dma_start3A_590 = arith.constant 0 : i32
        %dma_start3A_591 = arith.constant 0 : i32
        %dma_start3A_592 = arith.constant 0 : i32
        %dma_start3A_593 = tpu.memref_slice %arg3[%arg1, %dma_start3A_590, %dma_start3A_591, %dma_start3A_592] : memref<16x160x2x128xi32, #tpu.memory_space<hbm>> -> memref<1x160x2x128xi32, #tpu.memory_space<hbm>>
        %dma_start3A_594 = tpu.memref_squeeze %dma_start3A_593 : memref<1x160x2x128xi32, #tpu.memory_space<hbm>> -> memref<160x2x128xi32, #tpu.memory_space<hbm>>
        %dma_start3A_595 = arith.constant 0 : i32
        %dma_start3A_596 = arith.constant 0 : i32
        %dma_start3A_597 = tpu.memref_slice %dma_start3A_594[%add3A_401, %dma_start3A_595, %dma_start3A_596] : memref<160x2x128xi32, #tpu.memory_space<hbm>> -> memref<1x2x128xi32, #tpu.memory_space<hbm>>
        %dma_start3A_598 = tpu.memref_squeeze %dma_start3A_597 : memref<1x2x128xi32, #tpu.memory_space<hbm>> -> memref<2x128xi32, #tpu.memory_space<hbm>>
        tpu.enqueue_dma source(%dma_start3A_598 : memref<2x128xi32, #tpu.memory_space<hbm>>) target(%dma_start3A_589 : memref<2x128xi32, #tpu.memory_space<vmem>>) target_semaphore(%arg18 : memref<!tpu.dma_semaphore, #tpu.memory_space<semaphore_mem>>)
      } else {
      }
      %add3A_407 = arith.constant 2 : i32
      %add3A_408 = arith.addi %add3A_399, %add3A_407 : i32
      %lt3A_409 = arith.constant 160 : i32
      %lt3A_410 = arith.cmpi slt, %add3A_408, %lt3A_409 : i32
      %convert_element_type3A_411 = arith.extui %lt3A_410 : i1 to i32
      %cond3A_412 = arith.constant 0 : i32
      %cond3A_413 = arith.cmpi ne, %convert_element_type3A_411, %cond3A_412 : i32
      scf.if %cond3A_413 {
        %dma_wait3A_572 = arith.constant 6 : i32
        %dma_wait3A_573 = arith.constant 0 : i32
        %dma_wait3A_574 = arith.constant 0 : i32
        %dma_wait3A_575 = tpu.memref_slice %arg7[%dma_wait3A_572, %dma_wait3A_573, %dma_wait3A_574] : memref<8x2x128xi32, #tpu.memory_space<vmem>> -> memref<1x2x128xi32, #tpu.memory_space<vmem>>
        %dma_wait3A_576 = tpu.memref_squeeze %dma_wait3A_575 : memref<1x2x128xi32, #tpu.memory_space<vmem>> -> memref<2x128xi32, #tpu.memory_space<vmem>>
        %dma_wait3A_577 = arith.constant 0 : i32
        %dma_wait3A_578 = arith.constant 0 : i32
        %dma_wait3A_579 = arith.constant 0 : i32
        %dma_wait3A_580 = tpu.memref_slice %arg3[%arg1, %dma_wait3A_577, %dma_wait3A_578, %dma_wait3A_579] : memref<16x160x2x128xi32, #tpu.memory_space<hbm>> -> memref<1x160x2x128xi32, #tpu.memory_space<hbm>>
        %dma_wait3A_581 = tpu.memref_squeeze %dma_wait3A_580 : memref<1x160x2x128xi32, #tpu.memory_space<hbm>> -> memref<160x2x128xi32, #tpu.memory_space<hbm>>
        %dma_wait3A_582 = arith.constant 0 : i32
        %dma_wait3A_583 = arith.constant 0 : i32
        %dma_wait3A_584 = tpu.memref_slice %dma_wait3A_581[%add3A_408, %dma_wait3A_582, %dma_wait3A_583] : memref<160x2x128xi32, #tpu.memory_space<hbm>> -> memref<1x2x128xi32, #tpu.memory_space<hbm>>
        %dma_wait3A_585 = tpu.memref_squeeze %dma_wait3A_584 : memref<1x2x128xi32, #tpu.memory_space<hbm>> -> memref<2x128xi32, #tpu.memory_space<hbm>>
        %dma_wait3A_586 = arith.constant 0 : i32
        %dma_wait3A_587 = arith.constant 0 : i32
        %dma_wait3A_588 = tpu.memref_slice %arg7[%dma_wait3A_572, %dma_wait3A_586, %dma_wait3A_587] : memref<8x2x128xi32, #tpu.memory_space<vmem>> -> memref<1x2x128xi32, #tpu.memory_space<vmem>>
        %dma_wait3A_589 = tpu.memref_squeeze %dma_wait3A_588 : memref<1x2x128xi32, #tpu.memory_space<vmem>> -> memref<2x128xi32, #tpu.memory_space<vmem>>
        %dma_wait3A_590 = arith.constant 0 : i32
        %dma_wait3A_591 = arith.constant 0 : i32
        %dma_wait3A_592 = arith.constant 0 : i32
        %dma_wait3A_593 = tpu.memref_slice %arg3[%arg1, %dma_wait3A_590, %dma_wait3A_591, %dma_wait3A_592] : memref<16x160x2x128xi32, #tpu.memory_space<hbm>> -> memref<1x160x2x128xi32, #tpu.memory_space<hbm>>
        %dma_wait3A_594 = tpu.memref_squeeze %dma_wait3A_593 : memref<1x160x2x128xi32, #tpu.memory_space<hbm>> -> memref<160x2x128xi32, #tpu.memory_space<hbm>>
        %dma_wait3A_595 = arith.constant 0 : i32
        %dma_wait3A_596 = arith.constant 0 : i32
        %dma_wait3A_597 = tpu.memref_slice %dma_wait3A_594[%add3A_408, %dma_wait3A_595, %dma_wait3A_596] : memref<160x2x128xi32, #tpu.memory_space<hbm>> -> memref<1x2x128xi32, #tpu.memory_space<hbm>>
        %dma_wait3A_598 = tpu.memref_squeeze %dma_wait3A_597 : memref<1x2x128xi32, #tpu.memory_space<hbm>> -> memref<2x128xi32, #tpu.memory_space<hbm>>
        tpu.wait_dma2 semaphore(%arg17 : memref<!tpu.dma_semaphore, #tpu.memory_space<semaphore_mem>>) src(%dma_wait3A_598 : memref<2x128xi32, #tpu.memory_space<hbm>>) dst(%dma_wait3A_589 : memref<2x128xi32, #tpu.memory_space<vmem>>)
        %ge3A = arith.constant 4 : i32
        %ge3A_599 = arith.cmpi sge, %add3A_408, %ge3A : i32
        %convert_element_type3A_600 = arith.extui %ge3A_599 : i1 to i32
        %cond3A_601 = arith.constant 0 : i32
        %cond3A_602 = arith.cmpi ne, %convert_element_type3A_600, %cond3A_601 : i32
        scf.if %cond3A_602 {
          %dma_wait3A_616 = arith.constant 2 : i32
          %dma_wait3A_617 = arith.constant 2 : i32
          %dma_wait3A_618 = arith.constant 1 : i32
          %dma_wait3A_619 = arith.constant 0 : i32
          %dma_wait3A_620 = arith.constant 0 : i32
          %dma_wait3A_621 = tpu.memref_slice %arg8[%dma_wait3A_616, %dma_wait3A_619, %dma_wait3A_620] : memref<4x128x64xf32, #tpu.memory_space<vmem>> -> memref<1x128x64xf32, #tpu.memory_space<vmem>>
          %dma_wait3A_622 = tpu.memref_squeeze %dma_wait3A_621 : memref<1x128x64xf32, #tpu.memory_space<vmem>> -> memref<128x64xf32, #tpu.memory_space<vmem>>
          %dma_wait3A_623 = arith.constant 0 : i32
          %dma_wait3A_624 = tpu.memref_slice %arg7[%dma_wait3A_617, %dma_wait3A_618, %dma_wait3A_623] : memref<8x2x128xi32, #tpu.memory_space<vmem>> -> memref<1x1x128xi32, #tpu.memory_space<vmem>>
          %dma_wait3A_625 = tpu.memref_squeeze %dma_wait3A_624 : memref<1x1x128xi32, #tpu.memory_space<vmem>> -> memref<128xi32, #tpu.memory_space<vmem>>
          %dma_wait3A_626 = arith.constant 0 : i32
          %dma_wait3A_627 = arith.constant 0 : i32
          %dma_wait3A_628 = tpu.memref_slice %arg9[%dma_wait3A_626, %dma_wait3A_627] : memref<10240x64xf32, #tpu.memory_space<vmem_shared>> -> memref<10240x64xf32, #tpu.memory_space<vmem_shared>>
          tpu.wait_indirect_dma semaphore(%arg25 : memref<!tpu.dma_semaphore, #tpu.memory_space<semaphore_mem>>) src(%dma_wait3A_622 : memref<128x64xf32, #tpu.memory_space<vmem>>) dst(%dma_wait3A_628 : memref<10240x64xf32, #tpu.memory_space<vmem_shared>>)
        } else {
        }
        %dma_start3A_603 = arith.constant 6 : i32
        %dma_start3A_604 = arith.constant 0 : i32
        %dma_start3A_605 = arith.constant 2 : i32
        %dma_start3A_606 = arith.constant 0 : i32
        %dma_start3A_607 = arith.constant 0 : i32
        %dma_start3A_608 = tpu.memref_slice %arg8[%dma_start3A_605, %dma_start3A_606, %dma_start3A_607] : memref<4x128x64xf32, #tpu.memory_space<vmem>> -> memref<1x128x64xf32, #tpu.memory_space<vmem>>
        %dma_start3A_609 = tpu.memref_squeeze %dma_start3A_608 : memref<1x128x64xf32, #tpu.memory_space<vmem>> -> memref<128x64xf32, #tpu.memory_space<vmem>>
        %dma_start3A_610 = arith.constant 0 : i32
        %dma_start3A_611 = tpu.memref_slice %arg7[%dma_start3A_603, %dma_start3A_604, %dma_start3A_610] : memref<8x2x128xi32, #tpu.memory_space<vmem>> -> memref<1x1x128xi32, #tpu.memory_space<vmem>>
        %dma_start3A_612 = tpu.memref_squeeze %dma_start3A_611 : memref<1x1x128xi32, #tpu.memory_space<vmem>> -> memref<128xi32, #tpu.memory_space<vmem>>
        %dma_start3A_613 = arith.constant 0 : i32
        %dma_start3A_614 = arith.constant 0 : i32
        %dma_start3A_615 = tpu.memref_slice %arg10[%dma_start3A_613, %dma_start3A_614] : memref<10240x64xf32, #tpu.memory_space<vmem_shared>> -> memref<10240x64xf32, #tpu.memory_space<vmem_shared>>
        tpu.enqueue_indirect_dma source(%dma_start3A_615 : memref<10240x64xf32, #tpu.memory_space<vmem_shared>>) target(%dma_start3A_609 : memref<128x64xf32, #tpu.memory_space<vmem>>) offsets(%dma_start3A_612 : memref<128xi32, #tpu.memory_space<vmem>>) semaphore(%arg21 : memref<!tpu.dma_semaphore, #tpu.memory_space<semaphore_mem>>)
      } else {
      }
      %dma_wait3A_414 = arith.constant 4 : i32
      %dma_wait3A_415 = arith.constant 0 : i32
      %dma_wait3A_416 = arith.constant 0 : i32
      %dma_wait3A_417 = arith.constant 0 : i32
      %dma_wait3A_418 = arith.constant 0 : i32
      %dma_wait3A_419 = tpu.memref_slice %arg8[%dma_wait3A_416, %dma_wait3A_417, %dma_wait3A_418] : memref<4x128x64xf32, #tpu.memory_space<vmem>> -> memref<1x128x64xf32, #tpu.memory_space<vmem>>
      %dma_wait3A_420 = tpu.memref_squeeze %dma_wait3A_419 : memref<1x128x64xf32, #tpu.memory_space<vmem>> -> memref<128x64xf32, #tpu.memory_space<vmem>>
      %dma_wait3A_421 = arith.constant 0 : i32
      %dma_wait3A_422 = tpu.memref_slice %arg7[%dma_wait3A_414, %dma_wait3A_415, %dma_wait3A_421] : memref<8x2x128xi32, #tpu.memory_space<vmem>> -> memref<1x1x128xi32, #tpu.memory_space<vmem>>
      %dma_wait3A_423 = tpu.memref_squeeze %dma_wait3A_422 : memref<1x1x128xi32, #tpu.memory_space<vmem>> -> memref<128xi32, #tpu.memory_space<vmem>>
      %dma_wait3A_424 = arith.constant 0 : i32
      %dma_wait3A_425 = arith.constant 0 : i32
      %dma_wait3A_426 = tpu.memref_slice %arg10[%dma_wait3A_424, %dma_wait3A_425] : memref<10240x64xf32, #tpu.memory_space<vmem_shared>> -> memref<10240x64xf32, #tpu.memory_space<vmem_shared>>
      tpu.wait_indirect_dma semaphore(%arg19 : memref<!tpu.dma_semaphore, #tpu.memory_space<semaphore_mem>>) src(%dma_wait3A_426 : memref<10240x64xf32, #tpu.memory_space<vmem_shared>>) dst(%dma_wait3A_420 : memref<128x64xf32, #tpu.memory_space<vmem>>)
      %dma_start3A_427 = arith.constant 0 : i32
      %dma_start3A_428 = arith.constant 4 : i32
      %dma_start3A_429 = arith.constant 1 : i32
      %dma_start3A_430 = arith.constant 0 : i32
      %dma_start3A_431 = arith.constant 0 : i32
      %dma_start3A_432 = tpu.memref_slice %arg8[%dma_start3A_427, %dma_start3A_430, %dma_start3A_431] : memref<4x128x64xf32, #tpu.memory_space<vmem>> -> memref<1x128x64xf32, #tpu.memory_space<vmem>>
      %dma_start3A_433 = tpu.memref_squeeze %dma_start3A_432 : memref<1x128x64xf32, #tpu.memory_space<vmem>> -> memref<128x64xf32, #tpu.memory_space<vmem>>
      %dma_start3A_434 = arith.constant 0 : i32
      %dma_start3A_435 = tpu.memref_slice %arg7[%dma_start3A_428, %dma_start3A_429, %dma_start3A_434] : memref<8x2x128xi32, #tpu.memory_space<vmem>> -> memref<1x1x128xi32, #tpu.memory_space<vmem>>
      %dma_start3A_436 = tpu.memref_squeeze %dma_start3A_435 : memref<1x1x128xi32, #tpu.memory_space<vmem>> -> memref<128xi32, #tpu.memory_space<vmem>>
      %dma_start3A_437 = arith.constant 0 : i32
      %dma_start3A_438 = arith.constant 0 : i32
      %dma_start3A_439 = tpu.memref_slice %arg9[%dma_start3A_437, %dma_start3A_438] : memref<10240x64xf32, #tpu.memory_space<vmem_shared>> -> memref<10240x64xf32, #tpu.memory_space<vmem_shared>>
      tpu.enqueue_indirect_dma source(%dma_start3A_433 : memref<128x64xf32, #tpu.memory_space<vmem>>) target(%dma_start3A_439 : memref<10240x64xf32, #tpu.memory_space<vmem_shared>>) offsets(%dma_start3A_436 : memref<128xi32, #tpu.memory_space<vmem>>) semaphore(%arg23 : memref<!tpu.dma_semaphore, #tpu.memory_space<semaphore_mem>>) {add = true}
      %mul3A_440 = arith.constant 8 : i32
      %mul3A_441 = arith.muli %scan3A_223, %mul3A_440 : i32
      %add3A_442 = arith.constant 5 : i32
      %add3A_443 = arith.addi %mul3A_441, %add3A_442 : i32
      %add3A_444 = arith.constant 3 : i32
      %add3A_445 = arith.addi %add3A_443, %add3A_444 : i32
      %lt3A_446 = arith.constant 160 : i32
      %lt3A_447 = arith.cmpi slt, %add3A_445, %lt3A_446 : i32
      %convert_element_type3A_448 = arith.extui %lt3A_447 : i1 to i32
      %cond3A_449 = arith.constant 0 : i32
      %cond3A_450 = arith.cmpi ne, %convert_element_type3A_448, %cond3A_449 : i32
      scf.if %cond3A_450 {
        %dma_start3A_572 = arith.constant 0 : i32
        %dma_start3A_573 = arith.constant 0 : i32
        %dma_start3A_574 = arith.constant 0 : i32
        %dma_start3A_575 = tpu.memref_slice %arg7[%dma_start3A_572, %dma_start3A_573, %dma_start3A_574] : memref<8x2x128xi32, #tpu.memory_space<vmem>> -> memref<1x2x128xi32, #tpu.memory_space<vmem>>
        %dma_start3A_576 = tpu.memref_squeeze %dma_start3A_575 : memref<1x2x128xi32, #tpu.memory_space<vmem>> -> memref<2x128xi32, #tpu.memory_space<vmem>>
        %dma_start3A_577 = arith.constant 0 : i32
        %dma_start3A_578 = arith.constant 0 : i32
        %dma_start3A_579 = arith.constant 0 : i32
        %dma_start3A_580 = tpu.memref_slice %arg3[%arg1, %dma_start3A_577, %dma_start3A_578, %dma_start3A_579] : memref<16x160x2x128xi32, #tpu.memory_space<hbm>> -> memref<1x160x2x128xi32, #tpu.memory_space<hbm>>
        %dma_start3A_581 = tpu.memref_squeeze %dma_start3A_580 : memref<1x160x2x128xi32, #tpu.memory_space<hbm>> -> memref<160x2x128xi32, #tpu.memory_space<hbm>>
        %dma_start3A_582 = arith.constant 0 : i32
        %dma_start3A_583 = arith.constant 0 : i32
        %dma_start3A_584 = tpu.memref_slice %dma_start3A_581[%add3A_445, %dma_start3A_582, %dma_start3A_583] : memref<160x2x128xi32, #tpu.memory_space<hbm>> -> memref<1x2x128xi32, #tpu.memory_space<hbm>>
        %dma_start3A_585 = tpu.memref_squeeze %dma_start3A_584 : memref<1x2x128xi32, #tpu.memory_space<hbm>> -> memref<2x128xi32, #tpu.memory_space<hbm>>
        %dma_start3A_586 = arith.constant 0 : i32
        %dma_start3A_587 = arith.constant 0 : i32
        %dma_start3A_588 = tpu.memref_slice %arg7[%dma_start3A_572, %dma_start3A_586, %dma_start3A_587] : memref<8x2x128xi32, #tpu.memory_space<vmem>> -> memref<1x2x128xi32, #tpu.memory_space<vmem>>
        %dma_start3A_589 = tpu.memref_squeeze %dma_start3A_588 : memref<1x2x128xi32, #tpu.memory_space<vmem>> -> memref<2x128xi32, #tpu.memory_space<vmem>>
        %dma_start3A_590 = arith.constant 0 : i32
        %dma_start3A_591 = arith.constant 0 : i32
        %dma_start3A_592 = arith.constant 0 : i32
        %dma_start3A_593 = tpu.memref_slice %arg3[%arg1, %dma_start3A_590, %dma_start3A_591, %dma_start3A_592] : memref<16x160x2x128xi32, #tpu.memory_space<hbm>> -> memref<1x160x2x128xi32, #tpu.memory_space<hbm>>
        %dma_start3A_594 = tpu.memref_squeeze %dma_start3A_593 : memref<1x160x2x128xi32, #tpu.memory_space<hbm>> -> memref<160x2x128xi32, #tpu.memory_space<hbm>>
        %dma_start3A_595 = arith.constant 0 : i32
        %dma_start3A_596 = arith.constant 0 : i32
        %dma_start3A_597 = tpu.memref_slice %dma_start3A_594[%add3A_445, %dma_start3A_595, %dma_start3A_596] : memref<160x2x128xi32, #tpu.memory_space<hbm>> -> memref<1x2x128xi32, #tpu.memory_space<hbm>>
        %dma_start3A_598 = tpu.memref_squeeze %dma_start3A_597 : memref<1x2x128xi32, #tpu.memory_space<hbm>> -> memref<2x128xi32, #tpu.memory_space<hbm>>
        tpu.enqueue_dma source(%dma_start3A_598 : memref<2x128xi32, #tpu.memory_space<hbm>>) target(%dma_start3A_589 : memref<2x128xi32, #tpu.memory_space<vmem>>) target_semaphore(%arg11 : memref<!tpu.dma_semaphore, #tpu.memory_space<semaphore_mem>>)
      } else {
      }
      %add3A_451 = arith.constant 2 : i32
      %add3A_452 = arith.addi %add3A_443, %add3A_451 : i32
      %lt3A_453 = arith.constant 160 : i32
      %lt3A_454 = arith.cmpi slt, %add3A_452, %lt3A_453 : i32
      %convert_element_type3A_455 = arith.extui %lt3A_454 : i1 to i32
      %cond3A_456 = arith.constant 0 : i32
      %cond3A_457 = arith.cmpi ne, %convert_element_type3A_455, %cond3A_456 : i32
      scf.if %cond3A_457 {
        %dma_wait3A_572 = arith.constant 7 : i32
        %dma_wait3A_573 = arith.constant 0 : i32
        %dma_wait3A_574 = arith.constant 0 : i32
        %dma_wait3A_575 = tpu.memref_slice %arg7[%dma_wait3A_572, %dma_wait3A_573, %dma_wait3A_574] : memref<8x2x128xi32, #tpu.memory_space<vmem>> -> memref<1x2x128xi32, #tpu.memory_space<vmem>>
        %dma_wait3A_576 = tpu.memref_squeeze %dma_wait3A_575 : memref<1x2x128xi32, #tpu.memory_space<vmem>> -> memref<2x128xi32, #tpu.memory_space<vmem>>
        %dma_wait3A_577 = arith.constant 0 : i32
        %dma_wait3A_578 = arith.constant 0 : i32
        %dma_wait3A_579 = arith.constant 0 : i32
        %dma_wait3A_580 = tpu.memref_slice %arg3[%arg1, %dma_wait3A_577, %dma_wait3A_578, %dma_wait3A_579] : memref<16x160x2x128xi32, #tpu.memory_space<hbm>> -> memref<1x160x2x128xi32, #tpu.memory_space<hbm>>
        %dma_wait3A_581 = tpu.memref_squeeze %dma_wait3A_580 : memref<1x160x2x128xi32, #tpu.memory_space<hbm>> -> memref<160x2x128xi32, #tpu.memory_space<hbm>>
        %dma_wait3A_582 = arith.constant 0 : i32
        %dma_wait3A_583 = arith.constant 0 : i32
        %dma_wait3A_584 = tpu.memref_slice %dma_wait3A_581[%add3A_452, %dma_wait3A_582, %dma_wait3A_583] : memref<160x2x128xi32, #tpu.memory_space<hbm>> -> memref<1x2x128xi32, #tpu.memory_space<hbm>>
        %dma_wait3A_585 = tpu.memref_squeeze %dma_wait3A_584 : memref<1x2x128xi32, #tpu.memory_space<hbm>> -> memref<2x128xi32, #tpu.memory_space<hbm>>
        %dma_wait3A_586 = arith.constant 0 : i32
        %dma_wait3A_587 = arith.constant 0 : i32
        %dma_wait3A_588 = tpu.memref_slice %arg7[%dma_wait3A_572, %dma_wait3A_586, %dma_wait3A_587] : memref<8x2x128xi32, #tpu.memory_space<vmem>> -> memref<1x2x128xi32, #tpu.memory_space<vmem>>
        %dma_wait3A_589 = tpu.memref_squeeze %dma_wait3A_588 : memref<1x2x128xi32, #tpu.memory_space<vmem>> -> memref<2x128xi32, #tpu.memory_space<vmem>>
        %dma_wait3A_590 = arith.constant 0 : i32
        %dma_wait3A_591 = arith.constant 0 : i32
        %dma_wait3A_592 = arith.constant 0 : i32
        %dma_wait3A_593 = tpu.memref_slice %arg3[%arg1, %dma_wait3A_590, %dma_wait3A_591, %dma_wait3A_592] : memref<16x160x2x128xi32, #tpu.memory_space<hbm>> -> memref<1x160x2x128xi32, #tpu.memory_space<hbm>>
        %dma_wait3A_594 = tpu.memref_squeeze %dma_wait3A_593 : memref<1x160x2x128xi32, #tpu.memory_space<hbm>> -> memref<160x2x128xi32, #tpu.memory_space<hbm>>
        %dma_wait3A_595 = arith.constant 0 : i32
        %dma_wait3A_596 = arith.constant 0 : i32
        %dma_wait3A_597 = tpu.memref_slice %dma_wait3A_594[%add3A_452, %dma_wait3A_595, %dma_wait3A_596] : memref<160x2x128xi32, #tpu.memory_space<hbm>> -> memref<1x2x128xi32, #tpu.memory_space<hbm>>
        %dma_wait3A_598 = tpu.memref_squeeze %dma_wait3A_597 : memref<1x2x128xi32, #tpu.memory_space<hbm>> -> memref<2x128xi32, #tpu.memory_space<hbm>>
        tpu.wait_dma2 semaphore(%arg18 : memref<!tpu.dma_semaphore, #tpu.memory_space<semaphore_mem>>) src(%dma_wait3A_598 : memref<2x128xi32, #tpu.memory_space<hbm>>) dst(%dma_wait3A_589 : memref<2x128xi32, #tpu.memory_space<vmem>>)
        %ge3A = arith.constant 4 : i32
        %ge3A_599 = arith.cmpi sge, %add3A_452, %ge3A : i32
        %convert_element_type3A_600 = arith.extui %ge3A_599 : i1 to i32
        %cond3A_601 = arith.constant 0 : i32
        %cond3A_602 = arith.cmpi ne, %convert_element_type3A_600, %cond3A_601 : i32
        scf.if %cond3A_602 {
          %dma_wait3A_616 = arith.constant 3 : i32
          %dma_wait3A_617 = arith.constant 3 : i32
          %dma_wait3A_618 = arith.constant 1 : i32
          %dma_wait3A_619 = arith.constant 0 : i32
          %dma_wait3A_620 = arith.constant 0 : i32
          %dma_wait3A_621 = tpu.memref_slice %arg8[%dma_wait3A_616, %dma_wait3A_619, %dma_wait3A_620] : memref<4x128x64xf32, #tpu.memory_space<vmem>> -> memref<1x128x64xf32, #tpu.memory_space<vmem>>
          %dma_wait3A_622 = tpu.memref_squeeze %dma_wait3A_621 : memref<1x128x64xf32, #tpu.memory_space<vmem>> -> memref<128x64xf32, #tpu.memory_space<vmem>>
          %dma_wait3A_623 = arith.constant 0 : i32
          %dma_wait3A_624 = tpu.memref_slice %arg7[%dma_wait3A_617, %dma_wait3A_618, %dma_wait3A_623] : memref<8x2x128xi32, #tpu.memory_space<vmem>> -> memref<1x1x128xi32, #tpu.memory_space<vmem>>
          %dma_wait3A_625 = tpu.memref_squeeze %dma_wait3A_624 : memref<1x1x128xi32, #tpu.memory_space<vmem>> -> memref<128xi32, #tpu.memory_space<vmem>>
          %dma_wait3A_626 = arith.constant 0 : i32
          %dma_wait3A_627 = arith.constant 0 : i32
          %dma_wait3A_628 = tpu.memref_slice %arg9[%dma_wait3A_626, %dma_wait3A_627] : memref<10240x64xf32, #tpu.memory_space<vmem_shared>> -> memref<10240x64xf32, #tpu.memory_space<vmem_shared>>
          tpu.wait_indirect_dma semaphore(%arg26 : memref<!tpu.dma_semaphore, #tpu.memory_space<semaphore_mem>>) src(%dma_wait3A_622 : memref<128x64xf32, #tpu.memory_space<vmem>>) dst(%dma_wait3A_628 : memref<10240x64xf32, #tpu.memory_space<vmem_shared>>)
        } else {
        }
        %dma_start3A_603 = arith.constant 7 : i32
        %dma_start3A_604 = arith.constant 0 : i32
        %dma_start3A_605 = arith.constant 3 : i32
        %dma_start3A_606 = arith.constant 0 : i32
        %dma_start3A_607 = arith.constant 0 : i32
        %dma_start3A_608 = tpu.memref_slice %arg8[%dma_start3A_605, %dma_start3A_606, %dma_start3A_607] : memref<4x128x64xf32, #tpu.memory_space<vmem>> -> memref<1x128x64xf32, #tpu.memory_space<vmem>>
        %dma_start3A_609 = tpu.memref_squeeze %dma_start3A_608 : memref<1x128x64xf32, #tpu.memory_space<vmem>> -> memref<128x64xf32, #tpu.memory_space<vmem>>
        %dma_start3A_610 = arith.constant 0 : i32
        %dma_start3A_611 = tpu.memref_slice %arg7[%dma_start3A_603, %dma_start3A_604, %dma_start3A_610] : memref<8x2x128xi32, #tpu.memory_space<vmem>> -> memref<1x1x128xi32, #tpu.memory_space<vmem>>
        %dma_start3A_612 = tpu.memref_squeeze %dma_start3A_611 : memref<1x1x128xi32, #tpu.memory_space<vmem>> -> memref<128xi32, #tpu.memory_space<vmem>>
        %dma_start3A_613 = arith.constant 0 : i32
        %dma_start3A_614 = arith.constant 0 : i32
        %dma_start3A_615 = tpu.memref_slice %arg10[%dma_start3A_613, %dma_start3A_614] : memref<10240x64xf32, #tpu.memory_space<vmem_shared>> -> memref<10240x64xf32, #tpu.memory_space<vmem_shared>>
        tpu.enqueue_indirect_dma source(%dma_start3A_615 : memref<10240x64xf32, #tpu.memory_space<vmem_shared>>) target(%dma_start3A_609 : memref<128x64xf32, #tpu.memory_space<vmem>>) offsets(%dma_start3A_612 : memref<128xi32, #tpu.memory_space<vmem>>) semaphore(%arg22 : memref<!tpu.dma_semaphore, #tpu.memory_space<semaphore_mem>>)
      } else {
      }
      %dma_wait3A_458 = arith.constant 5 : i32
      %dma_wait3A_459 = arith.constant 0 : i32
      %dma_wait3A_460 = arith.constant 1 : i32
      %dma_wait3A_461 = arith.constant 0 : i32
      %dma_wait3A_462 = arith.constant 0 : i32
      %dma_wait3A_463 = tpu.memref_slice %arg8[%dma_wait3A_460, %dma_wait3A_461, %dma_wait3A_462] : memref<4x128x64xf32, #tpu.memory_space<vmem>> -> memref<1x128x64xf32, #tpu.memory_space<vmem>>
      %dma_wait3A_464 = tpu.memref_squeeze %dma_wait3A_463 : memref<1x128x64xf32, #tpu.memory_space<vmem>> -> memref<128x64xf32, #tpu.memory_space<vmem>>
      %dma_wait3A_465 = arith.constant 0 : i32
      %dma_wait3A_466 = tpu.memref_slice %arg7[%dma_wait3A_458, %dma_wait3A_459, %dma_wait3A_465] : memref<8x2x128xi32, #tpu.memory_space<vmem>> -> memref<1x1x128xi32, #tpu.memory_space<vmem>>
      %dma_wait3A_467 = tpu.memref_squeeze %dma_wait3A_466 : memref<1x1x128xi32, #tpu.memory_space<vmem>> -> memref<128xi32, #tpu.memory_space<vmem>>
      %dma_wait3A_468 = arith.constant 0 : i32
      %dma_wait3A_469 = arith.constant 0 : i32
      %dma_wait3A_470 = tpu.memref_slice %arg10[%dma_wait3A_468, %dma_wait3A_469] : memref<10240x64xf32, #tpu.memory_space<vmem_shared>> -> memref<10240x64xf32, #tpu.memory_space<vmem_shared>>
      tpu.wait_indirect_dma semaphore(%arg20 : memref<!tpu.dma_semaphore, #tpu.memory_space<semaphore_mem>>) src(%dma_wait3A_470 : memref<10240x64xf32, #tpu.memory_space<vmem_shared>>) dst(%dma_wait3A_464 : memref<128x64xf32, #tpu.memory_space<vmem>>)
      %dma_start3A_471 = arith.constant 1 : i32
      %dma_start3A_472 = arith.constant 5 : i32
      %dma_start3A_473 = arith.constant 1 : i32
      %dma_start3A_474 = arith.constant 0 : i32
      %dma_start3A_475 = arith.constant 0 : i32
      %dma_start3A_476 = tpu.memref_slice %arg8[%dma_start3A_471, %dma_start3A_474, %dma_start3A_475] : memref<4x128x64xf32, #tpu.memory_space<vmem>> -> memref<1x128x64xf32, #tpu.memory_space<vmem>>
      %dma_start3A_477 = tpu.memref_squeeze %dma_start3A_476 : memref<1x128x64xf32, #tpu.memory_space<vmem>> -> memref<128x64xf32, #tpu.memory_space<vmem>>
      %dma_start3A_478 = arith.constant 0 : i32
      %dma_start3A_479 = tpu.memref_slice %arg7[%dma_start3A_472, %dma_start3A_473, %dma_start3A_478] : memref<8x2x128xi32, #tpu.memory_space<vmem>> -> memref<1x1x128xi32, #tpu.memory_space<vmem>>
      %dma_start3A_480 = tpu.memref_squeeze %dma_start3A_479 : memref<1x1x128xi32, #tpu.memory_space<vmem>> -> memref<128xi32, #tpu.memory_space<vmem>>
      %dma_start3A_481 = arith.constant 0 : i32
      %dma_start3A_482 = arith.constant 0 : i32
      %dma_start3A_483 = tpu.memref_slice %arg9[%dma_start3A_481, %dma_start3A_482] : memref<10240x64xf32, #tpu.memory_space<vmem_shared>> -> memref<10240x64xf32, #tpu.memory_space<vmem_shared>>
      tpu.enqueue_indirect_dma source(%dma_start3A_477 : memref<128x64xf32, #tpu.memory_space<vmem>>) target(%dma_start3A_483 : memref<10240x64xf32, #tpu.memory_space<vmem_shared>>) offsets(%dma_start3A_480 : memref<128xi32, #tpu.memory_space<vmem>>) semaphore(%arg24 : memref<!tpu.dma_semaphore, #tpu.memory_space<semaphore_mem>>) {add = true}
      %mul3A_484 = arith.constant 8 : i32
      %mul3A_485 = arith.muli %scan3A_223, %mul3A_484 : i32
      %add3A_486 = arith.constant 6 : i32
      %add3A_487 = arith.addi %mul3A_485, %add3A_486 : i32
      %add3A_488 = arith.constant 3 : i32
      %add3A_489 = arith.addi %add3A_487, %add3A_488 : i32
      %lt3A_490 = arith.constant 160 : i32
      %lt3A_491 = arith.cmpi slt, %add3A_489, %lt3A_490 : i32
      %convert_element_type3A_492 = arith.extui %lt3A_491 : i1 to i32
      %cond3A_493 = arith.constant 0 : i32
      %cond3A_494 = arith.cmpi ne, %convert_element_type3A_492, %cond3A_493 : i32
      scf.if %cond3A_494 {
        %dma_start3A_572 = arith.constant 1 : i32
        %dma_start3A_573 = arith.constant 0 : i32
        %dma_start3A_574 = arith.constant 0 : i32
        %dma_start3A_575 = tpu.memref_slice %arg7[%dma_start3A_572, %dma_start3A_573, %dma_start3A_574] : memref<8x2x128xi32, #tpu.memory_space<vmem>> -> memref<1x2x128xi32, #tpu.memory_space<vmem>>
        %dma_start3A_576 = tpu.memref_squeeze %dma_start3A_575 : memref<1x2x128xi32, #tpu.memory_space<vmem>> -> memref<2x128xi32, #tpu.memory_space<vmem>>
        %dma_start3A_577 = arith.constant 0 : i32
        %dma_start3A_578 = arith.constant 0 : i32
        %dma_start3A_579 = arith.constant 0 : i32
        %dma_start3A_580 = tpu.memref_slice %arg3[%arg1, %dma_start3A_577, %dma_start3A_578, %dma_start3A_579] : memref<16x160x2x128xi32, #tpu.memory_space<hbm>> -> memref<1x160x2x128xi32, #tpu.memory_space<hbm>>
        %dma_start3A_581 = tpu.memref_squeeze %dma_start3A_580 : memref<1x160x2x128xi32, #tpu.memory_space<hbm>> -> memref<160x2x128xi32, #tpu.memory_space<hbm>>
        %dma_start3A_582 = arith.constant 0 : i32
        %dma_start3A_583 = arith.constant 0 : i32
        %dma_start3A_584 = tpu.memref_slice %dma_start3A_581[%add3A_489, %dma_start3A_582, %dma_start3A_583] : memref<160x2x128xi32, #tpu.memory_space<hbm>> -> memref<1x2x128xi32, #tpu.memory_space<hbm>>
        %dma_start3A_585 = tpu.memref_squeeze %dma_start3A_584 : memref<1x2x128xi32, #tpu.memory_space<hbm>> -> memref<2x128xi32, #tpu.memory_space<hbm>>
        %dma_start3A_586 = arith.constant 0 : i32
        %dma_start3A_587 = arith.constant 0 : i32
        %dma_start3A_588 = tpu.memref_slice %arg7[%dma_start3A_572, %dma_start3A_586, %dma_start3A_587] : memref<8x2x128xi32, #tpu.memory_space<vmem>> -> memref<1x2x128xi32, #tpu.memory_space<vmem>>
        %dma_start3A_589 = tpu.memref_squeeze %dma_start3A_588 : memref<1x2x128xi32, #tpu.memory_space<vmem>> -> memref<2x128xi32, #tpu.memory_space<vmem>>
        %dma_start3A_590 = arith.constant 0 : i32
        %dma_start3A_591 = arith.constant 0 : i32
        %dma_start3A_592 = arith.constant 0 : i32
        %dma_start3A_593 = tpu.memref_slice %arg3[%arg1, %dma_start3A_590, %dma_start3A_591, %dma_start3A_592] : memref<16x160x2x128xi32, #tpu.memory_space<hbm>> -> memref<1x160x2x128xi32, #tpu.memory_space<hbm>>
        %dma_start3A_594 = tpu.memref_squeeze %dma_start3A_593 : memref<1x160x2x128xi32, #tpu.memory_space<hbm>> -> memref<160x2x128xi32, #tpu.memory_space<hbm>>
        %dma_start3A_595 = arith.constant 0 : i32
        %dma_start3A_596 = arith.constant 0 : i32
        %dma_start3A_597 = tpu.memref_slice %dma_start3A_594[%add3A_489, %dma_start3A_595, %dma_start3A_596] : memref<160x2x128xi32, #tpu.memory_space<hbm>> -> memref<1x2x128xi32, #tpu.memory_space<hbm>>
        %dma_start3A_598 = tpu.memref_squeeze %dma_start3A_597 : memref<1x2x128xi32, #tpu.memory_space<hbm>> -> memref<2x128xi32, #tpu.memory_space<hbm>>
        tpu.enqueue_dma source(%dma_start3A_598 : memref<2x128xi32, #tpu.memory_space<hbm>>) target(%dma_start3A_589 : memref<2x128xi32, #tpu.memory_space<vmem>>) target_semaphore(%arg12 : memref<!tpu.dma_semaphore, #tpu.memory_space<semaphore_mem>>)
      } else {
      }
      %add3A_495 = arith.constant 2 : i32
      %add3A_496 = arith.addi %add3A_487, %add3A_495 : i32
      %lt3A_497 = arith.constant 160 : i32
      %lt3A_498 = arith.cmpi slt, %add3A_496, %lt3A_497 : i32
      %convert_element_type3A_499 = arith.extui %lt3A_498 : i1 to i32
      %cond3A_500 = arith.constant 0 : i32
      %cond3A_501 = arith.cmpi ne, %convert_element_type3A_499, %cond3A_500 : i32
      scf.if %cond3A_501 {
        %dma_wait3A_572 = arith.constant 0 : i32
        %dma_wait3A_573 = arith.constant 0 : i32
        %dma_wait3A_574 = arith.constant 0 : i32
        %dma_wait3A_575 = tpu.memref_slice %arg7[%dma_wait3A_572, %dma_wait3A_573, %dma_wait3A_574] : memref<8x2x128xi32, #tpu.memory_space<vmem>> -> memref<1x2x128xi32, #tpu.memory_space<vmem>>
        %dma_wait3A_576 = tpu.memref_squeeze %dma_wait3A_575 : memref<1x2x128xi32, #tpu.memory_space<vmem>> -> memref<2x128xi32, #tpu.memory_space<vmem>>
        %dma_wait3A_577 = arith.constant 0 : i32
        %dma_wait3A_578 = arith.constant 0 : i32
        %dma_wait3A_579 = arith.constant 0 : i32
        %dma_wait3A_580 = tpu.memref_slice %arg3[%arg1, %dma_wait3A_577, %dma_wait3A_578, %dma_wait3A_579] : memref<16x160x2x128xi32, #tpu.memory_space<hbm>> -> memref<1x160x2x128xi32, #tpu.memory_space<hbm>>
        %dma_wait3A_581 = tpu.memref_squeeze %dma_wait3A_580 : memref<1x160x2x128xi32, #tpu.memory_space<hbm>> -> memref<160x2x128xi32, #tpu.memory_space<hbm>>
        %dma_wait3A_582 = arith.constant 0 : i32
        %dma_wait3A_583 = arith.constant 0 : i32
        %dma_wait3A_584 = tpu.memref_slice %dma_wait3A_581[%add3A_496, %dma_wait3A_582, %dma_wait3A_583] : memref<160x2x128xi32, #tpu.memory_space<hbm>> -> memref<1x2x128xi32, #tpu.memory_space<hbm>>
        %dma_wait3A_585 = tpu.memref_squeeze %dma_wait3A_584 : memref<1x2x128xi32, #tpu.memory_space<hbm>> -> memref<2x128xi32, #tpu.memory_space<hbm>>
        %dma_wait3A_586 = arith.constant 0 : i32
        %dma_wait3A_587 = arith.constant 0 : i32
        %dma_wait3A_588 = tpu.memref_slice %arg7[%dma_wait3A_572, %dma_wait3A_586, %dma_wait3A_587] : memref<8x2x128xi32, #tpu.memory_space<vmem>> -> memref<1x2x128xi32, #tpu.memory_space<vmem>>
        %dma_wait3A_589 = tpu.memref_squeeze %dma_wait3A_588 : memref<1x2x128xi32, #tpu.memory_space<vmem>> -> memref<2x128xi32, #tpu.memory_space<vmem>>
        %dma_wait3A_590 = arith.constant 0 : i32
        %dma_wait3A_591 = arith.constant 0 : i32
        %dma_wait3A_592 = arith.constant 0 : i32
        %dma_wait3A_593 = tpu.memref_slice %arg3[%arg1, %dma_wait3A_590, %dma_wait3A_591, %dma_wait3A_592] : memref<16x160x2x128xi32, #tpu.memory_space<hbm>> -> memref<1x160x2x128xi32, #tpu.memory_space<hbm>>
        %dma_wait3A_594 = tpu.memref_squeeze %dma_wait3A_593 : memref<1x160x2x128xi32, #tpu.memory_space<hbm>> -> memref<160x2x128xi32, #tpu.memory_space<hbm>>
        %dma_wait3A_595 = arith.constant 0 : i32
        %dma_wait3A_596 = arith.constant 0 : i32
        %dma_wait3A_597 = tpu.memref_slice %dma_wait3A_594[%add3A_496, %dma_wait3A_595, %dma_wait3A_596] : memref<160x2x128xi32, #tpu.memory_space<hbm>> -> memref<1x2x128xi32, #tpu.memory_space<hbm>>
        %dma_wait3A_598 = tpu.memref_squeeze %dma_wait3A_597 : memref<1x2x128xi32, #tpu.memory_space<hbm>> -> memref<2x128xi32, #tpu.memory_space<hbm>>
        tpu.wait_dma2 semaphore(%arg11 : memref<!tpu.dma_semaphore, #tpu.memory_space<semaphore_mem>>) src(%dma_wait3A_598 : memref<2x128xi32, #tpu.memory_space<hbm>>) dst(%dma_wait3A_589 : memref<2x128xi32, #tpu.memory_space<vmem>>)
        %ge3A = arith.constant 4 : i32
        %ge3A_599 = arith.cmpi sge, %add3A_496, %ge3A : i32
        %convert_element_type3A_600 = arith.extui %ge3A_599 : i1 to i32
        %cond3A_601 = arith.constant 0 : i32
        %cond3A_602 = arith.cmpi ne, %convert_element_type3A_600, %cond3A_601 : i32
        scf.if %cond3A_602 {
          %dma_wait3A_616 = arith.constant 0 : i32
          %dma_wait3A_617 = arith.constant 4 : i32
          %dma_wait3A_618 = arith.constant 1 : i32
          %dma_wait3A_619 = arith.constant 0 : i32
          %dma_wait3A_620 = arith.constant 0 : i32
          %dma_wait3A_621 = tpu.memref_slice %arg8[%dma_wait3A_616, %dma_wait3A_619, %dma_wait3A_620] : memref<4x128x64xf32, #tpu.memory_space<vmem>> -> memref<1x128x64xf32, #tpu.memory_space<vmem>>
          %dma_wait3A_622 = tpu.memref_squeeze %dma_wait3A_621 : memref<1x128x64xf32, #tpu.memory_space<vmem>> -> memref<128x64xf32, #tpu.memory_space<vmem>>
          %dma_wait3A_623 = arith.constant 0 : i32
          %dma_wait3A_624 = tpu.memref_slice %arg7[%dma_wait3A_617, %dma_wait3A_618, %dma_wait3A_623] : memref<8x2x128xi32, #tpu.memory_space<vmem>> -> memref<1x1x128xi32, #tpu.memory_space<vmem>>
          %dma_wait3A_625 = tpu.memref_squeeze %dma_wait3A_624 : memref<1x1x128xi32, #tpu.memory_space<vmem>> -> memref<128xi32, #tpu.memory_space<vmem>>
          %dma_wait3A_626 = arith.constant 0 : i32
          %dma_wait3A_627 = arith.constant 0 : i32
          %dma_wait3A_628 = tpu.memref_slice %arg9[%dma_wait3A_626, %dma_wait3A_627] : memref<10240x64xf32, #tpu.memory_space<vmem_shared>> -> memref<10240x64xf32, #tpu.memory_space<vmem_shared>>
          tpu.wait_indirect_dma semaphore(%arg23 : memref<!tpu.dma_semaphore, #tpu.memory_space<semaphore_mem>>) src(%dma_wait3A_622 : memref<128x64xf32, #tpu.memory_space<vmem>>) dst(%dma_wait3A_628 : memref<10240x64xf32, #tpu.memory_space<vmem_shared>>)
        } else {
        }
        %dma_start3A_603 = arith.constant 0 : i32
        %dma_start3A_604 = arith.constant 0 : i32
        %dma_start3A_605 = arith.constant 0 : i32
        %dma_start3A_606 = arith.constant 0 : i32
        %dma_start3A_607 = arith.constant 0 : i32
        %dma_start3A_608 = tpu.memref_slice %arg8[%dma_start3A_605, %dma_start3A_606, %dma_start3A_607] : memref<4x128x64xf32, #tpu.memory_space<vmem>> -> memref<1x128x64xf32, #tpu.memory_space<vmem>>
        %dma_start3A_609 = tpu.memref_squeeze %dma_start3A_608 : memref<1x128x64xf32, #tpu.memory_space<vmem>> -> memref<128x64xf32, #tpu.memory_space<vmem>>
        %dma_start3A_610 = arith.constant 0 : i32
        %dma_start3A_611 = tpu.memref_slice %arg7[%dma_start3A_603, %dma_start3A_604, %dma_start3A_610] : memref<8x2x128xi32, #tpu.memory_space<vmem>> -> memref<1x1x128xi32, #tpu.memory_space<vmem>>
        %dma_start3A_612 = tpu.memref_squeeze %dma_start3A_611 : memref<1x1x128xi32, #tpu.memory_space<vmem>> -> memref<128xi32, #tpu.memory_space<vmem>>
        %dma_start3A_613 = arith.constant 0 : i32
        %dma_start3A_614 = arith.constant 0 : i32
        %dma_start3A_615 = tpu.memref_slice %arg10[%dma_start3A_613, %dma_start3A_614] : memref<10240x64xf32, #tpu.memory_space<vmem_shared>> -> memref<10240x64xf32, #tpu.memory_space<vmem_shared>>
        tpu.enqueue_indirect_dma source(%dma_start3A_615 : memref<10240x64xf32, #tpu.memory_space<vmem_shared>>) target(%dma_start3A_609 : memref<128x64xf32, #tpu.memory_space<vmem>>) offsets(%dma_start3A_612 : memref<128xi32, #tpu.memory_space<vmem>>) semaphore(%arg19 : memref<!tpu.dma_semaphore, #tpu.memory_space<semaphore_mem>>)
      } else {
      }
      %dma_wait3A_502 = arith.constant 6 : i32
      %dma_wait3A_503 = arith.constant 0 : i32
      %dma_wait3A_504 = arith.constant 2 : i32
      %dma_wait3A_505 = arith.constant 0 : i32
      %dma_wait3A_506 = arith.constant 0 : i32
      %dma_wait3A_507 = tpu.memref_slice %arg8[%dma_wait3A_504, %dma_wait3A_505, %dma_wait3A_506] : memref<4x128x64xf32, #tpu.memory_space<vmem>> -> memref<1x128x64xf32, #tpu.memory_space<vmem>>
      %dma_wait3A_508 = tpu.memref_squeeze %dma_wait3A_507 : memref<1x128x64xf32, #tpu.memory_space<vmem>> -> memref<128x64xf32, #tpu.memory_space<vmem>>
      %dma_wait3A_509 = arith.constant 0 : i32
      %dma_wait3A_510 = tpu.memref_slice %arg7[%dma_wait3A_502, %dma_wait3A_503, %dma_wait3A_509] : memref<8x2x128xi32, #tpu.memory_space<vmem>> -> memref<1x1x128xi32, #tpu.memory_space<vmem>>
      %dma_wait3A_511 = tpu.memref_squeeze %dma_wait3A_510 : memref<1x1x128xi32, #tpu.memory_space<vmem>> -> memref<128xi32, #tpu.memory_space<vmem>>
      %dma_wait3A_512 = arith.constant 0 : i32
      %dma_wait3A_513 = arith.constant 0 : i32
      %dma_wait3A_514 = tpu.memref_slice %arg10[%dma_wait3A_512, %dma_wait3A_513] : memref<10240x64xf32, #tpu.memory_space<vmem_shared>> -> memref<10240x64xf32, #tpu.memory_space<vmem_shared>>
      tpu.wait_indirect_dma semaphore(%arg21 : memref<!tpu.dma_semaphore, #tpu.memory_space<semaphore_mem>>) src(%dma_wait3A_514 : memref<10240x64xf32, #tpu.memory_space<vmem_shared>>) dst(%dma_wait3A_508 : memref<128x64xf32, #tpu.memory_space<vmem>>)
      %dma_start3A_515 = arith.constant 2 : i32
      %dma_start3A_516 = arith.constant 6 : i32
      %dma_start3A_517 = arith.constant 1 : i32
      %dma_start3A_518 = arith.constant 0 : i32
      %dma_start3A_519 = arith.constant 0 : i32
      %dma_start3A_520 = tpu.memref_slice %arg8[%dma_start3A_515, %dma_start3A_518, %dma_start3A_519] : memref<4x128x64xf32, #tpu.memory_space<vmem>> -> memref<1x128x64xf32, #tpu.memory_space<vmem>>
      %dma_start3A_521 = tpu.memref_squeeze %dma_start3A_520 : memref<1x128x64xf32, #tpu.memory_space<vmem>> -> memref<128x64xf32, #tpu.memory_space<vmem>>
      %dma_start3A_522 = arith.constant 0 : i32
      %dma_start3A_523 = tpu.memref_slice %arg7[%dma_start3A_516, %dma_start3A_517, %dma_start3A_522] : memref<8x2x128xi32, #tpu.memory_space<vmem>> -> memref<1x1x128xi32, #tpu.memory_space<vmem>>
      %dma_start3A_524 = tpu.memref_squeeze %dma_start3A_523 : memref<1x1x128xi32, #tpu.memory_space<vmem>> -> memref<128xi32, #tpu.memory_space<vmem>>
      %dma_start3A_525 = arith.constant 0 : i32
      %dma_start3A_526 = arith.constant 0 : i32
      %dma_start3A_527 = tpu.memref_slice %arg9[%dma_start3A_525, %dma_start3A_526] : memref<10240x64xf32, #tpu.memory_space<vmem_shared>> -> memref<10240x64xf32, #tpu.memory_space<vmem_shared>>
      tpu.enqueue_indirect_dma source(%dma_start3A_521 : memref<128x64xf32, #tpu.memory_space<vmem>>) target(%dma_start3A_527 : memref<10240x64xf32, #tpu.memory_space<vmem_shared>>) offsets(%dma_start3A_524 : memref<128xi32, #tpu.memory_space<vmem>>) semaphore(%arg25 : memref<!tpu.dma_semaphore, #tpu.memory_space<semaphore_mem>>) {add = true}
      %mul3A_528 = arith.constant 8 : i32
      %mul3A_529 = arith.muli %scan3A_223, %mul3A_528 : i32
      %add3A_530 = arith.constant 7 : i32
      %add3A_531 = arith.addi %mul3A_529, %add3A_530 : i32
      %add3A_532 = arith.constant 3 : i32
      %add3A_533 = arith.addi %add3A_531, %add3A_532 : i32
      %lt3A_534 = arith.constant 160 : i32
      %lt3A_535 = arith.cmpi slt, %add3A_533, %lt3A_534 : i32
      %convert_element_type3A_536 = arith.extui %lt3A_535 : i1 to i32
      %cond3A_537 = arith.constant 0 : i32
      %cond3A_538 = arith.cmpi ne, %convert_element_type3A_536, %cond3A_537 : i32
      scf.if %cond3A_538 {
        %dma_start3A_572 = arith.constant 2 : i32
        %dma_start3A_573 = arith.constant 0 : i32
        %dma_start3A_574 = arith.constant 0 : i32
        %dma_start3A_575 = tpu.memref_slice %arg7[%dma_start3A_572, %dma_start3A_573, %dma_start3A_574] : memref<8x2x128xi32, #tpu.memory_space<vmem>> -> memref<1x2x128xi32, #tpu.memory_space<vmem>>
        %dma_start3A_576 = tpu.memref_squeeze %dma_start3A_575 : memref<1x2x128xi32, #tpu.memory_space<vmem>> -> memref<2x128xi32, #tpu.memory_space<vmem>>
        %dma_start3A_577 = arith.constant 0 : i32
        %dma_start3A_578 = arith.constant 0 : i32
        %dma_start3A_579 = arith.constant 0 : i32
        %dma_start3A_580 = tpu.memref_slice %arg3[%arg1, %dma_start3A_577, %dma_start3A_578, %dma_start3A_579] : memref<16x160x2x128xi32, #tpu.memory_space<hbm>> -> memref<1x160x2x128xi32, #tpu.memory_space<hbm>>
        %dma_start3A_581 = tpu.memref_squeeze %dma_start3A_580 : memref<1x160x2x128xi32, #tpu.memory_space<hbm>> -> memref<160x2x128xi32, #tpu.memory_space<hbm>>
        %dma_start3A_582 = arith.constant 0 : i32
        %dma_start3A_583 = arith.constant 0 : i32
        %dma_start3A_584 = tpu.memref_slice %dma_start3A_581[%add3A_533, %dma_start3A_582, %dma_start3A_583] : memref<160x2x128xi32, #tpu.memory_space<hbm>> -> memref<1x2x128xi32, #tpu.memory_space<hbm>>
        %dma_start3A_585 = tpu.memref_squeeze %dma_start3A_584 : memref<1x2x128xi32, #tpu.memory_space<hbm>> -> memref<2x128xi32, #tpu.memory_space<hbm>>
        %dma_start3A_586 = arith.constant 0 : i32
        %dma_start3A_587 = arith.constant 0 : i32
        %dma_start3A_588 = tpu.memref_slice %arg7[%dma_start3A_572, %dma_start3A_586, %dma_start3A_587] : memref<8x2x128xi32, #tpu.memory_space<vmem>> -> memref<1x2x128xi32, #tpu.memory_space<vmem>>
        %dma_start3A_589 = tpu.memref_squeeze %dma_start3A_588 : memref<1x2x128xi32, #tpu.memory_space<vmem>> -> memref<2x128xi32, #tpu.memory_space<vmem>>
        %dma_start3A_590 = arith.constant 0 : i32
        %dma_start3A_591 = arith.constant 0 : i32
        %dma_start3A_592 = arith.constant 0 : i32
        %dma_start3A_593 = tpu.memref_slice %arg3[%arg1, %dma_start3A_590, %dma_start3A_591, %dma_start3A_592] : memref<16x160x2x128xi32, #tpu.memory_space<hbm>> -> memref<1x160x2x128xi32, #tpu.memory_space<hbm>>
        %dma_start3A_594 = tpu.memref_squeeze %dma_start3A_593 : memref<1x160x2x128xi32, #tpu.memory_space<hbm>> -> memref<160x2x128xi32, #tpu.memory_space<hbm>>
        %dma_start3A_595 = arith.constant 0 : i32
        %dma_start3A_596 = arith.constant 0 : i32
        %dma_start3A_597 = tpu.memref_slice %dma_start3A_594[%add3A_533, %dma_start3A_595, %dma_start3A_596] : memref<160x2x128xi32, #tpu.memory_space<hbm>> -> memref<1x2x128xi32, #tpu.memory_space<hbm>>
        %dma_start3A_598 = tpu.memref_squeeze %dma_start3A_597 : memref<1x2x128xi32, #tpu.memory_space<hbm>> -> memref<2x128xi32, #tpu.memory_space<hbm>>
        tpu.enqueue_dma source(%dma_start3A_598 : memref<2x128xi32, #tpu.memory_space<hbm>>) target(%dma_start3A_589 : memref<2x128xi32, #tpu.memory_space<vmem>>) target_semaphore(%arg13 : memref<!tpu.dma_semaphore, #tpu.memory_space<semaphore_mem>>)
      } else {
      }
      %add3A_539 = arith.constant 2 : i32
      %add3A_540 = arith.addi %add3A_531, %add3A_539 : i32
      %lt3A_541 = arith.constant 160 : i32
      %lt3A_542 = arith.cmpi slt, %add3A_540, %lt3A_541 : i32
      %convert_element_type3A_543 = arith.extui %lt3A_542 : i1 to i32
      %cond3A_544 = arith.constant 0 : i32
      %cond3A_545 = arith.cmpi ne, %convert_element_type3A_543, %cond3A_544 : i32
      scf.if %cond3A_545 {
        %dma_wait3A_572 = arith.constant 1 : i32
        %dma_wait3A_573 = arith.constant 0 : i32
        %dma_wait3A_574 = arith.constant 0 : i32
        %dma_wait3A_575 = tpu.memref_slice %arg7[%dma_wait3A_572, %dma_wait3A_573, %dma_wait3A_574] : memref<8x2x128xi32, #tpu.memory_space<vmem>> -> memref<1x2x128xi32, #tpu.memory_space<vmem>>
        %dma_wait3A_576 = tpu.memref_squeeze %dma_wait3A_575 : memref<1x2x128xi32, #tpu.memory_space<vmem>> -> memref<2x128xi32, #tpu.memory_space<vmem>>
        %dma_wait3A_577 = arith.constant 0 : i32
        %dma_wait3A_578 = arith.constant 0 : i32
        %dma_wait3A_579 = arith.constant 0 : i32
        %dma_wait3A_580 = tpu.memref_slice %arg3[%arg1, %dma_wait3A_577, %dma_wait3A_578, %dma_wait3A_579] : memref<16x160x2x128xi32, #tpu.memory_space<hbm>> -> memref<1x160x2x128xi32, #tpu.memory_space<hbm>>
        %dma_wait3A_581 = tpu.memref_squeeze %dma_wait3A_580 : memref<1x160x2x128xi32, #tpu.memory_space<hbm>> -> memref<160x2x128xi32, #tpu.memory_space<hbm>>
        %dma_wait3A_582 = arith.constant 0 : i32
        %dma_wait3A_583 = arith.constant 0 : i32
        %dma_wait3A_584 = tpu.memref_slice %dma_wait3A_581[%add3A_540, %dma_wait3A_582, %dma_wait3A_583] : memref<160x2x128xi32, #tpu.memory_space<hbm>> -> memref<1x2x128xi32, #tpu.memory_space<hbm>>
        %dma_wait3A_585 = tpu.memref_squeeze %dma_wait3A_584 : memref<1x2x128xi32, #tpu.memory_space<hbm>> -> memref<2x128xi32, #tpu.memory_space<hbm>>
        %dma_wait3A_586 = arith.constant 0 : i32
        %dma_wait3A_587 = arith.constant 0 : i32
        %dma_wait3A_588 = tpu.memref_slice %arg7[%dma_wait3A_572, %dma_wait3A_586, %dma_wait3A_587] : memref<8x2x128xi32, #tpu.memory_space<vmem>> -> memref<1x2x128xi32, #tpu.memory_space<vmem>>
        %dma_wait3A_589 = tpu.memref_squeeze %dma_wait3A_588 : memref<1x2x128xi32, #tpu.memory_space<vmem>> -> memref<2x128xi32, #tpu.memory_space<vmem>>
        %dma_wait3A_590 = arith.constant 0 : i32
        %dma_wait3A_591 = arith.constant 0 : i32
        %dma_wait3A_592 = arith.constant 0 : i32
        %dma_wait3A_593 = tpu.memref_slice %arg3[%arg1, %dma_wait3A_590, %dma_wait3A_591, %dma_wait3A_592] : memref<16x160x2x128xi32, #tpu.memory_space<hbm>> -> memref<1x160x2x128xi32, #tpu.memory_space<hbm>>
        %dma_wait3A_594 = tpu.memref_squeeze %dma_wait3A_593 : memref<1x160x2x128xi32, #tpu.memory_space<hbm>> -> memref<160x2x128xi32, #tpu.memory_space<hbm>>
        %dma_wait3A_595 = arith.constant 0 : i32
        %dma_wait3A_596 = arith.constant 0 : i32
        %dma_wait3A_597 = tpu.memref_slice %dma_wait3A_594[%add3A_540, %dma_wait3A_595, %dma_wait3A_596] : memref<160x2x128xi32, #tpu.memory_space<hbm>> -> memref<1x2x128xi32, #tpu.memory_space<hbm>>
        %dma_wait3A_598 = tpu.memref_squeeze %dma_wait3A_597 : memref<1x2x128xi32, #tpu.memory_space<hbm>> -> memref<2x128xi32, #tpu.memory_space<hbm>>
        tpu.wait_dma2 semaphore(%arg12 : memref<!tpu.dma_semaphore, #tpu.memory_space<semaphore_mem>>) src(%dma_wait3A_598 : memref<2x128xi32, #tpu.memory_space<hbm>>) dst(%dma_wait3A_589 : memref<2x128xi32, #tpu.memory_space<vmem>>)
        %ge3A = arith.constant 4 : i32
        %ge3A_599 = arith.cmpi sge, %add3A_540, %ge3A : i32
        %convert_element_type3A_600 = arith.extui %ge3A_599 : i1 to i32
        %cond3A_601 = arith.constant 0 : i32
        %cond3A_602 = arith.cmpi ne, %convert_element_type3A_600, %cond3A_601 : i32
        scf.if %cond3A_602 {
          %dma_wait3A_616 = arith.constant 1 : i32
          %dma_wait3A_617 = arith.constant 5 : i32
          %dma_wait3A_618 = arith.constant 1 : i32
          %dma_wait3A_619 = arith.constant 0 : i32
          %dma_wait3A_620 = arith.constant 0 : i32
          %dma_wait3A_621 = tpu.memref_slice %arg8[%dma_wait3A_616, %dma_wait3A_619, %dma_wait3A_620] : memref<4x128x64xf32, #tpu.memory_space<vmem>> -> memref<1x128x64xf32, #tpu.memory_space<vmem>>
          %dma_wait3A_622 = tpu.memref_squeeze %dma_wait3A_621 : memref<1x128x64xf32, #tpu.memory_space<vmem>> -> memref<128x64xf32, #tpu.memory_space<vmem>>
          %dma_wait3A_623 = arith.constant 0 : i32
          %dma_wait3A_624 = tpu.memref_slice %arg7[%dma_wait3A_617, %dma_wait3A_618, %dma_wait3A_623] : memref<8x2x128xi32, #tpu.memory_space<vmem>> -> memref<1x1x128xi32, #tpu.memory_space<vmem>>
          %dma_wait3A_625 = tpu.memref_squeeze %dma_wait3A_624 : memref<1x1x128xi32, #tpu.memory_space<vmem>> -> memref<128xi32, #tpu.memory_space<vmem>>
          %dma_wait3A_626 = arith.constant 0 : i32
          %dma_wait3A_627 = arith.constant 0 : i32
          %dma_wait3A_628 = tpu.memref_slice %arg9[%dma_wait3A_626, %dma_wait3A_627] : memref<10240x64xf32, #tpu.memory_space<vmem_shared>> -> memref<10240x64xf32, #tpu.memory_space<vmem_shared>>
          tpu.wait_indirect_dma semaphore(%arg24 : memref<!tpu.dma_semaphore, #tpu.memory_space<semaphore_mem>>) src(%dma_wait3A_622 : memref<128x64xf32, #tpu.memory_space<vmem>>) dst(%dma_wait3A_628 : memref<10240x64xf32, #tpu.memory_space<vmem_shared>>)
        } else {
        }
        %dma_start3A_603 = arith.constant 1 : i32
        %dma_start3A_604 = arith.constant 0 : i32
        %dma_start3A_605 = arith.constant 1 : i32
        %dma_start3A_606 = arith.constant 0 : i32
        %dma_start3A_607 = arith.constant 0 : i32
        %dma_start3A_608 = tpu.memref_slice %arg8[%dma_start3A_605, %dma_start3A_606, %dma_start3A_607] : memref<4x128x64xf32, #tpu.memory_space<vmem>> -> memref<1x128x64xf32, #tpu.memory_space<vmem>>
        %dma_start3A_609 = tpu.memref_squeeze %dma_start3A_608 : memref<1x128x64xf32, #tpu.memory_space<vmem>> -> memref<128x64xf32, #tpu.memory_space<vmem>>
        %dma_start3A_610 = arith.constant 0 : i32
        %dma_start3A_611 = tpu.memref_slice %arg7[%dma_start3A_603, %dma_start3A_604, %dma_start3A_610] : memref<8x2x128xi32, #tpu.memory_space<vmem>> -> memref<1x1x128xi32, #tpu.memory_space<vmem>>
        %dma_start3A_612 = tpu.memref_squeeze %dma_start3A_611 : memref<1x1x128xi32, #tpu.memory_space<vmem>> -> memref<128xi32, #tpu.memory_space<vmem>>
        %dma_start3A_613 = arith.constant 0 : i32
        %dma_start3A_614 = arith.constant 0 : i32
        %dma_start3A_615 = tpu.memref_slice %arg10[%dma_start3A_613, %dma_start3A_614] : memref<10240x64xf32, #tpu.memory_space<vmem_shared>> -> memref<10240x64xf32, #tpu.memory_space<vmem_shared>>
        tpu.enqueue_indirect_dma source(%dma_start3A_615 : memref<10240x64xf32, #tpu.memory_space<vmem_shared>>) target(%dma_start3A_609 : memref<128x64xf32, #tpu.memory_space<vmem>>) offsets(%dma_start3A_612 : memref<128xi32, #tpu.memory_space<vmem>>) semaphore(%arg20 : memref<!tpu.dma_semaphore, #tpu.memory_space<semaphore_mem>>)
      } else {
      }
      %dma_wait3A_546 = arith.constant 7 : i32
      %dma_wait3A_547 = arith.constant 0 : i32
      %dma_wait3A_548 = arith.constant 3 : i32
      %dma_wait3A_549 = arith.constant 0 : i32
      %dma_wait3A_550 = arith.constant 0 : i32
      %dma_wait3A_551 = tpu.memref_slice %arg8[%dma_wait3A_548, %dma_wait3A_549, %dma_wait3A_550] : memref<4x128x64xf32, #tpu.memory_space<vmem>> -> memref<1x128x64xf32, #tpu.memory_space<vmem>>
      %dma_wait3A_552 = tpu.memref_squeeze %dma_wait3A_551 : memref<1x128x64xf32, #tpu.memory_space<vmem>> -> memref<128x64xf32, #tpu.memory_space<vmem>>
      %dma_wait3A_553 = arith.constant 0 : i32
      %dma_wait3A_554 = tpu.memref_slice %arg7[%dma_wait3A_546, %dma_wait3A_547, %dma_wait3A_553] : memref<8x2x128xi32, #tpu.memory_space<vmem>> -> memref<1x1x128xi32, #tpu.memory_space<vmem>>
      %dma_wait3A_555 = tpu.memref_squeeze %dma_wait3A_554 : memref<1x1x128xi32, #tpu.memory_space<vmem>> -> memref<128xi32, #tpu.memory_space<vmem>>
      %dma_wait3A_556 = arith.constant 0 : i32
      %dma_wait3A_557 = arith.constant 0 : i32
      %dma_wait3A_558 = tpu.memref_slice %arg10[%dma_wait3A_556, %dma_wait3A_557] : memref<10240x64xf32, #tpu.memory_space<vmem_shared>> -> memref<10240x64xf32, #tpu.memory_space<vmem_shared>>
      tpu.wait_indirect_dma semaphore(%arg22 : memref<!tpu.dma_semaphore, #tpu.memory_space<semaphore_mem>>) src(%dma_wait3A_558 : memref<10240x64xf32, #tpu.memory_space<vmem_shared>>) dst(%dma_wait3A_552 : memref<128x64xf32, #tpu.memory_space<vmem>>)
      %dma_start3A_559 = arith.constant 3 : i32
      %dma_start3A_560 = arith.constant 7 : i32
      %dma_start3A_561 = arith.constant 1 : i32
      %dma_start3A_562 = arith.constant 0 : i32
      %dma_start3A_563 = arith.constant 0 : i32
      %dma_start3A_564 = tpu.memref_slice %arg8[%dma_start3A_559, %dma_start3A_562, %dma_start3A_563] : memref<4x128x64xf32, #tpu.memory_space<vmem>> -> memref<1x128x64xf32, #tpu.memory_space<vmem>>
      %dma_start3A_565 = tpu.memref_squeeze %dma_start3A_564 : memref<1x128x64xf32, #tpu.memory_space<vmem>> -> memref<128x64xf32, #tpu.memory_space<vmem>>
      %dma_start3A_566 = arith.constant 0 : i32
      %dma_start3A_567 = tpu.memref_slice %arg7[%dma_start3A_560, %dma_start3A_561, %dma_start3A_566] : memref<8x2x128xi32, #tpu.memory_space<vmem>> -> memref<1x1x128xi32, #tpu.memory_space<vmem>>
      %dma_start3A_568 = tpu.memref_squeeze %dma_start3A_567 : memref<1x1x128xi32, #tpu.memory_space<vmem>> -> memref<128xi32, #tpu.memory_space<vmem>>
      %dma_start3A_569 = arith.constant 0 : i32
      %dma_start3A_570 = arith.constant 0 : i32
      %dma_start3A_571 = tpu.memref_slice %arg9[%dma_start3A_569, %dma_start3A_570] : memref<10240x64xf32, #tpu.memory_space<vmem_shared>> -> memref<10240x64xf32, #tpu.memory_space<vmem_shared>>
      tpu.enqueue_indirect_dma source(%dma_start3A_565 : memref<128x64xf32, #tpu.memory_space<vmem>>) target(%dma_start3A_571 : memref<10240x64xf32, #tpu.memory_space<vmem_shared>>) offsets(%dma_start3A_568 : memref<128xi32, #tpu.memory_space<vmem>>) semaphore(%arg26 : memref<!tpu.dma_semaphore, #tpu.memory_space<semaphore_mem>>) {add = true}
    }
    %scan3A_169 = arith.constant 20 : i32
    %dma_wait3A_170 = arith.constant 0 : i32
    %dma_wait3A_171 = arith.constant 4 : i32
    %dma_wait3A_172 = arith.constant 1 : i32
    %dma_wait3A_173 = arith.constant 0 : i32
    %dma_wait3A_174 = arith.constant 0 : i32
    %dma_wait3A_175 = tpu.memref_slice %arg8[%dma_wait3A_170, %dma_wait3A_173, %dma_wait3A_174] : memref<4x128x64xf32, #tpu.memory_space<vmem>> -> memref<1x128x64xf32, #tpu.memory_space<vmem>>
    %dma_wait3A_176 = tpu.memref_squeeze %dma_wait3A_175 : memref<1x128x64xf32, #tpu.memory_space<vmem>> -> memref<128x64xf32, #tpu.memory_space<vmem>>
    %dma_wait3A_177 = arith.constant 0 : i32
    %dma_wait3A_178 = tpu.memref_slice %arg7[%dma_wait3A_171, %dma_wait3A_172, %dma_wait3A_177] : memref<8x2x128xi32, #tpu.memory_space<vmem>> -> memref<1x1x128xi32, #tpu.memory_space<vmem>>
    %dma_wait3A_179 = tpu.memref_squeeze %dma_wait3A_178 : memref<1x1x128xi32, #tpu.memory_space<vmem>> -> memref<128xi32, #tpu.memory_space<vmem>>
    %dma_wait3A_180 = arith.constant 0 : i32
    %dma_wait3A_181 = arith.constant 0 : i32
    %dma_wait3A_182 = tpu.memref_slice %arg9[%dma_wait3A_180, %dma_wait3A_181] : memref<10240x64xf32, #tpu.memory_space<vmem_shared>> -> memref<10240x64xf32, #tpu.memory_space<vmem_shared>>
    tpu.wait_indirect_dma semaphore(%arg23 : memref<!tpu.dma_semaphore, #tpu.memory_space<semaphore_mem>>) src(%dma_wait3A_176 : memref<128x64xf32, #tpu.memory_space<vmem>>) dst(%dma_wait3A_182 : memref<10240x64xf32, #tpu.memory_space<vmem_shared>>)
    %dma_wait3A_183 = arith.constant 1 : i32
    %dma_wait3A_184 = arith.constant 5 : i32
    %dma_wait3A_185 = arith.constant 1 : i32
    %dma_wait3A_186 = arith.constant 0 : i32
    %dma_wait3A_187 = arith.constant 0 : i32
    %dma_wait3A_188 = tpu.memref_slice %arg8[%dma_wait3A_183, %dma_wait3A_186, %dma_wait3A_187] : memref<4x128x64xf32, #tpu.memory_space<vmem>> -> memref<1x128x64xf32, #tpu.memory_space<vmem>>
    %dma_wait3A_189 = tpu.memref_squeeze %dma_wait3A_188 : memref<1x128x64xf32, #tpu.memory_space<vmem>> -> memref<128x64xf32, #tpu.memory_space<vmem>>
    %dma_wait3A_190 = arith.constant 0 : i32
    %dma_wait3A_191 = tpu.memref_slice %arg7[%dma_wait3A_184, %dma_wait3A_185, %dma_wait3A_190] : memref<8x2x128xi32, #tpu.memory_space<vmem>> -> memref<1x1x128xi32, #tpu.memory_space<vmem>>
    %dma_wait3A_192 = tpu.memref_squeeze %dma_wait3A_191 : memref<1x1x128xi32, #tpu.memory_space<vmem>> -> memref<128xi32, #tpu.memory_space<vmem>>
    %dma_wait3A_193 = arith.constant 0 : i32
    %dma_wait3A_194 = arith.constant 0 : i32
    %dma_wait3A_195 = tpu.memref_slice %arg9[%dma_wait3A_193, %dma_wait3A_194] : memref<10240x64xf32, #tpu.memory_space<vmem_shared>> -> memref<10240x64xf32, #tpu.memory_space<vmem_shared>>
    tpu.wait_indirect_dma semaphore(%arg24 : memref<!tpu.dma_semaphore, #tpu.memory_space<semaphore_mem>>) src(%dma_wait3A_189 : memref<128x64xf32, #tpu.memory_space<vmem>>) dst(%dma_wait3A_195 : memref<10240x64xf32, #tpu.memory_space<vmem_shared>>)
    %dma_wait3A_196 = arith.constant 2 : i32
    %dma_wait3A_197 = arith.constant 6 : i32
    %dma_wait3A_198 = arith.constant 1 : i32
    %dma_wait3A_199 = arith.constant 0 : i32
    %dma_wait3A_200 = arith.constant 0 : i32
    %dma_wait3A_201 = tpu.memref_slice %arg8[%dma_wait3A_196, %dma_wait3A_199, %dma_wait3A_200] : memref<4x128x64xf32, #tpu.memory_space<vmem>> -> memref<1x128x64xf32, #tpu.memory_space<vmem>>
    %dma_wait3A_202 = tpu.memref_squeeze %dma_wait3A_201 : memref<1x128x64xf32, #tpu.memory_space<vmem>> -> memref<128x64xf32, #tpu.memory_space<vmem>>
    %dma_wait3A_203 = arith.constant 0 : i32
    %dma_wait3A_204 = tpu.memref_slice %arg7[%dma_wait3A_197, %dma_wait3A_198, %dma_wait3A_203] : memref<8x2x128xi32, #tpu.memory_space<vmem>> -> memref<1x1x128xi32, #tpu.memory_space<vmem>>
    %dma_wait3A_205 = tpu.memref_squeeze %dma_wait3A_204 : memref<1x1x128xi32, #tpu.memory_space<vmem>> -> memref<128xi32, #tpu.memory_space<vmem>>
    %dma_wait3A_206 = arith.constant 0 : i32
    %dma_wait3A_207 = arith.constant 0 : i32
    %dma_wait3A_208 = tpu.memref_slice %arg9[%dma_wait3A_206, %dma_wait3A_207] : memref<10240x64xf32, #tpu.memory_space<vmem_shared>> -> memref<10240x64xf32, #tpu.memory_space<vmem_shared>>
    tpu.wait_indirect_dma semaphore(%arg25 : memref<!tpu.dma_semaphore, #tpu.memory_space<semaphore_mem>>) src(%dma_wait3A_202 : memref<128x64xf32, #tpu.memory_space<vmem>>) dst(%dma_wait3A_208 : memref<10240x64xf32, #tpu.memory_space<vmem_shared>>)
    %dma_wait3A_209 = arith.constant 3 : i32
    %dma_wait3A_210 = arith.constant 7 : i32
    %dma_wait3A_211 = arith.constant 1 : i32
    %dma_wait3A_212 = arith.constant 0 : i32
    %dma_wait3A_213 = arith.constant 0 : i32
    %dma_wait3A_214 = tpu.memref_slice %arg8[%dma_wait3A_209, %dma_wait3A_212, %dma_wait3A_213] : memref<4x128x64xf32, #tpu.memory_space<vmem>> -> memref<1x128x64xf32, #tpu.memory_space<vmem>>
    %dma_wait3A_215 = tpu.memref_squeeze %dma_wait3A_214 : memref<1x128x64xf32, #tpu.memory_space<vmem>> -> memref<128x64xf32, #tpu.memory_space<vmem>>
    %dma_wait3A_216 = arith.constant 0 : i32
    %dma_wait3A_217 = tpu.memref_slice %arg7[%dma_wait3A_210, %dma_wait3A_211, %dma_wait3A_216] : memref<8x2x128xi32, #tpu.memory_space<vmem>> -> memref<1x1x128xi32, #tpu.memory_space<vmem>>
    %dma_wait3A_218 = tpu.memref_squeeze %dma_wait3A_217 : memref<1x1x128xi32, #tpu.memory_space<vmem>> -> memref<128xi32, #tpu.memory_space<vmem>>
    %dma_wait3A_219 = arith.constant 0 : i32
    %dma_wait3A_220 = arith.constant 0 : i32
    %dma_wait3A_221 = tpu.memref_slice %arg9[%dma_wait3A_219, %dma_wait3A_220] : memref<10240x64xf32, #tpu.memory_space<vmem_shared>> -> memref<10240x64xf32, #tpu.memory_space<vmem_shared>>
    tpu.wait_indirect_dma semaphore(%arg26 : memref<!tpu.dma_semaphore, #tpu.memory_space<semaphore_mem>>) src(%dma_wait3A_215 : memref<128x64xf32, #tpu.memory_space<vmem>>) dst(%dma_wait3A_221 : memref<10240x64xf32, #tpu.memory_space<vmem_shared>>)
    %barrier3A_222 = arith.constant 0 : index
    tpu.barrier barrier_id(%barrier3A_222)
    "tpu.region"() ({
      %run_scoped3A = tpu.sem_alloc : memref<!tpu.dma_semaphore, #tpu.memory_space<semaphore_mem>>
      %dma_start3A_223 = arith.constant 0 : i32
      %dma_start3A_224 = tpu.memref_slice %arg6[%arg0, %mul3A_0, %dma_start3A_223] : memref<2x10240x64xf32, #tpu.memory_space<hbm>> -> memref<1x640x64xf32, #tpu.memory_space<hbm>>
      %dma_start3A_225 = tpu.memref_squeeze %dma_start3A_224 : memref<1x640x64xf32, #tpu.memory_space<hbm>> -> memref<640x64xf32, #tpu.memory_space<hbm>>
      %dma_start3A_226 = arith.constant 0 : i32
      %dma_start3A_227 = tpu.memref_slice %arg9[%mul3A_0, %dma_start3A_226] : memref<10240x64xf32, #tpu.memory_space<vmem_shared>> -> memref<640x64xf32, #tpu.memory_space<vmem_shared>>
      tpu.enqueue_dma source(%dma_start3A_227 : memref<640x64xf32, #tpu.memory_space<vmem_shared>>) target(%dma_start3A_225 : memref<640x64xf32, #tpu.memory_space<hbm>>) target_semaphore(%run_scoped3A : memref<!tpu.dma_semaphore, #tpu.memory_space<semaphore_mem>>)
      %dma_wait3A_228 = arith.constant 0 : i32
      %dma_wait3A_229 = tpu.memref_slice %arg6[%arg0, %mul3A_0, %dma_wait3A_228] : memref<2x10240x64xf32, #tpu.memory_space<hbm>> -> memref<1x640x64xf32, #tpu.memory_space<hbm>>
      %dma_wait3A_230 = tpu.memref_squeeze %dma_wait3A_229 : memref<1x640x64xf32, #tpu.memory_space<hbm>> -> memref<640x64xf32, #tpu.memory_space<hbm>>
      %dma_wait3A_231 = arith.constant 0 : i32
      %dma_wait3A_232 = tpu.memref_slice %arg9[%mul3A_0, %dma_wait3A_231] : memref<10240x64xf32, #tpu.memory_space<vmem_shared>> -> memref<640x64xf32, #tpu.memory_space<vmem_shared>>
      tpu.wait_dma2 semaphore(%run_scoped3A : memref<!tpu.dma_semaphore, #tpu.memory_space<semaphore_mem>>) src(%dma_wait3A_232 : memref<640x64xf32, #tpu.memory_space<vmem_shared>>) dst(%dma_wait3A_230 : memref<640x64xf32, #tpu.memory_space<hbm>>)
      tpu.yield
    }) : () -> ()
    return
  }
}

module attributes {stable_mosaic.version = 14 : i64} {
  func.func @body(%arg0: i32, %arg1: memref<2x1280x64xf32, #tpu.memory_space<vmem>>, %arg2: memref<1x1280xf32, #tpu.memory_space<vmem>>, %arg3: memref<2x1280x64xf32, #tpu.memory_space<vmem>>, %arg4: memref<256x128xf32, #tpu.memory_space<vmem>>, %arg5: memref<1x128xf32, #tpu.memory_space<vmem>>, %arg6: memref<2x1280x64xf32, #tpu.memory_space<vmem>>) attributes {dimension_semantics = [#tpu.dimension_semantics<arbitrary>], iteration_bounds = array<i64: 8>, scalar_prefetch = 0 : i64, scratch_operands = 0 : i64, tpu.core_type = #tpu.core_type<tc>, window_params = [{transform_indices = @transform_0, window_bounds = array<i64: 2, 1280, 64>}, {transform_indices = @transform_1, window_bounds = array<i64: 1, 1280>}, {transform_indices = @transform_2, window_bounds = array<i64: 2, 1280, 64>}, {pipeline_mode = #tpu.pipeline_mode<synchronous>, transform_indices = @transform_3, window_bounds = array<i64: 256, 128>}, {pipeline_mode = #tpu.pipeline_mode<synchronous>, transform_indices = @transform_4, window_bounds = array<i64: 1, 128>}, {transform_indices = @transform_5, window_bounds = array<i64: 2, 1280, 64>}]} {
    %get3A = arith.constant 0 : index
    %get3A_0 = arith.constant 0 : index
    %get3A_1 = arith.constant 0 : index
    %get3A_2 = vector.load %arg1[%get3A, %get3A_0, %get3A_1] : memref<2x1280x64xf32, #tpu.memory_space<vmem>>, vector<1x1280x64xf32>
    %get3A_3 = vector.shape_cast %get3A_2 : vector<1x1280x64xf32> to vector<1280x64xf32>
    %get3A_4 = arith.constant 1 : index
    %get3A_5 = arith.constant 0 : index
    %get3A_6 = arith.constant 0 : index
    %get3A_7 = vector.load %arg1[%get3A_4, %get3A_5, %get3A_6] : memref<2x1280x64xf32, #tpu.memory_space<vmem>>, vector<1x1280x64xf32>
    %get3A_8 = vector.shape_cast %get3A_7 : vector<1x1280x64xf32> to vector<1280x64xf32>
    %concatenate3A = tpu.concatenate %get3A_3, %get3A_8 in 1 : vector<1280x64xf32>, vector<1280x64xf32> -> vector<1280x128xf32>
    %get3A_9 = arith.constant 0 : index
    %get3A_10 = arith.constant 0 : index
    %get3A_11 = arith.constant 0 : index
    %get3A_12 = vector.load %arg3[%get3A_9, %get3A_10, %get3A_11] : memref<2x1280x64xf32, #tpu.memory_space<vmem>>, vector<1x1280x64xf32>
    %get3A_13 = vector.shape_cast %get3A_12 : vector<1x1280x64xf32> to vector<1280x64xf32>
    %get3A_14 = arith.constant 1 : index
    %get3A_15 = arith.constant 0 : index
    %get3A_16 = arith.constant 0 : index
    %get3A_17 = vector.load %arg3[%get3A_14, %get3A_15, %get3A_16] : memref<2x1280x64xf32, #tpu.memory_space<vmem>>, vector<1x1280x64xf32>
    %get3A_18 = vector.shape_cast %get3A_17 : vector<1x1280x64xf32> to vector<1280x64xf32>
    %concatenate3A_19 = tpu.concatenate %get3A_13, %get3A_18 in 1 : vector<1280x64xf32>, vector<1280x64xf32> -> vector<1280x128xf32>
    %get3A_20 = arith.constant 0 : index
    %get3A_21 = arith.constant 0 : index
    %get3A_22 = vector.load %arg2[%get3A_20, %get3A_21] : memref<1x1280xf32, #tpu.memory_space<vmem>>, vector<1x1280xf32>
    %get3A_23 = vector.shape_cast %get3A_22 : vector<1x1280xf32> to vector<1280xf32>
    %max3A = arith.constant 1.000000e+00 : f32
    %max3A_24 = vector.broadcast %max3A : f32 to vector<1280xf32>
    %max3A_25 = arith.maximumf %get3A_23, %max3A_24 : vector<1280xf32>
    %div3A = arith.constant 1.000000e+00 : f32
    %div3A_26 = vector.broadcast %div3A : f32 to vector<1280xf32>
    %div3A_27 = arith.divf %div3A_26, %max3A_25 : vector<1280xf32>
    %broadcast_in_dim3A = vector.shape_cast %div3A_27 : vector<1280xf32> to vector<1280x1xf32>
    %mul3A = vector.broadcast %broadcast_in_dim3A : vector<1280x1xf32> to vector<1280x128xf32>
    %mul3A_28 = arith.mulf %concatenate3A, %mul3A : vector<1280x128xf32>
    %concatenate3A_29 = tpu.concatenate %mul3A_28, %concatenate3A_19 in 1 : vector<1280x128xf32>, vector<1280x128xf32> -> vector<1280x256xf32>
    %get3A_30 = arith.constant 0 : index
    %get3A_31 = arith.constant 0 : index
    %get3A_32 = vector.load %arg4[%get3A_30, %get3A_31] : memref<256x128xf32, #tpu.memory_space<vmem>>, vector<256x128xf32>
    %dot_general3A = arith.constant dense<0.000000e+00> : vector<1280x128xf32>
    %dot_general3A_33 = tpu.matmul %concatenate3A_29, %get3A_32, %dot_general3A {dimension_numbers = #tpu.dot_dimension_numbers<[1], [0], [0], [1], [0, 0, 1, 1], [], []>, transpose_lhs_hint = false} : vector<1280x256xf32>, vector<256x128xf32>, vector<1280x128xf32> -> vector<1280x128xf32>
    %get3A_34 = arith.constant 0 : index
    %get3A_35 = arith.constant 0 : index
    %get3A_36 = vector.load %arg5[%get3A_34, %get3A_35] : memref<1x128xf32, #tpu.memory_space<vmem>>, vector<1x128xf32>
    %add3A = vector.broadcast %get3A_36 : vector<1x128xf32> to vector<1280x128xf32>
    %add3A_37 = arith.addf %dot_general3A_33, %add3A : vector<1280x128xf32>
    %max3A_38 = arith.constant 0.000000e+00 : f32
    %max3A_39 = vector.broadcast %max3A_38 : f32 to vector<1280x128xf32>
    %max3A_40 = arith.maximumf %add3A_37, %max3A_39 : vector<1280x128xf32>
    %slice3A = vector.extract_strided_slice %max3A_40 {offsets = [0, 0], sizes = [1280, 64], strides = [1, 1]} : vector<1280x128xf32> to vector<1280x64xf32>
    %swap3A = arith.constant 0 : index
    %swap3A_41 = arith.constant 0 : index
    %swap3A_42 = arith.constant 0 : index
    %swap3A_43 = vector.load %arg6[%swap3A, %swap3A_41, %swap3A_42] : memref<2x1280x64xf32, #tpu.memory_space<vmem>>, vector<1x1280x64xf32>
    %swap3A_44 = vector.shape_cast %swap3A_43 : vector<1x1280x64xf32> to vector<1280x64xf32>
    %swap3A_45 = vector.shape_cast %slice3A : vector<1280x64xf32> to vector<1x1280x64xf32>
    tpu.vector_store %arg6[%swap3A, %swap3A_41, %swap3A_42], %swap3A_45 {strides = array<i32>} : memref<2x1280x64xf32, #tpu.memory_space<vmem>>, vector<1x1280x64xf32>,
    %slice3A_46 = vector.extract_strided_slice %max3A_40 {offsets = [0, 64], sizes = [1280, 64], strides = [1, 1]} : vector<1280x128xf32> to vector<1280x64xf32>
    %swap3A_47 = arith.constant 1 : index
    %swap3A_48 = arith.constant 0 : index
    %swap3A_49 = arith.constant 0 : index
    %swap3A_50 = vector.load %arg6[%swap3A_47, %swap3A_48, %swap3A_49] : memref<2x1280x64xf32, #tpu.memory_space<vmem>>, vector<1x1280x64xf32>
    %swap3A_51 = vector.shape_cast %swap3A_50 : vector<1x1280x64xf32> to vector<1280x64xf32>
    %swap3A_52 = vector.shape_cast %slice3A_46 : vector<1280x64xf32> to vector<1x1280x64xf32>
    tpu.vector_store %arg6[%swap3A_47, %swap3A_48, %swap3A_49], %swap3A_52 {strides = array<i32>} : memref<2x1280x64xf32, #tpu.memory_space<vmem>>, vector<1x1280x64xf32>,
    return
  }
  func.func @transform_0(%arg0: i32) -> (i32, i32, i32) {
    %c0_i32 = arith.constant 0 : i32
    %c0_i32_0 = arith.constant 0 : i32
    %c0_i32_1 = arith.constant 0 : i32
    return %c0_i32, %arg0, %c0_i32_0 : i32, i32, i32
  }
  func.func @transform_1(%arg0: i32) -> (i32, i32) {
    %c0_i32 = arith.constant 0 : i32
    %c0_i32_0 = arith.constant 0 : i32
    return %c0_i32, %arg0 : i32, i32
  }
  func.func @transform_2(%arg0: i32) -> (i32, i32, i32) {
    %c0_i32 = arith.constant 0 : i32
    %c0_i32_0 = arith.constant 0 : i32
    %c0_i32_1 = arith.constant 0 : i32
    return %c0_i32, %arg0, %c0_i32_0 : i32, i32, i32
  }
  func.func @transform_3(%arg0: i32) -> (i32, i32) {
    %c0_i32 = arith.constant 0 : i32
    %c0_i32_0 = arith.constant 0 : i32
    %c0_i32_1 = arith.constant 0 : i32
    return %c0_i32, %c0_i32_0 : i32, i32
  }
  func.func @transform_4(%arg0: i32) -> (i32, i32) {
    %c0_i32 = arith.constant 0 : i32
    %c0_i32_0 = arith.constant 0 : i32
    %c0_i32_1 = arith.constant 0 : i32
    return %c0_i32, %c0_i32_0 : i32, i32
  }
  func.func @transform_5(%arg0: i32) -> (i32, i32, i32) {
    %c0_i32 = arith.constant 0 : i32
    %c0_i32_0 = arith.constant 0 : i32
    %c0_i32_1 = arith.constant 0 : i32
    return %c0_i32, %arg0, %c0_i32_0 : i32, i32, i32
  }
}

module attributes {stable_mosaic.version = 14 : i64} {
  func.func @body(%arg0: i32, %arg1: memref<2x1280x64xf32, #tpu.memory_space<vmem>>, %arg2: memref<1x1280xf32, #tpu.memory_space<vmem>>, %arg3: memref<2x1280x64xf32, #tpu.memory_space<vmem>>, %arg4: memref<256x128xf32, #tpu.memory_space<vmem>>, %arg5: memref<1x128xf32, #tpu.memory_space<vmem>>, %arg6: memref<1280x128xf32, #tpu.memory_space<vmem>>) attributes {dimension_semantics = [#tpu.dimension_semantics<arbitrary>], iteration_bounds = array<i64: 8>, scalar_prefetch = 0 : i64, scratch_operands = 0 : i64, tpu.core_type = #tpu.core_type<tc>, window_params = [{transform_indices = @transform_0, window_bounds = array<i64: 2, 1280, 64>}, {transform_indices = @transform_1, window_bounds = array<i64: 1, 1280>}, {transform_indices = @transform_2, window_bounds = array<i64: 2, 1280, 64>}, {pipeline_mode = #tpu.pipeline_mode<synchronous>, transform_indices = @transform_3, window_bounds = array<i64: 256, 128>}, {pipeline_mode = #tpu.pipeline_mode<synchronous>, transform_indices = @transform_4, window_bounds = array<i64: 1, 128>}, {transform_indices = @transform_5, window_bounds = array<i64: 1280, 128>}]} {
    %get3A = arith.constant 0 : index
    %get3A_0 = arith.constant 0 : index
    %get3A_1 = arith.constant 0 : index
    %get3A_2 = vector.load %arg1[%get3A, %get3A_0, %get3A_1] : memref<2x1280x64xf32, #tpu.memory_space<vmem>>, vector<1x1280x64xf32>
    %get3A_3 = vector.shape_cast %get3A_2 : vector<1x1280x64xf32> to vector<1280x64xf32>
    %get3A_4 = arith.constant 1 : index
    %get3A_5 = arith.constant 0 : index
    %get3A_6 = arith.constant 0 : index
    %get3A_7 = vector.load %arg1[%get3A_4, %get3A_5, %get3A_6] : memref<2x1280x64xf32, #tpu.memory_space<vmem>>, vector<1x1280x64xf32>
    %get3A_8 = vector.shape_cast %get3A_7 : vector<1x1280x64xf32> to vector<1280x64xf32>
    %concatenate3A = tpu.concatenate %get3A_3, %get3A_8 in 1 : vector<1280x64xf32>, vector<1280x64xf32> -> vector<1280x128xf32>
    %get3A_9 = arith.constant 0 : index
    %get3A_10 = arith.constant 0 : index
    %get3A_11 = arith.constant 0 : index
    %get3A_12 = vector.load %arg3[%get3A_9, %get3A_10, %get3A_11] : memref<2x1280x64xf32, #tpu.memory_space<vmem>>, vector<1x1280x64xf32>
    %get3A_13 = vector.shape_cast %get3A_12 : vector<1x1280x64xf32> to vector<1280x64xf32>
    %get3A_14 = arith.constant 1 : index
    %get3A_15 = arith.constant 0 : index
    %get3A_16 = arith.constant 0 : index
    %get3A_17 = vector.load %arg3[%get3A_14, %get3A_15, %get3A_16] : memref<2x1280x64xf32, #tpu.memory_space<vmem>>, vector<1x1280x64xf32>
    %get3A_18 = vector.shape_cast %get3A_17 : vector<1x1280x64xf32> to vector<1280x64xf32>
    %concatenate3A_19 = tpu.concatenate %get3A_13, %get3A_18 in 1 : vector<1280x64xf32>, vector<1280x64xf32> -> vector<1280x128xf32>
    %get3A_20 = arith.constant 0 : index
    %get3A_21 = arith.constant 0 : index
    %get3A_22 = vector.load %arg2[%get3A_20, %get3A_21] : memref<1x1280xf32, #tpu.memory_space<vmem>>, vector<1x1280xf32>
    %get3A_23 = vector.shape_cast %get3A_22 : vector<1x1280xf32> to vector<1280xf32>
    %max3A = arith.constant 1.000000e+00 : f32
    %max3A_24 = vector.broadcast %max3A : f32 to vector<1280xf32>
    %max3A_25 = arith.maximumf %get3A_23, %max3A_24 : vector<1280xf32>
    %div3A = arith.constant 1.000000e+00 : f32
    %div3A_26 = vector.broadcast %div3A : f32 to vector<1280xf32>
    %div3A_27 = arith.divf %div3A_26, %max3A_25 : vector<1280xf32>
    %broadcast_in_dim3A = vector.shape_cast %div3A_27 : vector<1280xf32> to vector<1280x1xf32>
    %mul3A = vector.broadcast %broadcast_in_dim3A : vector<1280x1xf32> to vector<1280x128xf32>
    %mul3A_28 = arith.mulf %concatenate3A, %mul3A : vector<1280x128xf32>
    %concatenate3A_29 = tpu.concatenate %mul3A_28, %concatenate3A_19 in 1 : vector<1280x128xf32>, vector<1280x128xf32> -> vector<1280x256xf32>
    %get3A_30 = arith.constant 0 : index
    %get3A_31 = arith.constant 0 : index
    %get3A_32 = vector.load %arg4[%get3A_30, %get3A_31] : memref<256x128xf32, #tpu.memory_space<vmem>>, vector<256x128xf32>
    %dot_general3A = arith.constant dense<0.000000e+00> : vector<1280x128xf32>
    %dot_general3A_33 = tpu.matmul %concatenate3A_29, %get3A_32, %dot_general3A {dimension_numbers = #tpu.dot_dimension_numbers<[1], [0], [0], [1], [0, 0, 1, 1], [], []>, transpose_lhs_hint = false} : vector<1280x256xf32>, vector<256x128xf32>, vector<1280x128xf32> -> vector<1280x128xf32>
    %get3A_34 = arith.constant 0 : index
    %get3A_35 = arith.constant 0 : index
    %get3A_36 = vector.load %arg5[%get3A_34, %get3A_35] : memref<1x128xf32, #tpu.memory_space<vmem>>, vector<1x128xf32>
    %add3A = vector.broadcast %get3A_36 : vector<1x128xf32> to vector<1280x128xf32>
    %add3A_37 = arith.addf %dot_general3A_33, %add3A : vector<1280x128xf32>
    %swap3A = arith.constant 0 : index
    %swap3A_38 = arith.constant 0 : index
    %swap3A_39 = vector.load %arg6[%swap3A, %swap3A_38] : memref<1280x128xf32, #tpu.memory_space<vmem>>, vector<1280x128xf32>
    tpu.vector_store %arg6[%swap3A, %swap3A_38], %add3A_37 {strides = array<i32>} : memref<1280x128xf32, #tpu.memory_space<vmem>>, vector<1280x128xf32>,
    return
  }
  func.func @transform_0(%arg0: i32) -> (i32, i32, i32) {
    %c0_i32 = arith.constant 0 : i32
    %c0_i32_0 = arith.constant 0 : i32
    %c0_i32_1 = arith.constant 0 : i32
    return %c0_i32, %arg0, %c0_i32_0 : i32, i32, i32
  }
  func.func @transform_1(%arg0: i32) -> (i32, i32) {
    %c0_i32 = arith.constant 0 : i32
    %c0_i32_0 = arith.constant 0 : i32
    return %c0_i32, %arg0 : i32, i32
  }
  func.func @transform_2(%arg0: i32) -> (i32, i32, i32) {
    %c0_i32 = arith.constant 0 : i32
    %c0_i32_0 = arith.constant 0 : i32
    %c0_i32_1 = arith.constant 0 : i32
    return %c0_i32, %arg0, %c0_i32_0 : i32, i32, i32
  }
  func.func @transform_3(%arg0: i32) -> (i32, i32) {
    %c0_i32 = arith.constant 0 : i32
    %c0_i32_0 = arith.constant 0 : i32
    %c0_i32_1 = arith.constant 0 : i32
    return %c0_i32, %c0_i32_0 : i32, i32
  }
  func.func @transform_4(%arg0: i32) -> (i32, i32) {
    %c0_i32 = arith.constant 0 : i32
    %c0_i32_0 = arith.constant 0 : i32
    %c0_i32_1 = arith.constant 0 : i32
    return %c0_i32, %c0_i32_0 : i32, i32
  }
  func.func @transform_5(%arg0: i32) -> (i32, i32) {
    %c0_i32 = arith.constant 0 : i32
    %c0_i32_0 = arith.constant 0 : i32
    return %arg0, %c0_i32 : i32, i32
  }
}

</mosaic_0001>

<sc_bundles>
// kernel: kernel.6.cloned.1.call-start
scs
__scs_entry_jumppad:
0x0: {  	(pc) =	sbr.rel $0x88, $3  }
0x1: {  	(tag) =	ssettag $0x0;
	lr =	simm.s32 $0x1  }
0x2: {  	[smem:$0x3F99] =	sst lr;
	_ =	strace $0xD0000000  }
0x3: {  	_ = 	snop  }
0x4: {  	_ = 	snop  }
0x5: {  	_ = 	snop  }
0x6: {  	_ = 	snop  }
0x7: {  	_ = 	snop  }
__scs_overlays_trampoline_lowered:
0x8: {  	[smem:$0x3FA8] =	sst s0  }
0x9: {  	[smem:$0x3FA9] =	sst s1  }
0xa: {  	[smem:$0x3FAA] =	sst s2  }
0xb: {  	[smem:$0x3FAB] =	sst s3  }
0xc: {  	[smem:$0x3FAC] =	sst s4  }
0xd: {  	[smem:$0x3FAD] =	sst s5  }
0xe: {  	[smem:$0x3FAE] =	sst s6  }
0xf: {  	[smem:$0x3FAF] =	sst s7  }
0x10: {  	[smem:$0x3FB0] =	sst s8  }
0x11: {  	[smem:$0x3FB1] =	sst s9;
	s0 =	simm.s32 @!p0 $0x0  }
0x12: {  	s1 =	sld [smem:$0x3F97];
	s0 =	simm.s32 @p0 $0x1  }
0x13: {  	[smem:$0x3FB2] =	sst s0;
	s0 =	simm.s32 @!p1 $0x0  }
0x14: {  	s2 =	sld [smem:$0x3F96];
	s0 =	simm.s32 @p1 $0x1  }
0x15: {  	[smem:$0x3FB3] =	sst s0;
	s0 =	simm.s32 @!p2 $0x0  }
0x16: {  	s3 =	sld [smem:$0x3FDB];
	s0 =	simm.s32 @p2 $0x1  }
0x17: {  	s4 =	simm.s32 $0x1BF5;
	[smem:$0x3FB5] =	sst s0  }
0x18: {  	s0 =	sld [smem:$0x3F98];
	_ =	swait.ge [sflag:s4], $0x0  }
0x19: {  	s7 =	sld [smem:$0x3F99]  }
0x1a: {  	s8 =	sadd.s32 $0xFFFFE003, lr  }
0x1b: {  	s9 =	sadd.s32 $0xFFFFFEF7, lr;
	s5 =	simm.s32 $0xFFFFFFFF;
	p2 =	slt.u32 s8, $0xFFFFF086  }
0x1c: {  	p1 =	slt.u32 s9, $0xF7A;
	s5 =	simm.s32 @!p2 $0x0  }
0x1d: {  	s5 =	simm.s32 @p1 $0x1;
	p0 =	seq.s32 s7, s2  }
0x1e: {  	s7 =	smul.u32 @!p0 $0xF7A, s2;
	p2 =	seq.s32 @!p0 s5, $0x0  }
0x1f: {  	s9 =	smul.u32 $0xF7A, s1;
	s8 =	simm.s32 @!p0 $0x1BF5;
	p2 =	por !p2, p0  }
0x20: {  	[sflag:s8] =	ssyncset.s32 @!p0 $0xFFFFF086;
	s6 =	sadd.s32 @!p0 s3, s7;
	s7 =	simm.s32 @!p0 $0x108  }
0x21: {  	s3 =	sadd.s32 s3, s9;
	s6 =	sadd.s32 @!p0 $0x88, s6;
	s7 =	simm.s32 @p2 $0x1082  }
0x22: {  	[simem:s7], [sflag:s8] =	dma.local @!p0 [hbm:s6], $0xF7A  }
0x23: {  	s9 =	sor.u32 $0xD0000000, s2;
	s6 =	simm.s32 $0x108;
	_ =	swait.ge @!p0 [sflag:s8], $0x0  }
0x24: {  	s3 =	sadd.s32 $0x88, s3;
	s6 =	simm.s32 @!p1 $0x1082;
	[sflag:s4] =	ssyncset.s32 $0xFFFFF086  }
0x25: {  	[simem:s6], [sflag:s4] =	dma.local [hbm:s3], $0xF7A  }
0x26: {  	[smem:$0x3F99] =	sst s1;
	(tag) =	ssettag s2;
	_ =	strace s9  }
0x27: {  	s1 =	sld [smem:$0x3FA9]  }
0x28: {  	s2 =	sld [smem:$0x3FAA]  }
0x29: {  	s4 =	sld [smem:$0x3FAC]  }
0x2a: {  	p0 =	seq.s32 s5, $0x0;
	s5 =	sld [smem:$0x3FAD]  }
0x2b: {  	s6 =	sld [smem:$0x3FAE]  }
0x2c: {  	s7 =	sld [smem:$0x3FAF]  }
0x2d: {  	s3 =	simm.s32 $0x108;
	s8 =	sld [smem:$0x3FB0]  }
0x2e: {  	s3 =	simm.s32 @!p0 $0x1082;
	s9 =	sld [smem:$0x3FB1]  }
0x2f: {  	lr =	sadd.s32 s0, s3;
	s0 =	sld [smem:$0x3FA8]  }
0x30: {  	s3 =	sld [smem:$0x3FAB]  }
0x31: {  	[smem:$0x3FB4] =	sst s10  }
0x32: {  	s10 =	sld [smem:$0x3FB2];
	_ =	sdelay $0x3  }
0x33: {  	p0 =	seq.s32 s10, $0x1;
	s10 =	sld [smem:$0x3FB4];
	_ =	sdelay $0x3  }
0x34: {  	[smem:$0x3FB4] =	sst s10  }
0x35: {  	s10 =	sld [smem:$0x3FB3];
	_ =	sdelay $0x3  }
0x36: {  	p1 =	seq.s32 s10, $0x1;
	s10 =	sld [smem:$0x3FB4];
	_ =	sdelay $0x3  }
0x37: {  	[smem:$0x3FB4] =	sst s10  }
0x38: {  	s10 =	sld [smem:$0x3FB5]  }
0x39: {  	_ = 	snop;
	(pc) =	sbr.ind lr, $3  }
0x3a: {  	_ = 	snop  }
0x3b: {  	_ = 	snop  }
0x3c: {  	p2 =	seq.s32 s10, $0x1;
	s10 =	sld [smem:$0x3FB4]  }
0x3d: {  	_ =	shalt  }
0x3e: {  	_ =	shalt  }
0x3f: {  	_ =	shalt  }
0x40: {  	_ =	shalt  }
0x41: {  	_ =	shalt  }
0x42: {  	_ =	shalt  }
0x43: {  	_ =	shalt  }
0x44: {  	_ =	shalt  }
0x45: {  	_ =	shalt  }
0x46: {  	_ =	shalt  }
0x47: {  	_ =	shalt  }
0x48: {  	_ =	shalt  }
0x49: {  	_ =	shalt  }
0x4a: {  	_ =	shalt  }
0x4b: {  	_ =	shalt  }
0x4c: {  	_ =	shalt  }
0x4d: {  	_ =	shalt  }
0x4e: {  	_ =	shalt  }
0x4f: {  	_ =	shalt  }
0x50: {  	_ =	shalt  }
0x51: {  	_ =	shalt  }
0x52: {  	_ =	shalt  }
0x53: {  	_ =	shalt  }
0x54: {  	_ =	shalt  }
0x55: {  	_ =	shalt  }
0x56: {  	_ =	shalt  }
0x57: {  	_ =	shalt  }
0x58: {  	_ =	shalt  }
0x59: {  	_ =	shalt  }
0x5a: {  	_ =	shalt  }
0x5b: {  	_ =	shalt  }
0x5c: {  	_ =	shalt  }
0x5d: {  	_ =	shalt  }
0x5e: {  	_ =	shalt  }
0x5f: {  	_ =	shalt  }
0x60: {  	_ =	shalt  }
0x61: {  	_ =	shalt  }
0x62: {  	_ =	shalt  }
0x63: {  	_ =	shalt  }
0x64: {  	_ =	shalt  }
0x65: {  	_ =	shalt  }
0x66: {  	_ =	shalt  }
0x67: {  	_ =	shalt  }
0x68: {  	_ =	shalt  }
0x69: {  	_ =	shalt  }
0x6a: {  	_ =	shalt  }
0x6b: {  	_ =	shalt  }
0x6c: {  	_ =	shalt  }
0x6d: {  	_ =	shalt  }
0x6e: {  	_ =	shalt  }
0x6f: {  	_ =	shalt  }
0x70: {  	_ =	shalt  }
0x71: {  	_ =	shalt  }
0x72: {  	_ =	shalt  }
0x73: {  	_ =	shalt  }
0x74: {  	_ =	shalt  }
0x75: {  	_ =	shalt  }
0x76: {  	_ =	shalt  }
0x77: {  	_ =	shalt  }
0x78: {  	_ =	shalt  }
0x79: {  	_ =	shalt  }
0x7a: {  	_ =	shalt  }
0x7b: {  	_ =	shalt  }
0x7c: {  	_ =	shalt  }
0x7d: {  	_ =	shalt  }
0x7e: {  	_ =	shalt  }
0x7f: {  	_ =	shalt  }
0x80: {  	_ =	shalt  }
0x81: {  	_ =	shalt  }
0x82: {  	_ =	shalt  }
0x83: {  	_ =	shalt  }
0x84: {  	_ =	shalt  }
0x85: {  	_ =	shalt  }
0x86: {  	_ =	shalt  }
0x87: {  	_ =	shalt  }
.Lfunc_end0:
.L_simem_size_0:
called_computation_lowered:
.L_overlay_start_0:
0x88: {  	s2 =	sld [smem:$0x3FD9]  }
0x89: {  	s3 =	sld [smem:$0x3FFE];
	_ =	sdelay $0x1  }
0x8a: {  	s1 =	srdreg.scid  }
0x8b: {  	s0 =	sand.u32 $0x1, s1  }
0x8c: {  	s17 =	sshll.u32 s0, $0xA;
	s2 =	sadd.s32 s3, s2  }
0x8d: {  	s2 =	sadd.s32 s2, s17  }
0x8e: {  	[smem:$0x3FC0] =	sst s2  }
0x8f: {  	_ = 	snop  }
0x90: {  	s2 =	sld [smem:$0x3FD0];
	(tm) =	ssettm $0x1  }
0x91: {  	s18 =	sld [smem:$0x3FFB];
	_ =	sdelay $0x3  }
0x92: {  	_ =	strace s18  }
0x93: {  	s3 =	sld [smem:$0x3FFC];
	_ =	sdelay $0x3  }
0x94: {  	_ =	strace s3  }
0x95: {  	s3 =	sld [smem:$0x3FFD];
	_ =	sdelay $0x3  }
0x96: {  	_ =	strace s3  }
0x97: {  	_ =	strace $0x8FFFFFFF  }
0x98: {  	s19 =	sld [smem:$0x3FDB];
	_ =	sdelay $0x1  }
0x99: {  	s4 =	simm.s32 $_scs_section_size  }
0x9a: {  	s5 =	simm.s32 $_size__tile_overlayer_lowered;
	s6 =	simm.s32 $_tile_overlayer_lowered  }
0x9b: {  	s22 =	simm.s32 $0x1BFF;
	s21 =	sshll.u32 s6, $0x1;
	s3 =	sadd.s32 s4, s19  }
0x9c: {  	s7 =	simm.s32 $0x0;
	s20 =	sshll.u32 s5, $0x1;
	s5 =	sadd.s32 s21, s3  }
0x9d: {  	[timem:s7], [sflag:s22] =	dma.local [hbm:s5], s20  }
0x9e: {  	_ =	swait.ge [sflag:s22], s20  }
0x9f: {  	s4 =	ssub.s32 $0x0, s20;
	[sflag:s22] =	ssyncset.done $0x0  }
0xa0: {  	[sflag:s22] =	ssyncadd.s32 s4;
	_ =	sdelay $0x1  }
0xa1: {  	s23 =	simm.s32 $0x1B8B  }
0xa2: {  	_ =	swait.ge [sflag:s23], $0x1  }
0xa3: {  	[sflag:s23] =	ssyncset.done $0x0  }
0xa4: {  	s25 =	simm.s32 $0x1B8E;
	s24 =	sld [smem:$0x3FFE];
	[sflag:s23] =	ssyncadd.s32 $0xFFFFFFFF  }
0xa5: {  	s26 =	simm.s32 $execute0_lowered;
	[smem:$0x3FD2] =	sst s25  }
0xa6: {  	s5 =	sshll.u32 s26, $0x1;
	_ =	strace $0x80000046;
	[dreg:$0x1] =	wrdreg $0xFFFFFFFF  }
0xa7: {  	s28 =	simm.s32 $_size_execute0_lowered;
	s3 =	sadd.s32 s3, s5;
	[dreg:$0x0] =	wrdreg $0x0  }
0xa8: {  	s5 =	sshll.u32 s28, $0x1;
	[dreg:$0x2] =	wrdreg s3  }
0xa9: {  	[dreg:$0x3] =	wrdreg s5  }
0xaa: {  	[dreg:$0x4] =	wrdreg $0xC0  }
0xab: {  	_ =	task [dreg:s7], $0x5FFFF  }
0xac: {  	[dreg:$0x1] =	wrdreg $0xFFFFFFFF  }
0xad: {  	[dreg:$0x0] =	wrdreg $0x60  }
0xae: {  	[dreg:$0x2] =	wrdreg s24  }
0xaf: {  	[dreg:$0x3] =	wrdreg s2  }
0xb0: {  	[dreg:$0x4] =	wrdreg $0x88000  }
0xb1: {  	[dreg:$0x5] =	wrdreg $0x128000  }
0xb2: {  	[dreg:$0x6] =	wrdreg $0x1C8800  }
0xb3: {  	[dreg:$0x7] =	wrdreg $0x9  }
0xb4: {  	_ =	task.clear_ibuf [dreg:s7], $0x8FFFF;
	_ =	strace $0x90000046  }
0xb5: {  	s29 =	simm.s32 $0x9;
	_ =	strace $0x80000048  }
0xb6: {  	_ =	swait.ge [sflag:s29], $0x1  }
0xb7: {  	[sflag:s29] =	ssyncadd.s32 $0xFFFFFFFF  }
0xb8: {  	_ =	strace $0x90000048  }
0xb9: {  	_ =	sfence  }
0xba: {  	s30 =	sld [smem:$0x0];
	_ =	sdelay $0x2  }
0xbb: {  	s31 =	sshll.u32 s1, $0xD;
	s1 =	sshrl.u32 s1, $0x2  }
0xbc: {  	s3 =	sand.u32 $0x4000, s31;
	s1 =	sadd.s32 s1, s30  }
0xbd: {  	s0 =	sor.u32 s3, s0;
	s1 =	sshll.u32 s1, $0x11  }
0xbe: {  	s0 =	sor.u32 s1, s0  }
0xbf: {  	s0 =	sadd.s32 $0x8F2B, s0  }
0xc0: {  	[sflag:s0] =	ssyncadd.remote.s32 $0x1  }
0xc1: {  	_ =	sfence.sel $0xFFFF  }
0xc2: {  	[dreg:$0x0] =	wrdreg $0xFFFFFFFF;
	(pc) =	sbr.abs _section_cstart, $3  }
0xc3: {  	[dreg:$0x1] =	wrdreg $0xFFFFFFFF  }
0xc4: {  	_ =	task.clear_ibuf [dreg:s7], $0x2FFFF;
	_ =	strace $0x9FFFFFFF  }
0xc5: {  	(tm) =	ssettm $0x7FFFFFFF  }
tec
execute0_lowered:
.L_overlay_start_1:
0x0: {  	(tag) =	ssettag $0x1  }
0x1: {  	s0 =	rddreg [dreg:$0x0]  }
0x2: {  	s1 =	rddreg [dreg:$0x1]  }
0x3: {  	s2 =	rddreg [dreg:$0x2]  }
0x4: {  	s3 =	rddreg [dreg:$0x3]  }
0x5: {  	s4 =	rddreg [dreg:$0x4];
	s14 =	stileid.u32  }
0x6: {  	s6 =	srdreg.scid;
	s5 =	simm.s32 $0x0;
	s29 =	simm.s32 $0x2800  }
0x7: {  	s31 =	simm.s32 $0x400;
	s28 =	simm.s32 $0x6;
	s7 =	smul.u32 $0xA000, s14  }
0x8: {  	s6 =	sand.u32 $0x1, s6;
	[smem:$0x7FF] =	sst s5;
	s10 =	smul.u32 $0x280, s14  }
0x9: {  	s15 =	sshll.u32 s14, $0x6;
	s16 =	smul.u32 $0x1400, s14;
	s14 =	simm.s32 $0xF  }
0xa: {  	s8 =	smul.u32 $0xA0000, s6;
	_ =	strace $0x80000047;
	s11 =	ssub.s32 $0x2, s6  }
0xb: {  	s18 =	sor.u32 $0x1C12, s15;
	p0 =	sne.s32 s6, $0x0;
	s15 =	simm.s32 $0x6800  }
0xc: {  	s6 =	simm.s32 $0xE;
	s9 =	sshrl.u32 s7, $0x3;
	s12 =	sshrl.u32 s10, $0x3  }
0xd: {  	s13 =	sshrl.u32 s11, $0x1;
	s30 =	sadd.s32 s7, s2;
	s19 =	sadd.s32 s10, s4  }
0xe: {  	s10 =	simm.s32 $0xB;
	[dreg:$0x8] =	wrdreg s18;
	s8 =	sadd.s32 s7, s8  }
0xf: {  	s9 =	sadd.s32 s9, s0;
	s11 =	ssub.s32 s11, s13;
	[dreg:$0x6] =	wrdreg s30  }
0x10: {  	s7 =	sadd.s32 s7, s3;
	s23 =	sshrl.u32 s30, $0x3;
	[dreg:$0xa] =	wrdreg s19  }
0x11: {  	s25 =	sshrl.u32 s19, $0x3;
	s19 =	simm.s32 $0x5;
	s13 =	simm.s32 $0xC  }
0x12: {  	s8 =	sshrl.u32 s8, $0x3;
	s9 =	sadd.s32 $0x79800, s9;
	[dreg:$0xf] =	wrdreg s23  }
0x13: {  	s22 =	smax.u32 s11, $0x1;
	s24 =	sshrl.u32 s7, $0x3;
	[dreg:$0x11] =	wrdreg s25  }
0x14: {  	s25 =	simm.s32 $0x80;
	s7 =	simm.s32 $0x7;
	[dreg:$0x7] =	wrdreg s9  }
0x15: {  	s11 =	simm.s32 $0x0;
	s8 =	sadd.s32 s8, s0;
	[dreg:$0xe] =	wrdreg s22  }
0x16: {  	s0 =	sadd.s32 s12, s0;
	[dreg:$0x10] =	wrdreg s24;
	s17 =	sadd.s32 $0x51800, s8  }
0x17: {  	s12 =	sadd.s32 s1, s16;
	s20 =	sadd.s32 $0x8D800, s0;
	[dreg:$0x9] =	wrdreg s17  }
0x18: {  	s24 =	simm.s32 $0x300;
	s21 =	sadd.s32 $0x8DE00, s8;
	[dreg:$0xb] =	wrdreg s20  }
.Ltmp0:
0x19: {  	s0 =	sadd.s32 $0xB5E00, s0;
	[dreg:$0xc] =	wrdreg s21;
	(pc) =	sbr.rel .LBB2_1-.Ltmp0, $4  }
0x1a: {  	s1 =	simm.s32 $0x9;
	s26 =	sadd.s32 $0x20, s12;
	[dreg:$0xd] =	wrdreg s0  }
0x1b: {  	s16 =	simm.s32 $0x8;
	s30 =	sadd.s32 $0x40, s12;
	[dreg:$0x12] =	wrdreg s26  }
0x1c: {  	s22 =	simm.s32 $0x10;
	[dreg:$0x13] =	wrdreg s30;
	s26 =	simm.s32 $0x800  }
0x1d: {  	v0 =	vimm.f32 $1.000000000e+00;
	s0 =	simm.s32 $0x4800;
	s21 =	simm.s32 $0xA;
	s20 =	simm.s32 $0xD  }
.LBB2_8:
0x1e: {  	_ =	swait.ge [sflag:s20], $0x2000  }
0x1f: {  	[sflag:s20] =	ssyncset.done $0x0  }
0x20: {  	[sflag:s20] =	ssyncadd.s32 $0xFFFFE000  }
0x21: {  	_ =	swait.ge [sflag:s6], $0x2000  }
0x22: {  	[sflag:s6] =	ssyncset.done $0x0  }
0x23: {  	[sflag:s6] =	ssyncadd.s32 $0xFFFFE000  }
0x24: {  	_ =	swait.ge [sflag:s14], $0x2000  }
0x25: {  	[sflag:s14] =	ssyncset.done $0x0  }
0x26: {  	[sflag:s14] =	ssyncadd.s32 $0xFFFFE000  }
0x27: {  	_ =	swait.ge [sflag:s22], $0x2000  }
0x28: {  	[sflag:s22] =	ssyncset.done $0x0  }
0x29: {  	[sflag:s22] =	ssyncadd.s32 $0xFFFFE000  }
0x2a: {  	[bflag:$0x0] =	sbarrier.arrive @p0 $0xFFFF  }
0x2b: {  	s17 =	rddreg [dreg:$0x6]  }
0x2c: {  	s18 =	rddreg [dreg:$0x8]  }
0x2d: {  	s23 =	rddreg [dreg:$0xc];
	s8 =	sshrl.u32 @p0 s17, $0x3  }
0x2e: {  	[hbm:s23], [sflag:s18] =	dma.local @p0 [spmem:s8], $0x1400  }
0x2f: {  	s8 =	simm.s32 @p0 $0x12  }
0x30: {  	_ =	swait.ge @p0 [sflag:s8], $0x1400  }
0x31: {  	[sflag:s8] =	ssyncset.done @p0 $0x0  }
0x32: {  	[sflag:s8] =	ssyncadd.s32 @p0 $0xFFFFEC00  }
0x33: {  	_ =	swait.ge @!p0 [sflag:s9], $0x80  }
0x34: {  	[sflag:s9] =	ssyncset.done @!p0 $0x0  }
0x35: {  	[sflag:s9] =	ssyncadd.s32 @!p0 $0xFFFFFF80  }
0x36: {  	_ =	swait.ge @!p0 [sflag:s9], $0x80  }
0x37: {  	[sflag:s9] =	ssyncset.done @!p0 $0x0  }
0x38: {  	[sflag:s9] =	ssyncadd.s32 @!p0 $0xFFFFFF80  }
0x39: {  	_ =	swait.ge @!p0 [sflag:s9], $0x80  }
0x3a: {  	[sflag:s9] =	ssyncset.done @!p0 $0x0  }
0x3b: {  	[sflag:s9] =	ssyncadd.s32 @!p0 $0xFFFFFF80  }
0x3c: {  	_ =	swait.ge @!p0 [sflag:s9], $0x80  }
0x3d: {  	[sflag:s9] =	ssyncset.done @!p0 $0x0  }
0x3e: {  	[sflag:s9] =	ssyncadd.s32 @!p0 $0xFFFFFF80  }
0x3f: {  	s8 =	sshrl.u32 @!p0 s17, $0x3;
	[bflag:$0x0] =	sbarrier.arrive @!p0 $0xFFFF  }
0x40: {  	[hbm:s23], [sflag:s18] =	dma.local @!p0 [spmem:s8], $0x1400  }
0x41: {  	s8 =	simm.s32 @!p0 $0x12  }
0x42: {  	_ =	swait.ge @!p0 [sflag:s8], $0x1400  }
0x43: {  	[sflag:s8] =	ssyncset.done @!p0 $0x0;
	s9 =	rddreg [dreg:$0xa]  }
0x44: {  	s17 =	rddreg [dreg:$0xd];
	[sflag:s8] =	ssyncadd.s32 @!p0 $0xFFFFEC00;
	s9 =	sshrl.u32 @!p0 s9, $0x3  }
0x45: {  	[hbm:s17], [sflag:s18] =	dma.local @!p0 [spmem:s9], $0x50  }
0x46: {  	_ =	swait.ge @!p0 [sflag:s8], $0x50  }
0x47: {  	s11 =	rddreg [dreg:$0x14]  }
0x48: {  	s30 =	rddreg [dreg:$0xe];
	s11 =	sadd.s32 $0x1, s11  }
0x49: {  	p1 =	sne.s32 s11, s30  }
.Ltmp1:
0x4a: {  	_ = 	snop;
	(pc) =	sbr.rel @!p1 .LBB2_9-.Ltmp1, $3  }
0x4b: {  	_ =	sdelay $0x1  }
0x4c: {  	[sflag:s8] =	ssyncset.done @!p0 $0x0  }
0x4d: {  	[sflag:s8] =	ssyncadd.s32 @!p0 $0xFFFFFFB0  }
.LBB2_1:
0x4e: {  	[dreg:$0x14] =	wrdreg s11  }
0x4f: {  	s8 =	rddreg [dreg:$0x7]  }
0x50: {  	s9 =	rddreg [dreg:$0xf]  }
0x51: {  	[spmem:s9], [sflag:s18] =	dma.local [hbm:s8], $0x1400  }
0x52: {  	s9 =	simm.s32 $0x12  }
0x53: {  	_ =	swait.ge [sflag:s9], $0x1400  }
0x54: {  	[sflag:s9] =	ssyncset.done $0x0;
	s23 =	rddreg [dreg:$0x9]  }
0x55: {  	s17 =	rddreg [dreg:$0x10];
	[sflag:s9] =	ssyncadd.s32 $0xFFFFEC00  }
0x56: {  	[spmem:s17], [sflag:s18] =	dma.local [hbm:s23], $0x1400  }
0x57: {  	_ =	swait.ge [sflag:s9], $0x1400  }
0x58: {  	[sflag:s9] =	ssyncset.done $0x0  }
0x59: {  	[sflag:s9] =	ssyncadd.s32 $0xFFFFEC00  }
0x5a: {  	[tilespmem:$0x1C800] =	vst v0  }
0x5b: {  	[tilespmem:$0x1C810] =	vst v0  }
0x5c: {  	[tilespmem:$0x1C820] =	vst v0  }
0x5d: {  	[tilespmem:$0x1C830] =	vst v0  }
0x5e: {  	[tilespmem:$0x1C840] =	vst v0  }
0x5f: {  	[tilespmem:$0x1C850] =	vst v0  }
0x60: {  	s30 =	rddreg [dreg:$0xb];
	[tilespmem:$0x1C860] =	vst v0  }
0x61: {  	s11 =	rddreg [dreg:$0x11];
	[tilespmem:$0x1C870] =	vst v0  }
0x62: {  	[spmem:s11], [sflag:s18] =	dma.local [hbm:s30], $0x50  }
0x63: {  	_ =	swait.ge [sflag:s9], $0x50  }
0x64: {  	[sflag:s9] =	ssyncset.done $0x0  }
0x65: {  	[sflag:s9] =	ssyncadd.s32 $0xFFFFFFB0  }
0x66: {  	[bflag:$0x0] =	sbarrier.arrive $0xFFFF  }
0x67: {  	[tilespmem:s5], [sflag:$0x1] =	stream.linear.gather [hbm4b:s12+s5], $0x100, $0x38;
	[tilespmem:$0x1CB00] =	vst v63  }
0x68: {  	s9 =	simm.s32 $0x100;
	s23 =	rddreg [dreg:$0x12]  }
0x69: {  	[tilespmem:s9], [sflag:$0x2] =	stream.linear.gather [hbm4b:s23+s5], $0x100, $0x38;
	[tilespmem:$0x1CB00] =	vst v63  }
0x6a: {  	s11 =	simm.s32 $0x200;
	s18 =	simm.s32 $0x1;
	s30 =	rddreg [dreg:$0x13]  }
0x6b: {  	[tilespmem:s11], [sflag:$0x3] =	stream.linear.gather [hbm4b:s30+s5], $0x100, $0x38;
	[tilespmem:$0x1CB00] =	vst v63  }
0x6c: {  	_ =	swait.ge [sflag:s18], $0x100  }
0x6d: {  	[sflag:s18] =	ssyncset.done $0x0  }
0x6e: {  	[sflag:s18] =	ssyncadd.s32 $0xFFFFFF00  }
0x6f: {  	[tilespmem:s26], [sflag:$0x9] =	stream.indirect.gather [spmem:s3], $0x40, s5, s25, $0xb8;
	[tilespmem:$0x1CB00] =	vst v63  }
.Ltmp2:
0x70: {  	s23 =	simm.s32 $0x2;
	(pc) =	sbr.rel .LBB2_2-.Ltmp2, $4  }
0x71: {  	_ =	swait.ge [sflag:s23], $0x100  }
0x72: {  	s30 =	sadd.s32 $0x80, s12;
	[sflag:s23] =	ssyncset.done $0x0  }
0x73: {  	[dreg:$0x15] =	wrdreg s30;
	[sflag:s23] =	ssyncadd.s32 $0xFFFFFF00;
	s23 =	simm.s32 $0x0  }
0x74: {  	[tilespmem:s29], [sflag:$0xA] =	stream.indirect.gather [spmem:s3], $0x40, s9, s25, $0xb8;
	[tilespmem:$0x1CB00] =	vst v63  }
.LBB2_4:
0x75: {  	s8 =	simm.s32 $0x11  }
0x76: {  	_ =	swait.ge [sflag:s8], $0x80  }
0x77: {  	[sflag:s8] =	ssyncset.done $0x0  }
0x78: {  	[sflag:s8] =	ssyncadd.s32 $0xFFFFFF80  }
.LBB2_5:
0x79: {  	s17 =	sadd.s32 $0x80, s9;
	s8 =	simm.s32 $0x4  }
0x7a: {  	[tilespmem:s31], [sflag:$0x5] =	stream.linear.gather [hbm4b:s17+s5], $0x100, $0x38;
	[tilespmem:$0x1CB00] =	vst v63  }
0x7b: {  	_ =	swait.ge [sflag:s8], $0x100  }
0x7c: {  	[sflag:s8] =	ssyncset.done $0x0  }
0x7d: {  	s17 =	simm.s32 @!p1 $0x10;
	[sflag:s8] =	ssyncadd.s32 $0xFFFFFF00  }
0x7e: {  	_ =	swait.ge @!p1 [sflag:s17], $0x2000  }
0x7f: {  	[sflag:s17] =	ssyncset.done @!p1 $0x0  }
0x80: {  	[sflag:s17] =	ssyncadd.s32 @!p1 $0xFFFFE000  }
.LBB2_7:
0x81: {  	[tilespmem:s15], [sflag:$0xC] =	stream.indirect.gather [spmem:s3], $0x40, s24, s25, $0xb8;
	[tilespmem:$0x1CB00] =	vst v63  }
0x82: {  	_ =	swait.ge [sflag:s21], $0x2000  }
0x83: {  	s8 =	simm.s32 $0x180;
	s11 =	simm.s32 $0x2800;
	[sflag:s21] =	ssyncset.done $0x0  }
0x84: {  	p1 =	seq.s32 @!p0 s23, $0x0;
	s17 =	simm.s32 @!p0 $0x80;
	[sflag:s21] =	ssyncadd.s32 $0xFFFFE000  }
0x85: {  	[spmem:s2] =	stream.indirect.scatter.add.f32 [tilespmem:s11], [sflag:$0xE], $0x40, s8, s25, $0xb8;
	[tilespmem:$0x1CB00] =	vst v63  }
0x86: {  	s18 =	simm.s32 @!p0 $0x180;
	s30 =	simm.s32 @!p0 $0x1C800;
	p1 =	por p1, p0  }
0x87: {  	[spmem:s4] =	stream.indirect.scatter.add.f32 @!p0 [tilespmem:s30], [sflag:$0x11], $0x1, s18, s17, $0xb8;
	[tilespmem:$0x1CB00] =	vst v63  }
0x88: {  	s18 =	simm.s32 @!p1 $0x11  }
0x89: {  	_ =	swait.ge @!p1 [sflag:s18], $0x80  }
0x8a: {  	[sflag:s18] =	ssyncset.done @!p1 $0x0  }
0x8b: {  	s24 =	sadd.s32 $0xA0, s9;
	s8 =	simm.s32 $0x500;
	[sflag:s18] =	ssyncadd.s32 @!p1 $0xFFFFFF80  }
0x8c: {  	[tilespmem:s8], [sflag:$0x6] =	stream.linear.gather [hbm4b:s24+s5], $0x100, $0x38;
	[tilespmem:$0x1CB00] =	vst v63  }
0x8d: {  	_ =	swait.ge [sflag:s19], $0x100  }
0x8e: {  	[sflag:s19] =	ssyncset.done $0x0  }
0x8f: {  	[sflag:s19] =	ssyncadd.s32 $0xFFFFFF00  }
0x90: {  	_ =	swait.ge [sflag:s20], $0x2000  }
0x91: {  	[sflag:s20] =	ssyncset.done $0x0  }
0x92: {  	[sflag:s20] =	ssyncadd.s32 $0xFFFFE000  }
0x93: {  	[tilespmem:s26], [sflag:$0x9] =	stream.indirect.gather [spmem:s3], $0x40, s31, s25, $0xb8;
	[tilespmem:$0x1CB00] =	vst v63  }
0x94: {  	_ =	swait.ge [sflag:s10], $0x2000  }
0x95: {  	[sflag:s10] =	ssyncset.done $0x0  }
0x96: {  	s24 =	simm.s32 $0x280;
	[sflag:s10] =	ssyncadd.s32 $0xFFFFE000  }
0x97: {  	[spmem:s2] =	stream.indirect.scatter.add.f32 [tilespmem:s0], [sflag:$0xF], $0x40, s24, s25, $0xb8;
	[tilespmem:$0x1CB00] =	vst v63  }
0x98: {  	s24 =	simm.s32 @!p0 $0x280  }
0x99: {  	[spmem:s4] =	stream.indirect.scatter.add.f32 @!p0 [tilespmem:s30], [sflag:$0x11], $0x1, s24, s17, $0xb8;
	[tilespmem:$0x1CB00] =	vst v63  }
0x9a: {  	_ =	swait.ge @!p1 [sflag:s18], $0x80  }
0x9b: {  	[sflag:s18] =	ssyncset.done @!p1 $0x0  }
0x9c: {  	s31 =	simm.s32 $0x600;
	s24 =	sadd.s32 $0xC0, s9;
	[sflag:s18] =	ssyncadd.s32 @!p1 $0xFFFFFF80  }
0x9d: {  	[tilespmem:s31], [sflag:$0x7] =	stream.linear.gather [hbm4b:s24+s5], $0x100, $0x38;
	[tilespmem:$0x1CB00] =	vst v63  }
0x9e: {  	_ =	swait.ge [sflag:s28], $0x100  }
0x9f: {  	[sflag:s28] =	ssyncset.done $0x0  }
0xa0: {  	[sflag:s28] =	ssyncadd.s32 $0xFFFFFF00  }
0xa1: {  	_ =	swait.ge [sflag:s6], $0x2000  }
0xa2: {  	[sflag:s6] =	ssyncset.done $0x0  }
0xa3: {  	[sflag:s6] =	ssyncadd.s32 $0xFFFFE000  }
0xa4: {  	[tilespmem:s11], [sflag:$0xA] =	stream.indirect.gather [spmem:s3], $0x40, s8, s25, $0xb8;
	[tilespmem:$0x1CB00] =	vst v63  }
0xa5: {  	_ =	swait.ge [sflag:s13], $0x2000  }
0xa6: {  	[sflag:s13] =	ssyncset.done $0x0  }
0xa7: {  	s24 =	simm.s32 $0x380;
	[sflag:s13] =	ssyncadd.s32 $0xFFFFE000  }
0xa8: {  	[spmem:s2] =	stream.indirect.scatter.add.f32 [tilespmem:s15], [sflag:$0x10], $0x40, s24, s25, $0xb8;
	[tilespmem:$0x1CB00] =	vst v63  }
0xa9: {  	s24 =	simm.s32 @!p0 $0x380  }
0xaa: {  	[spmem:s4] =	stream.indirect.scatter.add.f32 @!p0 [tilespmem:s30], [sflag:$0x11], $0x1, s24, s17, $0xb8;
	[tilespmem:$0x1CB00] =	vst v63  }
0xab: {  	_ =	swait.ge @!p1 [sflag:s18], $0x80  }
0xac: {  	[sflag:s18] =	ssyncset.done @!p1 $0x0  }
0xad: {  	s29 =	simm.s32 $0x700;
	[sflag:s18] =	ssyncadd.s32 @!p1 $0xFFFFFF80;
	s18 =	sadd.s32 $0xE0, s9  }
0xae: {  	[tilespmem:s29], [sflag:$0x8] =	stream.linear.gather [hbm4b:s18+s5], $0x100, $0x38;
	[tilespmem:$0x1CB00] =	vst v63  }
0xaf: {  	_ =	swait.ge [sflag:s7], $0x100  }
0xb0: {  	[sflag:s7] =	ssyncset.done $0x0  }
0xb1: {  	[sflag:s7] =	ssyncadd.s32 $0xFFFFFF00  }
0xb2: {  	_ =	swait.ge [sflag:s14], $0x2000  }
0xb3: {  	[sflag:s14] =	ssyncset.done $0x0  }
0xb4: {  	[sflag:s14] =	ssyncadd.s32 $0xFFFFE000  }
0xb5: {  	[tilespmem:s0], [sflag:$0xB] =	stream.indirect.gather [spmem:s3], $0x40, s31, s25, $0xb8;
	[tilespmem:$0x1CB00] =	vst v63  }
0xb6: {  	_ =	swait.ge [sflag:s1], $0x2000  }
0xb7: {  	[sflag:s1] =	ssyncset.done $0x0  }
0xb8: {  	s24 =	simm.s32 $0x480;
	[sflag:s1] =	ssyncadd.s32 $0xFFFFE000  }
0xb9: {  	[spmem:s2] =	stream.indirect.scatter.add.f32 [tilespmem:s26], [sflag:$0xD], $0x40, s24, s25, $0xb8;
	[tilespmem:$0x1CB00] =	vst v63  }
0xba: {  	s9 =	simm.s32 @!p0 $0x480  }
0xbb: {  	[spmem:s4] =	stream.indirect.scatter.add.f32 @!p0 [tilespmem:s30], [sflag:$0x11], $0x1, s9, s17, $0xb8;
	[tilespmem:$0x1CB00] =	vst v63  }
0xbc: {  	s9 =	simm.s32 @!p0 $0x11  }
0xbd: {  	p1 =	seq.s32 s23, $0x1300;
	_ =	swait.ge @!p0 [sflag:s9], $0x80  }
0xbe: {  	s18 =	sadd.s32 @!p1 s23, s12;
	[sflag:s9] =	ssyncset.done @!p0 $0x0  }
0xbf: {  	s8 =	simm.s32 @!p1 $0x0;
	s24 =	sadd.s32 @!p1 $0x100, s18;
	[sflag:s9] =	ssyncadd.s32 @!p0 $0xFFFFFF80  }
0xc0: {  	[tilespmem:s8], [sflag:$0x1] =	stream.linear.gather @!p1 [hbm4b:s24+s8], $0x100, $0x38;
	[tilespmem:$0x1CB00] =	vst v63  }
0xc1: {  	_ =	swait.ge [sflag:s16], $0x100  }
0xc2: {  	[sflag:s16] =	ssyncset.done $0x0  }
0xc3: {  	[sflag:s16] =	ssyncadd.s32 $0xFFFFFF00  }
0xc4: {  	_ =	swait.ge [sflag:s22], $0x2000  }
0xc5: {  	[sflag:s22] =	ssyncset.done $0x0  }
0xc6: {  	[sflag:s22] =	ssyncadd.s32 $0xFFFFE000  }
0xc7: {  	[tilespmem:s15], [sflag:$0xC] =	stream.indirect.gather [spmem:s3], $0x40, s29, s25, $0xb8;
	[tilespmem:$0x1CB00] =	vst v63  }
0xc8: {  	_ =	swait.ge [sflag:s21], $0x2000  }
0xc9: {  	[sflag:s21] =	ssyncset.done $0x0  }
0xca: {  	s26 =	simm.s32 $0x580;
	[sflag:s21] =	ssyncadd.s32 $0xFFFFE000  }
0xcb: {  	[spmem:s2] =	stream.indirect.scatter.add.f32 [tilespmem:s11], [sflag:$0xE], $0x40, s26, s25, $0xb8;
	[tilespmem:$0x1CB00] =	vst v63  }
0xcc: {  	s24 =	simm.s32 @!p0 $0x580  }
0xcd: {  	[spmem:s4] =	stream.indirect.scatter.add.f32 @!p0 [tilespmem:s30], [sflag:$0x11], $0x1, s24, s17, $0xb8;
	[tilespmem:$0x1CB00] =	vst v63  }
0xce: {  	_ =	swait.ge @!p0 [sflag:s9], $0x80  }
0xcf: {  	[sflag:s9] =	ssyncset.done @!p0 $0x0  }
0xd0: {  	s26 =	simm.s32 @!p1 $0x100;
	s24 =	sadd.s32 @!p1 $0x120, s18;
	[sflag:s9] =	ssyncadd.s32 @!p0 $0xFFFFFF80  }
0xd1: {  	[tilespmem:s26], [sflag:$0x2] =	stream.linear.gather @!p1 [hbm4b:s24+s8], $0x100, $0x38;
	[tilespmem:$0x1CB00] =	vst v63  }
0xd2: {  	s24 =	simm.s32 @!p1 $0x1  }
0xd3: {  	_ =	swait.ge @!p1 [sflag:s24], $0x100  }
0xd4: {  	[sflag:s24] =	ssyncset.done @!p1 $0x0  }
0xd5: {  	[sflag:s24] =	ssyncadd.s32 @!p1 $0xFFFFFF00;
	s24 =	simm.s32 @!p1 $0xD  }
0xd6: {  	_ =	swait.ge @!p1 [sflag:s24], $0x2000  }
0xd7: {  	[sflag:s24] =	ssyncset.done @!p1 $0x0  }
0xd8: {  	s31 =	simm.s32 @!p1 $0x800;
	[sflag:s24] =	ssyncadd.s32 @!p1 $0xFFFFE000;
	s24 =	simm.s32 @!p1 $0x80  }
0xd9: {  	[tilespmem:s31], [sflag:$0x9] =	stream.indirect.gather @!p1 [spmem:s3], $0x40, s8, s24, $0xb8;
	[tilespmem:$0x1CB00] =	vst v63  }
0xda: {  	_ =	swait.ge [sflag:s10], $0x2000  }
0xdb: {  	[sflag:s10] =	ssyncset.done $0x0  }
0xdc: {  	s11 =	simm.s32 $0x680;
	[sflag:s10] =	ssyncadd.s32 $0xFFFFE000  }
0xdd: {  	[spmem:s2] =	stream.indirect.scatter.add.f32 [tilespmem:s0], [sflag:$0xF], $0x40, s11, s25, $0xb8;
	[tilespmem:$0x1CB00] =	vst v63  }
0xde: {  	s31 =	simm.s32 @!p0 $0x680  }
0xdf: {  	[spmem:s4] =	stream.indirect.scatter.add.f32 @!p0 [tilespmem:s30], [sflag:$0x11], $0x1, s31, s17, $0xb8;
	[tilespmem:$0x1CB00] =	vst v63  }
0xe0: {  	_ =	swait.ge @!p0 [sflag:s9], $0x80  }
0xe1: {  	[sflag:s9] =	ssyncset.done @!p0 $0x0  }
0xe2: {  	s18 =	sadd.s32 @!p1 $0x140, s18;
	s31 =	simm.s32 @!p1 $0x200;
	[sflag:s9] =	ssyncadd.s32 @!p0 $0xFFFFFF80  }
0xe3: {  	[tilespmem:s31], [sflag:$0x3] =	stream.linear.gather @!p1 [hbm4b:s18+s8], $0x100, $0x38;
	[tilespmem:$0x1CB00] =	vst v63  }
0xe4: {  	s8 =	simm.s32 @!p1 $0x2  }
0xe5: {  	_ =	swait.ge @!p1 [sflag:s8], $0x100  }
0xe6: {  	[sflag:s8] =	ssyncset.done @!p1 $0x0  }
0xe7: {  	[sflag:s8] =	ssyncadd.s32 @!p1 $0xFFFFFF00;
	s8 =	simm.s32 @!p1 $0xE  }
0xe8: {  	_ =	swait.ge @!p1 [sflag:s8], $0x2000  }
0xe9: {  	[sflag:s8] =	ssyncset.done @!p1 $0x0  }
0xea: {  	[sflag:s8] =	ssyncadd.s32 @!p1 $0xFFFFE000;
	s8 =	simm.s32 @!p1 $0x2800  }
0xeb: {  	[tilespmem:s8], [sflag:$0xA] =	stream.indirect.gather @!p1 [spmem:s3], $0x40, s26, s24, $0xb8;
	[tilespmem:$0x1CB00] =	vst v63  }
0xec: {  	_ =	swait.ge [sflag:s13], $0x2000  }
0xed: {  	s23 =	sadd.s32 $0x100, s23;
	[sflag:s13] =	ssyncset.done $0x0  }
0xee: {  	s18 =	simm.s32 $0x780;
	p1 =	sne.s32 s23, $0x1400;
	[sflag:s13] =	ssyncadd.s32 $0xFFFFE000  }
0xef: {  	[spmem:s2] =	stream.indirect.scatter.add.f32 [tilespmem:s15], [sflag:$0x10], $0x40, s18, s25, $0xb8;
	[tilespmem:$0x1CB00] =	vst v63  }
.Ltmp3:
0xf0: {  	s8 =	simm.s32 @!p0 $0x780;
	(pc) =	sbr.rel @!p1 .LBB2_8-.Ltmp3, $4  }
0xf1: {  	[spmem:s4] =	stream.indirect.scatter.add.f32 @!p0 [tilespmem:s30], [sflag:$0x11], $0x1, s8, s17, $0xb8;
	[tilespmem:$0x1CB00] =	vst v63  }
0xf2: {  	_ =	swait.ge @!p0 [sflag:s9], $0x80  }
0xf3: {  	s29 =	simm.s32 $0x2800;
	s31 =	simm.s32 $0x400;
	[sflag:s9] =	ssyncset.done @!p0 $0x0  }
0xf4: {  	s24 =	simm.s32 $0x300;
	s26 =	simm.s32 $0x800;
	[sflag:s9] =	ssyncadd.s32 @!p0 $0xFFFFFF80  }
.LBB2_2:
0xf5: {  	s9 =	sadd.s32 s23, s12  }
0xf6: {  	s8 =	simm.s32 $0x3;
	s17 =	sadd.s32 $0x60, s9  }
0xf7: {  	[tilespmem:s24], [sflag:$0x4] =	stream.linear.gather [hbm4b:s17+s5], $0x100, $0x38;
	[tilespmem:$0x1CB00] =	vst v63  }
0xf8: {  	_ =	swait.ge [sflag:s8], $0x100  }
0xf9: {  	p1 =	seq.s32 s23, $0x0;
	[sflag:s8] =	ssyncset.done $0x0  }
0xfa: {  	s17 =	simm.s32 @!p1 $0xF;
	[sflag:s8] =	ssyncadd.s32 $0xFFFFFF00  }
0xfb: {  	_ =	swait.ge @!p1 [sflag:s17], $0x2000  }
0xfc: {  	[sflag:s17] =	ssyncset.done @!p1 $0x0  }
0xfd: {  	s30 =	simm.s32 $0x200;
	[sflag:s17] =	ssyncadd.s32 @!p1 $0xFFFFE000  }
0xfe: {  	[tilespmem:s0], [sflag:$0xB] =	stream.indirect.gather [spmem:s3], $0x40, s30, s25, $0xb8;
	[tilespmem:$0x1CB00] =	vst v63  }
.Ltmp4:
0xff: {  	_ = 	snop;
	(pc) =	sbr.rel @p0 .LBB2_5-.Ltmp4, $4  }
0x100: {  	_ =	swait.ge [sflag:s1], $0x2000  }
0x101: {  	[sflag:s1] =	ssyncset.done $0x0  }
0x102: {  	[sflag:s1] =	ssyncadd.s32 $0xFFFFE000  }
0x103: {  	[spmem:s2] =	stream.indirect.scatter.add.f32 [tilespmem:s26], [sflag:$0xD], $0x40, s25, s25, $0xb8;
	[tilespmem:$0x1CB00] =	vst v63  }
.Ltmp5:
0x104: {  	(pc) =	sbr.rel @!p1 .LBB2_4-.Ltmp5, $3  }
0x105: {  	_ =	sdelay $0x1  }
0x106: {  	s8 =	simm.s32 $0x1C800  }
0x107: {  	[spmem:s4] =	stream.indirect.scatter.add.f32 [tilespmem:s8], [sflag:$0x11], $0x1, s25, s25, $0xb8;
	[tilespmem:$0x1CB00] =	vst v63  }
.Ltmp6:
0x108: {  	s8 =	rddreg [dreg:$0x15];
	s30 =	simm.s32 $0x4;
	(pc) =	sbr.rel .LBB2_7-.Ltmp6, $4  }
0x109: {  	[tilespmem:s31], [sflag:$0x5] =	stream.linear.gather [hbm4b:s8+s5], $0x100, $0x38;
	[tilespmem:$0x1CB00] =	vst v63  }
0x10a: {  	_ =	swait.ge [sflag:s30], $0x100  }
0x10b: {  	[sflag:s30] =	ssyncset.done $0x0  }
0x10c: {  	[sflag:s30] =	ssyncadd.s32 $0xFFFFFF00  }
.LBB2_9:
0x10d: {  	_ =	sfence.sel $0x180000  }
0x10e: {  	[bflag:$0x0] =	sbarrier.arrive $0xFFFF  }
0x10f: {  	_ =	strace $0x90000047  }
0x110: {  	s0 =	stileid.u32;
	[bflag:$0x2] =	sbarrier.arrive $0xFFFF  }
0x111: {  	p0 =	sne.s32 s0, $0x0;
	s0 =	rddreg [dreg:$0x5]  }
0x112: {  	s0 =	sadd.s32 @!p0 $0x100000, s0  }
0x113: {  	[sflag:s0] =	ssyncadd.tile.s32 @!p0 $0x1;
	_ =	shalt  }
.Lfunc_end2:
_tile_overlayer_lowered:
.L_overlay_start_2:
0x114: {  	(tag) =	ssettag $0x2  }
0x115: {  	s0 =	rddreg [dreg:$0x0];
	s2 =	stileid.u32  }
0x116: {  	s1 =	rddreg [dreg:$0x1];
	p0 =	sne.s32 s2, $0x0  }
0x117: {  	s3 =	rddreg [dreg:$0x2];
	[bflag:$0x3] =	sbarrier.arrive $0xFFFF;
	s2 =	simm.s32 @!p0 $0x1C12  }
0x118: {  	[timem:s3], [sflag:s2] =	dma.local @!p0 [hbm:s0], s1  }
0x119: {  	s0 =	simm.s32 @!p0 $0x12  }
0x11a: {  	_ =	swait.ge @!p0 [sflag:s0], s1  }
0x11b: {  	s1 =	ssub.s32 @!p0 $0x0, s1;
	[sflag:s0] =	ssyncset.done @!p0 $0x0  }
0x11c: {  	[sflag:s0] =	ssyncadd.s32 @!p0 s1  }
0x11d: {  	[bflag:$0x3] =	sbarrier.arrive $0xFFFF  }
0x11e: {  	_ =	shalt  }

// kernel: kernel.9.cloned.1.call-start
scs
__scs_entry_jumppad:
0x0: {  	(pc) =	sbr.rel $0x88, $3  }
0x1: {  	(tag) =	ssettag $0x0;
	lr =	simm.s32 $0x1  }
0x2: {  	[smem:$0x3F99] =	sst lr;
	_ =	strace $0xD0000000  }
0x3: {  	_ = 	snop  }
0x4: {  	_ = 	snop  }
0x5: {  	_ = 	snop  }
0x6: {  	_ = 	snop  }
0x7: {  	_ = 	snop  }
__scs_overlays_trampoline_lowered:
0x8: {  	[smem:$0x3FA8] =	sst s0  }
0x9: {  	[smem:$0x3FA9] =	sst s1  }
0xa: {  	[smem:$0x3FAA] =	sst s2  }
0xb: {  	[smem:$0x3FAB] =	sst s3  }
0xc: {  	[smem:$0x3FAC] =	sst s4  }
0xd: {  	[smem:$0x3FAD] =	sst s5  }
0xe: {  	[smem:$0x3FAE] =	sst s6  }
0xf: {  	[smem:$0x3FAF] =	sst s7  }
0x10: {  	[smem:$0x3FB0] =	sst s8  }
0x11: {  	[smem:$0x3FB1] =	sst s9;
	s0 =	simm.s32 @!p0 $0x0  }
0x12: {  	s1 =	sld [smem:$0x3F97];
	s0 =	simm.s32 @p0 $0x1  }
0x13: {  	[smem:$0x3FB2] =	sst s0;
	s0 =	simm.s32 @!p1 $0x0  }
0x14: {  	s2 =	sld [smem:$0x3F96];
	s0 =	simm.s32 @p1 $0x1  }
0x15: {  	[smem:$0x3FB3] =	sst s0;
	s0 =	simm.s32 @!p2 $0x0  }
0x16: {  	s3 =	sld [smem:$0x3FDB];
	s0 =	simm.s32 @p2 $0x1  }
0x17: {  	s4 =	simm.s32 $0x1BF5;
	[smem:$0x3FB5] =	sst s0  }
0x18: {  	s0 =	sld [smem:$0x3F98];
	_ =	swait.ge [sflag:s4], $0x0  }
0x19: {  	s7 =	sld [smem:$0x3F99]  }
0x1a: {  	s8 =	sadd.s32 $0xFFFFE003, lr  }
0x1b: {  	s9 =	sadd.s32 $0xFFFFFEF7, lr;
	s5 =	simm.s32 $0xFFFFFFFF;
	p2 =	slt.u32 s8, $0xFFFFF086  }
0x1c: {  	p1 =	slt.u32 s9, $0xF7A;
	s5 =	simm.s32 @!p2 $0x0  }
0x1d: {  	s5 =	simm.s32 @p1 $0x1;
	p0 =	seq.s32 s7, s2  }
0x1e: {  	s7 =	smul.u32 @!p0 $0xF7A, s2;
	p2 =	seq.s32 @!p0 s5, $0x0  }
0x1f: {  	s9 =	smul.u32 $0xF7A, s1;
	s8 =	simm.s32 @!p0 $0x1BF5;
	p2 =	por !p2, p0  }
0x20: {  	[sflag:s8] =	ssyncset.s32 @!p0 $0xFFFFF086;
	s6 =	sadd.s32 @!p0 s3, s7;
	s7 =	simm.s32 @!p0 $0x108  }
0x21: {  	s3 =	sadd.s32 s3, s9;
	s6 =	sadd.s32 @!p0 $0x88, s6;
	s7 =	simm.s32 @p2 $0x1082  }
0x22: {  	[simem:s7], [sflag:s8] =	dma.local @!p0 [hbm:s6], $0xF7A  }
0x23: {  	s9 =	sor.u32 $0xD0000000, s2;
	s6 =	simm.s32 $0x108;
	_ =	swait.ge @!p0 [sflag:s8], $0x0  }
0x24: {  	s3 =	sadd.s32 $0x88, s3;
	s6 =	simm.s32 @!p1 $0x1082;
	[sflag:s4] =	ssyncset.s32 $0xFFFFF086  }
0x25: {  	[simem:s6], [sflag:s4] =	dma.local [hbm:s3], $0xF7A  }
0x26: {  	[smem:$0x3F99] =	sst s1;
	(tag) =	ssettag s2;
	_ =	strace s9  }
0x27: {  	s1 =	sld [smem:$0x3FA9]  }
0x28: {  	s2 =	sld [smem:$0x3FAA]  }
0x29: {  	s4 =	sld [smem:$0x3FAC]  }
0x2a: {  	p0 =	seq.s32 s5, $0x0;
	s5 =	sld [smem:$0x3FAD]  }
0x2b: {  	s6 =	sld [smem:$0x3FAE]  }
0x2c: {  	s7 =	sld [smem:$0x3FAF]  }
0x2d: {  	s3 =	simm.s32 $0x108;
	s8 =	sld [smem:$0x3FB0]  }
0x2e: {  	s3 =	simm.s32 @!p0 $0x1082;
	s9 =	sld [smem:$0x3FB1]  }
0x2f: {  	lr =	sadd.s32 s0, s3;
	s0 =	sld [smem:$0x3FA8]  }
0x30: {  	s3 =	sld [smem:$0x3FAB]  }
0x31: {  	[smem:$0x3FB4] =	sst s10  }
0x32: {  	s10 =	sld [smem:$0x3FB2];
	_ =	sdelay $0x3  }
0x33: {  	p0 =	seq.s32 s10, $0x1;
	s10 =	sld [smem:$0x3FB4];
	_ =	sdelay $0x3  }
0x34: {  	[smem:$0x3FB4] =	sst s10  }
0x35: {  	s10 =	sld [smem:$0x3FB3];
	_ =	sdelay $0x3  }
0x36: {  	p1 =	seq.s32 s10, $0x1;
	s10 =	sld [smem:$0x3FB4];
	_ =	sdelay $0x3  }
0x37: {  	[smem:$0x3FB4] =	sst s10  }
0x38: {  	s10 =	sld [smem:$0x3FB5]  }
0x39: {  	_ = 	snop;
	(pc) =	sbr.ind lr, $3  }
0x3a: {  	_ = 	snop  }
0x3b: {  	_ = 	snop  }
0x3c: {  	p2 =	seq.s32 s10, $0x1;
	s10 =	sld [smem:$0x3FB4]  }
0x3d: {  	_ =	shalt  }
0x3e: {  	_ =	shalt  }
0x3f: {  	_ =	shalt  }
0x40: {  	_ =	shalt  }
0x41: {  	_ =	shalt  }
0x42: {  	_ =	shalt  }
0x43: {  	_ =	shalt  }
0x44: {  	_ =	shalt  }
0x45: {  	_ =	shalt  }
0x46: {  	_ =	shalt  }
0x47: {  	_ =	shalt  }
0x48: {  	_ =	shalt  }
0x49: {  	_ =	shalt  }
0x4a: {  	_ =	shalt  }
0x4b: {  	_ =	shalt  }
0x4c: {  	_ =	shalt  }
0x4d: {  	_ =	shalt  }
0x4e: {  	_ =	shalt  }
0x4f: {  	_ =	shalt  }
0x50: {  	_ =	shalt  }
0x51: {  	_ =	shalt  }
0x52: {  	_ =	shalt  }
0x53: {  	_ =	shalt  }
0x54: {  	_ =	shalt  }
0x55: {  	_ =	shalt  }
0x56: {  	_ =	shalt  }
0x57: {  	_ =	shalt  }
0x58: {  	_ =	shalt  }
0x59: {  	_ =	shalt  }
0x5a: {  	_ =	shalt  }
0x5b: {  	_ =	shalt  }
0x5c: {  	_ =	shalt  }
0x5d: {  	_ =	shalt  }
0x5e: {  	_ =	shalt  }
0x5f: {  	_ =	shalt  }
0x60: {  	_ =	shalt  }
0x61: {  	_ =	shalt  }
0x62: {  	_ =	shalt  }
0x63: {  	_ =	shalt  }
0x64: {  	_ =	shalt  }
0x65: {  	_ =	shalt  }
0x66: {  	_ =	shalt  }
0x67: {  	_ =	shalt  }
0x68: {  	_ =	shalt  }
0x69: {  	_ =	shalt  }
0x6a: {  	_ =	shalt  }
0x6b: {  	_ =	shalt  }
0x6c: {  	_ =	shalt  }
0x6d: {  	_ =	shalt  }
0x6e: {  	_ =	shalt  }
0x6f: {  	_ =	shalt  }
0x70: {  	_ =	shalt  }
0x71: {  	_ =	shalt  }
0x72: {  	_ =	shalt  }
0x73: {  	_ =	shalt  }
0x74: {  	_ =	shalt  }
0x75: {  	_ =	shalt  }
0x76: {  	_ =	shalt  }
0x77: {  	_ =	shalt  }
0x78: {  	_ =	shalt  }
0x79: {  	_ =	shalt  }
0x7a: {  	_ =	shalt  }
0x7b: {  	_ =	shalt  }
0x7c: {  	_ =	shalt  }
0x7d: {  	_ =	shalt  }
0x7e: {  	_ =	shalt  }
0x7f: {  	_ =	shalt  }
0x80: {  	_ =	shalt  }
0x81: {  	_ =	shalt  }
0x82: {  	_ =	shalt  }
0x83: {  	_ =	shalt  }
0x84: {  	_ =	shalt  }
0x85: {  	_ =	shalt  }
0x86: {  	_ =	shalt  }
0x87: {  	_ =	shalt  }
.Lfunc_end0:
.L_simem_size_0:
called_computation.1_lowered:
.L_overlay_start_0:
0x88: {  	s2 =	sld [smem:$0x3FD9]  }
0x89: {  	s3 =	sld [smem:$0x3FFE];
	_ =	sdelay $0x1  }
0x8a: {  	s1 =	srdreg.scid  }
0x8b: {  	s0 =	sand.u32 $0x1, s1  }
0x8c: {  	s17 =	sshll.u32 s0, $0xA;
	s2 =	sadd.s32 s3, s2  }
0x8d: {  	s2 =	sadd.s32 s2, s17  }
0x8e: {  	[smem:$0x3FC0] =	sst s2  }
0x8f: {  	_ = 	snop  }
0x90: {  	s2 =	sld [smem:$0x3FD0];
	(tm) =	ssettm $0x1  }
0x91: {  	s18 =	sld [smem:$0x3FFB];
	_ =	sdelay $0x3  }
0x92: {  	_ =	strace s18  }
0x93: {  	s3 =	sld [smem:$0x3FFC];
	_ =	sdelay $0x3  }
0x94: {  	_ =	strace s3  }
0x95: {  	s3 =	sld [smem:$0x3FFD];
	_ =	sdelay $0x3  }
0x96: {  	_ =	strace s3  }
0x97: {  	_ =	strace $0x8FFFFFFF  }
0x98: {  	s19 =	sld [smem:$0x3FDB];
	_ =	sdelay $0x1  }
0x99: {  	s4 =	simm.s32 $_scs_section_size  }
0x9a: {  	s5 =	simm.s32 $_size__tile_overlayer_lowered;
	s6 =	simm.s32 $_tile_overlayer_lowered  }
0x9b: {  	s22 =	simm.s32 $0x1BFF;
	s21 =	sshll.u32 s6, $0x1;
	s3 =	sadd.s32 s4, s19  }
0x9c: {  	s7 =	simm.s32 $0x0;
	s20 =	sshll.u32 s5, $0x1;
	s5 =	sadd.s32 s21, s3  }
0x9d: {  	[timem:s7], [sflag:s22] =	dma.local [hbm:s5], s20  }
0x9e: {  	_ =	swait.ge [sflag:s22], s20  }
0x9f: {  	s4 =	ssub.s32 $0x0, s20;
	[sflag:s22] =	ssyncset.done $0x0  }
0xa0: {  	[sflag:s22] =	ssyncadd.s32 s4;
	_ =	sdelay $0x1  }
0xa1: {  	s23 =	simm.s32 $0x1B8B  }
0xa2: {  	_ =	swait.ge [sflag:s23], $0x1  }
0xa3: {  	[sflag:s23] =	ssyncset.done $0x0  }
0xa4: {  	s25 =	simm.s32 $0x1B8E;
	s24 =	sld [smem:$0x3FFE];
	[sflag:s23] =	ssyncadd.s32 $0xFFFFFFFF  }
0xa5: {  	s26 =	simm.s32 $execute0_lowered;
	[smem:$0x3FD2] =	sst s25  }
0xa6: {  	s5 =	sshll.u32 s26, $0x1;
	_ =	strace $0x80000049;
	[dreg:$0x1] =	wrdreg $0xFFFFFFFF  }
0xa7: {  	s28 =	simm.s32 $_size_execute0_lowered;
	s3 =	sadd.s32 s3, s5;
	[dreg:$0x0] =	wrdreg $0x0  }
0xa8: {  	s5 =	sshll.u32 s28, $0x1;
	[dreg:$0x2] =	wrdreg s3  }
0xa9: {  	[dreg:$0x3] =	wrdreg s5  }
0xaa: {  	[dreg:$0x4] =	wrdreg $0xC0  }
0xab: {  	_ =	task [dreg:s7], $0x5FFFF  }
0xac: {  	[dreg:$0x1] =	wrdreg $0xFFFFFFFF  }
0xad: {  	[dreg:$0x0] =	wrdreg $0x60  }
0xae: {  	[dreg:$0x2] =	wrdreg s24  }
0xaf: {  	[dreg:$0x3] =	wrdreg s2  }
0xb0: {  	[dreg:$0x4] =	wrdreg $0x88000  }
0xb1: {  	[dreg:$0x5] =	wrdreg $0x128000  }
0xb2: {  	[dreg:$0x6] =	wrdreg $0x9  }
0xb3: {  	_ =	task.clear_ibuf [dreg:s7], $0x7FFFF;
	_ =	strace $0x90000049  }
0xb4: {  	s29 =	simm.s32 $0x9;
	_ =	strace $0x8000004B  }
0xb5: {  	_ =	swait.ge [sflag:s29], $0x1  }
0xb6: {  	[sflag:s29] =	ssyncadd.s32 $0xFFFFFFFF  }
0xb7: {  	_ =	strace $0x9000004B  }
0xb8: {  	_ =	sfence  }
0xb9: {  	s30 =	sld [smem:$0x0];
	_ =	sdelay $0x2  }
0xba: {  	s31 =	sshll.u32 s1, $0xD;
	s1 =	sshrl.u32 s1, $0x2  }
0xbb: {  	s3 =	sand.u32 $0x4000, s31;
	s1 =	sadd.s32 s1, s30  }
0xbc: {  	s0 =	sor.u32 s3, s0;
	s1 =	sshll.u32 s1, $0x11  }
0xbd: {  	s0 =	sor.u32 s1, s0  }
0xbe: {  	s0 =	sadd.s32 $0x8F2B, s0  }
0xbf: {  	[sflag:s0] =	ssyncadd.remote.s32 $0x1  }
0xc0: {  	_ =	sfence.sel $0xFFFF  }
0xc1: {  	[dreg:$0x0] =	wrdreg $0xFFFFFFFF;
	(pc) =	sbr.abs _section_cstart, $3  }
0xc2: {  	[dreg:$0x1] =	wrdreg $0xFFFFFFFF  }
0xc3: {  	_ =	task.clear_ibuf [dreg:s7], $0x2FFFF;
	_ =	strace $0x9FFFFFFF  }
0xc4: {  	(tm) =	ssettm $0x7FFFFFFF  }
0xc5: {  	_ =	shalt  }
tec
execute0_lowered:
.L_overlay_start_1:
0x0: {  	(tag) =	ssettag $0x1  }
0x1: {  	s0 =	rddreg [dreg:$0x0]  }
0x2: {  	s1 =	rddreg [dreg:$0x1]  }
0x3: {  	s2 =	rddreg [dreg:$0x2];
	s9 =	stileid.u32  }
0x4: {  	s4 =	srdreg.scid;
	s3 =	rddreg [dreg:$0x3]  }
0x5: {  	s19 =	simm.s32 $0x80;
	s18 =	simm.s32 $0x180;
	s23 =	simm.s32 $0x800  }
0x6: {  	s20 =	simm.s32 $0x280;
	s21 =	simm.s32 $0x380;
	s22 =	simm.s32 $0x2800  }
0x7: {  	s24 =	simm.s32 $0x480;
	s28 =	simm.s32 $0x300;
	s25 =	simm.s32 $0x580  }
0x8: {  	s26 =	simm.s32 $0x780;
	s6 =	sand.u32 $0x1, s4;
	s4 =	simm.s32 $0x0  }
0x9: {  	s29 =	simm.s32 $0x4;
	s30 =	simm.s32 $0x6800;
	[smem:$0x7FF] =	sst s4  }
0xa: {  	s5 =	smul.u32 $0xA000, s9;
	_ =	strace $0x8000004A;
	[dreg:$0x5] =	wrdreg s18  }
0xb: {  	s12 =	sshll.u32 s9, $0x6;
	s9 =	smul.u32 $0x1400, s9;
	[dreg:$0x6] =	wrdreg s20  }
0xc: {  	s31 =	simm.s32 $0xA;
	s7 =	smul.u32 $0xA0000, s6;
	[dreg:$0x7] =	wrdreg s21  }
0xd: {  	s6 =	ssub.s32 $0x2, s6;
	s12 =	sor.u32 $0x1C11, s12;
	[dreg:$0x8] =	wrdreg s24  }
0xe: {  	s8 =	sshrl.u32 s5, $0x3;
	s11 =	sshrl.u32 s6, $0x1;
	[dreg:$0x9] =	wrdreg s25  }
0xf: {  	s10 =	sadd.s32 s5, s2;
	s24 =	simm.s32 $0x3;
	[dreg:$0xa] =	wrdreg s26  }
0x10: {  	s25 =	simm.s32 $0x4800;
	s26 =	simm.s32 $0x9;
	s20 =	simm.s32 $0x500  }
0x11: {  	s18 =	simm.s32 $0xF;
	s21 =	simm.s32 $0x8;
	[dreg:$0xc] =	wrdreg s12  }
0x12: {  	s7 =	sadd.s32 s5, s7;
	s8 =	sadd.s32 s8, s0;
	s6 =	ssub.s32 s6, s11  }
0x13: {  	s5 =	sadd.s32 s5, s3;
	s11 =	simm.s32 $0x10;
	s8 =	sadd.s32 $0x79800, s8  }
0x14: {  	s7 =	sshrl.u32 s7, $0x3;
	s14 =	smax.u32 s6, $0x1;
	[dreg:$0xb] =	wrdreg s8  }
0x15: {  	s6 =	sshrl.u32 s10, $0x3;
	s15 =	sshrl.u32 s5, $0x3;
	[dreg:$0xf] =	wrdreg s14  }
0x16: {  	s5 =	simm.s32 $0xD;
	s0 =	sadd.s32 s7, s0;
	[dreg:$0x11] =	wrdreg s15  }
0x17: {  	s8 =	sadd.s32 s1, s9;
	s1 =	simm.s32 $0x0;
	[dreg:$0x10] =	wrdreg s6  }
0x18: {  	s10 =	simm.s32 $0xE;
	s13 =	sadd.s32 $0x51800, s0;
	[dreg:$0x14] =	wrdreg s1  }
0x19: {  	s14 =	simm.s32 $0x11;
	s0 =	sadd.s32 $0x8DE00, s0;
	[dreg:$0xd] =	wrdreg s13  }
0x1a: {  	s15 =	simm.s32 $0x200;
	s16 =	sadd.s32 $0x20, s8;
	[dreg:$0xe] =	wrdreg s0  }
0x1b: {  	s7 =	simm.s32 $0xB;
	s17 =	sadd.s32 $0x40, s8;
	[dreg:$0x12] =	wrdreg s16  }
0x1c: {  	s9 =	simm.s32 $0x6;
	[dreg:$0x13] =	wrdreg s17;
	s17 =	simm.s32 $0x400  }
0x1d: {  	s0 =	simm.s32 $0x5;
	s13 =	simm.s32 $0xC;
	s16 =	simm.s32 $0x7  }
.LBB2_1:
0x1e: {  	s1 =	rddreg [dreg:$0xb]  }
0x1f: {  	[spmem:s6], [sflag:s12] =	dma.local [hbm:s1], $0x1400  }
0x20: {  	_ =	swait.ge [sflag:s14], $0x1400  }
0x21: {  	[sflag:s14] =	ssyncset.done $0x0;
	s1 =	rddreg [dreg:$0xd]  }
0x22: {  	s6 =	rddreg [dreg:$0x11];
	[sflag:s14] =	ssyncadd.s32 $0xFFFFEC00  }
0x23: {  	[spmem:s6], [sflag:s12] =	dma.local [hbm:s1], $0x1400  }
0x24: {  	_ =	swait.ge [sflag:s14], $0x1400  }
0x25: {  	[sflag:s14] =	ssyncset.done $0x0  }
0x26: {  	[sflag:s14] =	ssyncadd.s32 $0xFFFFEC00  }
0x27: {  	[bflag:$0x0] =	sbarrier.arrive $0xFFFF  }
0x28: {  	[tilespmem:s4], [sflag:$0x1] =	stream.linear.gather [hbm4b:s8+s4], $0x100, $0x38;
	[tilespmem:$0x1C800] =	vst v63  }
0x29: {  	s6 =	simm.s32 $0x100;
	s12 =	rddreg [dreg:$0x12]  }
0x2a: {  	[tilespmem:s6], [sflag:$0x2] =	stream.linear.gather [hbm4b:s12+s4], $0x100, $0x38;
	[tilespmem:$0x1C800] =	vst v63  }
0x2b: {  	s14 =	rddreg [dreg:$0x13];
	s12 =	simm.s32 $0x1  }
0x2c: {  	[tilespmem:s15], [sflag:$0x3] =	stream.linear.gather [hbm4b:s14+s4], $0x100, $0x38;
	[tilespmem:$0x1C800] =	vst v63  }
0x2d: {  	_ =	swait.ge [sflag:s12], $0x100  }
0x2e: {  	[sflag:s12] =	ssyncset.done $0x0  }
0x2f: {  	s14 =	simm.s32 $0x2;
	[sflag:s12] =	ssyncadd.s32 $0xFFFFFF00  }
0x30: {  	[tilespmem:s23], [sflag:$0x9] =	stream.indirect.gather [spmem:s3], $0x40, s4, s19, $0xb8;
	[tilespmem:$0x1C800] =	vst v63  }
0x31: {  	_ =	swait.ge [sflag:s14], $0x100  }
0x32: {  	[sflag:s14] =	ssyncset.done $0x0  }
0x33: {  	[sflag:s14] =	ssyncadd.s32 $0xFFFFFF00  }
0x34: {  	[tilespmem:s22], [sflag:$0xA] =	stream.indirect.gather [spmem:s3], $0x40, s6, s19, $0xb8;
	[tilespmem:$0x1C800] =	vst v63  }
0x35: {  	s6 =	sadd.s32 $0x0, s8  }
0x36: {  	s1 =	sadd.s32 $0x60, s6  }
0x37: {  	[tilespmem:s28], [sflag:$0x4] =	stream.linear.gather [hbm4b:s1+s4], $0x100, $0x38;
	[tilespmem:$0x1C800] =	vst v63  }
0x38: {  	_ =	swait.ge [sflag:s24], $0x100  }
0x39: {  	p0 =	por $0x1, $0x1;
	[sflag:s24] =	ssyncset.done $0x0  }
0x3a: {  	s12 =	simm.s32 @!p0 $0xF;
	[sflag:s24] =	ssyncadd.s32 $0xFFFFFF00  }
0x3b: {  	_ =	swait.ge @!p0 [sflag:s12], $0x2000  }
0x3c: {  	[sflag:s12] =	ssyncset.done @!p0 $0x0  }
0x3d: {  	[sflag:s12] =	ssyncadd.s32 @!p0 $0xFFFFE000  }
0x3e: {  	[tilespmem:s25], [sflag:$0xB] =	stream.indirect.gather [spmem:s3], $0x40, s15, s19, $0xb8;
	[tilespmem:$0x1C800] =	vst v63  }
0x3f: {  	_ =	swait.ge [sflag:s26], $0x2000  }
0x40: {  	[sflag:s26] =	ssyncset.done $0x0  }
0x41: {  	[sflag:s26] =	ssyncadd.s32 $0xFFFFE000  }
0x42: {  	[spmem:s2] =	stream.indirect.scatter.add.f32 [tilespmem:s23], [sflag:$0xD], $0x40, s19, s19, $0xb8;
	[tilespmem:$0x1C800] =	vst v63  }
0x43: {  	s14 =	sadd.s32 $0x80, s6  }
0x44: {  	[tilespmem:s17], [sflag:$0x5] =	stream.linear.gather [hbm4b:s14+s4], $0x100, $0x38;
	[tilespmem:$0x1C800] =	vst v63  }
0x45: {  	_ =	swait.ge [sflag:s29], $0x100  }
0x46: {  	[sflag:s29] =	ssyncset.done $0x0  }
0x47: {  	s12 =	simm.s32 @!p0 $0x10;
	[sflag:s29] =	ssyncadd.s32 $0xFFFFFF00  }
0x48: {  	_ =	swait.ge @!p0 [sflag:s12], $0x2000  }
0x49: {  	[sflag:s12] =	ssyncset.done @!p0 $0x0  }
0x4a: {  	[sflag:s12] =	ssyncadd.s32 @!p0 $0xFFFFE000  }
0x4b: {  	[tilespmem:s30], [sflag:$0xC] =	stream.indirect.gather [spmem:s3], $0x40, s28, s19, $0xb8;
	[tilespmem:$0x1C800] =	vst v63  }
0x4c: {  	_ =	swait.ge [sflag:s31], $0x2000  }
0x4d: {  	[sflag:s31] =	ssyncset.done $0x0  }
0x4e: {  	s1 =	rddreg [dreg:$0x5];
	[sflag:s31] =	ssyncadd.s32 $0xFFFFE000  }
0x4f: {  	[spmem:s2] =	stream.indirect.scatter.add.f32 [tilespmem:s22], [sflag:$0xE], $0x40, s1, s19, $0xb8;
	[tilespmem:$0x1C800] =	vst v63  }
0x50: {  	s14 =	sadd.s32 $0xA0, s6  }
0x51: {  	[tilespmem:s20], [sflag:$0x6] =	stream.linear.gather [hbm4b:s14+s4], $0x100, $0x38;
	[tilespmem:$0x1C800] =	vst v63  }
0x52: {  	_ =	swait.ge [sflag:s0], $0x100  }
0x53: {  	[sflag:s0] =	ssyncset.done $0x0  }
0x54: {  	[sflag:s0] =	ssyncadd.s32 $0xFFFFFF00  }
0x55: {  	_ =	swait.ge [sflag:s5], $0x2000  }
0x56: {  	[sflag:s5] =	ssyncset.done $0x0  }
0x57: {  	[sflag:s5] =	ssyncadd.s32 $0xFFFFE000  }
0x58: {  	[tilespmem:s23], [sflag:$0x9] =	stream.indirect.gather [spmem:s3], $0x40, s17, s19, $0xb8;
	[tilespmem:$0x1C800] =	vst v63  }
0x59: {  	_ =	swait.ge [sflag:s7], $0x2000  }
0x5a: {  	[sflag:s7] =	ssyncset.done $0x0  }
0x5b: {  	s17 =	rddreg [dreg:$0x6];
	[sflag:s7] =	ssyncadd.s32 $0xFFFFE000  }
0x5c: {  	[spmem:s2] =	stream.indirect.scatter.add.f32 [tilespmem:s25], [sflag:$0xF], $0x40, s17, s19, $0xb8;
	[tilespmem:$0x1C800] =	vst v63  }
0x5d: {  	s1 =	sadd.s32 $0xC0, s6;
	s14 =	simm.s32 $0x600  }
0x5e: {  	[tilespmem:s14], [sflag:$0x7] =	stream.linear.gather [hbm4b:s1+s4], $0x100, $0x38;
	[tilespmem:$0x1C800] =	vst v63  }
0x5f: {  	_ =	swait.ge [sflag:s9], $0x100  }
0x60: {  	[sflag:s9] =	ssyncset.done $0x0  }
0x61: {  	[sflag:s9] =	ssyncadd.s32 $0xFFFFFF00  }
0x62: {  	_ =	swait.ge [sflag:s10], $0x2000  }
0x63: {  	[sflag:s10] =	ssyncset.done $0x0  }
0x64: {  	[sflag:s10] =	ssyncadd.s32 $0xFFFFE000  }
0x65: {  	[tilespmem:s22], [sflag:$0xA] =	stream.indirect.gather [spmem:s3], $0x40, s20, s19, $0xb8;
	[tilespmem:$0x1C800] =	vst v63  }
0x66: {  	_ =	swait.ge [sflag:s13], $0x2000  }
0x67: {  	[sflag:s13] =	ssyncset.done $0x0  }
0x68: {  	s17 =	rddreg [dreg:$0x7];
	[sflag:s13] =	ssyncadd.s32 $0xFFFFE000  }
0x69: {  	[spmem:s2] =	stream.indirect.scatter.add.f32 [tilespmem:s30], [sflag:$0x10], $0x40, s17, s19, $0xb8;
	[tilespmem:$0x1C800] =	vst v63  }
0x6a: {  	s6 =	sadd.s32 $0xE0, s6;
	s20 =	simm.s32 $0x700  }
0x6b: {  	[tilespmem:s20], [sflag:$0x8] =	stream.linear.gather [hbm4b:s6+s4], $0x100, $0x38;
	[tilespmem:$0x1C800] =	vst v63  }
0x6c: {  	_ =	swait.ge [sflag:s16], $0x100  }
0x6d: {  	[sflag:s16] =	ssyncset.done $0x0  }
0x6e: {  	[sflag:s16] =	ssyncadd.s32 $0xFFFFFF00  }
0x6f: {  	_ =	swait.ge [sflag:s18], $0x2000  }
0x70: {  	[sflag:s18] =	ssyncset.done $0x0  }
0x71: {  	[sflag:s18] =	ssyncadd.s32 $0xFFFFE000  }
0x72: {  	[tilespmem:s25], [sflag:$0xB] =	stream.indirect.gather [spmem:s3], $0x40, s14, s19, $0xb8;
	[tilespmem:$0x1C800] =	vst v63  }
0x73: {  	_ =	swait.ge [sflag:s26], $0x2000  }
0x74: {  	p0 =	por $0x0, $0x0;
	[sflag:s26] =	ssyncset.done $0x0  }
0x75: {  	s6 =	sadd.s32 @!p0 $0x0, s8;
	s1 =	rddreg [dreg:$0x8];
	[sflag:s26] =	ssyncadd.s32 $0xFFFFE000  }
0x76: {  	[spmem:s2] =	stream.indirect.scatter.add.f32 [tilespmem:s23], [sflag:$0xD], $0x40, s1, s19, $0xb8;
	[tilespmem:$0x1C800] =	vst v63  }
0x77: {  	s17 =	sadd.s32 @!p0 $0x100, s6;
	s1 =	simm.s32 @!p0 $0x0  }
0x78: {  	[tilespmem:s1], [sflag:$0x1] =	stream.linear.gather @!p0 [hbm4b:s17+s1], $0x100, $0x38;
	[tilespmem:$0x1C800] =	vst v63  }
0x79: {  	_ =	swait.ge [sflag:s21], $0x100  }
0x7a: {  	[sflag:s21] =	ssyncset.done $0x0  }
0x7b: {  	[sflag:s21] =	ssyncadd.s32 $0xFFFFFF00  }
0x7c: {  	_ =	swait.ge [sflag:s11], $0x2000  }
0x7d: {  	[sflag:s11] =	ssyncset.done $0x0  }
0x7e: {  	[sflag:s11] =	ssyncadd.s32 $0xFFFFE000  }
0x7f: {  	[tilespmem:s30], [sflag:$0xC] =	stream.indirect.gather [spmem:s3], $0x40, s20, s19, $0xb8;
	[tilespmem:$0x1C800] =	vst v63  }
0x80: {  	_ =	swait.ge [sflag:s31], $0x2000  }
0x81: {  	[sflag:s31] =	ssyncset.done $0x0  }
0x82: {  	s23 =	simm.s32 @p0 $0xB;
	s14 =	rddreg [dreg:$0x9];
	[sflag:s31] =	ssyncadd.s32 $0xFFFFE000  }
0x83: {  	[spmem:s2] =	stream.indirect.scatter.add.f32 [tilespmem:s22], [sflag:$0xE], $0x40, s14, s19, $0xb8;
	[tilespmem:$0x1C800] =	vst v63  }
0x84: {  	_ =	swait.ge @p0 [sflag:s23], $0x2000  }
0x85: {  	s12 =	simm.s32 @p0 $0x680;
	[sflag:s23] =	ssyncset.done @p0 $0x0  }
0x86: {  	s17 =	simm.s32 @p0 $0x80;
	s14 =	simm.s32 @p0 $0x4800;
	[sflag:s23] =	ssyncadd.s32 @p0 $0xFFFFE000  }
0x87: {  	[spmem:s2] =	stream.indirect.scatter.add.f32 @p0 [tilespmem:s14], [sflag:$0xF], $0x40, s12, s17, $0xb8;
	[tilespmem:$0x1C800] =	vst v63  }
0x88: {  	s23 =	simm.s32 @!p0 $0x1;
	s12 =	sadd.s32 @!p0 $0x120, s6;
	s14 =	simm.s32 @!p0 $0x100  }
0x89: {  	[tilespmem:s14], [sflag:$0x2] =	stream.linear.gather @!p0 [hbm4b:s12+s1], $0x100, $0x38;
	[tilespmem:$0x1C800] =	vst v63  }
0x8a: {  	_ =	swait.ge @!p0 [sflag:s23], $0x100  }
0x8b: {  	[sflag:s23] =	ssyncset.done @!p0 $0x0  }
0x8c: {  	s12 =	simm.s32 @!p0 $0xD;
	[sflag:s23] =	ssyncadd.s32 @!p0 $0xFFFFFF00  }
0x8d: {  	_ =	swait.ge @!p0 [sflag:s12], $0x2000  }
0x8e: {  	s17 =	simm.s32 @!p0 $0x800;
	[sflag:s12] =	ssyncset.done @!p0 $0x0  }
0x8f: {  	s23 =	simm.s32 @!p0 $0x80;
	[sflag:s12] =	ssyncadd.s32 @!p0 $0xFFFFE000;
	s12 =	simm.s32 @!p0 $0xB  }
0x90: {  	[tilespmem:s17], [sflag:$0x9] =	stream.indirect.gather @!p0 [spmem:s3], $0x40, s1, s23, $0xb8;
	[tilespmem:$0x1C800] =	vst v63  }
0x91: {  	_ =	swait.ge @!p0 [sflag:s12], $0x2000  }
0x92: {  	[sflag:s12] =	ssyncset.done @!p0 $0x0  }
0x93: {  	s17 =	simm.s32 @!p0 $0x680;
	[sflag:s12] =	ssyncadd.s32 @!p0 $0xFFFFE000;
	s12 =	simm.s32 @!p0 $0x4800  }
0x94: {  	[spmem:s2] =	stream.indirect.scatter.add.f32 @!p0 [tilespmem:s12], [sflag:$0xF], $0x40, s17, s23, $0xb8;
	[tilespmem:$0x1C800] =	vst v63  }
0x95: {  	s6 =	sadd.s32 @!p0 $0x140, s6;
	s12 =	simm.s32 @!p0 $0x200  }
0x96: {  	[tilespmem:s12], [sflag:$0x3] =	stream.linear.gather @!p0 [hbm4b:s6+s1], $0x100, $0x38;
	[tilespmem:$0x1C800] =	vst v63  }
0x97: {  	s6 =	simm.s32 @!p0 $0x2  }
0x98: {  	_ =	swait.ge @!p0 [sflag:s6], $0x100  }
0x99: {  	[sflag:s6] =	ssyncset.done @!p0 $0x0  }
0x9a: {  	[sflag:s6] =	ssyncadd.s32 @!p0 $0xFFFFFF00;
	s6 =	simm.s32 @!p0 $0xE  }
0x9b: {  	_ =	swait.ge @!p0 [sflag:s6], $0x2000  }
0x9c: {  	[sflag:s6] =	ssyncset.done @!p0 $0x0  }
0x9d: {  	[sflag:s6] =	ssyncadd.s32 @!p0 $0xFFFFE000;
	s6 =	simm.s32 @!p0 $0x2800  }
0x9e: {  	[tilespmem:s6], [sflag:$0xA] =	stream.indirect.gather @!p0 [spmem:s3], $0x40, s14, s23, $0xb8;
	[tilespmem:$0x1C800] =	vst v63  }
0x9f: {  	_ =	swait.ge [sflag:s13], $0x2000  }
0xa0: {  	s20 =	simm.s32 $0x800;
	[sflag:s13] =	ssyncset.done $0x0  }
0xa1: {  	s12 =	simm.s32 $0x100;
	s23 =	rddreg [dreg:$0xa];
	[sflag:s13] =	ssyncadd.s32 $0xFFFFE000  }
.LBB2_2:
0xa2: {  	s17 =	sadd.s32 s12, s8  }
0xa3: {  	[spmem:s2] =	stream.indirect.scatter.add.f32 [tilespmem:s30], [sflag:$0x10], $0x40, s23, s19, $0xb8;
	[tilespmem:$0x1C800] =	vst v63  }
0xa4: {  	s14 =	sadd.s32 $0x60, s17  }
0xa5: {  	[tilespmem:s28], [sflag:$0x4] =	stream.linear.gather [hbm4b:s14+s4], $0x100, $0x38;
	[tilespmem:$0x1C800] =	vst v63  }
0xa6: {  	s6 =	smov.u32 s12;
	_ =	swait.ge [sflag:s24], $0x100  }
0xa7: {  	p1 =	seq.s32 s6, $0x0;
	[sflag:s24] =	ssyncset.done $0x0  }
0xa8: {  	s23 =	simm.s32 @!p1 $0xF;
	[sflag:s24] =	ssyncadd.s32 $0xFFFFFF00  }
0xa9: {  	_ =	swait.ge @!p1 [sflag:s23], $0x2000  }
0xaa: {  	[sflag:s23] =	ssyncset.done @!p1 $0x0  }
0xab: {  	[sflag:s23] =	ssyncadd.s32 @!p1 $0xFFFFE000  }
0xac: {  	[tilespmem:s25], [sflag:$0xB] =	stream.indirect.gather [spmem:s3], $0x40, s15, s19, $0xb8;
	[tilespmem:$0x1C800] =	vst v63  }
0xad: {  	_ =	swait.ge [sflag:s26], $0x2000  }
0xae: {  	[sflag:s26] =	ssyncset.done $0x0  }
0xaf: {  	[sflag:s26] =	ssyncadd.s32 $0xFFFFE000  }
0xb0: {  	[spmem:s2] =	stream.indirect.scatter.add.f32 [tilespmem:s20], [sflag:$0xD], $0x40, s19, s19, $0xb8;
	[tilespmem:$0x1C800] =	vst v63  }
0xb1: {  	s1 =	simm.s32 $0x400;
	s15 =	sadd.s32 $0x80, s17  }
0xb2: {  	[tilespmem:s1], [sflag:$0x5] =	stream.linear.gather [hbm4b:s15+s4], $0x100, $0x38;
	[tilespmem:$0x1C800] =	vst v63  }
0xb3: {  	_ =	swait.ge [sflag:s29], $0x100  }
0xb4: {  	[sflag:s29] =	ssyncset.done $0x0  }
0xb5: {  	s23 =	simm.s32 @!p1 $0x10;
	[sflag:s29] =	ssyncadd.s32 $0xFFFFFF00  }
0xb6: {  	_ =	swait.ge @!p1 [sflag:s23], $0x2000  }
0xb7: {  	[sflag:s23] =	ssyncset.done @!p1 $0x0  }
0xb8: {  	[sflag:s23] =	ssyncadd.s32 @!p1 $0xFFFFE000  }
0xb9: {  	[tilespmem:s30], [sflag:$0xC] =	stream.indirect.gather [spmem:s3], $0x40, s28, s19, $0xb8;
	[tilespmem:$0x1C800] =	vst v63  }
0xba: {  	_ =	swait.ge [sflag:s31], $0x2000  }
0xbb: {  	[sflag:s31] =	ssyncset.done $0x0  }
0xbc: {  	s14 =	rddreg [dreg:$0x5];
	[sflag:s31] =	ssyncadd.s32 $0xFFFFE000  }
0xbd: {  	[spmem:s2] =	stream.indirect.scatter.add.f32 [tilespmem:s22], [sflag:$0xE], $0x40, s14, s19, $0xb8;
	[tilespmem:$0x1C800] =	vst v63  }
0xbe: {  	s15 =	sadd.s32 $0xA0, s17;
	s14 =	simm.s32 $0x500  }
0xbf: {  	[tilespmem:s14], [sflag:$0x6] =	stream.linear.gather [hbm4b:s15+s4], $0x100, $0x38;
	[tilespmem:$0x1C800] =	vst v63  }
0xc0: {  	_ =	swait.ge [sflag:s0], $0x100  }
0xc1: {  	[sflag:s0] =	ssyncset.done $0x0  }
0xc2: {  	[sflag:s0] =	ssyncadd.s32 $0xFFFFFF00  }
0xc3: {  	_ =	swait.ge [sflag:s5], $0x2000  }
0xc4: {  	[sflag:s5] =	ssyncset.done $0x0  }
0xc5: {  	[sflag:s5] =	ssyncadd.s32 $0xFFFFE000  }
0xc6: {  	[tilespmem:s20], [sflag:$0x9] =	stream.indirect.gather [spmem:s3], $0x40, s1, s19, $0xb8;
	[tilespmem:$0x1C800] =	vst v63  }
0xc7: {  	_ =	swait.ge [sflag:s7], $0x2000  }
0xc8: {  	[sflag:s7] =	ssyncset.done $0x0  }
0xc9: {  	s1 =	rddreg [dreg:$0x6];
	[sflag:s7] =	ssyncadd.s32 $0xFFFFE000  }
0xca: {  	[spmem:s2] =	stream.indirect.scatter.add.f32 [tilespmem:s25], [sflag:$0xF], $0x40, s1, s19, $0xb8;
	[tilespmem:$0x1C800] =	vst v63  }
0xcb: {  	s15 =	sadd.s32 $0xC0, s17;
	s1 =	simm.s32 $0x600  }
0xcc: {  	[tilespmem:s1], [sflag:$0x7] =	stream.linear.gather [hbm4b:s15+s4], $0x100, $0x38;
	[tilespmem:$0x1C800] =	vst v63  }
0xcd: {  	_ =	swait.ge [sflag:s9], $0x100  }
0xce: {  	[sflag:s9] =	ssyncset.done $0x0  }
0xcf: {  	[sflag:s9] =	ssyncadd.s32 $0xFFFFFF00  }
0xd0: {  	_ =	swait.ge [sflag:s10], $0x2000  }
0xd1: {  	[sflag:s10] =	ssyncset.done $0x0  }
0xd2: {  	[sflag:s10] =	ssyncadd.s32 $0xFFFFE000  }
0xd3: {  	[tilespmem:s22], [sflag:$0xA] =	stream.indirect.gather [spmem:s3], $0x40, s14, s19, $0xb8;
	[tilespmem:$0x1C800] =	vst v63  }
0xd4: {  	_ =	swait.ge [sflag:s13], $0x2000  }
0xd5: {  	[sflag:s13] =	ssyncset.done $0x0  }
0xd6: {  	s14 =	rddreg [dreg:$0x7];
	[sflag:s13] =	ssyncadd.s32 $0xFFFFE000  }
0xd7: {  	[spmem:s2] =	stream.indirect.scatter.add.f32 [tilespmem:s30], [sflag:$0x10], $0x40, s14, s19, $0xb8;
	[tilespmem:$0x1C800] =	vst v63  }
0xd8: {  	s17 =	sadd.s32 $0xE0, s17;
	s15 =	simm.s32 $0x700  }
0xd9: {  	[tilespmem:s15], [sflag:$0x8] =	stream.linear.gather [hbm4b:s17+s4], $0x100, $0x38;
	[tilespmem:$0x1C800] =	vst v63  }
0xda: {  	_ =	swait.ge [sflag:s16], $0x100  }
0xdb: {  	[sflag:s16] =	ssyncset.done $0x0  }
0xdc: {  	[sflag:s16] =	ssyncadd.s32 $0xFFFFFF00  }
0xdd: {  	_ =	swait.ge [sflag:s18], $0x2000  }
0xde: {  	[sflag:s18] =	ssyncset.done $0x0  }
0xdf: {  	[sflag:s18] =	ssyncadd.s32 $0xFFFFE000  }
0xe0: {  	[tilespmem:s25], [sflag:$0xB] =	stream.indirect.gather [spmem:s3], $0x40, s1, s19, $0xb8;
	[tilespmem:$0x1C800] =	vst v63  }
0xe1: {  	_ =	swait.ge [sflag:s26], $0x2000  }
0xe2: {  	p1 =	seq.s32 s6, $0x1300;
	[sflag:s26] =	ssyncset.done $0x0  }
0xe3: {  	s17 =	sadd.s32 @!p1 s6, s8;
	s1 =	rddreg [dreg:$0x8];
	[sflag:s26] =	ssyncadd.s32 $0xFFFFE000  }
0xe4: {  	[spmem:s2] =	stream.indirect.scatter.add.f32 [tilespmem:s20], [sflag:$0xD], $0x40, s1, s19, $0xb8;
	[tilespmem:$0x1C800] =	vst v63  }
0xe5: {  	s6 =	simm.s32 @!p1 $0x0;
	s23 =	sadd.s32 @!p1 $0x100, s17  }
0xe6: {  	[tilespmem:s6], [sflag:$0x1] =	stream.linear.gather @!p1 [hbm4b:s23+s6], $0x100, $0x38;
	[tilespmem:$0x1C800] =	vst v63  }
0xe7: {  	_ =	swait.ge [sflag:s21], $0x100  }
0xe8: {  	[sflag:s21] =	ssyncset.done $0x0  }
0xe9: {  	[sflag:s21] =	ssyncadd.s32 $0xFFFFFF00  }
0xea: {  	_ =	swait.ge [sflag:s11], $0x2000  }
0xeb: {  	[sflag:s11] =	ssyncset.done $0x0  }
0xec: {  	[sflag:s11] =	ssyncadd.s32 $0xFFFFE000  }
0xed: {  	[tilespmem:s30], [sflag:$0xC] =	stream.indirect.gather [spmem:s3], $0x40, s15, s19, $0xb8;
	[tilespmem:$0x1C800] =	vst v63  }
0xee: {  	_ =	swait.ge [sflag:s31], $0x2000  }
0xef: {  	[sflag:s31] =	ssyncset.done $0x0  }
0xf0: {  	s1 =	simm.s32 @p1 $0xB;
	s15 =	rddreg [dreg:$0x9];
	[sflag:s31] =	ssyncadd.s32 $0xFFFFE000  }
0xf1: {  	[spmem:s2] =	stream.indirect.scatter.add.f32 [tilespmem:s22], [sflag:$0xE], $0x40, s15, s19, $0xb8;
	[tilespmem:$0x1C800] =	vst v63  }
0xf2: {  	_ =	swait.ge @p1 [sflag:s1], $0x2000  }
0xf3: {  	s14 =	simm.s32 @p1 $0x680;
	[sflag:s1] =	ssyncset.done @p1 $0x0  }
0xf4: {  	s23 =	simm.s32 @p1 $0x4800;
	s15 =	simm.s32 @p1 $0x80;
	[sflag:s1] =	ssyncadd.s32 @p1 $0xFFFFE000  }
0xf5: {  	[spmem:s2] =	stream.indirect.scatter.add.f32 @p1 [tilespmem:s23], [sflag:$0xF], $0x40, s14, s15, $0xb8;
	[tilespmem:$0x1C800] =	vst v63  }
0xf6: {  	s28 =	sadd.s32 @!p1 $0x120, s17;
	s1 =	simm.s32 @!p1 $0x100;
	s14 =	simm.s32 @!p1 $0x1  }
0xf7: {  	[tilespmem:s1], [sflag:$0x2] =	stream.linear.gather @!p1 [hbm4b:s28+s6], $0x100, $0x38;
	[tilespmem:$0x1C800] =	vst v63  }
0xf8: {  	_ =	swait.ge @!p1 [sflag:s14], $0x100  }
0xf9: {  	[sflag:s14] =	ssyncset.done @!p1 $0x0  }
0xfa: {  	s15 =	simm.s32 @!p1 $0xD;
	[sflag:s14] =	ssyncadd.s32 @!p1 $0xFFFFFF00  }
0xfb: {  	_ =	swait.ge @!p1 [sflag:s15], $0x2000  }
0xfc: {  	s23 =	simm.s32 @!p1 $0x800;
	[sflag:s15] =	ssyncset.done @!p1 $0x0  }
0xfd: {  	s14 =	simm.s32 @!p1 $0x80;
	[sflag:s15] =	ssyncadd.s32 @!p1 $0xFFFFE000;
	s15 =	simm.s32 @!p1 $0xB  }
0xfe: {  	[tilespmem:s23], [sflag:$0x9] =	stream.indirect.gather @!p1 [spmem:s3], $0x40, s6, s14, $0xb8;
	[tilespmem:$0x1C800] =	vst v63  }
0xff: {  	_ =	swait.ge @!p1 [sflag:s15], $0x2000  }
0x100: {  	[sflag:s15] =	ssyncset.done @!p1 $0x0  }
0x101: {  	s28 =	simm.s32 @!p1 $0x4800;
	s23 =	simm.s32 @!p1 $0x680;
	[sflag:s15] =	ssyncadd.s32 @!p1 $0xFFFFE000  }
0x102: {  	[spmem:s2] =	stream.indirect.scatter.add.f32 @!p1 [tilespmem:s28], [sflag:$0xF], $0x40, s23, s14, $0xb8;
	[tilespmem:$0x1C800] =	vst v63  }
0x103: {  	s17 =	sadd.s32 @!p1 $0x140, s17;
	s15 =	simm.s32 @!p1 $0x200;
	s23 =	simm.s32 @!p1 $0x2  }
0x104: {  	[tilespmem:s15], [sflag:$0x3] =	stream.linear.gather @!p1 [hbm4b:s17+s6], $0x100, $0x38;
	[tilespmem:$0x1C800] =	vst v63  }
0x105: {  	_ =	swait.ge @!p1 [sflag:s23], $0x100  }
0x106: {  	[sflag:s23] =	ssyncset.done @!p1 $0x0  }
0x107: {  	s6 =	simm.s32 @!p1 $0xE;
	[sflag:s23] =	ssyncadd.s32 @!p1 $0xFFFFFF00  }
0x108: {  	s12 =	sadd.s32 $0x100, s12;
	_ =	swait.ge @!p1 [sflag:s6], $0x2000  }
0x109: {  	p0 =	sne.s32 s12, $0x1400;
	[sflag:s6] =	ssyncset.done @!p1 $0x0  }
.Ltmp0:
0x10a: {  	s15 =	simm.s32 @!p1 $0x2800;
	[sflag:s6] =	ssyncadd.s32 @!p1 $0xFFFFE000;
	(pc) =	sbr.rel @p0 .LBB2_2-.Ltmp0, $4  }
0x10b: {  	[tilespmem:s15], [sflag:$0xA] =	stream.indirect.gather @!p1 [spmem:s3], $0x40, s1, s14, $0xb8;
	[tilespmem:$0x1C800] =	vst v63  }
0x10c: {  	_ =	swait.ge [sflag:s13], $0x2000  }
0x10d: {  	s28 =	simm.s32 $0x300;
	[sflag:s13] =	ssyncset.done $0x0  }
0x10e: {  	s15 =	simm.s32 $0x200;
	s23 =	rddreg [dreg:$0xa];
	[sflag:s13] =	ssyncadd.s32 $0xFFFFE000  }
0x10f: {  	[spmem:s2] =	stream.indirect.scatter.add.f32 [tilespmem:s30], [sflag:$0x10], $0x40, s23, s19, $0xb8;
	[tilespmem:$0x1C800] =	vst v63  }
0x110: {  	_ =	swait.ge [sflag:s5], $0x2000  }
0x111: {  	[sflag:s5] =	ssyncset.done $0x0  }
0x112: {  	[sflag:s5] =	ssyncadd.s32 $0xFFFFE000  }
0x113: {  	_ =	swait.ge [sflag:s10], $0x2000  }
0x114: {  	[sflag:s10] =	ssyncset.done $0x0  }
0x115: {  	[sflag:s10] =	ssyncadd.s32 $0xFFFFE000  }
0x116: {  	_ =	swait.ge [sflag:s18], $0x2000  }
0x117: {  	[sflag:s18] =	ssyncset.done $0x0  }
0x118: {  	[sflag:s18] =	ssyncadd.s32 $0xFFFFE000  }
0x119: {  	_ =	swait.ge [sflag:s11], $0x2000  }
0x11a: {  	[sflag:s11] =	ssyncset.done $0x0  }
0x11b: {  	[sflag:s11] =	ssyncadd.s32 $0xFFFFE000  }
0x11c: {  	[bflag:$0x0] =	sbarrier.arrive $0xFFFF  }
0x11d: {  	s12 =	rddreg [dreg:$0xc]  }
0x11e: {  	s1 =	rddreg [dreg:$0xe]  }
0x11f: {  	s14 =	simm.s32 $0x11;
	s6 =	rddreg [dreg:$0x10]  }
0x120: {  	[hbm:s1], [sflag:s12] =	dma.local [spmem:s6], $0x1400  }
0x121: {  	_ =	swait.ge [sflag:s14], $0x1400  }
0x122: {  	s17 =	rddreg [dreg:$0x14]  }
0x123: {  	s23 =	rddreg [dreg:$0xf];
	s17 =	sadd.s32 $0x1, s17  }
0x124: {  	p0 =	sne.s32 s17, s23  }
.Ltmp1:
0x125: {  	_ = 	snop;
	(pc) =	sbr.rel @p0 .LBB2_1-.Ltmp1, $4  }
0x126: {  	_ = 	snop  }
0x127: {  	[sflag:s14] =	ssyncset.done $0x0  }
0x128: {  	s20 =	simm.s32 $0x500;
	[sflag:s14] =	ssyncadd.s32 $0xFFFFEC00  }
0x129: {  	[dreg:$0x14] =	wrdreg s17;
	s17 =	simm.s32 $0x400;
	s23 =	simm.s32 $0x800  }
0x12a: {  	_ =	sfence.sel $0x180000  }
0x12b: {  	[bflag:$0x0] =	sbarrier.arrive $0xFFFF  }
0x12c: {  	_ =	strace $0x9000004A  }
0x12d: {  	s0 =	stileid.u32;
	[bflag:$0x2] =	sbarrier.arrive $0xFFFF  }
0x12e: {  	p0 =	sne.s32 s0, $0x0;
	s0 =	rddreg [dreg:$0x4]  }
0x12f: {  	s0 =	sadd.s32 @!p0 $0x100000, s0  }
0x130: {  	[sflag:s0] =	ssyncadd.tile.s32 @!p0 $0x1;
	_ =	shalt  }
.Lfunc_end2:
_tile_overlayer_lowered:
.L_overlay_start_2:
0x131: {  	(tag) =	ssettag $0x2  }
0x132: {  	s0 =	rddreg [dreg:$0x0];
	s2 =	stileid.u32  }
0x133: {  	s1 =	rddreg [dreg:$0x1];
	p0 =	sne.s32 s2, $0x0  }
0x134: {  	s3 =	rddreg [dreg:$0x2];
	[bflag:$0x3] =	sbarrier.arrive $0xFFFF;
	s2 =	simm.s32 @!p0 $0x1C11  }
0x135: {  	[timem:s3], [sflag:s2] =	dma.local @!p0 [hbm:s0], s1  }
0x136: {  	s0 =	simm.s32 @!p0 $0x11  }
0x137: {  	_ =	swait.ge @!p0 [sflag:s0], s1  }
0x138: {  	s1 =	ssub.s32 @!p0 $0x0, s1;
	[sflag:s0] =	ssyncset.done @!p0 $0x0  }
0x139: {  	[sflag:s0] =	ssyncadd.s32 @!p0 s1  }
0x13a: {  	[bflag:$0x3] =	sbarrier.arrive $0xFFFF  }
0x13b: {  	_ =	shalt  }

</sc_bundles>
